<compile_context>
chip_gen: v7x
topology: tpu7x:2x2x1
jax: 0.10.2.dev20260603
libtpu: 0.0.44.dev20260713+nightly
codegen_flags: <defaults>
</compile_context>

<pallas_src>
import functools

import jax
import jax.numpy as jnp
from jax import lax
from jax.experimental import pallas as pl
from jax.experimental.pallas import tpu as pltpu
from jax.experimental.pallas import tpu_sc as plsc

N_NODES = 50000
N_EDGES = 800000
NP = 51200
EP = 802816
DUMMY = 50176
CHUNK = 128
NW = 32
EPW = EP // NW
NCHUNKS = EPW // CHUNK
NSLICE = NP // 16

_mesh = lambda: plsc.VectorSubcoreMesh(
    core_axis_name="c", subcore_axis_name="s", num_cores=2, num_subcores=16)




def _zero_slice(zb, accs, sid):
    def zbody(k, carry):
        zb[pl.ds(k * 16, 16)] = jnp.zeros((16,), jnp.float32)
        return carry
    lax.fori_loop(0, NSLICE // 16, zbody, 0)
    for a in accs:
        pltpu.sync_copy(zb, a.at[pl.ds(sid * NSLICE, NSLICE)])


def _sc1_body(src_h, dst_h, ew_h, x0_h, x1_h, par_h, out_h,
              par_v, srcb, dstb, ewb, xs0b, xs1b, xd0b, xd1b,
              pb, zb, sem, *accs):
    cid = lax.axis_index("c")
    sid = lax.axis_index("s")
    wid = sid * 2 + cid
    pltpu.sync_copy(par_h, par_v)
    _zero_slice(zb, accs, sid)
    plsc.subcore_barrier()

    ebase = wid * EPW

    def ebody(g, carry):
        base = ebase + g * CHUNK
        stage = [pltpu.async_copy(src_h.at[pl.ds(base, CHUNK)], srcb, sem),
                 pltpu.async_copy(dst_h.at[pl.ds(base, CHUNK)], dstb, sem),
                 pltpu.async_copy(ew_h.at[pl.ds(base, CHUNK)], ewb, sem)]
        for c in stage:
            c.wait()
        gat = [pltpu.async_copy(x0_h.at[srcb], xs0b, sem),
               pltpu.async_copy(x1_h.at[srcb], xs1b, sem),
               pltpu.async_copy(x0_h.at[dstb], xd0b, sem),
               pltpu.async_copy(x1_h.at[dstb], xd1b, sem)]
        for c in gat:
            c.wait()
        for j in range(CHUNK // 16):
            sl = pl.ds(j * 16, 16)
            xs0 = xs0b[sl]
            xs1 = xs1b[sl]
            xd0 = xd0b[sl]
            xd1 = xd1b[sl]
            ewv = ewb[sl]
            for h in range(4):
                asrc = xs0 * par_v[h * 5 + 0, :] + xs1 * par_v[h * 5 + 1, :]
                adst = xd0 * par_v[h * 5 + 2, :] + xd1 * par_v[h * 5 + 3, :]
                a = asrc + adst + ewv * par_v[h * 5 + 4, :]
                a = jnp.where(a > 0, a, 0.2 * a)
                p = jnp.exp(a)
                pb[h, sl] = p
                pb[4 + 2 * h, sl] = p * xs0
                pb[5 + 2 * h, sl] = p * xs1
        scs = [pltpu.async_copy(pb.at[f], accs[f].at[dstb], sem, add=True)
               for f in range(12)]
        for c in scs:
            c.wait()
        return carry

    lax.fori_loop(0, NCHUNKS, ebody, 0)
    plsc.subcore_barrier()
    for f in range(12):
        sl = pl.ds(sid * NSLICE, NSLICE)
        pltpu.sync_copy(accs[f].at[sl], out_h.at[cid, f, sl])


def _sc1_call(src_p, dst_p, ew_p, x0, x1, params1):
    k = pl.kernel(
        _sc1_body,
        out_type=jax.ShapeDtypeStruct((2, 12, NP), jnp.float32),
        mesh=_mesh(),
        scratch_types=(
            [pltpu.VMEM((20, 16), jnp.float32),
             pltpu.VMEM((CHUNK,), jnp.int32),
             pltpu.VMEM((CHUNK,), jnp.int32),
             pltpu.VMEM((CHUNK,), jnp.float32),
             pltpu.VMEM((CHUNK,), jnp.float32),
             pltpu.VMEM((CHUNK,), jnp.float32),
             pltpu.VMEM((CHUNK,), jnp.float32),
             pltpu.VMEM((CHUNK,), jnp.float32),
             pltpu.VMEM((12, CHUNK), jnp.float32),
             pltpu.VMEM((NSLICE,), jnp.float32),
             pltpu.SemaphoreType.DMA]
            + [pltpu.VMEM_SHARED((NP,), jnp.float32) for _ in range(12)]
        ),
    )
    return k(src_p, dst_p, ew_p, x0, x1, params1)


def _sc2_body(src_h, dst_h, ew_h, h2_h, par_h, out_h,
              par_v, srcb, dstb, ewb, hsb, hdb, pb, zb, sem, *accs):
    cid = lax.axis_index("c")
    sid = lax.axis_index("s")
    wid = sid * 2 + cid
    pltpu.sync_copy(par_h, par_v)
    _zero_slice(zb, accs, sid)
    plsc.subcore_barrier()

    ebase = wid * EPW

    def ebody(g, carry):
        base = ebase + g * CHUNK
        stage = [pltpu.async_copy(src_h.at[pl.ds(base, CHUNK)], srcb, sem),
                 pltpu.async_copy(dst_h.at[pl.ds(base, CHUNK)], dstb, sem),
                 pltpu.async_copy(ew_h.at[pl.ds(base, CHUNK)], ewb, sem)]
        for c in stage:
            c.wait()
        gat = [pltpu.async_copy(h2_h.at[srcb], hsb, sem),
               pltpu.async_copy(h2_h.at[dstb], hdb, sem)]
        for c in gat:
            c.wait()
        for j in range(CHUNK // 16):
            sl = pl.ds(j * 16, 16)
            hs = hsb[sl]
            hd = hdb[sl]
            ewv = ewb[sl]
            a = hs * par_v[0, :] + hd * par_v[1, :] + ewv * par_v[2, :]
            a = jnp.where(a > 0, a, 0.2 * a)
            p = jnp.exp(a)
            pb[0, sl] = p
            pb[1, sl] = p * hs
        scs = [pltpu.async_copy(pb.at[f], accs[f].at[dstb], sem, add=True)
               for f in range(2)]
        for c in scs:
            c.wait()
        return carry

    lax.fori_loop(0, NCHUNKS, ebody, 0)
    plsc.subcore_barrier()
    for f in range(2):
        sl = pl.ds(sid * NSLICE, NSLICE)
        pltpu.sync_copy(accs[f].at[sl], out_h.at[cid, f, sl])


def _sc2_call(src_p, dst_p, ew_p, h2, params2):
    k = pl.kernel(
        _sc2_body,
        out_type=jax.ShapeDtypeStruct((2, 2, NP), jnp.float32),
        mesh=_mesh(),
        scratch_types=(
            [pltpu.VMEM((3, 16), jnp.float32),
             pltpu.VMEM((CHUNK,), jnp.int32),
             pltpu.VMEM((CHUNK,), jnp.int32),
             pltpu.VMEM((CHUNK,), jnp.float32),
             pltpu.VMEM((CHUNK,), jnp.float32),
             pltpu.VMEM((CHUNK,), jnp.float32),
             pltpu.VMEM((2, CHUNK), jnp.float32),
             pltpu.VMEM((NSLICE,), jnp.float32),
             pltpu.SemaphoreType.DMA]
            + [pltpu.VMEM_SHARED((NP,), jnp.float32) for _ in range(2)]
        ),
    )
    return k(src_p, dst_p, ew_p, h2, params2)


BN = 2048


def _node_body(acc_ref, b1_ref, w_ref, w2_ref, out_ref):
    a = acc_ref[...]
    s = a[0:12] + a[12:24]
    r = 1.0 / (s[0:4] + 1e-16)
    rows = []
    for h in range(4):
        rh = r[h:h + 1]
        rows.append(s[4 + 2 * h:5 + 2 * h] * rh)
        rows.append(s[5 + 2 * h:6 + 2 * h] * rh)
    t = jnp.concatenate(rows, axis=0)
    o = lax.dot_general(t, w_ref[...], (((0,), (0,)), ((), ())),
                        preferred_element_type=jnp.float32,
                        precision=lax.Precision.HIGHEST)
    o = o + b1_ref[...]
    h1 = jnp.where(o > 0, o, jnp.exp(o) - 1.0)
    h1 = h1.astype(jnp.bfloat16).astype(jnp.float32)
    h2 = jnp.sum(h1 * w2_ref[...], axis=1)
    out_ref[...] = h2.reshape(BN // 128, 128)


def _node_call(acc24, b1r, wpp, w2r):
    return pl.pallas_call(
        _node_body,
        grid=(NP // BN,),
        in_specs=[
            pl.BlockSpec((24, BN), lambda i: (0, i)),
            pl.BlockSpec((1, 128), lambda i: (0, 0)),
            pl.BlockSpec((8, 128), lambda i: (0, 0)),
            pl.BlockSpec((1, 128), lambda i: (0, 0)),
        ],
        out_specs=pl.BlockSpec((BN // 128, 128), lambda i: (i, 0)),
        out_shape=jax.ShapeDtypeStruct((NP // 128, 128), jnp.float32),
    )(acc24, b1r, wpp, w2r)


def _epi_body(p_ref, b2_ref, out_ref):
    a = p_ref[...]
    num = a[1:2] + a[3:4]
    den = a[0:1] + a[2:3]
    o = num / (den + 1e-16) + b2_ref[0, 0]
    out_ref[...] = o.reshape(BN // 128, 128)


def _epi_call(p4, b2):
    return pl.pallas_call(
        _epi_body,
        grid=(NP // BN,),
        in_specs=[
            pl.BlockSpec((4, BN), lambda i: (0, i)),
            pl.BlockSpec(memory_space=pltpu.SMEM),
        ],
        out_specs=pl.BlockSpec((BN // 128, 128), lambda i: (i, 0)),
        out_shape=jax.ShapeDtypeStruct((NP // 128, 128), jnp.float32),
    )(p4, b2)


def kernel(x, edge_index, edge_weights, W1, a_src1, a_dst1, We1, a_edge1, b1,
           W2, a_src2, a_dst2, We2, a_edge2, b2):
    src = edge_index[0].astype(jnp.int32)
    dst = edge_index[1].astype(jnp.int32)
    ew = edge_weights.astype(jnp.float32)
    pad_e = EP - src.shape[0]
    src_p = jnp.concatenate([src, jnp.full((pad_e,), DUMMY, jnp.int32)])
    dst_p = jnp.concatenate([dst, jnp.full((pad_e,), DUMMY, jnp.int32)])
    ew_p = jnp.concatenate([ew, jnp.zeros((pad_e,), jnp.float32)])
    ew_p = ew_p.astype(jnp.bfloat16).astype(jnp.float32)
    xb = x.astype(jnp.bfloat16).astype(jnp.float32)
    x0 = jnp.pad(xb[:, 0], (0, NP - N_NODES))
    x1 = jnp.pad(xb[:, 1], (0, NP - N_NODES))

    hi = lax.Precision.HIGHEST
    W1b = W1.astype(jnp.bfloat16).astype(jnp.float32)
    We1b = We1.astype(jnp.bfloat16).astype(jnp.float32)
    W1r = W1b.reshape(2, 4, 32)
    A = jnp.einsum("ihc,hc->hi", W1r, a_src1, precision=hi)
    B = jnp.einsum("ihc,hc->hi", W1r, a_dst1, precision=hi)
    c1 = jnp.einsum("hc,hc->h", We1b.reshape(4, 32), a_edge1, precision=hi)
    rows1 = jnp.stack([A[:, 0], A[:, 1], B[:, 0], B[:, 1], c1], axis=1).reshape(20)
    params1 = jnp.tile(rows1[:, None], (1, 16))

    wpp = jnp.zeros((8, 128), jnp.float32)
    for h in range(4):
        wpp = wpp.at[2 * h:2 * h + 2, 32 * h:32 * h + 32].set(
            W1b[:, 32 * h:32 * h + 32])

    b1r = b1.reshape(1, 128)
    w2r = W2.astype(jnp.bfloat16).astype(jnp.float32).reshape(1, 128)

    acc = _sc1_call(src_p, dst_p, ew_p, x0, x1, params1)
    acc24 = acc.reshape(24, NP)
    h2m = _node_call(acc24, b1r, wpp, w2r)
    h2 = h2m.reshape(NP)

    cs2 = a_src2[0, 0]
    cd2 = a_dst2[0, 0]
    ce2 = We2.astype(jnp.bfloat16).astype(jnp.float32)[0, 0] * a_edge2[0, 0]
    rows2 = jnp.stack([cs2, cd2, ce2]).reshape(3)
    params2 = jnp.tile(rows2[:, None], (1, 16))

    part = _sc2_call(src_p, dst_p, ew_p, h2, params2)
    p4 = part.reshape(4, NP)
    outm = _epi_call(p4, b2.reshape(1, 1))
    return outm.reshape(NP)[:N_NODES]

# --- scband reference (transcript-rebuilt; emitter-appended) ---
"""Pipeline reference for scband-drug-target-gat-38594576122354 (READ-ONLY COPY).

The authoritative reference and input builder live on the scoring server;
editing this copy changes nothing except your own understanding.
"""

import jax, jax.numpy as jnp
import numpy as np

N_NODES = 50000
N_EDGES = 800000


def _gat_layer(x, src, dst, ew, W, a_src, a_dst, We, a_edge, b, H, C, concat, N):
    # Linear transform and reshape to heads
    h = (x @ W).reshape(N, H, C)
    # Per-node attention contributions
    alpha_src = (h * a_src).sum(-1)  # [N, H]
    alpha_dst = (h * a_dst).sum(-1)  # [N, H]
    # Edge feature attention (edge_dim=1)
    e_emb = (ew.reshape(-1, 1) @ We).reshape(-1, H, C)  # [E, H, C]
    alpha_e = (e_emb * a_edge).sum(-1)  # [E, H]
    # Per-edge raw attention
    alpha = alpha_src[src] + alpha_dst[dst] + alpha_e  # [E, H]
    alpha = jax.nn.leaky_relu(alpha, negative_slope=0.2)
    # Softmax over incoming edges of each dst node
    amax = jax.ops.segment_max(alpha, dst, num_segments=N)
    amax = jnp.where(jnp.isfinite(amax), amax, 0.0)
    alpha = jnp.exp(alpha - amax[dst])
    denom = jax.ops.segment_sum(alpha, dst, num_segments=N)
    alpha = alpha / (denom[dst] + 1e-16)
    # Weighted message aggregation (scatter-add)
    msg = h[src] * alpha[..., None]  # [E, H, C]
    out = jax.ops.segment_sum(msg, dst, num_segments=N)  # [N, H, C]
    if concat:
        out = out.reshape(N, H * C)
    else:
        out = out.mean(axis=1)
    return out + b


def setup_inputs(seed: int = 0) -> dict:
    key = jax.random.key(seed)
    ks = jax.random.split(key, 16)
    x = jax.random.normal(ks[0], (N_NODES, 2), dtype=jnp.float32)
    edge_index = jax.random.randint(ks[1], (2, N_EDGES), 0, N_NODES, dtype=jnp.int64 if jax.config.jax_enable_x64 else jnp.int32)
    edge_weights = jax.random.uniform(ks[2], (N_EDGES,), dtype=jnp.float32)
    # GAT layer 1: in=2, out=32, heads=4, concat=True, edge_dim=1
    W1 = jax.random.normal(ks[3], (2, 128), dtype=jnp.float32) * 0.5
    a_src1 = jax.random.normal(ks[4], (4, 32), dtype=jnp.float32) * 0.2
    a_dst1 = jax.random.normal(ks[5], (4, 32), dtype=jnp.float32) * 0.2
    We1 = jax.random.normal(ks[6], (1, 128), dtype=jnp.float32) * 0.5
    a_edge1 = jax.random.normal(ks[7], (4, 32), dtype=jnp.float32) * 0.2
    b1 = jnp.zeros((128,), dtype=jnp.float32)
    # GAT layer 2: in=128, out=1, heads=1, concat=False, edge_dim=1
    W2 = jax.random.normal(ks[8], (128, 1), dtype=jnp.float32) * 0.1
    a_src2 = jax.random.normal(ks[9], (1, 1), dtype=jnp.float32) * 0.2
    a_dst2 = jax.random.normal(ks[10], (1, 1), dtype=jnp.float32) * 0.2
    We2 = jax.random.normal(ks[11], (1, 1), dtype=jnp.float32) * 0.5
    a_edge2 = jax.random.normal(ks[12], (1, 1), dtype=jnp.float32) * 0.2
    b2 = jnp.zeros((1,), dtype=jnp.float32)
    return {"x": x, "edge_index": edge_index, "edge_weights": edge_weights,
            "W1": W1, "a_src1": a_src1, "a_dst1": a_dst1, "We1": We1, "a_edge1": a_edge1, "b1": b1,
            "W2": W2, "a_src2": a_src2, "a_dst2": a_dst2, "We2": We2, "a_edge2": a_edge2, "b2": b2}


def reference(x, edge_index, edge_weights, W1, a_src1, a_dst1, We1, a_edge1, b1,
              W2, a_src2, a_dst2, We2, a_edge2, b2):
    src = edge_index[0]
    dst = edge_index[1]
    N = x.shape[0]
    h1 = _gat_layer(x, src, dst, edge_weights, W1, a_src1, a_dst1, We1, a_edge1, b1,
                    H=4, C=32, concat=True, N=N)
    h1 = jax.nn.elu(h1)
    out = _gat_layer(h1, src, dst, edge_weights, W2, a_src2, a_dst2, We2, a_edge2, b2,
                     H=1, C=1, concat=False, N=N)
    return out.squeeze()

if __name__ == "__main__":
    import jax
    _d = setup_inputs()
    print(jax.jit(kernel)(*tuple(_d.values())))

</pallas_src>

<mosaic_0001>
#map = affine_map<(d0, d1) -> (0)>
#map1 = affine_map<(d0, d1) -> (0, 0)>
#map2 = affine_map<(d0, d1) -> (0, 0, 0)>
module attributes {stable_mosaic.version = 14 : i64} {
  func.func @_sc2_body(%arg0: i32, %arg1: i32, %arg2: memref<802816xi32, #tpu.memory_space<hbm>>, %arg3: memref<802816xi32, #tpu.memory_space<hbm>>, %arg4: memref<802816xf32, #tpu.memory_space<hbm>>, %arg5: memref<51200xf32, #tpu.memory_space<hbm>>, %arg6: memref<3x16xf32, #tpu.memory_space<hbm>>, %arg7: memref<2x2x51200xf32, #tpu.memory_space<hbm>>, %arg8: memref<3x16xf32, #tpu.memory_space<vmem>>, %arg9: memref<128xi32, #tpu.memory_space<vmem>>, %arg10: memref<128xi32, #tpu.memory_space<vmem>>, %arg11: memref<128xf32, #tpu.memory_space<vmem>>, %arg12: memref<128xf32, #tpu.memory_space<vmem>>, %arg13: memref<128xf32, #tpu.memory_space<vmem>>, %arg14: memref<2x128xf32, #tpu.memory_space<vmem>>, %arg15: memref<3200xf32, #tpu.memory_space<vmem>>, %arg16: memref<!tpu.dma_semaphore, #tpu.memory_space<semaphore_mem>>, %arg17: memref<51200xf32, #tpu.memory_space<vmem_shared>>, %arg18: memref<51200xf32, #tpu.memory_space<vmem_shared>>) attributes {dimension_semantics = [#tpu.dimension_semantics<core_parallel>, #tpu.dimension_semantics<subcore_parallel>], iteration_bounds = array<i64: 2, 16>, scalar_prefetch = 0 : i64, scratch_operands = 11 : i64, tpu.core_type = #tpu.core_type<sc_vector_subcore>, window_params = [{transform_indices = #map}, {transform_indices = #map}, {transform_indices = #map}, {transform_indices = #map}, {transform_indices = #map1}, {transform_indices = #map2}]} {
    %mul3A = arith.constant 2 : i32
    %mul3A_0 = arith.muli %arg1, %mul3A : i32
    %add3A = arith.addi %mul3A_0, %arg0 : i32
    "tpu.region"() ({
      %run_scoped3A_24 = tpu.sem_alloc : memref<!tpu.dma_semaphore, #tpu.memory_space<semaphore_mem>>
      tpu.enqueue_dma source(%arg6 : memref<3x16xf32, #tpu.memory_space<hbm>>) target(%arg8 : memref<3x16xf32, #tpu.memory_space<vmem>>) target_semaphore(%run_scoped3A_24 : memref<!tpu.dma_semaphore, #tpu.memory_space<semaphore_mem>>)
      tpu.wait_dma2 semaphore(%run_scoped3A_24 : memref<!tpu.dma_semaphore, #tpu.memory_space<semaphore_mem>>) src(%arg6 : memref<3x16xf32, #tpu.memory_space<hbm>>) dst(%arg8 : memref<3x16xf32, #tpu.memory_space<vmem>>)
      tpu.yield
    }) : () -> ()
    %scan3A = arith.constant 0 : i32
    %scan3A_1 = arith.constant 0 : i32
    %scan3A_2 = arith.constant 200 : i32
    %scan3A_3 = arith.addi %scan3A_1, %scan3A_2 : i32
    %scan3A_4 = arith.constant 1 : i32
    scf.for %scan3A_24 = %scan3A_1 to %scan3A_3 step %scan3A_4  : i32 {
      %broadcast_in_dim3A = arith.constant 0.000000e+00 : f32
      %broadcast_in_dim3A_25 = vector.broadcast %broadcast_in_dim3A : f32 to vector<16xf32>
      %mul3A_26 = arith.constant 16 : i32
      %mul3A_27 = arith.muli %scan3A_24, %mul3A_26 : i32
      %swap3A = arith.index_cast %mul3A_27 : i32 to index
      %swap3A_28 = tpu.vector_load %arg15[%swap3A] {strides = array<i32>} : memref<3200xf32, #tpu.memory_space<vmem>>, vector<16xf32>,
      %swap3A_29 = vector.shape_cast %swap3A_28 : vector<16xf32> to vector<16xf32>
      %swap3A_30 = vector.shape_cast %broadcast_in_dim3A_25 : vector<16xf32> to vector<16xf32>
      tpu.vector_store %arg15[%swap3A], %swap3A_30 {strides = array<i32>} : memref<3200xf32, #tpu.memory_space<vmem>>, vector<16xf32>,
    }
    %scan3A_5 = arith.constant 200 : i32
    %mul3A_6 = arith.constant 3200 : i32
    %mul3A_7 = arith.muli %arg1, %mul3A_6 : i32
    "tpu.region"() ({
      %run_scoped3A_24 = tpu.sem_alloc : memref<!tpu.dma_semaphore, #tpu.memory_space<semaphore_mem>>
      %dma_start3A = tpu.memref_slice %arg17[%mul3A_7] : memref<51200xf32, #tpu.memory_space<vmem_shared>> -> memref<3200xf32, #tpu.memory_space<vmem_shared>>
      %dma_start3A_25 = tpu.memref_slice %arg17[%mul3A_7] : memref<51200xf32, #tpu.memory_space<vmem_shared>> -> memref<3200xf32, #tpu.memory_space<vmem_shared>>
      tpu.enqueue_dma source(%arg15 : memref<3200xf32, #tpu.memory_space<vmem>>) target(%dma_start3A_25 : memref<3200xf32, #tpu.memory_space<vmem_shared>>) target_semaphore(%run_scoped3A_24 : memref<!tpu.dma_semaphore, #tpu.memory_space<semaphore_mem>>)
      %dma_wait3A = tpu.memref_slice %arg17[%mul3A_7] : memref<51200xf32, #tpu.memory_space<vmem_shared>> -> memref<3200xf32, #tpu.memory_space<vmem_shared>>
      %dma_wait3A_26 = tpu.memref_slice %arg17[%mul3A_7] : memref<51200xf32, #tpu.memory_space<vmem_shared>> -> memref<3200xf32, #tpu.memory_space<vmem_shared>>
      tpu.wait_dma2 semaphore(%run_scoped3A_24 : memref<!tpu.dma_semaphore, #tpu.memory_space<semaphore_mem>>) src(%arg15 : memref<3200xf32, #tpu.memory_space<vmem>>) dst(%dma_wait3A_26 : memref<3200xf32, #tpu.memory_space<vmem_shared>>)
      tpu.yield
    }) : () -> ()
    %mul3A_8 = arith.constant 3200 : i32
    %mul3A_9 = arith.muli %arg1, %mul3A_8 : i32
    "tpu.region"() ({
      %run_scoped3A_24 = tpu.sem_alloc : memref<!tpu.dma_semaphore, #tpu.memory_space<semaphore_mem>>
      %dma_start3A = tpu.memref_slice %arg18[%mul3A_9] : memref<51200xf32, #tpu.memory_space<vmem_shared>> -> memref<3200xf32, #tpu.memory_space<vmem_shared>>
      %dma_start3A_25 = tpu.memref_slice %arg18[%mul3A_9] : memref<51200xf32, #tpu.memory_space<vmem_shared>> -> memref<3200xf32, #tpu.memory_space<vmem_shared>>
      tpu.enqueue_dma source(%arg15 : memref<3200xf32, #tpu.memory_space<vmem>>) target(%dma_start3A_25 : memref<3200xf32, #tpu.memory_space<vmem_shared>>) target_semaphore(%run_scoped3A_24 : memref<!tpu.dma_semaphore, #tpu.memory_space<semaphore_mem>>)
      %dma_wait3A = tpu.memref_slice %arg18[%mul3A_9] : memref<51200xf32, #tpu.memory_space<vmem_shared>> -> memref<3200xf32, #tpu.memory_space<vmem_shared>>
      %dma_wait3A_26 = tpu.memref_slice %arg18[%mul3A_9] : memref<51200xf32, #tpu.memory_space<vmem_shared>> -> memref<3200xf32, #tpu.memory_space<vmem_shared>>
      tpu.wait_dma2 semaphore(%run_scoped3A_24 : memref<!tpu.dma_semaphore, #tpu.memory_space<semaphore_mem>>) src(%arg15 : memref<3200xf32, #tpu.memory_space<vmem>>) dst(%dma_wait3A_26 : memref<3200xf32, #tpu.memory_space<vmem_shared>>)
      tpu.yield
    }) : () -> ()
    %barrier3A = arith.constant 0 : index
    tpu.barrier barrier_id(%barrier3A)
    %mul3A_10 = arith.constant 25088 : i32
    %mul3A_11 = arith.muli %add3A, %mul3A_10 : i32
    %scan3A_12 = arith.constant 0 : i32
    %scan3A_13 = arith.constant 0 : i32
    %scan3A_14 = arith.constant 196 : i32
    %scan3A_15 = arith.addi %scan3A_13, %scan3A_14 : i32
    %scan3A_16 = arith.constant 1 : i32
    scf.for %scan3A_24 = %scan3A_13 to %scan3A_15 step %scan3A_16  : i32 {
      %mul3A_25 = arith.constant 128 : i32
      %mul3A_26 = arith.muli %scan3A_24, %mul3A_25 : i32
      %add3A_27 = arith.addi %mul3A_11, %mul3A_26 : i32
      %dma_start3A = tpu.memref_slice %arg2[%add3A_27] : memref<802816xi32, #tpu.memory_space<hbm>> -> memref<128xi32, #tpu.memory_space<hbm>>
      %dma_start3A_28 = tpu.memref_slice %arg2[%add3A_27] : memref<802816xi32, #tpu.memory_space<hbm>> -> memref<128xi32, #tpu.memory_space<hbm>>
      tpu.enqueue_dma source(%dma_start3A_28 : memref<128xi32, #tpu.memory_space<hbm>>) target(%arg9 : memref<128xi32, #tpu.memory_space<vmem>>) target_semaphore(%arg16 : memref<!tpu.dma_semaphore, #tpu.memory_space<semaphore_mem>>)
      %dma_start3A_29 = tpu.memref_slice %arg3[%add3A_27] : memref<802816xi32, #tpu.memory_space<hbm>> -> memref<128xi32, #tpu.memory_space<hbm>>
      %dma_start3A_30 = tpu.memref_slice %arg3[%add3A_27] : memref<802816xi32, #tpu.memory_space<hbm>> -> memref<128xi32, #tpu.memory_space<hbm>>
      tpu.enqueue_dma source(%dma_start3A_30 : memref<128xi32, #tpu.memory_space<hbm>>) target(%arg10 : memref<128xi32, #tpu.memory_space<vmem>>) target_semaphore(%arg16 : memref<!tpu.dma_semaphore, #tpu.memory_space<semaphore_mem>>)
      %dma_start3A_31 = tpu.memref_slice %arg4[%add3A_27] : memref<802816xf32, #tpu.memory_space<hbm>> -> memref<128xf32, #tpu.memory_space<hbm>>
      %dma_start3A_32 = tpu.memref_slice %arg4[%add3A_27] : memref<802816xf32, #tpu.memory_space<hbm>> -> memref<128xf32, #tpu.memory_space<hbm>>
      tpu.enqueue_dma source(%dma_start3A_32 : memref<128xf32, #tpu.memory_space<hbm>>) target(%arg11 : memref<128xf32, #tpu.memory_space<vmem>>) target_semaphore(%arg16 : memref<!tpu.dma_semaphore, #tpu.memory_space<semaphore_mem>>)
      %dma_wait3A = tpu.memref_slice %arg2[%add3A_27] : memref<802816xi32, #tpu.memory_space<hbm>> -> memref<128xi32, #tpu.memory_space<hbm>>
      %dma_wait3A_33 = tpu.memref_slice %arg2[%add3A_27] : memref<802816xi32, #tpu.memory_space<hbm>> -> memref<128xi32, #tpu.memory_space<hbm>>
      tpu.wait_dma2 semaphore(%arg16 : memref<!tpu.dma_semaphore, #tpu.memory_space<semaphore_mem>>) src(%dma_wait3A_33 : memref<128xi32, #tpu.memory_space<hbm>>) dst(%arg9 : memref<128xi32, #tpu.memory_space<vmem>>)
      %dma_wait3A_34 = tpu.memref_slice %arg3[%add3A_27] : memref<802816xi32, #tpu.memory_space<hbm>> -> memref<128xi32, #tpu.memory_space<hbm>>
      %dma_wait3A_35 = tpu.memref_slice %arg3[%add3A_27] : memref<802816xi32, #tpu.memory_space<hbm>> -> memref<128xi32, #tpu.memory_space<hbm>>
      tpu.wait_dma2 semaphore(%arg16 : memref<!tpu.dma_semaphore, #tpu.memory_space<semaphore_mem>>) src(%dma_wait3A_35 : memref<128xi32, #tpu.memory_space<hbm>>) dst(%arg10 : memref<128xi32, #tpu.memory_space<vmem>>)
      %dma_wait3A_36 = tpu.memref_slice %arg4[%add3A_27] : memref<802816xf32, #tpu.memory_space<hbm>> -> memref<128xf32, #tpu.memory_space<hbm>>
      %dma_wait3A_37 = tpu.memref_slice %arg4[%add3A_27] : memref<802816xf32, #tpu.memory_space<hbm>> -> memref<128xf32, #tpu.memory_space<hbm>>
      tpu.wait_dma2 semaphore(%arg16 : memref<!tpu.dma_semaphore, #tpu.memory_space<semaphore_mem>>) src(%dma_wait3A_37 : memref<128xf32, #tpu.memory_space<hbm>>) dst(%arg11 : memref<128xf32, #tpu.memory_space<vmem>>)
      %dma_start3A_38 = arith.constant 0 : i32
      %dma_start3A_39 = tpu.memref_slice %arg5[%dma_start3A_38] : memref<51200xf32, #tpu.memory_space<hbm>> -> memref<51200xf32, #tpu.memory_space<hbm>>
      tpu.enqueue_indirect_dma source(%dma_start3A_39 : memref<51200xf32, #tpu.memory_space<hbm>>) target(%arg12 : memref<128xf32, #tpu.memory_space<vmem>>) offsets(%arg9 : memref<128xi32, #tpu.memory_space<vmem>>) semaphore(%arg16 : memref<!tpu.dma_semaphore, #tpu.memory_space<semaphore_mem>>)
      %dma_start3A_40 = arith.constant 0 : i32
      %dma_start3A_41 = tpu.memref_slice %arg5[%dma_start3A_40] : memref<51200xf32, #tpu.memory_space<hbm>> -> memref<51200xf32, #tpu.memory_space<hbm>>
      tpu.enqueue_indirect_dma source(%dma_start3A_41 : memref<51200xf32, #tpu.memory_space<hbm>>) target(%arg13 : memref<128xf32, #tpu.memory_space<vmem>>) offsets(%arg10 : memref<128xi32, #tpu.memory_space<vmem>>) semaphore(%arg16 : memref<!tpu.dma_semaphore, #tpu.memory_space<semaphore_mem>>)
      %dma_wait3A_42 = arith.constant 0 : i32
      %dma_wait3A_43 = tpu.memref_slice %arg5[%dma_wait3A_42] : memref<51200xf32, #tpu.memory_space<hbm>> -> memref<51200xf32, #tpu.memory_space<hbm>>
      tpu.wait_indirect_dma semaphore(%arg16 : memref<!tpu.dma_semaphore, #tpu.memory_space<semaphore_mem>>) src(%dma_wait3A_43 : memref<51200xf32, #tpu.memory_space<hbm>>) dst(%arg12 : memref<128xf32, #tpu.memory_space<vmem>>)
      %dma_wait3A_44 = arith.constant 0 : i32
      %dma_wait3A_45 = tpu.memref_slice %arg5[%dma_wait3A_44] : memref<51200xf32, #tpu.memory_space<hbm>> -> memref<51200xf32, #tpu.memory_space<hbm>>
      tpu.wait_indirect_dma semaphore(%arg16 : memref<!tpu.dma_semaphore, #tpu.memory_space<semaphore_mem>>) src(%dma_wait3A_45 : memref<51200xf32, #tpu.memory_space<hbm>>) dst(%arg13 : memref<128xf32, #tpu.memory_space<vmem>>)
      %get3A = arith.constant 0 : index
      %get3A_46 = tpu.vector_load %arg12[%get3A] {strides = array<i32>} : memref<128xf32, #tpu.memory_space<vmem>>, vector<16xf32>,
      %get3A_47 = vector.shape_cast %get3A_46 : vector<16xf32> to vector<16xf32>
      %get3A_48 = arith.constant 0 : index
      %get3A_49 = tpu.vector_load %arg13[%get3A_48] {strides = array<i32>} : memref<128xf32, #tpu.memory_space<vmem>>, vector<16xf32>,
      %get3A_50 = vector.shape_cast %get3A_49 : vector<16xf32> to vector<16xf32>
      %get3A_51 = arith.constant 0 : index
      %get3A_52 = tpu.vector_load %arg11[%get3A_51] {strides = array<i32>} : memref<128xf32, #tpu.memory_space<vmem>>, vector<16xf32>,
      %get3A_53 = vector.shape_cast %get3A_52 : vector<16xf32> to vector<16xf32>
      %get3A_54 = arith.constant 0 : i32
      %get3A_55 = arith.index_cast %get3A_54 : i32 to index
      %get3A_56 = arith.constant 0 : index
      %get3A_57 = tpu.vector_load %arg8[%get3A_55, %get3A_56] {strides = array<i32>} : memref<3x16xf32, #tpu.memory_space<vmem>>, vector<1x16xf32>,
      %get3A_58 = vector.shape_cast %get3A_57 : vector<1x16xf32> to vector<16xf32>
      %mul3A_59 = arith.mulf %get3A_47, %get3A_58 : vector<16xf32>
      %get3A_60 = arith.constant 1 : i32
      %get3A_61 = arith.index_cast %get3A_60 : i32 to index
      %get3A_62 = arith.constant 0 : index
      %get3A_63 = tpu.vector_load %arg8[%get3A_61, %get3A_62] {strides = array<i32>} : memref<3x16xf32, #tpu.memory_space<vmem>>, vector<1x16xf32>,
      %get3A_64 = vector.shape_cast %get3A_63 : vector<1x16xf32> to vector<16xf32>
      %mul3A_65 = arith.mulf %get3A_50, %get3A_64 : vector<16xf32>
      %add3A_66 = arith.addf %mul3A_59, %mul3A_65 : vector<16xf32>
      %get3A_67 = arith.constant 2 : i32
      %get3A_68 = arith.index_cast %get3A_67 : i32 to index
      %get3A_69 = arith.constant 0 : index
      %get3A_70 = tpu.vector_load %arg8[%get3A_68, %get3A_69] {strides = array<i32>} : memref<3x16xf32, #tpu.memory_space<vmem>>, vector<1x16xf32>,
      %get3A_71 = vector.shape_cast %get3A_70 : vector<1x16xf32> to vector<16xf32>
      %mul3A_72 = arith.mulf %get3A_53, %get3A_71 : vector<16xf32>
      %add3A_73 = arith.addf %add3A_66, %mul3A_72 : vector<16xf32>
      %gt3A = arith.constant 0.000000e+00 : f32
      %gt3A_74 = vector.broadcast %gt3A : f32 to vector<16xf32>
      %gt3A_75 = arith.cmpf ogt, %add3A_73, %gt3A_74 : vector<16xf32>
      %mul3A_76 = arith.constant 2.000000e-01 : f32
      %mul3A_77 = vector.broadcast %mul3A_76 : f32 to vector<16xf32>
      %mul3A_78 = arith.mulf %mul3A_77, %add3A_73 : vector<16xf32>
      %select_n3A = arith.select %gt3A_75, %add3A_73, %mul3A_78 : vector<16xi1>, vector<16xf32>
      %exp3A = math.exp %select_n3A : vector<16xf32>
      %swap3A = arith.constant 0 : i32
      %swap3A_79 = arith.index_cast %swap3A : i32 to index
      %swap3A_80 = arith.constant 0 : index
      %swap3A_81 = tpu.vector_load %arg14[%swap3A_79, %swap3A_80] {strides = array<i32>} : memref<2x128xf32, #tpu.memory_space<vmem>>, vector<1x16xf32>,
      %swap3A_82 = vector.shape_cast %swap3A_81 : vector<1x16xf32> to vector<16xf32>
      %swap3A_83 = vector.shape_cast %exp3A : vector<16xf32> to vector<1x16xf32>
      tpu.vector_store %arg14[%swap3A_79, %swap3A_80], %swap3A_83 {strides = array<i32>} : memref<2x128xf32, #tpu.memory_space<vmem>>, vector<1x16xf32>,
      %mul3A_84 = arith.mulf %exp3A, %get3A_47 : vector<16xf32>
      %swap3A_85 = arith.constant 1 : i32
      %swap3A_86 = arith.index_cast %swap3A_85 : i32 to index
      %swap3A_87 = arith.constant 0 : index
      %swap3A_88 = tpu.vector_load %arg14[%swap3A_86, %swap3A_87] {strides = array<i32>} : memref<2x128xf32, #tpu.memory_space<vmem>>, vector<1x16xf32>,
      %swap3A_89 = vector.shape_cast %swap3A_88 : vector<1x16xf32> to vector<16xf32>
      %swap3A_90 = vector.shape_cast %mul3A_84 : vector<16xf32> to vector<1x16xf32>
      tpu.vector_store %arg14[%swap3A_86, %swap3A_87], %swap3A_90 {strides = array<i32>} : memref<2x128xf32, #tpu.memory_space<vmem>>, vector<1x16xf32>,
      %get3A_91 = arith.constant 16 : index
      %get3A_92 = tpu.vector_load %arg12[%get3A_91] {strides = array<i32>} : memref<128xf32, #tpu.memory_space<vmem>>, vector<16xf32>,
      %get3A_93 = vector.shape_cast %get3A_92 : vector<16xf32> to vector<16xf32>
      %get3A_94 = arith.constant 16 : index
      %get3A_95 = tpu.vector_load %arg13[%get3A_94] {strides = array<i32>} : memref<128xf32, #tpu.memory_space<vmem>>, vector<16xf32>,
      %get3A_96 = vector.shape_cast %get3A_95 : vector<16xf32> to vector<16xf32>
      %get3A_97 = arith.constant 16 : index
      %get3A_98 = tpu.vector_load %arg11[%get3A_97] {strides = array<i32>} : memref<128xf32, #tpu.memory_space<vmem>>, vector<16xf32>,
      %get3A_99 = vector.shape_cast %get3A_98 : vector<16xf32> to vector<16xf32>
      %get3A_100 = arith.constant 0 : i32
      %get3A_101 = arith.index_cast %get3A_100 : i32 to index
      %get3A_102 = arith.constant 0 : index
      %get3A_103 = tpu.vector_load %arg8[%get3A_101, %get3A_102] {strides = array<i32>} : memref<3x16xf32, #tpu.memory_space<vmem>>, vector<1x16xf32>,
      %get3A_104 = vector.shape_cast %get3A_103 : vector<1x16xf32> to vector<16xf32>
      %mul3A_105 = arith.mulf %get3A_93, %get3A_104 : vector<16xf32>
      %get3A_106 = arith.constant 1 : i32
      %get3A_107 = arith.index_cast %get3A_106 : i32 to index
      %get3A_108 = arith.constant 0 : index
      %get3A_109 = tpu.vector_load %arg8[%get3A_107, %get3A_108] {strides = array<i32>} : memref<3x16xf32, #tpu.memory_space<vmem>>, vector<1x16xf32>,
      %get3A_110 = vector.shape_cast %get3A_109 : vector<1x16xf32> to vector<16xf32>
      %mul3A_111 = arith.mulf %get3A_96, %get3A_110 : vector<16xf32>
      %add3A_112 = arith.addf %mul3A_105, %mul3A_111 : vector<16xf32>
      %get3A_113 = arith.constant 2 : i32
      %get3A_114 = arith.index_cast %get3A_113 : i32 to index
      %get3A_115 = arith.constant 0 : index
      %get3A_116 = tpu.vector_load %arg8[%get3A_114, %get3A_115] {strides = array<i32>} : memref<3x16xf32, #tpu.memory_space<vmem>>, vector<1x16xf32>,
      %get3A_117 = vector.shape_cast %get3A_116 : vector<1x16xf32> to vector<16xf32>
      %mul3A_118 = arith.mulf %get3A_99, %get3A_117 : vector<16xf32>
      %add3A_119 = arith.addf %add3A_112, %mul3A_118 : vector<16xf32>
      %gt3A_120 = arith.constant 0.000000e+00 : f32
      %gt3A_121 = vector.broadcast %gt3A_120 : f32 to vector<16xf32>
      %gt3A_122 = arith.cmpf ogt, %add3A_119, %gt3A_121 : vector<16xf32>
      %mul3A_123 = arith.constant 2.000000e-01 : f32
      %mul3A_124 = vector.broadcast %mul3A_123 : f32 to vector<16xf32>
      %mul3A_125 = arith.mulf %mul3A_124, %add3A_119 : vector<16xf32>
      %select_n3A_126 = arith.select %gt3A_122, %add3A_119, %mul3A_125 : vector<16xi1>, vector<16xf32>
      %exp3A_127 = math.exp %select_n3A_126 : vector<16xf32>
      %swap3A_128 = arith.constant 0 : i32
      %swap3A_129 = arith.index_cast %swap3A_128 : i32 to index
      %swap3A_130 = arith.constant 16 : index
      %swap3A_131 = tpu.vector_load %arg14[%swap3A_129, %swap3A_130] {strides = array<i32>} : memref<2x128xf32, #tpu.memory_space<vmem>>, vector<1x16xf32>,
      %swap3A_132 = vector.shape_cast %swap3A_131 : vector<1x16xf32> to vector<16xf32>
      %swap3A_133 = vector.shape_cast %exp3A_127 : vector<16xf32> to vector<1x16xf32>
      tpu.vector_store %arg14[%swap3A_129, %swap3A_130], %swap3A_133 {strides = array<i32>} : memref<2x128xf32, #tpu.memory_space<vmem>>, vector<1x16xf32>,
      %mul3A_134 = arith.mulf %exp3A_127, %get3A_93 : vector<16xf32>
      %swap3A_135 = arith.constant 1 : i32
      %swap3A_136 = arith.index_cast %swap3A_135 : i32 to index
      %swap3A_137 = arith.constant 16 : index
      %swap3A_138 = tpu.vector_load %arg14[%swap3A_136, %swap3A_137] {strides = array<i32>} : memref<2x128xf32, #tpu.memory_space<vmem>>, vector<1x16xf32>,
      %swap3A_139 = vector.shape_cast %swap3A_138 : vector<1x16xf32> to vector<16xf32>
      %swap3A_140 = vector.shape_cast %mul3A_134 : vector<16xf32> to vector<1x16xf32>
      tpu.vector_store %arg14[%swap3A_136, %swap3A_137], %swap3A_140 {strides = array<i32>} : memref<2x128xf32, #tpu.memory_space<vmem>>, vector<1x16xf32>,
      %get3A_141 = arith.constant 32 : index
      %get3A_142 = tpu.vector_load %arg12[%get3A_141] {strides = array<i32>} : memref<128xf32, #tpu.memory_space<vmem>>, vector<16xf32>,
      %get3A_143 = vector.shape_cast %get3A_142 : vector<16xf32> to vector<16xf32>
      %get3A_144 = arith.constant 32 : index
      %get3A_145 = tpu.vector_load %arg13[%get3A_144] {strides = array<i32>} : memref<128xf32, #tpu.memory_space<vmem>>, vector<16xf32>,
      %get3A_146 = vector.shape_cast %get3A_145 : vector<16xf32> to vector<16xf32>
      %get3A_147 = arith.constant 32 : index
      %get3A_148 = tpu.vector_load %arg11[%get3A_147] {strides = array<i32>} : memref<128xf32, #tpu.memory_space<vmem>>, vector<16xf32>,
      %get3A_149 = vector.shape_cast %get3A_148 : vector<16xf32> to vector<16xf32>
      %get3A_150 = arith.constant 0 : i32
      %get3A_151 = arith.index_cast %get3A_150 : i32 to index
      %get3A_152 = arith.constant 0 : index
      %get3A_153 = tpu.vector_load %arg8[%get3A_151, %get3A_152] {strides = array<i32>} : memref<3x16xf32, #tpu.memory_space<vmem>>, vector<1x16xf32>,
      %get3A_154 = vector.shape_cast %get3A_153 : vector<1x16xf32> to vector<16xf32>
      %mul3A_155 = arith.mulf %get3A_143, %get3A_154 : vector<16xf32>
      %get3A_156 = arith.constant 1 : i32
      %get3A_157 = arith.index_cast %get3A_156 : i32 to index
      %get3A_158 = arith.constant 0 : index
      %get3A_159 = tpu.vector_load %arg8[%get3A_157, %get3A_158] {strides = array<i32>} : memref<3x16xf32, #tpu.memory_space<vmem>>, vector<1x16xf32>,
      %get3A_160 = vector.shape_cast %get3A_159 : vector<1x16xf32> to vector<16xf32>
      %mul3A_161 = arith.mulf %get3A_146, %get3A_160 : vector<16xf32>
      %add3A_162 = arith.addf %mul3A_155, %mul3A_161 : vector<16xf32>
      %get3A_163 = arith.constant 2 : i32
      %get3A_164 = arith.index_cast %get3A_163 : i32 to index
      %get3A_165 = arith.constant 0 : index
      %get3A_166 = tpu.vector_load %arg8[%get3A_164, %get3A_165] {strides = array<i32>} : memref<3x16xf32, #tpu.memory_space<vmem>>, vector<1x16xf32>,
      %get3A_167 = vector.shape_cast %get3A_166 : vector<1x16xf32> to vector<16xf32>
      %mul3A_168 = arith.mulf %get3A_149, %get3A_167 : vector<16xf32>
      %add3A_169 = arith.addf %add3A_162, %mul3A_168 : vector<16xf32>
      %gt3A_170 = arith.constant 0.000000e+00 : f32
      %gt3A_171 = vector.broadcast %gt3A_170 : f32 to vector<16xf32>
      %gt3A_172 = arith.cmpf ogt, %add3A_169, %gt3A_171 : vector<16xf32>
      %mul3A_173 = arith.constant 2.000000e-01 : f32
      %mul3A_174 = vector.broadcast %mul3A_173 : f32 to vector<16xf32>
      %mul3A_175 = arith.mulf %mul3A_174, %add3A_169 : vector<16xf32>
      %select_n3A_176 = arith.select %gt3A_172, %add3A_169, %mul3A_175 : vector<16xi1>, vector<16xf32>
      %exp3A_177 = math.exp %select_n3A_176 : vector<16xf32>
      %swap3A_178 = arith.constant 0 : i32
      %swap3A_179 = arith.index_cast %swap3A_178 : i32 to index
      %swap3A_180 = arith.constant 32 : index
      %swap3A_181 = tpu.vector_load %arg14[%swap3A_179, %swap3A_180] {strides = array<i32>} : memref<2x128xf32, #tpu.memory_space<vmem>>, vector<1x16xf32>,
      %swap3A_182 = vector.shape_cast %swap3A_181 : vector<1x16xf32> to vector<16xf32>
      %swap3A_183 = vector.shape_cast %exp3A_177 : vector<16xf32> to vector<1x16xf32>
      tpu.vector_store %arg14[%swap3A_179, %swap3A_180], %swap3A_183 {strides = array<i32>} : memref<2x128xf32, #tpu.memory_space<vmem>>, vector<1x16xf32>,
      %mul3A_184 = arith.mulf %exp3A_177, %get3A_143 : vector<16xf32>
      %swap3A_185 = arith.constant 1 : i32
      %swap3A_186 = arith.index_cast %swap3A_185 : i32 to index
      %swap3A_187 = arith.constant 32 : index
      %swap3A_188 = tpu.vector_load %arg14[%swap3A_186, %swap3A_187] {strides = array<i32>} : memref<2x128xf32, #tpu.memory_space<vmem>>, vector<1x16xf32>,
      %swap3A_189 = vector.shape_cast %swap3A_188 : vector<1x16xf32> to vector<16xf32>
      %swap3A_190 = vector.shape_cast %mul3A_184 : vector<16xf32> to vector<1x16xf32>
      tpu.vector_store %arg14[%swap3A_186, %swap3A_187], %swap3A_190 {strides = array<i32>} : memref<2x128xf32, #tpu.memory_space<vmem>>, vector<1x16xf32>,
      %get3A_191 = arith.constant 48 : index
      %get3A_192 = tpu.vector_load %arg12[%get3A_191] {strides = array<i32>} : memref<128xf32, #tpu.memory_space<vmem>>, vector<16xf32>,
      %get3A_193 = vector.shape_cast %get3A_192 : vector<16xf32> to vector<16xf32>
      %get3A_194 = arith.constant 48 : index
      %get3A_195 = tpu.vector_load %arg13[%get3A_194] {strides = array<i32>} : memref<128xf32, #tpu.memory_space<vmem>>, vector<16xf32>,
      %get3A_196 = vector.shape_cast %get3A_195 : vector<16xf32> to vector<16xf32>
      %get3A_197 = arith.constant 48 : index
      %get3A_198 = tpu.vector_load %arg11[%get3A_197] {strides = array<i32>} : memref<128xf32, #tpu.memory_space<vmem>>, vector<16xf32>,
      %get3A_199 = vector.shape_cast %get3A_198 : vector<16xf32> to vector<16xf32>
      %get3A_200 = arith.constant 0 : i32
      %get3A_201 = arith.index_cast %get3A_200 : i32 to index
      %get3A_202 = arith.constant 0 : index
      %get3A_203 = tpu.vector_load %arg8[%get3A_201, %get3A_202] {strides = array<i32>} : memref<3x16xf32, #tpu.memory_space<vmem>>, vector<1x16xf32>,
      %get3A_204 = vector.shape_cast %get3A_203 : vector<1x16xf32> to vector<16xf32>
      %mul3A_205 = arith.mulf %get3A_193, %get3A_204 : vector<16xf32>
      %get3A_206 = arith.constant 1 : i32
      %get3A_207 = arith.index_cast %get3A_206 : i32 to index
      %get3A_208 = arith.constant 0 : index
      %get3A_209 = tpu.vector_load %arg8[%get3A_207, %get3A_208] {strides = array<i32>} : memref<3x16xf32, #tpu.memory_space<vmem>>, vector<1x16xf32>,
      %get3A_210 = vector.shape_cast %get3A_209 : vector<1x16xf32> to vector<16xf32>
      %mul3A_211 = arith.mulf %get3A_196, %get3A_210 : vector<16xf32>
      %add3A_212 = arith.addf %mul3A_205, %mul3A_211 : vector<16xf32>
      %get3A_213 = arith.constant 2 : i32
      %get3A_214 = arith.index_cast %get3A_213 : i32 to index
      %get3A_215 = arith.constant 0 : index
      %get3A_216 = tpu.vector_load %arg8[%get3A_214, %get3A_215] {strides = array<i32>} : memref<3x16xf32, #tpu.memory_space<vmem>>, vector<1x16xf32>,
      %get3A_217 = vector.shape_cast %get3A_216 : vector<1x16xf32> to vector<16xf32>
      %mul3A_218 = arith.mulf %get3A_199, %get3A_217 : vector<16xf32>
      %add3A_219 = arith.addf %add3A_212, %mul3A_218 : vector<16xf32>
      %gt3A_220 = arith.constant 0.000000e+00 : f32
      %gt3A_221 = vector.broadcast %gt3A_220 : f32 to vector<16xf32>
      %gt3A_222 = arith.cmpf ogt, %add3A_219, %gt3A_221 : vector<16xf32>
      %mul3A_223 = arith.constant 2.000000e-01 : f32
      %mul3A_224 = vector.broadcast %mul3A_223 : f32 to vector<16xf32>
      %mul3A_225 = arith.mulf %mul3A_224, %add3A_219 : vector<16xf32>
      %select_n3A_226 = arith.select %gt3A_222, %add3A_219, %mul3A_225 : vector<16xi1>, vector<16xf32>
      %exp3A_227 = math.exp %select_n3A_226 : vector<16xf32>
      %swap3A_228 = arith.constant 0 : i32
      %swap3A_229 = arith.index_cast %swap3A_228 : i32 to index
      %swap3A_230 = arith.constant 48 : index
      %swap3A_231 = tpu.vector_load %arg14[%swap3A_229, %swap3A_230] {strides = array<i32>} : memref<2x128xf32, #tpu.memory_space<vmem>>, vector<1x16xf32>,
      %swap3A_232 = vector.shape_cast %swap3A_231 : vector<1x16xf32> to vector<16xf32>
      %swap3A_233 = vector.shape_cast %exp3A_227 : vector<16xf32> to vector<1x16xf32>
      tpu.vector_store %arg14[%swap3A_229, %swap3A_230], %swap3A_233 {strides = array<i32>} : memref<2x128xf32, #tpu.memory_space<vmem>>, vector<1x16xf32>,
      %mul3A_234 = arith.mulf %exp3A_227, %get3A_193 : vector<16xf32>
      %swap3A_235 = arith.constant 1 : i32
      %swap3A_236 = arith.index_cast %swap3A_235 : i32 to index
      %swap3A_237 = arith.constant 48 : index
      %swap3A_238 = tpu.vector_load %arg14[%swap3A_236, %swap3A_237] {strides = array<i32>} : memref<2x128xf32, #tpu.memory_space<vmem>>, vector<1x16xf32>,
      %swap3A_239 = vector.shape_cast %swap3A_238 : vector<1x16xf32> to vector<16xf32>
      %swap3A_240 = vector.shape_cast %mul3A_234 : vector<16xf32> to vector<1x16xf32>
      tpu.vector_store %arg14[%swap3A_236, %swap3A_237], %swap3A_240 {strides = array<i32>} : memref<2x128xf32, #tpu.memory_space<vmem>>, vector<1x16xf32>,
      %get3A_241 = arith.constant 64 : index
      %get3A_242 = tpu.vector_load %arg12[%get3A_241] {strides = array<i32>} : memref<128xf32, #tpu.memory_space<vmem>>, vector<16xf32>,
      %get3A_243 = vector.shape_cast %get3A_242 : vector<16xf32> to vector<16xf32>
      %get3A_244 = arith.constant 64 : index
      %get3A_245 = tpu.vector_load %arg13[%get3A_244] {strides = array<i32>} : memref<128xf32, #tpu.memory_space<vmem>>, vector<16xf32>,
      %get3A_246 = vector.shape_cast %get3A_245 : vector<16xf32> to vector<16xf32>
      %get3A_247 = arith.constant 64 : index
      %get3A_248 = tpu.vector_load %arg11[%get3A_247] {strides = array<i32>} : memref<128xf32, #tpu.memory_space<vmem>>, vector<16xf32>,
      %get3A_249 = vector.shape_cast %get3A_248 : vector<16xf32> to vector<16xf32>
      %get3A_250 = arith.constant 0 : i32
      %get3A_251 = arith.index_cast %get3A_250 : i32 to index
      %get3A_252 = arith.constant 0 : index
      %get3A_253 = tpu.vector_load %arg8[%get3A_251, %get3A_252] {strides = array<i32>} : memref<3x16xf32, #tpu.memory_space<vmem>>, vector<1x16xf32>,
      %get3A_254 = vector.shape_cast %get3A_253 : vector<1x16xf32> to vector<16xf32>
      %mul3A_255 = arith.mulf %get3A_243, %get3A_254 : vector<16xf32>
      %get3A_256 = arith.constant 1 : i32
      %get3A_257 = arith.index_cast %get3A_256 : i32 to index
      %get3A_258 = arith.constant 0 : index
      %get3A_259 = tpu.vector_load %arg8[%get3A_257, %get3A_258] {strides = array<i32>} : memref<3x16xf32, #tpu.memory_space<vmem>>, vector<1x16xf32>,
      %get3A_260 = vector.shape_cast %get3A_259 : vector<1x16xf32> to vector<16xf32>
      %mul3A_261 = arith.mulf %get3A_246, %get3A_260 : vector<16xf32>
      %add3A_262 = arith.addf %mul3A_255, %mul3A_261 : vector<16xf32>
      %get3A_263 = arith.constant 2 : i32
      %get3A_264 = arith.index_cast %get3A_263 : i32 to index
      %get3A_265 = arith.constant 0 : index
      %get3A_266 = tpu.vector_load %arg8[%get3A_264, %get3A_265] {strides = array<i32>} : memref<3x16xf32, #tpu.memory_space<vmem>>, vector<1x16xf32>,
      %get3A_267 = vector.shape_cast %get3A_266 : vector<1x16xf32> to vector<16xf32>
      %mul3A_268 = arith.mulf %get3A_249, %get3A_267 : vector<16xf32>
      %add3A_269 = arith.addf %add3A_262, %mul3A_268 : vector<16xf32>
      %gt3A_270 = arith.constant 0.000000e+00 : f32
      %gt3A_271 = vector.broadcast %gt3A_270 : f32 to vector<16xf32>
      %gt3A_272 = arith.cmpf ogt, %add3A_269, %gt3A_271 : vector<16xf32>
      %mul3A_273 = arith.constant 2.000000e-01 : f32
      %mul3A_274 = vector.broadcast %mul3A_273 : f32 to vector<16xf32>
      %mul3A_275 = arith.mulf %mul3A_274, %add3A_269 : vector<16xf32>
      %select_n3A_276 = arith.select %gt3A_272, %add3A_269, %mul3A_275 : vector<16xi1>, vector<16xf32>
      %exp3A_277 = math.exp %select_n3A_276 : vector<16xf32>
      %swap3A_278 = arith.constant 0 : i32
      %swap3A_279 = arith.index_cast %swap3A_278 : i32 to index
      %swap3A_280 = arith.constant 64 : index
      %swap3A_281 = tpu.vector_load %arg14[%swap3A_279, %swap3A_280] {strides = array<i32>} : memref<2x128xf32, #tpu.memory_space<vmem>>, vector<1x16xf32>,
      %swap3A_282 = vector.shape_cast %swap3A_281 : vector<1x16xf32> to vector<16xf32>
      %swap3A_283 = vector.shape_cast %exp3A_277 : vector<16xf32> to vector<1x16xf32>
      tpu.vector_store %arg14[%swap3A_279, %swap3A_280], %swap3A_283 {strides = array<i32>} : memref<2x128xf32, #tpu.memory_space<vmem>>, vector<1x16xf32>,
      %mul3A_284 = arith.mulf %exp3A_277, %get3A_243 : vector<16xf32>
      %swap3A_285 = arith.constant 1 : i32
      %swap3A_286 = arith.index_cast %swap3A_285 : i32 to index
      %swap3A_287 = arith.constant 64 : index
      %swap3A_288 = tpu.vector_load %arg14[%swap3A_286, %swap3A_287] {strides = array<i32>} : memref<2x128xf32, #tpu.memory_space<vmem>>, vector<1x16xf32>,
      %swap3A_289 = vector.shape_cast %swap3A_288 : vector<1x16xf32> to vector<16xf32>
      %swap3A_290 = vector.shape_cast %mul3A_284 : vector<16xf32> to vector<1x16xf32>
      tpu.vector_store %arg14[%swap3A_286, %swap3A_287], %swap3A_290 {strides = array<i32>} : memref<2x128xf32, #tpu.memory_space<vmem>>, vector<1x16xf32>,
      %get3A_291 = arith.constant 80 : index
      %get3A_292 = tpu.vector_load %arg12[%get3A_291] {strides = array<i32>} : memref<128xf32, #tpu.memory_space<vmem>>, vector<16xf32>,
      %get3A_293 = vector.shape_cast %get3A_292 : vector<16xf32> to vector<16xf32>
      %get3A_294 = arith.constant 80 : index
      %get3A_295 = tpu.vector_load %arg13[%get3A_294] {strides = array<i32>} : memref<128xf32, #tpu.memory_space<vmem>>, vector<16xf32>,
      %get3A_296 = vector.shape_cast %get3A_295 : vector<16xf32> to vector<16xf32>
      %get3A_297 = arith.constant 80 : index
      %get3A_298 = tpu.vector_load %arg11[%get3A_297] {strides = array<i32>} : memref<128xf32, #tpu.memory_space<vmem>>, vector<16xf32>,
      %get3A_299 = vector.shape_cast %get3A_298 : vector<16xf32> to vector<16xf32>
      %get3A_300 = arith.constant 0 : i32
      %get3A_301 = arith.index_cast %get3A_300 : i32 to index
      %get3A_302 = arith.constant 0 : index
      %get3A_303 = tpu.vector_load %arg8[%get3A_301, %get3A_302] {strides = array<i32>} : memref<3x16xf32, #tpu.memory_space<vmem>>, vector<1x16xf32>,
      %get3A_304 = vector.shape_cast %get3A_303 : vector<1x16xf32> to vector<16xf32>
      %mul3A_305 = arith.mulf %get3A_293, %get3A_304 : vector<16xf32>
      %get3A_306 = arith.constant 1 : i32
      %get3A_307 = arith.index_cast %get3A_306 : i32 to index
      %get3A_308 = arith.constant 0 : index
      %get3A_309 = tpu.vector_load %arg8[%get3A_307, %get3A_308] {strides = array<i32>} : memref<3x16xf32, #tpu.memory_space<vmem>>, vector<1x16xf32>,
      %get3A_310 = vector.shape_cast %get3A_309 : vector<1x16xf32> to vector<16xf32>
      %mul3A_311 = arith.mulf %get3A_296, %get3A_310 : vector<16xf32>
      %add3A_312 = arith.addf %mul3A_305, %mul3A_311 : vector<16xf32>
      %get3A_313 = arith.constant 2 : i32
      %get3A_314 = arith.index_cast %get3A_313 : i32 to index
      %get3A_315 = arith.constant 0 : index
      %get3A_316 = tpu.vector_load %arg8[%get3A_314, %get3A_315] {strides = array<i32>} : memref<3x16xf32, #tpu.memory_space<vmem>>, vector<1x16xf32>,
      %get3A_317 = vector.shape_cast %get3A_316 : vector<1x16xf32> to vector<16xf32>
      %mul3A_318 = arith.mulf %get3A_299, %get3A_317 : vector<16xf32>
      %add3A_319 = arith.addf %add3A_312, %mul3A_318 : vector<16xf32>
      %gt3A_320 = arith.constant 0.000000e+00 : f32
      %gt3A_321 = vector.broadcast %gt3A_320 : f32 to vector<16xf32>
      %gt3A_322 = arith.cmpf ogt, %add3A_319, %gt3A_321 : vector<16xf32>
      %mul3A_323 = arith.constant 2.000000e-01 : f32
      %mul3A_324 = vector.broadcast %mul3A_323 : f32 to vector<16xf32>
      %mul3A_325 = arith.mulf %mul3A_324, %add3A_319 : vector<16xf32>
      %select_n3A_326 = arith.select %gt3A_322, %add3A_319, %mul3A_325 : vector<16xi1>, vector<16xf32>
      %exp3A_327 = math.exp %select_n3A_326 : vector<16xf32>
      %swap3A_328 = arith.constant 0 : i32
      %swap3A_329 = arith.index_cast %swap3A_328 : i32 to index
      %swap3A_330 = arith.constant 80 : index
      %swap3A_331 = tpu.vector_load %arg14[%swap3A_329, %swap3A_330] {strides = array<i32>} : memref<2x128xf32, #tpu.memory_space<vmem>>, vector<1x16xf32>,
      %swap3A_332 = vector.shape_cast %swap3A_331 : vector<1x16xf32> to vector<16xf32>
      %swap3A_333 = vector.shape_cast %exp3A_327 : vector<16xf32> to vector<1x16xf32>
      tpu.vector_store %arg14[%swap3A_329, %swap3A_330], %swap3A_333 {strides = array<i32>} : memref<2x128xf32, #tpu.memory_space<vmem>>, vector<1x16xf32>,
      %mul3A_334 = arith.mulf %exp3A_327, %get3A_293 : vector<16xf32>
      %swap3A_335 = arith.constant 1 : i32
      %swap3A_336 = arith.index_cast %swap3A_335 : i32 to index
      %swap3A_337 = arith.constant 80 : index
      %swap3A_338 = tpu.vector_load %arg14[%swap3A_336, %swap3A_337] {strides = array<i32>} : memref<2x128xf32, #tpu.memory_space<vmem>>, vector<1x16xf32>,
      %swap3A_339 = vector.shape_cast %swap3A_338 : vector<1x16xf32> to vector<16xf32>
      %swap3A_340 = vector.shape_cast %mul3A_334 : vector<16xf32> to vector<1x16xf32>
      tpu.vector_store %arg14[%swap3A_336, %swap3A_337], %swap3A_340 {strides = array<i32>} : memref<2x128xf32, #tpu.memory_space<vmem>>, vector<1x16xf32>,
      %get3A_341 = arith.constant 96 : index
      %get3A_342 = tpu.vector_load %arg12[%get3A_341] {strides = array<i32>} : memref<128xf32, #tpu.memory_space<vmem>>, vector<16xf32>,
      %get3A_343 = vector.shape_cast %get3A_342 : vector<16xf32> to vector<16xf32>
      %get3A_344 = arith.constant 96 : index
      %get3A_345 = tpu.vector_load %arg13[%get3A_344] {strides = array<i32>} : memref<128xf32, #tpu.memory_space<vmem>>, vector<16xf32>,
      %get3A_346 = vector.shape_cast %get3A_345 : vector<16xf32> to vector<16xf32>
      %get3A_347 = arith.constant 96 : index
      %get3A_348 = tpu.vector_load %arg11[%get3A_347] {strides = array<i32>} : memref<128xf32, #tpu.memory_space<vmem>>, vector<16xf32>,
      %get3A_349 = vector.shape_cast %get3A_348 : vector<16xf32> to vector<16xf32>
      %get3A_350 = arith.constant 0 : i32
      %get3A_351 = arith.index_cast %get3A_350 : i32 to index
      %get3A_352 = arith.constant 0 : index
      %get3A_353 = tpu.vector_load %arg8[%get3A_351, %get3A_352] {strides = array<i32>} : memref<3x16xf32, #tpu.memory_space<vmem>>, vector<1x16xf32>,
      %get3A_354 = vector.shape_cast %get3A_353 : vector<1x16xf32> to vector<16xf32>
      %mul3A_355 = arith.mulf %get3A_343, %get3A_354 : vector<16xf32>
      %get3A_356 = arith.constant 1 : i32
      %get3A_357 = arith.index_cast %get3A_356 : i32 to index
      %get3A_358 = arith.constant 0 : index
      %get3A_359 = tpu.vector_load %arg8[%get3A_357, %get3A_358] {strides = array<i32>} : memref<3x16xf32, #tpu.memory_space<vmem>>, vector<1x16xf32>,
      %get3A_360 = vector.shape_cast %get3A_359 : vector<1x16xf32> to vector<16xf32>
      %mul3A_361 = arith.mulf %get3A_346, %get3A_360 : vector<16xf32>
      %add3A_362 = arith.addf %mul3A_355, %mul3A_361 : vector<16xf32>
      %get3A_363 = arith.constant 2 : i32
      %get3A_364 = arith.index_cast %get3A_363 : i32 to index
      %get3A_365 = arith.constant 0 : index
      %get3A_366 = tpu.vector_load %arg8[%get3A_364, %get3A_365] {strides = array<i32>} : memref<3x16xf32, #tpu.memory_space<vmem>>, vector<1x16xf32>,
      %get3A_367 = vector.shape_cast %get3A_366 : vector<1x16xf32> to vector<16xf32>
      %mul3A_368 = arith.mulf %get3A_349, %get3A_367 : vector<16xf32>
      %add3A_369 = arith.addf %add3A_362, %mul3A_368 : vector<16xf32>
      %gt3A_370 = arith.constant 0.000000e+00 : f32
      %gt3A_371 = vector.broadcast %gt3A_370 : f32 to vector<16xf32>
      %gt3A_372 = arith.cmpf ogt, %add3A_369, %gt3A_371 : vector<16xf32>
      %mul3A_373 = arith.constant 2.000000e-01 : f32
      %mul3A_374 = vector.broadcast %mul3A_373 : f32 to vector<16xf32>
      %mul3A_375 = arith.mulf %mul3A_374, %add3A_369 : vector<16xf32>
      %select_n3A_376 = arith.select %gt3A_372, %add3A_369, %mul3A_375 : vector<16xi1>, vector<16xf32>
      %exp3A_377 = math.exp %select_n3A_376 : vector<16xf32>
      %swap3A_378 = arith.constant 0 : i32
      %swap3A_379 = arith.index_cast %swap3A_378 : i32 to index
      %swap3A_380 = arith.constant 96 : index
      %swap3A_381 = tpu.vector_load %arg14[%swap3A_379, %swap3A_380] {strides = array<i32>} : memref<2x128xf32, #tpu.memory_space<vmem>>, vector<1x16xf32>,
      %swap3A_382 = vector.shape_cast %swap3A_381 : vector<1x16xf32> to vector<16xf32>
      %swap3A_383 = vector.shape_cast %exp3A_377 : vector<16xf32> to vector<1x16xf32>
      tpu.vector_store %arg14[%swap3A_379, %swap3A_380], %swap3A_383 {strides = array<i32>} : memref<2x128xf32, #tpu.memory_space<vmem>>, vector<1x16xf32>,
      %mul3A_384 = arith.mulf %exp3A_377, %get3A_343 : vector<16xf32>
      %swap3A_385 = arith.constant 1 : i32
      %swap3A_386 = arith.index_cast %swap3A_385 : i32 to index
      %swap3A_387 = arith.constant 96 : index
      %swap3A_388 = tpu.vector_load %arg14[%swap3A_386, %swap3A_387] {strides = array<i32>} : memref<2x128xf32, #tpu.memory_space<vmem>>, vector<1x16xf32>,
      %swap3A_389 = vector.shape_cast %swap3A_388 : vector<1x16xf32> to vector<16xf32>
      %swap3A_390 = vector.shape_cast %mul3A_384 : vector<16xf32> to vector<1x16xf32>
      tpu.vector_store %arg14[%swap3A_386, %swap3A_387], %swap3A_390 {strides = array<i32>} : memref<2x128xf32, #tpu.memory_space<vmem>>, vector<1x16xf32>,
      %get3A_391 = arith.constant 112 : index
      %get3A_392 = tpu.vector_load %arg12[%get3A_391] {strides = array<i32>} : memref<128xf32, #tpu.memory_space<vmem>>, vector<16xf32>,
      %get3A_393 = vector.shape_cast %get3A_392 : vector<16xf32> to vector<16xf32>
      %get3A_394 = arith.constant 112 : index
      %get3A_395 = tpu.vector_load %arg13[%get3A_394] {strides = array<i32>} : memref<128xf32, #tpu.memory_space<vmem>>, vector<16xf32>,
      %get3A_396 = vector.shape_cast %get3A_395 : vector<16xf32> to vector<16xf32>
      %get3A_397 = arith.constant 112 : index
      %get3A_398 = tpu.vector_load %arg11[%get3A_397] {strides = array<i32>} : memref<128xf32, #tpu.memory_space<vmem>>, vector<16xf32>,
      %get3A_399 = vector.shape_cast %get3A_398 : vector<16xf32> to vector<16xf32>
      %get3A_400 = arith.constant 0 : i32
      %get3A_401 = arith.index_cast %get3A_400 : i32 to index
      %get3A_402 = arith.constant 0 : index
      %get3A_403 = tpu.vector_load %arg8[%get3A_401, %get3A_402] {strides = array<i32>} : memref<3x16xf32, #tpu.memory_space<vmem>>, vector<1x16xf32>,
      %get3A_404 = vector.shape_cast %get3A_403 : vector<1x16xf32> to vector<16xf32>
      %mul3A_405 = arith.mulf %get3A_393, %get3A_404 : vector<16xf32>
      %get3A_406 = arith.constant 1 : i32
      %get3A_407 = arith.index_cast %get3A_406 : i32 to index
      %get3A_408 = arith.constant 0 : index
      %get3A_409 = tpu.vector_load %arg8[%get3A_407, %get3A_408] {strides = array<i32>} : memref<3x16xf32, #tpu.memory_space<vmem>>, vector<1x16xf32>,
      %get3A_410 = vector.shape_cast %get3A_409 : vector<1x16xf32> to vector<16xf32>
      %mul3A_411 = arith.mulf %get3A_396, %get3A_410 : vector<16xf32>
      %add3A_412 = arith.addf %mul3A_405, %mul3A_411 : vector<16xf32>
      %get3A_413 = arith.constant 2 : i32
      %get3A_414 = arith.index_cast %get3A_413 : i32 to index
      %get3A_415 = arith.constant 0 : index
      %get3A_416 = tpu.vector_load %arg8[%get3A_414, %get3A_415] {strides = array<i32>} : memref<3x16xf32, #tpu.memory_space<vmem>>, vector<1x16xf32>,
      %get3A_417 = vector.shape_cast %get3A_416 : vector<1x16xf32> to vector<16xf32>
      %mul3A_418 = arith.mulf %get3A_399, %get3A_417 : vector<16xf32>
      %add3A_419 = arith.addf %add3A_412, %mul3A_418 : vector<16xf32>
      %gt3A_420 = arith.constant 0.000000e+00 : f32
      %gt3A_421 = vector.broadcast %gt3A_420 : f32 to vector<16xf32>
      %gt3A_422 = arith.cmpf ogt, %add3A_419, %gt3A_421 : vector<16xf32>
      %mul3A_423 = arith.constant 2.000000e-01 : f32
      %mul3A_424 = vector.broadcast %mul3A_423 : f32 to vector<16xf32>
      %mul3A_425 = arith.mulf %mul3A_424, %add3A_419 : vector<16xf32>
      %select_n3A_426 = arith.select %gt3A_422, %add3A_419, %mul3A_425 : vector<16xi1>, vector<16xf32>
      %exp3A_427 = math.exp %select_n3A_426 : vector<16xf32>
      %swap3A_428 = arith.constant 0 : i32
      %swap3A_429 = arith.index_cast %swap3A_428 : i32 to index
      %swap3A_430 = arith.constant 112 : index
      %swap3A_431 = tpu.vector_load %arg14[%swap3A_429, %swap3A_430] {strides = array<i32>} : memref<2x128xf32, #tpu.memory_space<vmem>>, vector<1x16xf32>,
      %swap3A_432 = vector.shape_cast %swap3A_431 : vector<1x16xf32> to vector<16xf32>
      %swap3A_433 = vector.shape_cast %exp3A_427 : vector<16xf32> to vector<1x16xf32>
      tpu.vector_store %arg14[%swap3A_429, %swap3A_430], %swap3A_433 {strides = array<i32>} : memref<2x128xf32, #tpu.memory_space<vmem>>, vector<1x16xf32>,
      %mul3A_434 = arith.mulf %exp3A_427, %get3A_393 : vector<16xf32>
      %swap3A_435 = arith.constant 1 : i32
      %swap3A_436 = arith.index_cast %swap3A_435 : i32 to index
      %swap3A_437 = arith.constant 112 : index
      %swap3A_438 = tpu.vector_load %arg14[%swap3A_436, %swap3A_437] {strides = array<i32>} : memref<2x128xf32, #tpu.memory_space<vmem>>, vector<1x16xf32>,
      %swap3A_439 = vector.shape_cast %swap3A_438 : vector<1x16xf32> to vector<16xf32>
      %swap3A_440 = vector.shape_cast %mul3A_434 : vector<16xf32> to vector<1x16xf32>
      tpu.vector_store %arg14[%swap3A_436, %swap3A_437], %swap3A_440 {strides = array<i32>} : memref<2x128xf32, #tpu.memory_space<vmem>>, vector<1x16xf32>,
      %dma_start3A_441 = arith.constant 0 : i32
      %dma_start3A_442 = arith.constant 0 : i32
      %dma_start3A_443 = tpu.memref_slice %arg14[%dma_start3A_441, %dma_start3A_442] : memref<2x128xf32, #tpu.memory_space<vmem>> -> memref<1x128xf32, #tpu.memory_space<vmem>>
      %dma_start3A_444 = tpu.memref_squeeze %dma_start3A_443 : memref<1x128xf32, #tpu.memory_space<vmem>> -> memref<128xf32, #tpu.memory_space<vmem>>
      %dma_start3A_445 = arith.constant 0 : i32
      %dma_start3A_446 = tpu.memref_slice %arg17[%dma_start3A_445] : memref<51200xf32, #tpu.memory_space<vmem_shared>> -> memref<51200xf32, #tpu.memory_space<vmem_shared>>
      tpu.enqueue_indirect_dma source(%dma_start3A_444 : memref<128xf32, #tpu.memory_space<vmem>>) target(%dma_start3A_446 : memref<51200xf32, #tpu.memory_space<vmem_shared>>) offsets(%arg10 : memref<128xi32, #tpu.memory_space<vmem>>) semaphore(%arg16 : memref<!tpu.dma_semaphore, #tpu.memory_space<semaphore_mem>>) {add = true}
      %dma_start3A_447 = arith.constant 1 : i32
      %dma_start3A_448 = arith.constant 0 : i32
      %dma_start3A_449 = tpu.memref_slice %arg14[%dma_start3A_447, %dma_start3A_448] : memref<2x128xf32, #tpu.memory_space<vmem>> -> memref<1x128xf32, #tpu.memory_space<vmem>>
      %dma_start3A_450 = tpu.memref_squeeze %dma_start3A_449 : memref<1x128xf32, #tpu.memory_space<vmem>> -> memref<128xf32, #tpu.memory_space<vmem>>
      %dma_start3A_451 = arith.constant 0 : i32
      %dma_start3A_452 = tpu.memref_slice %arg18[%dma_start3A_451] : memref<51200xf32, #tpu.memory_space<vmem_shared>> -> memref<51200xf32, #tpu.memory_space<vmem_shared>>
      tpu.enqueue_indirect_dma source(%dma_start3A_450 : memref<128xf32, #tpu.memory_space<vmem>>) target(%dma_start3A_452 : memref<51200xf32, #tpu.memory_space<vmem_shared>>) offsets(%arg10 : memref<128xi32, #tpu.memory_space<vmem>>) semaphore(%arg16 : memref<!tpu.dma_semaphore, #tpu.memory_space<semaphore_mem>>) {add = true}
      %dma_wait3A_453 = arith.constant 0 : i32
      %dma_wait3A_454 = arith.constant 0 : i32
      %dma_wait3A_455 = tpu.memref_slice %arg14[%dma_wait3A_453, %dma_wait3A_454] : memref<2x128xf32, #tpu.memory_space<vmem>> -> memref<1x128xf32, #tpu.memory_space<vmem>>
      %dma_wait3A_456 = tpu.memref_squeeze %dma_wait3A_455 : memref<1x128xf32, #tpu.memory_space<vmem>> -> memref<128xf32, #tpu.memory_space<vmem>>
      %dma_wait3A_457 = arith.constant 0 : i32
      %dma_wait3A_458 = tpu.memref_slice %arg17[%dma_wait3A_457] : memref<51200xf32, #tpu.memory_space<vmem_shared>> -> memref<51200xf32, #tpu.memory_space<vmem_shared>>
      tpu.wait_indirect_dma semaphore(%arg16 : memref<!tpu.dma_semaphore, #tpu.memory_space<semaphore_mem>>) src(%dma_wait3A_456 : memref<128xf32, #tpu.memory_space<vmem>>) dst(%dma_wait3A_458 : memref<51200xf32, #tpu.memory_space<vmem_shared>>)
      %dma_wait3A_459 = arith.constant 1 : i32
      %dma_wait3A_460 = arith.constant 0 : i32
      %dma_wait3A_461 = tpu.memref_slice %arg14[%dma_wait3A_459, %dma_wait3A_460] : memref<2x128xf32, #tpu.memory_space<vmem>> -> memref<1x128xf32, #tpu.memory_space<vmem>>
      %dma_wait3A_462 = tpu.memref_squeeze %dma_wait3A_461 : memref<1x128xf32, #tpu.memory_space<vmem>> -> memref<128xf32, #tpu.memory_space<vmem>>
      %dma_wait3A_463 = arith.constant 0 : i32
      %dma_wait3A_464 = tpu.memref_slice %arg18[%dma_wait3A_463] : memref<51200xf32, #tpu.memory_space<vmem_shared>> -> memref<51200xf32, #tpu.memory_space<vmem_shared>>
      tpu.wait_indirect_dma semaphore(%arg16 : memref<!tpu.dma_semaphore, #tpu.memory_space<semaphore_mem>>) src(%dma_wait3A_462 : memref<128xf32, #tpu.memory_space<vmem>>) dst(%dma_wait3A_464 : memref<51200xf32, #tpu.memory_space<vmem_shared>>)
    }
    %scan3A_17 = arith.constant 196 : i32
    %barrier3A_18 = arith.constant 0 : index
    tpu.barrier barrier_id(%barrier3A_18)
    %mul3A_19 = arith.constant 3200 : i32
    %mul3A_20 = arith.muli %arg1, %mul3A_19 : i32
    %run_scoped3A = arith.constant 0 : i32
    "tpu.region"() ({
      %run_scoped3A_24 = tpu.sem_alloc : memref<!tpu.dma_semaphore, #tpu.memory_space<semaphore_mem>>
      %dma_start3A = tpu.memref_slice %arg7[%arg0, %run_scoped3A, %mul3A_20] : memref<2x2x51200xf32, #tpu.memory_space<hbm>> -> memref<1x1x3200xf32, #tpu.memory_space<hbm>>
      %dma_start3A_25 = tpu.memref_squeeze %dma_start3A : memref<1x1x3200xf32, #tpu.memory_space<hbm>> -> memref<3200xf32, #tpu.memory_space<hbm>>
      %dma_start3A_26 = tpu.memref_slice %arg17[%mul3A_20] : memref<51200xf32, #tpu.memory_space<vmem_shared>> -> memref<3200xf32, #tpu.memory_space<vmem_shared>>
      tpu.enqueue_dma source(%dma_start3A_26 : memref<3200xf32, #tpu.memory_space<vmem_shared>>) target(%dma_start3A_25 : memref<3200xf32, #tpu.memory_space<hbm>>) target_semaphore(%run_scoped3A_24 : memref<!tpu.dma_semaphore, #tpu.memory_space<semaphore_mem>>)
      %dma_wait3A = tpu.memref_slice %arg7[%arg0, %run_scoped3A, %mul3A_20] : memref<2x2x51200xf32, #tpu.memory_space<hbm>> -> memref<1x1x3200xf32, #tpu.memory_space<hbm>>
      %dma_wait3A_27 = tpu.memref_squeeze %dma_wait3A : memref<1x1x3200xf32, #tpu.memory_space<hbm>> -> memref<3200xf32, #tpu.memory_space<hbm>>
      %dma_wait3A_28 = tpu.memref_slice %arg17[%mul3A_20] : memref<51200xf32, #tpu.memory_space<vmem_shared>> -> memref<3200xf32, #tpu.memory_space<vmem_shared>>
      tpu.wait_dma2 semaphore(%run_scoped3A_24 : memref<!tpu.dma_semaphore, #tpu.memory_space<semaphore_mem>>) src(%dma_wait3A_28 : memref<3200xf32, #tpu.memory_space<vmem_shared>>) dst(%dma_wait3A_27 : memref<3200xf32, #tpu.memory_space<hbm>>)
      tpu.yield
    }) : () -> ()
    %mul3A_21 = arith.constant 3200 : i32
    %mul3A_22 = arith.muli %arg1, %mul3A_21 : i32
    %run_scoped3A_23 = arith.constant 1 : i32
    "tpu.region"() ({
      %run_scoped3A_24 = tpu.sem_alloc : memref<!tpu.dma_semaphore, #tpu.memory_space<semaphore_mem>>
      %dma_start3A = tpu.memref_slice %arg7[%arg0, %run_scoped3A_23, %mul3A_22] : memref<2x2x51200xf32, #tpu.memory_space<hbm>> -> memref<1x1x3200xf32, #tpu.memory_space<hbm>>
      %dma_start3A_25 = tpu.memref_squeeze %dma_start3A : memref<1x1x3200xf32, #tpu.memory_space<hbm>> -> memref<3200xf32, #tpu.memory_space<hbm>>
      %dma_start3A_26 = tpu.memref_slice %arg18[%mul3A_22] : memref<51200xf32, #tpu.memory_space<vmem_shared>> -> memref<3200xf32, #tpu.memory_space<vmem_shared>>
      tpu.enqueue_dma source(%dma_start3A_26 : memref<3200xf32, #tpu.memory_space<vmem_shared>>) target(%dma_start3A_25 : memref<3200xf32, #tpu.memory_space<hbm>>) target_semaphore(%run_scoped3A_24 : memref<!tpu.dma_semaphore, #tpu.memory_space<semaphore_mem>>)
      %dma_wait3A = tpu.memref_slice %arg7[%arg0, %run_scoped3A_23, %mul3A_22] : memref<2x2x51200xf32, #tpu.memory_space<hbm>> -> memref<1x1x3200xf32, #tpu.memory_space<hbm>>
      %dma_wait3A_27 = tpu.memref_squeeze %dma_wait3A : memref<1x1x3200xf32, #tpu.memory_space<hbm>> -> memref<3200xf32, #tpu.memory_space<hbm>>
      %dma_wait3A_28 = tpu.memref_slice %arg18[%mul3A_22] : memref<51200xf32, #tpu.memory_space<vmem_shared>> -> memref<3200xf32, #tpu.memory_space<vmem_shared>>
      tpu.wait_dma2 semaphore(%run_scoped3A_24 : memref<!tpu.dma_semaphore, #tpu.memory_space<semaphore_mem>>) src(%dma_wait3A_28 : memref<3200xf32, #tpu.memory_space<vmem_shared>>) dst(%dma_wait3A_27 : memref<3200xf32, #tpu.memory_space<hbm>>)
      tpu.yield
    }) : () -> ()
    return
  }
}

#map = affine_map<(d0, d1) -> (0)>
#map1 = affine_map<(d0, d1) -> (0, 0)>
#map2 = affine_map<(d0, d1) -> (0, 0, 0)>
module attributes {stable_mosaic.version = 14 : i64} {
  func.func @_sc1_body(%arg0: i32, %arg1: i32, %arg2: memref<802816xi32, #tpu.memory_space<hbm>>, %arg3: memref<802816xi32, #tpu.memory_space<hbm>>, %arg4: memref<802816xf32, #tpu.memory_space<hbm>>, %arg5: memref<51200xf32, #tpu.memory_space<hbm>>, %arg6: memref<51200xf32, #tpu.memory_space<hbm>>, %arg7: memref<20x16xf32, #tpu.memory_space<hbm>>, %arg8: memref<2x12x51200xf32, #tpu.memory_space<hbm>>, %arg9: memref<20x16xf32, #tpu.memory_space<vmem>>, %arg10: memref<128xi32, #tpu.memory_space<vmem>>, %arg11: memref<128xi32, #tpu.memory_space<vmem>>, %arg12: memref<128xf32, #tpu.memory_space<vmem>>, %arg13: memref<128xf32, #tpu.memory_space<vmem>>, %arg14: memref<128xf32, #tpu.memory_space<vmem>>, %arg15: memref<128xf32, #tpu.memory_space<vmem>>, %arg16: memref<128xf32, #tpu.memory_space<vmem>>, %arg17: memref<12x128xf32, #tpu.memory_space<vmem>>, %arg18: memref<3200xf32, #tpu.memory_space<vmem>>, %arg19: memref<!tpu.dma_semaphore, #tpu.memory_space<semaphore_mem>>, %arg20: memref<51200xf32, #tpu.memory_space<vmem_shared>>, %arg21: memref<51200xf32, #tpu.memory_space<vmem_shared>>, %arg22: memref<51200xf32, #tpu.memory_space<vmem_shared>>, %arg23: memref<51200xf32, #tpu.memory_space<vmem_shared>>, %arg24: memref<51200xf32, #tpu.memory_space<vmem_shared>>, %arg25: memref<51200xf32, #tpu.memory_space<vmem_shared>>, %arg26: memref<51200xf32, #tpu.memory_space<vmem_shared>>, %arg27: memref<51200xf32, #tpu.memory_space<vmem_shared>>, %arg28: memref<51200xf32, #tpu.memory_space<vmem_shared>>, %arg29: memref<51200xf32, #tpu.memory_space<vmem_shared>>, %arg30: memref<51200xf32, #tpu.memory_space<vmem_shared>>, %arg31: memref<51200xf32, #tpu.memory_space<vmem_shared>>) attributes {dimension_semantics = [#tpu.dimension_semantics<core_parallel>, #tpu.dimension_semantics<subcore_parallel>], iteration_bounds = array<i64: 2, 16>, scalar_prefetch = 0 : i64, scratch_operands = 23 : i64, tpu.core_type = #tpu.core_type<sc_vector_subcore>, window_params = [{transform_indices = #map}, {transform_indices = #map}, {transform_indices = #map}, {transform_indices = #map}, {transform_indices = #map}, {transform_indices = #map1}, {transform_indices = #map2}]} {
    %mul3A = arith.constant 2 : i32
    %mul3A_0 = arith.muli %arg1, %mul3A : i32
    %add3A = arith.addi %mul3A_0, %arg0 : i32
    "tpu.region"() ({
      %run_scoped3A_74 = tpu.sem_alloc : memref<!tpu.dma_semaphore, #tpu.memory_space<semaphore_mem>>
      tpu.enqueue_dma source(%arg7 : memref<20x16xf32, #tpu.memory_space<hbm>>) target(%arg9 : memref<20x16xf32, #tpu.memory_space<vmem>>) target_semaphore(%run_scoped3A_74 : memref<!tpu.dma_semaphore, #tpu.memory_space<semaphore_mem>>)
      tpu.wait_dma2 semaphore(%run_scoped3A_74 : memref<!tpu.dma_semaphore, #tpu.memory_space<semaphore_mem>>) src(%arg7 : memref<20x16xf32, #tpu.memory_space<hbm>>) dst(%arg9 : memref<20x16xf32, #tpu.memory_space<vmem>>)
      tpu.yield
    }) : () -> ()
    %scan3A = arith.constant 0 : i32
    %scan3A_1 = arith.constant 0 : i32
    %scan3A_2 = arith.constant 200 : i32
    %scan3A_3 = arith.addi %scan3A_1, %scan3A_2 : i32
    %scan3A_4 = arith.constant 1 : i32
    scf.for %scan3A_74 = %scan3A_1 to %scan3A_3 step %scan3A_4  : i32 {
      %broadcast_in_dim3A = arith.constant 0.000000e+00 : f32
      %broadcast_in_dim3A_75 = vector.broadcast %broadcast_in_dim3A : f32 to vector<16xf32>
      %mul3A_76 = arith.constant 16 : i32
      %mul3A_77 = arith.muli %scan3A_74, %mul3A_76 : i32
      %swap3A = arith.index_cast %mul3A_77 : i32 to index
      %swap3A_78 = tpu.vector_load %arg18[%swap3A] {strides = array<i32>} : memref<3200xf32, #tpu.memory_space<vmem>>, vector<16xf32>,
      %swap3A_79 = vector.shape_cast %swap3A_78 : vector<16xf32> to vector<16xf32>
      %swap3A_80 = vector.shape_cast %broadcast_in_dim3A_75 : vector<16xf32> to vector<16xf32>
      tpu.vector_store %arg18[%swap3A], %swap3A_80 {strides = array<i32>} : memref<3200xf32, #tpu.memory_space<vmem>>, vector<16xf32>,
    }
    %scan3A_5 = arith.constant 200 : i32
    %mul3A_6 = arith.constant 3200 : i32
    %mul3A_7 = arith.muli %arg1, %mul3A_6 : i32
    "tpu.region"() ({
      %run_scoped3A_74 = tpu.sem_alloc : memref<!tpu.dma_semaphore, #tpu.memory_space<semaphore_mem>>
      %dma_start3A = tpu.memref_slice %arg20[%mul3A_7] : memref<51200xf32, #tpu.memory_space<vmem_shared>> -> memref<3200xf32, #tpu.memory_space<vmem_shared>>
      %dma_start3A_75 = tpu.memref_slice %arg20[%mul3A_7] : memref<51200xf32, #tpu.memory_space<vmem_shared>> -> memref<3200xf32, #tpu.memory_space<vmem_shared>>
      tpu.enqueue_dma source(%arg18 : memref<3200xf32, #tpu.memory_space<vmem>>) target(%dma_start3A_75 : memref<3200xf32, #tpu.memory_space<vmem_shared>>) target_semaphore(%run_scoped3A_74 : memref<!tpu.dma_semaphore, #tpu.memory_space<semaphore_mem>>)
      %dma_wait3A = tpu.memref_slice %arg20[%mul3A_7] : memref<51200xf32, #tpu.memory_space<vmem_shared>> -> memref<3200xf32, #tpu.memory_space<vmem_shared>>
      %dma_wait3A_76 = tpu.memref_slice %arg20[%mul3A_7] : memref<51200xf32, #tpu.memory_space<vmem_shared>> -> memref<3200xf32, #tpu.memory_space<vmem_shared>>
      tpu.wait_dma2 semaphore(%run_scoped3A_74 : memref<!tpu.dma_semaphore, #tpu.memory_space<semaphore_mem>>) src(%arg18 : memref<3200xf32, #tpu.memory_space<vmem>>) dst(%dma_wait3A_76 : memref<3200xf32, #tpu.memory_space<vmem_shared>>)
      tpu.yield
    }) : () -> ()
    %mul3A_8 = arith.constant 3200 : i32
    %mul3A_9 = arith.muli %arg1, %mul3A_8 : i32
    "tpu.region"() ({
      %run_scoped3A_74 = tpu.sem_alloc : memref<!tpu.dma_semaphore, #tpu.memory_space<semaphore_mem>>
      %dma_start3A = tpu.memref_slice %arg21[%mul3A_9] : memref<51200xf32, #tpu.memory_space<vmem_shared>> -> memref<3200xf32, #tpu.memory_space<vmem_shared>>
      %dma_start3A_75 = tpu.memref_slice %arg21[%mul3A_9] : memref<51200xf32, #tpu.memory_space<vmem_shared>> -> memref<3200xf32, #tpu.memory_space<vmem_shared>>
      tpu.enqueue_dma source(%arg18 : memref<3200xf32, #tpu.memory_space<vmem>>) target(%dma_start3A_75 : memref<3200xf32, #tpu.memory_space<vmem_shared>>) target_semaphore(%run_scoped3A_74 : memref<!tpu.dma_semaphore, #tpu.memory_space<semaphore_mem>>)
      %dma_wait3A = tpu.memref_slice %arg21[%mul3A_9] : memref<51200xf32, #tpu.memory_space<vmem_shared>> -> memref<3200xf32, #tpu.memory_space<vmem_shared>>
      %dma_wait3A_76 = tpu.memref_slice %arg21[%mul3A_9] : memref<51200xf32, #tpu.memory_space<vmem_shared>> -> memref<3200xf32, #tpu.memory_space<vmem_shared>>
      tpu.wait_dma2 semaphore(%run_scoped3A_74 : memref<!tpu.dma_semaphore, #tpu.memory_space<semaphore_mem>>) src(%arg18 : memref<3200xf32, #tpu.memory_space<vmem>>) dst(%dma_wait3A_76 : memref<3200xf32, #tpu.memory_space<vmem_shared>>)
      tpu.yield
    }) : () -> ()
    %mul3A_10 = arith.constant 3200 : i32
    %mul3A_11 = arith.muli %arg1, %mul3A_10 : i32
    "tpu.region"() ({
      %run_scoped3A_74 = tpu.sem_alloc : memref<!tpu.dma_semaphore, #tpu.memory_space<semaphore_mem>>
      %dma_start3A = tpu.memref_slice %arg22[%mul3A_11] : memref<51200xf32, #tpu.memory_space<vmem_shared>> -> memref<3200xf32, #tpu.memory_space<vmem_shared>>
      %dma_start3A_75 = tpu.memref_slice %arg22[%mul3A_11] : memref<51200xf32, #tpu.memory_space<vmem_shared>> -> memref<3200xf32, #tpu.memory_space<vmem_shared>>
      tpu.enqueue_dma source(%arg18 : memref<3200xf32, #tpu.memory_space<vmem>>) target(%dma_start3A_75 : memref<3200xf32, #tpu.memory_space<vmem_shared>>) target_semaphore(%run_scoped3A_74 : memref<!tpu.dma_semaphore, #tpu.memory_space<semaphore_mem>>)
      %dma_wait3A = tpu.memref_slice %arg22[%mul3A_11] : memref<51200xf32, #tpu.memory_space<vmem_shared>> -> memref<3200xf32, #tpu.memory_space<vmem_shared>>
      %dma_wait3A_76 = tpu.memref_slice %arg22[%mul3A_11] : memref<51200xf32, #tpu.memory_space<vmem_shared>> -> memref<3200xf32, #tpu.memory_space<vmem_shared>>
      tpu.wait_dma2 semaphore(%run_scoped3A_74 : memref<!tpu.dma_semaphore, #tpu.memory_space<semaphore_mem>>) src(%arg18 : memref<3200xf32, #tpu.memory_space<vmem>>) dst(%dma_wait3A_76 : memref<3200xf32, #tpu.memory_space<vmem_shared>>)
      tpu.yield
    }) : () -> ()
    %mul3A_12 = arith.constant 3200 : i32
    %mul3A_13 = arith.muli %arg1, %mul3A_12 : i32
    "tpu.region"() ({
      %run_scoped3A_74 = tpu.sem_alloc : memref<!tpu.dma_semaphore, #tpu.memory_space<semaphore_mem>>
      %dma_start3A = tpu.memref_slice %arg23[%mul3A_13] : memref<51200xf32, #tpu.memory_space<vmem_shared>> -> memref<3200xf32, #tpu.memory_space<vmem_shared>>
      %dma_start3A_75 = tpu.memref_slice %arg23[%mul3A_13] : memref<51200xf32, #tpu.memory_space<vmem_shared>> -> memref<3200xf32, #tpu.memory_space<vmem_shared>>
      tpu.enqueue_dma source(%arg18 : memref<3200xf32, #tpu.memory_space<vmem>>) target(%dma_start3A_75 : memref<3200xf32, #tpu.memory_space<vmem_shared>>) target_semaphore(%run_scoped3A_74 : memref<!tpu.dma_semaphore, #tpu.memory_space<semaphore_mem>>)
      %dma_wait3A = tpu.memref_slice %arg23[%mul3A_13] : memref<51200xf32, #tpu.memory_space<vmem_shared>> -> memref<3200xf32, #tpu.memory_space<vmem_shared>>
      %dma_wait3A_76 = tpu.memref_slice %arg23[%mul3A_13] : memref<51200xf32, #tpu.memory_space<vmem_shared>> -> memref<3200xf32, #tpu.memory_space<vmem_shared>>
      tpu.wait_dma2 semaphore(%run_scoped3A_74 : memref<!tpu.dma_semaphore, #tpu.memory_space<semaphore_mem>>) src(%arg18 : memref<3200xf32, #tpu.memory_space<vmem>>) dst(%dma_wait3A_76 : memref<3200xf32, #tpu.memory_space<vmem_shared>>)
      tpu.yield
    }) : () -> ()
    %mul3A_14 = arith.constant 3200 : i32
    %mul3A_15 = arith.muli %arg1, %mul3A_14 : i32
    "tpu.region"() ({
      %run_scoped3A_74 = tpu.sem_alloc : memref<!tpu.dma_semaphore, #tpu.memory_space<semaphore_mem>>
      %dma_start3A = tpu.memref_slice %arg24[%mul3A_15] : memref<51200xf32, #tpu.memory_space<vmem_shared>> -> memref<3200xf32, #tpu.memory_space<vmem_shared>>
      %dma_start3A_75 = tpu.memref_slice %arg24[%mul3A_15] : memref<51200xf32, #tpu.memory_space<vmem_shared>> -> memref<3200xf32, #tpu.memory_space<vmem_shared>>
      tpu.enqueue_dma source(%arg18 : memref<3200xf32, #tpu.memory_space<vmem>>) target(%dma_start3A_75 : memref<3200xf32, #tpu.memory_space<vmem_shared>>) target_semaphore(%run_scoped3A_74 : memref<!tpu.dma_semaphore, #tpu.memory_space<semaphore_mem>>)
      %dma_wait3A = tpu.memref_slice %arg24[%mul3A_15] : memref<51200xf32, #tpu.memory_space<vmem_shared>> -> memref<3200xf32, #tpu.memory_space<vmem_shared>>
      %dma_wait3A_76 = tpu.memref_slice %arg24[%mul3A_15] : memref<51200xf32, #tpu.memory_space<vmem_shared>> -> memref<3200xf32, #tpu.memory_space<vmem_shared>>
      tpu.wait_dma2 semaphore(%run_scoped3A_74 : memref<!tpu.dma_semaphore, #tpu.memory_space<semaphore_mem>>) src(%arg18 : memref<3200xf32, #tpu.memory_space<vmem>>) dst(%dma_wait3A_76 : memref<3200xf32, #tpu.memory_space<vmem_shared>>)
      tpu.yield
    }) : () -> ()
    %mul3A_16 = arith.constant 3200 : i32
    %mul3A_17 = arith.muli %arg1, %mul3A_16 : i32
    "tpu.region"() ({
      %run_scoped3A_74 = tpu.sem_alloc : memref<!tpu.dma_semaphore, #tpu.memory_space<semaphore_mem>>
      %dma_start3A = tpu.memref_slice %arg25[%mul3A_17] : memref<51200xf32, #tpu.memory_space<vmem_shared>> -> memref<3200xf32, #tpu.memory_space<vmem_shared>>
      %dma_start3A_75 = tpu.memref_slice %arg25[%mul3A_17] : memref<51200xf32, #tpu.memory_space<vmem_shared>> -> memref<3200xf32, #tpu.memory_space<vmem_shared>>
      tpu.enqueue_dma source(%arg18 : memref<3200xf32, #tpu.memory_space<vmem>>) target(%dma_start3A_75 : memref<3200xf32, #tpu.memory_space<vmem_shared>>) target_semaphore(%run_scoped3A_74 : memref<!tpu.dma_semaphore, #tpu.memory_space<semaphore_mem>>)
      %dma_wait3A = tpu.memref_slice %arg25[%mul3A_17] : memref<51200xf32, #tpu.memory_space<vmem_shared>> -> memref<3200xf32, #tpu.memory_space<vmem_shared>>
      %dma_wait3A_76 = tpu.memref_slice %arg25[%mul3A_17] : memref<51200xf32, #tpu.memory_space<vmem_shared>> -> memref<3200xf32, #tpu.memory_space<vmem_shared>>
      tpu.wait_dma2 semaphore(%run_scoped3A_74 : memref<!tpu.dma_semaphore, #tpu.memory_space<semaphore_mem>>) src(%arg18 : memref<3200xf32, #tpu.memory_space<vmem>>) dst(%dma_wait3A_76 : memref<3200xf32, #tpu.memory_space<vmem_shared>>)
      tpu.yield
    }) : () -> ()
    %mul3A_18 = arith.constant 3200 : i32
    %mul3A_19 = arith.muli %arg1, %mul3A_18 : i32
    "tpu.region"() ({
      %run_scoped3A_74 = tpu.sem_alloc : memref<!tpu.dma_semaphore, #tpu.memory_space<semaphore_mem>>
      %dma_start3A = tpu.memref_slice %arg26[%mul3A_19] : memref<51200xf32, #tpu.memory_space<vmem_shared>> -> memref<3200xf32, #tpu.memory_space<vmem_shared>>
      %dma_start3A_75 = tpu.memref_slice %arg26[%mul3A_19] : memref<51200xf32, #tpu.memory_space<vmem_shared>> -> memref<3200xf32, #tpu.memory_space<vmem_shared>>
      tpu.enqueue_dma source(%arg18 : memref<3200xf32, #tpu.memory_space<vmem>>) target(%dma_start3A_75 : memref<3200xf32, #tpu.memory_space<vmem_shared>>) target_semaphore(%run_scoped3A_74 : memref<!tpu.dma_semaphore, #tpu.memory_space<semaphore_mem>>)
      %dma_wait3A = tpu.memref_slice %arg26[%mul3A_19] : memref<51200xf32, #tpu.memory_space<vmem_shared>> -> memref<3200xf32, #tpu.memory_space<vmem_shared>>
      %dma_wait3A_76 = tpu.memref_slice %arg26[%mul3A_19] : memref<51200xf32, #tpu.memory_space<vmem_shared>> -> memref<3200xf32, #tpu.memory_space<vmem_shared>>
      tpu.wait_dma2 semaphore(%run_scoped3A_74 : memref<!tpu.dma_semaphore, #tpu.memory_space<semaphore_mem>>) src(%arg18 : memref<3200xf32, #tpu.memory_space<vmem>>) dst(%dma_wait3A_76 : memref<3200xf32, #tpu.memory_space<vmem_shared>>)
      tpu.yield
    }) : () -> ()
    %mul3A_20 = arith.constant 3200 : i32
    %mul3A_21 = arith.muli %arg1, %mul3A_20 : i32
    "tpu.region"() ({
      %run_scoped3A_74 = tpu.sem_alloc : memref<!tpu.dma_semaphore, #tpu.memory_space<semaphore_mem>>
      %dma_start3A = tpu.memref_slice %arg27[%mul3A_21] : memref<51200xf32, #tpu.memory_space<vmem_shared>> -> memref<3200xf32, #tpu.memory_space<vmem_shared>>
      %dma_start3A_75 = tpu.memref_slice %arg27[%mul3A_21] : memref<51200xf32, #tpu.memory_space<vmem_shared>> -> memref<3200xf32, #tpu.memory_space<vmem_shared>>
      tpu.enqueue_dma source(%arg18 : memref<3200xf32, #tpu.memory_space<vmem>>) target(%dma_start3A_75 : memref<3200xf32, #tpu.memory_space<vmem_shared>>) target_semaphore(%run_scoped3A_74 : memref<!tpu.dma_semaphore, #tpu.memory_space<semaphore_mem>>)
      %dma_wait3A = tpu.memref_slice %arg27[%mul3A_21] : memref<51200xf32, #tpu.memory_space<vmem_shared>> -> memref<3200xf32, #tpu.memory_space<vmem_shared>>
      %dma_wait3A_76 = tpu.memref_slice %arg27[%mul3A_21] : memref<51200xf32, #tpu.memory_space<vmem_shared>> -> memref<3200xf32, #tpu.memory_space<vmem_shared>>
      tpu.wait_dma2 semaphore(%run_scoped3A_74 : memref<!tpu.dma_semaphore, #tpu.memory_space<semaphore_mem>>) src(%arg18 : memref<3200xf32, #tpu.memory_space<vmem>>) dst(%dma_wait3A_76 : memref<3200xf32, #tpu.memory_space<vmem_shared>>)
      tpu.yield
    }) : () -> ()
    %mul3A_22 = arith.constant 3200 : i32
    %mul3A_23 = arith.muli %arg1, %mul3A_22 : i32
    "tpu.region"() ({
      %run_scoped3A_74 = tpu.sem_alloc : memref<!tpu.dma_semaphore, #tpu.memory_space<semaphore_mem>>
      %dma_start3A = tpu.memref_slice %arg28[%mul3A_23] : memref<51200xf32, #tpu.memory_space<vmem_shared>> -> memref<3200xf32, #tpu.memory_space<vmem_shared>>
      %dma_start3A_75 = tpu.memref_slice %arg28[%mul3A_23] : memref<51200xf32, #tpu.memory_space<vmem_shared>> -> memref<3200xf32, #tpu.memory_space<vmem_shared>>
      tpu.enqueue_dma source(%arg18 : memref<3200xf32, #tpu.memory_space<vmem>>) target(%dma_start3A_75 : memref<3200xf32, #tpu.memory_space<vmem_shared>>) target_semaphore(%run_scoped3A_74 : memref<!tpu.dma_semaphore, #tpu.memory_space<semaphore_mem>>)
      %dma_wait3A = tpu.memref_slice %arg28[%mul3A_23] : memref<51200xf32, #tpu.memory_space<vmem_shared>> -> memref<3200xf32, #tpu.memory_space<vmem_shared>>
      %dma_wait3A_76 = tpu.memref_slice %arg28[%mul3A_23] : memref<51200xf32, #tpu.memory_space<vmem_shared>> -> memref<3200xf32, #tpu.memory_space<vmem_shared>>
      tpu.wait_dma2 semaphore(%run_scoped3A_74 : memref<!tpu.dma_semaphore, #tpu.memory_space<semaphore_mem>>) src(%arg18 : memref<3200xf32, #tpu.memory_space<vmem>>) dst(%dma_wait3A_76 : memref<3200xf32, #tpu.memory_space<vmem_shared>>)
      tpu.yield
    }) : () -> ()
    %mul3A_24 = arith.constant 3200 : i32
    %mul3A_25 = arith.muli %arg1, %mul3A_24 : i32
    "tpu.region"() ({
      %run_scoped3A_74 = tpu.sem_alloc : memref<!tpu.dma_semaphore, #tpu.memory_space<semaphore_mem>>
      %dma_start3A = tpu.memref_slice %arg29[%mul3A_25] : memref<51200xf32, #tpu.memory_space<vmem_shared>> -> memref<3200xf32, #tpu.memory_space<vmem_shared>>
      %dma_start3A_75 = tpu.memref_slice %arg29[%mul3A_25] : memref<51200xf32, #tpu.memory_space<vmem_shared>> -> memref<3200xf32, #tpu.memory_space<vmem_shared>>
      tpu.enqueue_dma source(%arg18 : memref<3200xf32, #tpu.memory_space<vmem>>) target(%dma_start3A_75 : memref<3200xf32, #tpu.memory_space<vmem_shared>>) target_semaphore(%run_scoped3A_74 : memref<!tpu.dma_semaphore, #tpu.memory_space<semaphore_mem>>)
      %dma_wait3A = tpu.memref_slice %arg29[%mul3A_25] : memref<51200xf32, #tpu.memory_space<vmem_shared>> -> memref<3200xf32, #tpu.memory_space<vmem_shared>>
      %dma_wait3A_76 = tpu.memref_slice %arg29[%mul3A_25] : memref<51200xf32, #tpu.memory_space<vmem_shared>> -> memref<3200xf32, #tpu.memory_space<vmem_shared>>
      tpu.wait_dma2 semaphore(%run_scoped3A_74 : memref<!tpu.dma_semaphore, #tpu.memory_space<semaphore_mem>>) src(%arg18 : memref<3200xf32, #tpu.memory_space<vmem>>) dst(%dma_wait3A_76 : memref<3200xf32, #tpu.memory_space<vmem_shared>>)
      tpu.yield
    }) : () -> ()
    %mul3A_26 = arith.constant 3200 : i32
    %mul3A_27 = arith.muli %arg1, %mul3A_26 : i32
    "tpu.region"() ({
      %run_scoped3A_74 = tpu.sem_alloc : memref<!tpu.dma_semaphore, #tpu.memory_space<semaphore_mem>>
      %dma_start3A = tpu.memref_slice %arg30[%mul3A_27] : memref<51200xf32, #tpu.memory_space<vmem_shared>> -> memref<3200xf32, #tpu.memory_space<vmem_shared>>
      %dma_start3A_75 = tpu.memref_slice %arg30[%mul3A_27] : memref<51200xf32, #tpu.memory_space<vmem_shared>> -> memref<3200xf32, #tpu.memory_space<vmem_shared>>
      tpu.enqueue_dma source(%arg18 : memref<3200xf32, #tpu.memory_space<vmem>>) target(%dma_start3A_75 : memref<3200xf32, #tpu.memory_space<vmem_shared>>) target_semaphore(%run_scoped3A_74 : memref<!tpu.dma_semaphore, #tpu.memory_space<semaphore_mem>>)
      %dma_wait3A = tpu.memref_slice %arg30[%mul3A_27] : memref<51200xf32, #tpu.memory_space<vmem_shared>> -> memref<3200xf32, #tpu.memory_space<vmem_shared>>
      %dma_wait3A_76 = tpu.memref_slice %arg30[%mul3A_27] : memref<51200xf32, #tpu.memory_space<vmem_shared>> -> memref<3200xf32, #tpu.memory_space<vmem_shared>>
      tpu.wait_dma2 semaphore(%run_scoped3A_74 : memref<!tpu.dma_semaphore, #tpu.memory_space<semaphore_mem>>) src(%arg18 : memref<3200xf32, #tpu.memory_space<vmem>>) dst(%dma_wait3A_76 : memref<3200xf32, #tpu.memory_space<vmem_shared>>)
      tpu.yield
    }) : () -> ()
    %mul3A_28 = arith.constant 3200 : i32
    %mul3A_29 = arith.muli %arg1, %mul3A_28 : i32
    "tpu.region"() ({
      %run_scoped3A_74 = tpu.sem_alloc : memref<!tpu.dma_semaphore, #tpu.memory_space<semaphore_mem>>
      %dma_start3A = tpu.memref_slice %arg31[%mul3A_29] : memref<51200xf32, #tpu.memory_space<vmem_shared>> -> memref<3200xf32, #tpu.memory_space<vmem_shared>>
      %dma_start3A_75 = tpu.memref_slice %arg31[%mul3A_29] : memref<51200xf32, #tpu.memory_space<vmem_shared>> -> memref<3200xf32, #tpu.memory_space<vmem_shared>>
      tpu.enqueue_dma source(%arg18 : memref<3200xf32, #tpu.memory_space<vmem>>) target(%dma_start3A_75 : memref<3200xf32, #tpu.memory_space<vmem_shared>>) target_semaphore(%run_scoped3A_74 : memref<!tpu.dma_semaphore, #tpu.memory_space<semaphore_mem>>)
      %dma_wait3A = tpu.memref_slice %arg31[%mul3A_29] : memref<51200xf32, #tpu.memory_space<vmem_shared>> -> memref<3200xf32, #tpu.memory_space<vmem_shared>>
      %dma_wait3A_76 = tpu.memref_slice %arg31[%mul3A_29] : memref<51200xf32, #tpu.memory_space<vmem_shared>> -> memref<3200xf32, #tpu.memory_space<vmem_shared>>
      tpu.wait_dma2 semaphore(%run_scoped3A_74 : memref<!tpu.dma_semaphore, #tpu.memory_space<semaphore_mem>>) src(%arg18 : memref<3200xf32, #tpu.memory_space<vmem>>) dst(%dma_wait3A_76 : memref<3200xf32, #tpu.memory_space<vmem_shared>>)
      tpu.yield
    }) : () -> ()
    %barrier3A = arith.constant 0 : index
    tpu.barrier barrier_id(%barrier3A)
    %mul3A_30 = arith.constant 25088 : i32
    %mul3A_31 = arith.muli %add3A, %mul3A_30 : i32
    %scan3A_32 = arith.constant 0 : i32
    %scan3A_33 = arith.constant 0 : i32
    %scan3A_34 = arith.constant 196 : i32
    %scan3A_35 = arith.addi %scan3A_33, %scan3A_34 : i32
    %scan3A_36 = arith.constant 1 : i32
    scf.for %scan3A_74 = %scan3A_33 to %scan3A_35 step %scan3A_36  : i32 {
      %mul3A_75 = arith.constant 128 : i32
      %mul3A_76 = arith.muli %scan3A_74, %mul3A_75 : i32
      %add3A_77 = arith.addi %mul3A_31, %mul3A_76 : i32
      %dma_start3A = tpu.memref_slice %arg2[%add3A_77] : memref<802816xi32, #tpu.memory_space<hbm>> -> memref<128xi32, #tpu.memory_space<hbm>>
      %dma_start3A_78 = tpu.memref_slice %arg2[%add3A_77] : memref<802816xi32, #tpu.memory_space<hbm>> -> memref<128xi32, #tpu.memory_space<hbm>>
      tpu.enqueue_dma source(%dma_start3A_78 : memref<128xi32, #tpu.memory_space<hbm>>) target(%arg10 : memref<128xi32, #tpu.memory_space<vmem>>) target_semaphore(%arg19 : memref<!tpu.dma_semaphore, #tpu.memory_space<semaphore_mem>>)
      %dma_start3A_79 = tpu.memref_slice %arg3[%add3A_77] : memref<802816xi32, #tpu.memory_space<hbm>> -> memref<128xi32, #tpu.memory_space<hbm>>
      %dma_start3A_80 = tpu.memref_slice %arg3[%add3A_77] : memref<802816xi32, #tpu.memory_space<hbm>> -> memref<128xi32, #tpu.memory_space<hbm>>
      tpu.enqueue_dma source(%dma_start3A_80 : memref<128xi32, #tpu.memory_space<hbm>>) target(%arg11 : memref<128xi32, #tpu.memory_space<vmem>>) target_semaphore(%arg19 : memref<!tpu.dma_semaphore, #tpu.memory_space<semaphore_mem>>)
      %dma_start3A_81 = tpu.memref_slice %arg4[%add3A_77] : memref<802816xf32, #tpu.memory_space<hbm>> -> memref<128xf32, #tpu.memory_space<hbm>>
      %dma_start3A_82 = tpu.memref_slice %arg4[%add3A_77] : memref<802816xf32, #tpu.memory_space<hbm>> -> memref<128xf32, #tpu.memory_space<hbm>>
      tpu.enqueue_dma source(%dma_start3A_82 : memref<128xf32, #tpu.memory_space<hbm>>) target(%arg12 : memref<128xf32, #tpu.memory_space<vmem>>) target_semaphore(%arg19 : memref<!tpu.dma_semaphore, #tpu.memory_space<semaphore_mem>>)
      %dma_wait3A = tpu.memref_slice %arg2[%add3A_77] : memref<802816xi32, #tpu.memory_space<hbm>> -> memref<128xi32, #tpu.memory_space<hbm>>
      %dma_wait3A_83 = tpu.memref_slice %arg2[%add3A_77] : memref<802816xi32, #tpu.memory_space<hbm>> -> memref<128xi32, #tpu.memory_space<hbm>>
      tpu.wait_dma2 semaphore(%arg19 : memref<!tpu.dma_semaphore, #tpu.memory_space<semaphore_mem>>) src(%dma_wait3A_83 : memref<128xi32, #tpu.memory_space<hbm>>) dst(%arg10 : memref<128xi32, #tpu.memory_space<vmem>>)
      %dma_wait3A_84 = tpu.memref_slice %arg3[%add3A_77] : memref<802816xi32, #tpu.memory_space<hbm>> -> memref<128xi32, #tpu.memory_space<hbm>>
      %dma_wait3A_85 = tpu.memref_slice %arg3[%add3A_77] : memref<802816xi32, #tpu.memory_space<hbm>> -> memref<128xi32, #tpu.memory_space<hbm>>
      tpu.wait_dma2 semaphore(%arg19 : memref<!tpu.dma_semaphore, #tpu.memory_space<semaphore_mem>>) src(%dma_wait3A_85 : memref<128xi32, #tpu.memory_space<hbm>>) dst(%arg11 : memref<128xi32, #tpu.memory_space<vmem>>)
      %dma_wait3A_86 = tpu.memref_slice %arg4[%add3A_77] : memref<802816xf32, #tpu.memory_space<hbm>> -> memref<128xf32, #tpu.memory_space<hbm>>
      %dma_wait3A_87 = tpu.memref_slice %arg4[%add3A_77] : memref<802816xf32, #tpu.memory_space<hbm>> -> memref<128xf32, #tpu.memory_space<hbm>>
      tpu.wait_dma2 semaphore(%arg19 : memref<!tpu.dma_semaphore, #tpu.memory_space<semaphore_mem>>) src(%dma_wait3A_87 : memref<128xf32, #tpu.memory_space<hbm>>) dst(%arg12 : memref<128xf32, #tpu.memory_space<vmem>>)
      %dma_start3A_88 = arith.constant 0 : i32
      %dma_start3A_89 = tpu.memref_slice %arg5[%dma_start3A_88] : memref<51200xf32, #tpu.memory_space<hbm>> -> memref<51200xf32, #tpu.memory_space<hbm>>
      tpu.enqueue_indirect_dma source(%dma_start3A_89 : memref<51200xf32, #tpu.memory_space<hbm>>) target(%arg13 : memref<128xf32, #tpu.memory_space<vmem>>) offsets(%arg10 : memref<128xi32, #tpu.memory_space<vmem>>) semaphore(%arg19 : memref<!tpu.dma_semaphore, #tpu.memory_space<semaphore_mem>>)
      %dma_start3A_90 = arith.constant 0 : i32
      %dma_start3A_91 = tpu.memref_slice %arg6[%dma_start3A_90] : memref<51200xf32, #tpu.memory_space<hbm>> -> memref<51200xf32, #tpu.memory_space<hbm>>
      tpu.enqueue_indirect_dma source(%dma_start3A_91 : memref<51200xf32, #tpu.memory_space<hbm>>) target(%arg14 : memref<128xf32, #tpu.memory_space<vmem>>) offsets(%arg10 : memref<128xi32, #tpu.memory_space<vmem>>) semaphore(%arg19 : memref<!tpu.dma_semaphore, #tpu.memory_space<semaphore_mem>>)
      %dma_start3A_92 = arith.constant 0 : i32
      %dma_start3A_93 = tpu.memref_slice %arg5[%dma_start3A_92] : memref<51200xf32, #tpu.memory_space<hbm>> -> memref<51200xf32, #tpu.memory_space<hbm>>
      tpu.enqueue_indirect_dma source(%dma_start3A_93 : memref<51200xf32, #tpu.memory_space<hbm>>) target(%arg15 : memref<128xf32, #tpu.memory_space<vmem>>) offsets(%arg11 : memref<128xi32, #tpu.memory_space<vmem>>) semaphore(%arg19 : memref<!tpu.dma_semaphore, #tpu.memory_space<semaphore_mem>>)
      %dma_start3A_94 = arith.constant 0 : i32
      %dma_start3A_95 = tpu.memref_slice %arg6[%dma_start3A_94] : memref<51200xf32, #tpu.memory_space<hbm>> -> memref<51200xf32, #tpu.memory_space<hbm>>
      tpu.enqueue_indirect_dma source(%dma_start3A_95 : memref<51200xf32, #tpu.memory_space<hbm>>) target(%arg16 : memref<128xf32, #tpu.memory_space<vmem>>) offsets(%arg11 : memref<128xi32, #tpu.memory_space<vmem>>) semaphore(%arg19 : memref<!tpu.dma_semaphore, #tpu.memory_space<semaphore_mem>>)
      %dma_wait3A_96 = arith.constant 0 : i32
      %dma_wait3A_97 = tpu.memref_slice %arg5[%dma_wait3A_96] : memref<51200xf32, #tpu.memory_space<hbm>> -> memref<51200xf32, #tpu.memory_space<hbm>>
      tpu.wait_indirect_dma semaphore(%arg19 : memref<!tpu.dma_semaphore, #tpu.memory_space<semaphore_mem>>) src(%dma_wait3A_97 : memref<51200xf32, #tpu.memory_space<hbm>>) dst(%arg13 : memref<128xf32, #tpu.memory_space<vmem>>)
      %dma_wait3A_98 = arith.constant 0 : i32
      %dma_wait3A_99 = tpu.memref_slice %arg6[%dma_wait3A_98] : memref<51200xf32, #tpu.memory_space<hbm>> -> memref<51200xf32, #tpu.memory_space<hbm>>
      tpu.wait_indirect_dma semaphore(%arg19 : memref<!tpu.dma_semaphore, #tpu.memory_space<semaphore_mem>>) src(%dma_wait3A_99 : memref<51200xf32, #tpu.memory_space<hbm>>) dst(%arg14 : memref<128xf32, #tpu.memory_space<vmem>>)
      %dma_wait3A_100 = arith.constant 0 : i32
      %dma_wait3A_101 = tpu.memref_slice %arg5[%dma_wait3A_100] : memref<51200xf32, #tpu.memory_space<hbm>> -> memref<51200xf32, #tpu.memory_space<hbm>>
      tpu.wait_indirect_dma semaphore(%arg19 : memref<!tpu.dma_semaphore, #tpu.memory_space<semaphore_mem>>) src(%dma_wait3A_101 : memref<51200xf32, #tpu.memory_space<hbm>>) dst(%arg15 : memref<128xf32, #tpu.memory_space<vmem>>)
      %dma_wait3A_102 = arith.constant 0 : i32
      %dma_wait3A_103 = tpu.memref_slice %arg6[%dma_wait3A_102] : memref<51200xf32, #tpu.memory_space<hbm>> -> memref<51200xf32, #tpu.memory_space<hbm>>
      tpu.wait_indirect_dma semaphore(%arg19 : memref<!tpu.dma_semaphore, #tpu.memory_space<semaphore_mem>>) src(%dma_wait3A_103 : memref<51200xf32, #tpu.memory_space<hbm>>) dst(%arg16 : memref<128xf32, #tpu.memory_space<vmem>>)
      %get3A = arith.constant 0 : index
      %get3A_104 = tpu.vector_load %arg13[%get3A] {strides = array<i32>} : memref<128xf32, #tpu.memory_space<vmem>>, vector<16xf32>,
      %get3A_105 = vector.shape_cast %get3A_104 : vector<16xf32> to vector<16xf32>
      %get3A_106 = arith.constant 0 : index
      %get3A_107 = tpu.vector_load %arg14[%get3A_106] {strides = array<i32>} : memref<128xf32, #tpu.memory_space<vmem>>, vector<16xf32>,
      %get3A_108 = vector.shape_cast %get3A_107 : vector<16xf32> to vector<16xf32>
      %get3A_109 = arith.constant 0 : index
      %get3A_110 = tpu.vector_load %arg15[%get3A_109] {strides = array<i32>} : memref<128xf32, #tpu.memory_space<vmem>>, vector<16xf32>,
      %get3A_111 = vector.shape_cast %get3A_110 : vector<16xf32> to vector<16xf32>
      %get3A_112 = arith.constant 0 : index
      %get3A_113 = tpu.vector_load %arg16[%get3A_112] {strides = array<i32>} : memref<128xf32, #tpu.memory_space<vmem>>, vector<16xf32>,
      %get3A_114 = vector.shape_cast %get3A_113 : vector<16xf32> to vector<16xf32>
      %get3A_115 = arith.constant 0 : index
      %get3A_116 = tpu.vector_load %arg12[%get3A_115] {strides = array<i32>} : memref<128xf32, #tpu.memory_space<vmem>>, vector<16xf32>,
      %get3A_117 = vector.shape_cast %get3A_116 : vector<16xf32> to vector<16xf32>
      %get3A_118 = arith.constant 0 : i32
      %get3A_119 = arith.index_cast %get3A_118 : i32 to index
      %get3A_120 = arith.constant 0 : index
      %get3A_121 = tpu.vector_load %arg9[%get3A_119, %get3A_120] {strides = array<i32>} : memref<20x16xf32, #tpu.memory_space<vmem>>, vector<1x16xf32>,
      %get3A_122 = vector.shape_cast %get3A_121 : vector<1x16xf32> to vector<16xf32>
      %mul3A_123 = arith.mulf %get3A_105, %get3A_122 : vector<16xf32>
      %get3A_124 = arith.constant 1 : i32
      %get3A_125 = arith.index_cast %get3A_124 : i32 to index
      %get3A_126 = arith.constant 0 : index
      %get3A_127 = tpu.vector_load %arg9[%get3A_125, %get3A_126] {strides = array<i32>} : memref<20x16xf32, #tpu.memory_space<vmem>>, vector<1x16xf32>,
      %get3A_128 = vector.shape_cast %get3A_127 : vector<1x16xf32> to vector<16xf32>
      %mul3A_129 = arith.mulf %get3A_108, %get3A_128 : vector<16xf32>
      %add3A_130 = arith.addf %mul3A_123, %mul3A_129 : vector<16xf32>
      %get3A_131 = arith.constant 2 : i32
      %get3A_132 = arith.index_cast %get3A_131 : i32 to index
      %get3A_133 = arith.constant 0 : index
      %get3A_134 = tpu.vector_load %arg9[%get3A_132, %get3A_133] {strides = array<i32>} : memref<20x16xf32, #tpu.memory_space<vmem>>, vector<1x16xf32>,
      %get3A_135 = vector.shape_cast %get3A_134 : vector<1x16xf32> to vector<16xf32>
      %mul3A_136 = arith.mulf %get3A_111, %get3A_135 : vector<16xf32>
      %get3A_137 = arith.constant 3 : i32
      %get3A_138 = arith.index_cast %get3A_137 : i32 to index
      %get3A_139 = arith.constant 0 : index
      %get3A_140 = tpu.vector_load %arg9[%get3A_138, %get3A_139] {strides = array<i32>} : memref<20x16xf32, #tpu.memory_space<vmem>>, vector<1x16xf32>,
      %get3A_141 = vector.shape_cast %get3A_140 : vector<1x16xf32> to vector<16xf32>
      %mul3A_142 = arith.mulf %get3A_114, %get3A_141 : vector<16xf32>
      %add3A_143 = arith.addf %mul3A_136, %mul3A_142 : vector<16xf32>
      %add3A_144 = arith.addf %add3A_130, %add3A_143 : vector<16xf32>
      %get3A_145 = arith.constant 4 : i32
      %get3A_146 = arith.index_cast %get3A_145 : i32 to index
      %get3A_147 = arith.constant 0 : index
      %get3A_148 = tpu.vector_load %arg9[%get3A_146, %get3A_147] {strides = array<i32>} : memref<20x16xf32, #tpu.memory_space<vmem>>, vector<1x16xf32>,
      %get3A_149 = vector.shape_cast %get3A_148 : vector<1x16xf32> to vector<16xf32>
      %mul3A_150 = arith.mulf %get3A_117, %get3A_149 : vector<16xf32>
      %add3A_151 = arith.addf %add3A_144, %mul3A_150 : vector<16xf32>
      %gt3A = arith.constant 0.000000e+00 : f32
      %gt3A_152 = vector.broadcast %gt3A : f32 to vector<16xf32>
      %gt3A_153 = arith.cmpf ogt, %add3A_151, %gt3A_152 : vector<16xf32>
      %mul3A_154 = arith.constant 2.000000e-01 : f32
      %mul3A_155 = vector.broadcast %mul3A_154 : f32 to vector<16xf32>
      %mul3A_156 = arith.mulf %mul3A_155, %add3A_151 : vector<16xf32>
      %select_n3A = arith.select %gt3A_153, %add3A_151, %mul3A_156 : vector<16xi1>, vector<16xf32>
      %exp3A = math.exp %select_n3A : vector<16xf32>
      %swap3A = arith.constant 0 : i32
      %swap3A_157 = arith.index_cast %swap3A : i32 to index
      %swap3A_158 = arith.constant 0 : index
      %swap3A_159 = tpu.vector_load %arg17[%swap3A_157, %swap3A_158] {strides = array<i32>} : memref<12x128xf32, #tpu.memory_space<vmem>>, vector<1x16xf32>,
      %swap3A_160 = vector.shape_cast %swap3A_159 : vector<1x16xf32> to vector<16xf32>
      %swap3A_161 = vector.shape_cast %exp3A : vector<16xf32> to vector<1x16xf32>
      tpu.vector_store %arg17[%swap3A_157, %swap3A_158], %swap3A_161 {strides = array<i32>} : memref<12x128xf32, #tpu.memory_space<vmem>>, vector<1x16xf32>,
      %mul3A_162 = arith.mulf %exp3A, %get3A_105 : vector<16xf32>
      %swap3A_163 = arith.constant 4 : i32
      %swap3A_164 = arith.index_cast %swap3A_163 : i32 to index
      %swap3A_165 = arith.constant 0 : index
      %swap3A_166 = tpu.vector_load %arg17[%swap3A_164, %swap3A_165] {strides = array<i32>} : memref<12x128xf32, #tpu.memory_space<vmem>>, vector<1x16xf32>,
      %swap3A_167 = vector.shape_cast %swap3A_166 : vector<1x16xf32> to vector<16xf32>
      %swap3A_168 = vector.shape_cast %mul3A_162 : vector<16xf32> to vector<1x16xf32>
      tpu.vector_store %arg17[%swap3A_164, %swap3A_165], %swap3A_168 {strides = array<i32>} : memref<12x128xf32, #tpu.memory_space<vmem>>, vector<1x16xf32>,
      %mul3A_169 = arith.mulf %exp3A, %get3A_108 : vector<16xf32>
      %swap3A_170 = arith.constant 5 : i32
      %swap3A_171 = arith.index_cast %swap3A_170 : i32 to index
      %swap3A_172 = arith.constant 0 : index
      %swap3A_173 = tpu.vector_load %arg17[%swap3A_171, %swap3A_172] {strides = array<i32>} : memref<12x128xf32, #tpu.memory_space<vmem>>, vector<1x16xf32>,
      %swap3A_174 = vector.shape_cast %swap3A_173 : vector<1x16xf32> to vector<16xf32>
      %swap3A_175 = vector.shape_cast %mul3A_169 : vector<16xf32> to vector<1x16xf32>
      tpu.vector_store %arg17[%swap3A_171, %swap3A_172], %swap3A_175 {strides = array<i32>} : memref<12x128xf32, #tpu.memory_space<vmem>>, vector<1x16xf32>,
      %get3A_176 = arith.constant 5 : i32
      %get3A_177 = arith.index_cast %get3A_176 : i32 to index
      %get3A_178 = arith.constant 0 : index
      %get3A_179 = tpu.vector_load %arg9[%get3A_177, %get3A_178] {strides = array<i32>} : memref<20x16xf32, #tpu.memory_space<vmem>>, vector<1x16xf32>,
      %get3A_180 = vector.shape_cast %get3A_179 : vector<1x16xf32> to vector<16xf32>
      %mul3A_181 = arith.mulf %get3A_105, %get3A_180 : vector<16xf32>
      %get3A_182 = arith.constant 6 : i32
      %get3A_183 = arith.index_cast %get3A_182 : i32 to index
      %get3A_184 = arith.constant 0 : index
      %get3A_185 = tpu.vector_load %arg9[%get3A_183, %get3A_184] {strides = array<i32>} : memref<20x16xf32, #tpu.memory_space<vmem>>, vector<1x16xf32>,
      %get3A_186 = vector.shape_cast %get3A_185 : vector<1x16xf32> to vector<16xf32>
      %mul3A_187 = arith.mulf %get3A_108, %get3A_186 : vector<16xf32>
      %add3A_188 = arith.addf %mul3A_181, %mul3A_187 : vector<16xf32>
      %get3A_189 = arith.constant 7 : i32
      %get3A_190 = arith.index_cast %get3A_189 : i32 to index
      %get3A_191 = arith.constant 0 : index
      %get3A_192 = tpu.vector_load %arg9[%get3A_190, %get3A_191] {strides = array<i32>} : memref<20x16xf32, #tpu.memory_space<vmem>>, vector<1x16xf32>,
      %get3A_193 = vector.shape_cast %get3A_192 : vector<1x16xf32> to vector<16xf32>
      %mul3A_194 = arith.mulf %get3A_111, %get3A_193 : vector<16xf32>
      %get3A_195 = arith.constant 8 : i32
      %get3A_196 = arith.index_cast %get3A_195 : i32 to index
      %get3A_197 = arith.constant 0 : index
      %get3A_198 = tpu.vector_load %arg9[%get3A_196, %get3A_197] {strides = array<i32>} : memref<20x16xf32, #tpu.memory_space<vmem>>, vector<1x16xf32>,
      %get3A_199 = vector.shape_cast %get3A_198 : vector<1x16xf32> to vector<16xf32>
      %mul3A_200 = arith.mulf %get3A_114, %get3A_199 : vector<16xf32>
      %add3A_201 = arith.addf %mul3A_194, %mul3A_200 : vector<16xf32>
      %add3A_202 = arith.addf %add3A_188, %add3A_201 : vector<16xf32>
      %get3A_203 = arith.constant 9 : i32
      %get3A_204 = arith.index_cast %get3A_203 : i32 to index
      %get3A_205 = arith.constant 0 : index
      %get3A_206 = tpu.vector_load %arg9[%get3A_204, %get3A_205] {strides = array<i32>} : memref<20x16xf32, #tpu.memory_space<vmem>>, vector<1x16xf32>,
      %get3A_207 = vector.shape_cast %get3A_206 : vector<1x16xf32> to vector<16xf32>
      %mul3A_208 = arith.mulf %get3A_117, %get3A_207 : vector<16xf32>
      %add3A_209 = arith.addf %add3A_202, %mul3A_208 : vector<16xf32>
      %gt3A_210 = arith.constant 0.000000e+00 : f32
      %gt3A_211 = vector.broadcast %gt3A_210 : f32 to vector<16xf32>
      %gt3A_212 = arith.cmpf ogt, %add3A_209, %gt3A_211 : vector<16xf32>
      %mul3A_213 = arith.constant 2.000000e-01 : f32
      %mul3A_214 = vector.broadcast %mul3A_213 : f32 to vector<16xf32>
      %mul3A_215 = arith.mulf %mul3A_214, %add3A_209 : vector<16xf32>
      %select_n3A_216 = arith.select %gt3A_212, %add3A_209, %mul3A_215 : vector<16xi1>, vector<16xf32>
      %exp3A_217 = math.exp %select_n3A_216 : vector<16xf32>
      %swap3A_218 = arith.constant 1 : i32
      %swap3A_219 = arith.index_cast %swap3A_218 : i32 to index
      %swap3A_220 = arith.constant 0 : index
      %swap3A_221 = tpu.vector_load %arg17[%swap3A_219, %swap3A_220] {strides = array<i32>} : memref<12x128xf32, #tpu.memory_space<vmem>>, vector<1x16xf32>,
      %swap3A_222 = vector.shape_cast %swap3A_221 : vector<1x16xf32> to vector<16xf32>
      %swap3A_223 = vector.shape_cast %exp3A_217 : vector<16xf32> to vector<1x16xf32>
      tpu.vector_store %arg17[%swap3A_219, %swap3A_220], %swap3A_223 {strides = array<i32>} : memref<12x128xf32, #tpu.memory_space<vmem>>, vector<1x16xf32>,
      %mul3A_224 = arith.mulf %exp3A_217, %get3A_105 : vector<16xf32>
      %swap3A_225 = arith.constant 6 : i32
      %swap3A_226 = arith.index_cast %swap3A_225 : i32 to index
      %swap3A_227 = arith.constant 0 : index
      %swap3A_228 = tpu.vector_load %arg17[%swap3A_226, %swap3A_227] {strides = array<i32>} : memref<12x128xf32, #tpu.memory_space<vmem>>, vector<1x16xf32>,
      %swap3A_229 = vector.shape_cast %swap3A_228 : vector<1x16xf32> to vector<16xf32>
      %swap3A_230 = vector.shape_cast %mul3A_224 : vector<16xf32> to vector<1x16xf32>
      tpu.vector_store %arg17[%swap3A_226, %swap3A_227], %swap3A_230 {strides = array<i32>} : memref<12x128xf32, #tpu.memory_space<vmem>>, vector<1x16xf32>,
      %mul3A_231 = arith.mulf %exp3A_217, %get3A_108 : vector<16xf32>
      %swap3A_232 = arith.constant 7 : i32
      %swap3A_233 = arith.index_cast %swap3A_232 : i32 to index
      %swap3A_234 = arith.constant 0 : index
      %swap3A_235 = tpu.vector_load %arg17[%swap3A_233, %swap3A_234] {strides = array<i32>} : memref<12x128xf32, #tpu.memory_space<vmem>>, vector<1x16xf32>,
      %swap3A_236 = vector.shape_cast %swap3A_235 : vector<1x16xf32> to vector<16xf32>
      %swap3A_237 = vector.shape_cast %mul3A_231 : vector<16xf32> to vector<1x16xf32>
      tpu.vector_store %arg17[%swap3A_233, %swap3A_234], %swap3A_237 {strides = array<i32>} : memref<12x128xf32, #tpu.memory_space<vmem>>, vector<1x16xf32>,
      %get3A_238 = arith.constant 10 : i32
      %get3A_239 = arith.index_cast %get3A_238 : i32 to index
      %get3A_240 = arith.constant 0 : index
      %get3A_241 = tpu.vector_load %arg9[%get3A_239, %get3A_240] {strides = array<i32>} : memref<20x16xf32, #tpu.memory_space<vmem>>, vector<1x16xf32>,
      %get3A_242 = vector.shape_cast %get3A_241 : vector<1x16xf32> to vector<16xf32>
      %mul3A_243 = arith.mulf %get3A_105, %get3A_242 : vector<16xf32>
      %get3A_244 = arith.constant 11 : i32
      %get3A_245 = arith.index_cast %get3A_244 : i32 to index
      %get3A_246 = arith.constant 0 : index
      %get3A_247 = tpu.vector_load %arg9[%get3A_245, %get3A_246] {strides = array<i32>} : memref<20x16xf32, #tpu.memory_space<vmem>>, vector<1x16xf32>,
      %get3A_248 = vector.shape_cast %get3A_247 : vector<1x16xf32> to vector<16xf32>
      %mul3A_249 = arith.mulf %get3A_108, %get3A_248 : vector<16xf32>
      %add3A_250 = arith.addf %mul3A_243, %mul3A_249 : vector<16xf32>
      %get3A_251 = arith.constant 12 : i32
      %get3A_252 = arith.index_cast %get3A_251 : i32 to index
      %get3A_253 = arith.constant 0 : index
      %get3A_254 = tpu.vector_load %arg9[%get3A_252, %get3A_253] {strides = array<i32>} : memref<20x16xf32, #tpu.memory_space<vmem>>, vector<1x16xf32>,
      %get3A_255 = vector.shape_cast %get3A_254 : vector<1x16xf32> to vector<16xf32>
      %mul3A_256 = arith.mulf %get3A_111, %get3A_255 : vector<16xf32>
      %get3A_257 = arith.constant 13 : i32
      %get3A_258 = arith.index_cast %get3A_257 : i32 to index
      %get3A_259 = arith.constant 0 : index
      %get3A_260 = tpu.vector_load %arg9[%get3A_258, %get3A_259] {strides = array<i32>} : memref<20x16xf32, #tpu.memory_space<vmem>>, vector<1x16xf32>,
      %get3A_261 = vector.shape_cast %get3A_260 : vector<1x16xf32> to vector<16xf32>
      %mul3A_262 = arith.mulf %get3A_114, %get3A_261 : vector<16xf32>
      %add3A_263 = arith.addf %mul3A_256, %mul3A_262 : vector<16xf32>
      %add3A_264 = arith.addf %add3A_250, %add3A_263 : vector<16xf32>
      %get3A_265 = arith.constant 14 : i32
      %get3A_266 = arith.index_cast %get3A_265 : i32 to index
      %get3A_267 = arith.constant 0 : index
      %get3A_268 = tpu.vector_load %arg9[%get3A_266, %get3A_267] {strides = array<i32>} : memref<20x16xf32, #tpu.memory_space<vmem>>, vector<1x16xf32>,
      %get3A_269 = vector.shape_cast %get3A_268 : vector<1x16xf32> to vector<16xf32>
      %mul3A_270 = arith.mulf %get3A_117, %get3A_269 : vector<16xf32>
      %add3A_271 = arith.addf %add3A_264, %mul3A_270 : vector<16xf32>
      %gt3A_272 = arith.constant 0.000000e+00 : f32
      %gt3A_273 = vector.broadcast %gt3A_272 : f32 to vector<16xf32>
      %gt3A_274 = arith.cmpf ogt, %add3A_271, %gt3A_273 : vector<16xf32>
      %mul3A_275 = arith.constant 2.000000e-01 : f32
      %mul3A_276 = vector.broadcast %mul3A_275 : f32 to vector<16xf32>
      %mul3A_277 = arith.mulf %mul3A_276, %add3A_271 : vector<16xf32>
      %select_n3A_278 = arith.select %gt3A_274, %add3A_271, %mul3A_277 : vector<16xi1>, vector<16xf32>
      %exp3A_279 = math.exp %select_n3A_278 : vector<16xf32>
      %swap3A_280 = arith.constant 2 : i32
      %swap3A_281 = arith.index_cast %swap3A_280 : i32 to index
      %swap3A_282 = arith.constant 0 : index
      %swap3A_283 = tpu.vector_load %arg17[%swap3A_281, %swap3A_282] {strides = array<i32>} : memref<12x128xf32, #tpu.memory_space<vmem>>, vector<1x16xf32>,
      %swap3A_284 = vector.shape_cast %swap3A_283 : vector<1x16xf32> to vector<16xf32>
      %swap3A_285 = vector.shape_cast %exp3A_279 : vector<16xf32> to vector<1x16xf32>
      tpu.vector_store %arg17[%swap3A_281, %swap3A_282], %swap3A_285 {strides = array<i32>} : memref<12x128xf32, #tpu.memory_space<vmem>>, vector<1x16xf32>,
      %mul3A_286 = arith.mulf %exp3A_279, %get3A_105 : vector<16xf32>
      %swap3A_287 = arith.constant 8 : i32
      %swap3A_288 = arith.index_cast %swap3A_287 : i32 to index
      %swap3A_289 = arith.constant 0 : index
      %swap3A_290 = tpu.vector_load %arg17[%swap3A_288, %swap3A_289] {strides = array<i32>} : memref<12x128xf32, #tpu.memory_space<vmem>>, vector<1x16xf32>,
      %swap3A_291 = vector.shape_cast %swap3A_290 : vector<1x16xf32> to vector<16xf32>
      %swap3A_292 = vector.shape_cast %mul3A_286 : vector<16xf32> to vector<1x16xf32>
      tpu.vector_store %arg17[%swap3A_288, %swap3A_289], %swap3A_292 {strides = array<i32>} : memref<12x128xf32, #tpu.memory_space<vmem>>, vector<1x16xf32>,
      %mul3A_293 = arith.mulf %exp3A_279, %get3A_108 : vector<16xf32>
      %swap3A_294 = arith.constant 9 : i32
      %swap3A_295 = arith.index_cast %swap3A_294 : i32 to index
      %swap3A_296 = arith.constant 0 : index
      %swap3A_297 = tpu.vector_load %arg17[%swap3A_295, %swap3A_296] {strides = array<i32>} : memref<12x128xf32, #tpu.memory_space<vmem>>, vector<1x16xf32>,
      %swap3A_298 = vector.shape_cast %swap3A_297 : vector<1x16xf32> to vector<16xf32>
      %swap3A_299 = vector.shape_cast %mul3A_293 : vector<16xf32> to vector<1x16xf32>
      tpu.vector_store %arg17[%swap3A_295, %swap3A_296], %swap3A_299 {strides = array<i32>} : memref<12x128xf32, #tpu.memory_space<vmem>>, vector<1x16xf32>,
      %get3A_300 = arith.constant 15 : i32
      %get3A_301 = arith.index_cast %get3A_300 : i32 to index
      %get3A_302 = arith.constant 0 : index
      %get3A_303 = tpu.vector_load %arg9[%get3A_301, %get3A_302] {strides = array<i32>} : memref<20x16xf32, #tpu.memory_space<vmem>>, vector<1x16xf32>,
      %get3A_304 = vector.shape_cast %get3A_303 : vector<1x16xf32> to vector<16xf32>
      %mul3A_305 = arith.mulf %get3A_105, %get3A_304 : vector<16xf32>
      %get3A_306 = arith.constant 16 : i32
      %get3A_307 = arith.index_cast %get3A_306 : i32 to index
      %get3A_308 = arith.constant 0 : index
      %get3A_309 = tpu.vector_load %arg9[%get3A_307, %get3A_308] {strides = array<i32>} : memref<20x16xf32, #tpu.memory_space<vmem>>, vector<1x16xf32>,
      %get3A_310 = vector.shape_cast %get3A_309 : vector<1x16xf32> to vector<16xf32>
      %mul3A_311 = arith.mulf %get3A_108, %get3A_310 : vector<16xf32>
      %add3A_312 = arith.addf %mul3A_305, %mul3A_311 : vector<16xf32>
      %get3A_313 = arith.constant 17 : i32
      %get3A_314 = arith.index_cast %get3A_313 : i32 to index
      %get3A_315 = arith.constant 0 : index
      %get3A_316 = tpu.vector_load %arg9[%get3A_314, %get3A_315] {strides = array<i32>} : memref<20x16xf32, #tpu.memory_space<vmem>>, vector<1x16xf32>,
      %get3A_317 = vector.shape_cast %get3A_316 : vector<1x16xf32> to vector<16xf32>
      %mul3A_318 = arith.mulf %get3A_111, %get3A_317 : vector<16xf32>
      %get3A_319 = arith.constant 18 : i32
      %get3A_320 = arith.index_cast %get3A_319 : i32 to index
      %get3A_321 = arith.constant 0 : index
      %get3A_322 = tpu.vector_load %arg9[%get3A_320, %get3A_321] {strides = array<i32>} : memref<20x16xf32, #tpu.memory_space<vmem>>, vector<1x16xf32>,
      %get3A_323 = vector.shape_cast %get3A_322 : vector<1x16xf32> to vector<16xf32>
      %mul3A_324 = arith.mulf %get3A_114, %get3A_323 : vector<16xf32>
      %add3A_325 = arith.addf %mul3A_318, %mul3A_324 : vector<16xf32>
      %add3A_326 = arith.addf %add3A_312, %add3A_325 : vector<16xf32>
      %get3A_327 = arith.constant 19 : i32
      %get3A_328 = arith.index_cast %get3A_327 : i32 to index
      %get3A_329 = arith.constant 0 : index
      %get3A_330 = tpu.vector_load %arg9[%get3A_328, %get3A_329] {strides = array<i32>} : memref<20x16xf32, #tpu.memory_space<vmem>>, vector<1x16xf32>,
      %get3A_331 = vector.shape_cast %get3A_330 : vector<1x16xf32> to vector<16xf32>
      %mul3A_332 = arith.mulf %get3A_117, %get3A_331 : vector<16xf32>
      %add3A_333 = arith.addf %add3A_326, %mul3A_332 : vector<16xf32>
      %gt3A_334 = arith.constant 0.000000e+00 : f32
      %gt3A_335 = vector.broadcast %gt3A_334 : f32 to vector<16xf32>
      %gt3A_336 = arith.cmpf ogt, %add3A_333, %gt3A_335 : vector<16xf32>
      %mul3A_337 = arith.constant 2.000000e-01 : f32
      %mul3A_338 = vector.broadcast %mul3A_337 : f32 to vector<16xf32>
      %mul3A_339 = arith.mulf %mul3A_338, %add3A_333 : vector<16xf32>
      %select_n3A_340 = arith.select %gt3A_336, %add3A_333, %mul3A_339 : vector<16xi1>, vector<16xf32>
      %exp3A_341 = math.exp %select_n3A_340 : vector<16xf32>
      %swap3A_342 = arith.constant 3 : i32
      %swap3A_343 = arith.index_cast %swap3A_342 : i32 to index
      %swap3A_344 = arith.constant 0 : index
      %swap3A_345 = tpu.vector_load %arg17[%swap3A_343, %swap3A_344] {strides = array<i32>} : memref<12x128xf32, #tpu.memory_space<vmem>>, vector<1x16xf32>,
      %swap3A_346 = vector.shape_cast %swap3A_345 : vector<1x16xf32> to vector<16xf32>
      %swap3A_347 = vector.shape_cast %exp3A_341 : vector<16xf32> to vector<1x16xf32>
      tpu.vector_store %arg17[%swap3A_343, %swap3A_344], %swap3A_347 {strides = array<i32>} : memref<12x128xf32, #tpu.memory_space<vmem>>, vector<1x16xf32>,
      %mul3A_348 = arith.mulf %exp3A_341, %get3A_105 : vector<16xf32>
      %swap3A_349 = arith.constant 10 : i32
      %swap3A_350 = arith.index_cast %swap3A_349 : i32 to index
      %swap3A_351 = arith.constant 0 : index
      %swap3A_352 = tpu.vector_load %arg17[%swap3A_350, %swap3A_351] {strides = array<i32>} : memref<12x128xf32, #tpu.memory_space<vmem>>, vector<1x16xf32>,
      %swap3A_353 = vector.shape_cast %swap3A_352 : vector<1x16xf32> to vector<16xf32>
      %swap3A_354 = vector.shape_cast %mul3A_348 : vector<16xf32> to vector<1x16xf32>
      tpu.vector_store %arg17[%swap3A_350, %swap3A_351], %swap3A_354 {strides = array<i32>} : memref<12x128xf32, #tpu.memory_space<vmem>>, vector<1x16xf32>,
      %mul3A_355 = arith.mulf %exp3A_341, %get3A_108 : vector<16xf32>
      %swap3A_356 = arith.constant 11 : i32
      %swap3A_357 = arith.index_cast %swap3A_356 : i32 to index
      %swap3A_358 = arith.constant 0 : index
      %swap3A_359 = tpu.vector_load %arg17[%swap3A_357, %swap3A_358] {strides = array<i32>} : memref<12x128xf32, #tpu.memory_space<vmem>>, vector<1x16xf32>,
      %swap3A_360 = vector.shape_cast %swap3A_359 : vector<1x16xf32> to vector<16xf32>
      %swap3A_361 = vector.shape_cast %mul3A_355 : vector<16xf32> to vector<1x16xf32>
      tpu.vector_store %arg17[%swap3A_357, %swap3A_358], %swap3A_361 {strides = array<i32>} : memref<12x128xf32, #tpu.memory_space<vmem>>, vector<1x16xf32>,
      %get3A_362 = arith.constant 16 : index
      %get3A_363 = tpu.vector_load %arg13[%get3A_362] {strides = array<i32>} : memref<128xf32, #tpu.memory_space<vmem>>, vector<16xf32>,
      %get3A_364 = vector.shape_cast %get3A_363 : vector<16xf32> to vector<16xf32>
      %get3A_365 = arith.constant 16 : index
      %get3A_366 = tpu.vector_load %arg14[%get3A_365] {strides = array<i32>} : memref<128xf32, #tpu.memory_space<vmem>>, vector<16xf32>,
      %get3A_367 = vector.shape_cast %get3A_366 : vector<16xf32> to vector<16xf32>
      %get3A_368 = arith.constant 16 : index
      %get3A_369 = tpu.vector_load %arg15[%get3A_368] {strides = array<i32>} : memref<128xf32, #tpu.memory_space<vmem>>, vector<16xf32>,
      %get3A_370 = vector.shape_cast %get3A_369 : vector<16xf32> to vector<16xf32>
      %get3A_371 = arith.constant 16 : index
      %get3A_372 = tpu.vector_load %arg16[%get3A_371] {strides = array<i32>} : memref<128xf32, #tpu.memory_space<vmem>>, vector<16xf32>,
      %get3A_373 = vector.shape_cast %get3A_372 : vector<16xf32> to vector<16xf32>
      %get3A_374 = arith.constant 16 : index
      %get3A_375 = tpu.vector_load %arg12[%get3A_374] {strides = array<i32>} : memref<128xf32, #tpu.memory_space<vmem>>, vector<16xf32>,
      %get3A_376 = vector.shape_cast %get3A_375 : vector<16xf32> to vector<16xf32>
      %get3A_377 = arith.constant 0 : i32
      %get3A_378 = arith.index_cast %get3A_377 : i32 to index
      %get3A_379 = arith.constant 0 : index
      %get3A_380 = tpu.vector_load %arg9[%get3A_378, %get3A_379] {strides = array<i32>} : memref<20x16xf32, #tpu.memory_space<vmem>>, vector<1x16xf32>,
      %get3A_381 = vector.shape_cast %get3A_380 : vector<1x16xf32> to vector<16xf32>
      %mul3A_382 = arith.mulf %get3A_364, %get3A_381 : vector<16xf32>
      %get3A_383 = arith.constant 1 : i32
      %get3A_384 = arith.index_cast %get3A_383 : i32 to index
      %get3A_385 = arith.constant 0 : index
      %get3A_386 = tpu.vector_load %arg9[%get3A_384, %get3A_385] {strides = array<i32>} : memref<20x16xf32, #tpu.memory_space<vmem>>, vector<1x16xf32>,
      %get3A_387 = vector.shape_cast %get3A_386 : vector<1x16xf32> to vector<16xf32>
      %mul3A_388 = arith.mulf %get3A_367, %get3A_387 : vector<16xf32>
      %add3A_389 = arith.addf %mul3A_382, %mul3A_388 : vector<16xf32>
      %get3A_390 = arith.constant 2 : i32
      %get3A_391 = arith.index_cast %get3A_390 : i32 to index
      %get3A_392 = arith.constant 0 : index
      %get3A_393 = tpu.vector_load %arg9[%get3A_391, %get3A_392] {strides = array<i32>} : memref<20x16xf32, #tpu.memory_space<vmem>>, vector<1x16xf32>,
      %get3A_394 = vector.shape_cast %get3A_393 : vector<1x16xf32> to vector<16xf32>
      %mul3A_395 = arith.mulf %get3A_370, %get3A_394 : vector<16xf32>
      %get3A_396 = arith.constant 3 : i32
      %get3A_397 = arith.index_cast %get3A_396 : i32 to index
      %get3A_398 = arith.constant 0 : index
      %get3A_399 = tpu.vector_load %arg9[%get3A_397, %get3A_398] {strides = array<i32>} : memref<20x16xf32, #tpu.memory_space<vmem>>, vector<1x16xf32>,
      %get3A_400 = vector.shape_cast %get3A_399 : vector<1x16xf32> to vector<16xf32>
      %mul3A_401 = arith.mulf %get3A_373, %get3A_400 : vector<16xf32>
      %add3A_402 = arith.addf %mul3A_395, %mul3A_401 : vector<16xf32>
      %add3A_403 = arith.addf %add3A_389, %add3A_402 : vector<16xf32>
      %get3A_404 = arith.constant 4 : i32
      %get3A_405 = arith.index_cast %get3A_404 : i32 to index
      %get3A_406 = arith.constant 0 : index
      %get3A_407 = tpu.vector_load %arg9[%get3A_405, %get3A_406] {strides = array<i32>} : memref<20x16xf32, #tpu.memory_space<vmem>>, vector<1x16xf32>,
      %get3A_408 = vector.shape_cast %get3A_407 : vector<1x16xf32> to vector<16xf32>
      %mul3A_409 = arith.mulf %get3A_376, %get3A_408 : vector<16xf32>
      %add3A_410 = arith.addf %add3A_403, %mul3A_409 : vector<16xf32>
      %gt3A_411 = arith.constant 0.000000e+00 : f32
      %gt3A_412 = vector.broadcast %gt3A_411 : f32 to vector<16xf32>
      %gt3A_413 = arith.cmpf ogt, %add3A_410, %gt3A_412 : vector<16xf32>
      %mul3A_414 = arith.constant 2.000000e-01 : f32
      %mul3A_415 = vector.broadcast %mul3A_414 : f32 to vector<16xf32>
      %mul3A_416 = arith.mulf %mul3A_415, %add3A_410 : vector<16xf32>
      %select_n3A_417 = arith.select %gt3A_413, %add3A_410, %mul3A_416 : vector<16xi1>, vector<16xf32>
      %exp3A_418 = math.exp %select_n3A_417 : vector<16xf32>
      %swap3A_419 = arith.constant 0 : i32
      %swap3A_420 = arith.index_cast %swap3A_419 : i32 to index
      %swap3A_421 = arith.constant 16 : index
      %swap3A_422 = tpu.vector_load %arg17[%swap3A_420, %swap3A_421] {strides = array<i32>} : memref<12x128xf32, #tpu.memory_space<vmem>>, vector<1x16xf32>,
      %swap3A_423 = vector.shape_cast %swap3A_422 : vector<1x16xf32> to vector<16xf32>
      %swap3A_424 = vector.shape_cast %exp3A_418 : vector<16xf32> to vector<1x16xf32>
      tpu.vector_store %arg17[%swap3A_420, %swap3A_421], %swap3A_424 {strides = array<i32>} : memref<12x128xf32, #tpu.memory_space<vmem>>, vector<1x16xf32>,
      %mul3A_425 = arith.mulf %exp3A_418, %get3A_364 : vector<16xf32>
      %swap3A_426 = arith.constant 4 : i32
      %swap3A_427 = arith.index_cast %swap3A_426 : i32 to index
      %swap3A_428 = arith.constant 16 : index
      %swap3A_429 = tpu.vector_load %arg17[%swap3A_427, %swap3A_428] {strides = array<i32>} : memref<12x128xf32, #tpu.memory_space<vmem>>, vector<1x16xf32>,
      %swap3A_430 = vector.shape_cast %swap3A_429 : vector<1x16xf32> to vector<16xf32>
      %swap3A_431 = vector.shape_cast %mul3A_425 : vector<16xf32> to vector<1x16xf32>
      tpu.vector_store %arg17[%swap3A_427, %swap3A_428], %swap3A_431 {strides = array<i32>} : memref<12x128xf32, #tpu.memory_space<vmem>>, vector<1x16xf32>,
      %mul3A_432 = arith.mulf %exp3A_418, %get3A_367 : vector<16xf32>
      %swap3A_433 = arith.constant 5 : i32
      %swap3A_434 = arith.index_cast %swap3A_433 : i32 to index
      %swap3A_435 = arith.constant 16 : index
      %swap3A_436 = tpu.vector_load %arg17[%swap3A_434, %swap3A_435] {strides = array<i32>} : memref<12x128xf32, #tpu.memory_space<vmem>>, vector<1x16xf32>,
      %swap3A_437 = vector.shape_cast %swap3A_436 : vector<1x16xf32> to vector<16xf32>
      %swap3A_438 = vector.shape_cast %mul3A_432 : vector<16xf32> to vector<1x16xf32>
      tpu.vector_store %arg17[%swap3A_434, %swap3A_435], %swap3A_438 {strides = array<i32>} : memref<12x128xf32, #tpu.memory_space<vmem>>, vector<1x16xf32>,
      %get3A_439 = arith.constant 5 : i32
      %get3A_440 = arith.index_cast %get3A_439 : i32 to index
      %get3A_441 = arith.constant 0 : index
      %get3A_442 = tpu.vector_load %arg9[%get3A_440, %get3A_441] {strides = array<i32>} : memref<20x16xf32, #tpu.memory_space<vmem>>, vector<1x16xf32>,
      %get3A_443 = vector.shape_cast %get3A_442 : vector<1x16xf32> to vector<16xf32>
      %mul3A_444 = arith.mulf %get3A_364, %get3A_443 : vector<16xf32>
      %get3A_445 = arith.constant 6 : i32
      %get3A_446 = arith.index_cast %get3A_445 : i32 to index
      %get3A_447 = arith.constant 0 : index
      %get3A_448 = tpu.vector_load %arg9[%get3A_446, %get3A_447] {strides = array<i32>} : memref<20x16xf32, #tpu.memory_space<vmem>>, vector<1x16xf32>,
      %get3A_449 = vector.shape_cast %get3A_448 : vector<1x16xf32> to vector<16xf32>
      %mul3A_450 = arith.mulf %get3A_367, %get3A_449 : vector<16xf32>
      %add3A_451 = arith.addf %mul3A_444, %mul3A_450 : vector<16xf32>
      %get3A_452 = arith.constant 7 : i32
      %get3A_453 = arith.index_cast %get3A_452 : i32 to index
      %get3A_454 = arith.constant 0 : index
      %get3A_455 = tpu.vector_load %arg9[%get3A_453, %get3A_454] {strides = array<i32>} : memref<20x16xf32, #tpu.memory_space<vmem>>, vector<1x16xf32>,
      %get3A_456 = vector.shape_cast %get3A_455 : vector<1x16xf32> to vector<16xf32>
      %mul3A_457 = arith.mulf %get3A_370, %get3A_456 : vector<16xf32>
      %get3A_458 = arith.constant 8 : i32
      %get3A_459 = arith.index_cast %get3A_458 : i32 to index
      %get3A_460 = arith.constant 0 : index
      %get3A_461 = tpu.vector_load %arg9[%get3A_459, %get3A_460] {strides = array<i32>} : memref<20x16xf32, #tpu.memory_space<vmem>>, vector<1x16xf32>,
      %get3A_462 = vector.shape_cast %get3A_461 : vector<1x16xf32> to vector<16xf32>
      %mul3A_463 = arith.mulf %get3A_373, %get3A_462 : vector<16xf32>
      %add3A_464 = arith.addf %mul3A_457, %mul3A_463 : vector<16xf32>
      %add3A_465 = arith.addf %add3A_451, %add3A_464 : vector<16xf32>
      %get3A_466 = arith.constant 9 : i32
      %get3A_467 = arith.index_cast %get3A_466 : i32 to index
      %get3A_468 = arith.constant 0 : index
      %get3A_469 = tpu.vector_load %arg9[%get3A_467, %get3A_468] {strides = array<i32>} : memref<20x16xf32, #tpu.memory_space<vmem>>, vector<1x16xf32>,
      %get3A_470 = vector.shape_cast %get3A_469 : vector<1x16xf32> to vector<16xf32>
      %mul3A_471 = arith.mulf %get3A_376, %get3A_470 : vector<16xf32>
      %add3A_472 = arith.addf %add3A_465, %mul3A_471 : vector<16xf32>
      %gt3A_473 = arith.constant 0.000000e+00 : f32
      %gt3A_474 = vector.broadcast %gt3A_473 : f32 to vector<16xf32>
      %gt3A_475 = arith.cmpf ogt, %add3A_472, %gt3A_474 : vector<16xf32>
      %mul3A_476 = arith.constant 2.000000e-01 : f32
      %mul3A_477 = vector.broadcast %mul3A_476 : f32 to vector<16xf32>
      %mul3A_478 = arith.mulf %mul3A_477, %add3A_472 : vector<16xf32>
      %select_n3A_479 = arith.select %gt3A_475, %add3A_472, %mul3A_478 : vector<16xi1>, vector<16xf32>
      %exp3A_480 = math.exp %select_n3A_479 : vector<16xf32>
      %swap3A_481 = arith.constant 1 : i32
      %swap3A_482 = arith.index_cast %swap3A_481 : i32 to index
      %swap3A_483 = arith.constant 16 : index
      %swap3A_484 = tpu.vector_load %arg17[%swap3A_482, %swap3A_483] {strides = array<i32>} : memref<12x128xf32, #tpu.memory_space<vmem>>, vector<1x16xf32>,
      %swap3A_485 = vector.shape_cast %swap3A_484 : vector<1x16xf32> to vector<16xf32>
      %swap3A_486 = vector.shape_cast %exp3A_480 : vector<16xf32> to vector<1x16xf32>
      tpu.vector_store %arg17[%swap3A_482, %swap3A_483], %swap3A_486 {strides = array<i32>} : memref<12x128xf32, #tpu.memory_space<vmem>>, vector<1x16xf32>,
      %mul3A_487 = arith.mulf %exp3A_480, %get3A_364 : vector<16xf32>
      %swap3A_488 = arith.constant 6 : i32
      %swap3A_489 = arith.index_cast %swap3A_488 : i32 to index
      %swap3A_490 = arith.constant 16 : index
      %swap3A_491 = tpu.vector_load %arg17[%swap3A_489, %swap3A_490] {strides = array<i32>} : memref<12x128xf32, #tpu.memory_space<vmem>>, vector<1x16xf32>,
      %swap3A_492 = vector.shape_cast %swap3A_491 : vector<1x16xf32> to vector<16xf32>
      %swap3A_493 = vector.shape_cast %mul3A_487 : vector<16xf32> to vector<1x16xf32>
      tpu.vector_store %arg17[%swap3A_489, %swap3A_490], %swap3A_493 {strides = array<i32>} : memref<12x128xf32, #tpu.memory_space<vmem>>, vector<1x16xf32>,
      %mul3A_494 = arith.mulf %exp3A_480, %get3A_367 : vector<16xf32>
      %swap3A_495 = arith.constant 7 : i32
      %swap3A_496 = arith.index_cast %swap3A_495 : i32 to index
      %swap3A_497 = arith.constant 16 : index
      %swap3A_498 = tpu.vector_load %arg17[%swap3A_496, %swap3A_497] {strides = array<i32>} : memref<12x128xf32, #tpu.memory_space<vmem>>, vector<1x16xf32>,
      %swap3A_499 = vector.shape_cast %swap3A_498 : vector<1x16xf32> to vector<16xf32>
      %swap3A_500 = vector.shape_cast %mul3A_494 : vector<16xf32> to vector<1x16xf32>
      tpu.vector_store %arg17[%swap3A_496, %swap3A_497], %swap3A_500 {strides = array<i32>} : memref<12x128xf32, #tpu.memory_space<vmem>>, vector<1x16xf32>,
      %get3A_501 = arith.constant 10 : i32
      %get3A_502 = arith.index_cast %get3A_501 : i32 to index
      %get3A_503 = arith.constant 0 : index
      %get3A_504 = tpu.vector_load %arg9[%get3A_502, %get3A_503] {strides = array<i32>} : memref<20x16xf32, #tpu.memory_space<vmem>>, vector<1x16xf32>,
      %get3A_505 = vector.shape_cast %get3A_504 : vector<1x16xf32> to vector<16xf32>
      %mul3A_506 = arith.mulf %get3A_364, %get3A_505 : vector<16xf32>
      %get3A_507 = arith.constant 11 : i32
      %get3A_508 = arith.index_cast %get3A_507 : i32 to index
      %get3A_509 = arith.constant 0 : index
      %get3A_510 = tpu.vector_load %arg9[%get3A_508, %get3A_509] {strides = array<i32>} : memref<20x16xf32, #tpu.memory_space<vmem>>, vector<1x16xf32>,
      %get3A_511 = vector.shape_cast %get3A_510 : vector<1x16xf32> to vector<16xf32>
      %mul3A_512 = arith.mulf %get3A_367, %get3A_511 : vector<16xf32>
      %add3A_513 = arith.addf %mul3A_506, %mul3A_512 : vector<16xf32>
      %get3A_514 = arith.constant 12 : i32
      %get3A_515 = arith.index_cast %get3A_514 : i32 to index
      %get3A_516 = arith.constant 0 : index
      %get3A_517 = tpu.vector_load %arg9[%get3A_515, %get3A_516] {strides = array<i32>} : memref<20x16xf32, #tpu.memory_space<vmem>>, vector<1x16xf32>,
      %get3A_518 = vector.shape_cast %get3A_517 : vector<1x16xf32> to vector<16xf32>
      %mul3A_519 = arith.mulf %get3A_370, %get3A_518 : vector<16xf32>
      %get3A_520 = arith.constant 13 : i32
      %get3A_521 = arith.index_cast %get3A_520 : i32 to index
      %get3A_522 = arith.constant 0 : index
      %get3A_523 = tpu.vector_load %arg9[%get3A_521, %get3A_522] {strides = array<i32>} : memref<20x16xf32, #tpu.memory_space<vmem>>, vector<1x16xf32>,
      %get3A_524 = vector.shape_cast %get3A_523 : vector<1x16xf32> to vector<16xf32>
      %mul3A_525 = arith.mulf %get3A_373, %get3A_524 : vector<16xf32>
      %add3A_526 = arith.addf %mul3A_519, %mul3A_525 : vector<16xf32>
      %add3A_527 = arith.addf %add3A_513, %add3A_526 : vector<16xf32>
      %get3A_528 = arith.constant 14 : i32
      %get3A_529 = arith.index_cast %get3A_528 : i32 to index
      %get3A_530 = arith.constant 0 : index
      %get3A_531 = tpu.vector_load %arg9[%get3A_529, %get3A_530] {strides = array<i32>} : memref<20x16xf32, #tpu.memory_space<vmem>>, vector<1x16xf32>,
      %get3A_532 = vector.shape_cast %get3A_531 : vector<1x16xf32> to vector<16xf32>
      %mul3A_533 = arith.mulf %get3A_376, %get3A_532 : vector<16xf32>
      %add3A_534 = arith.addf %add3A_527, %mul3A_533 : vector<16xf32>
      %gt3A_535 = arith.constant 0.000000e+00 : f32
      %gt3A_536 = vector.broadcast %gt3A_535 : f32 to vector<16xf32>
      %gt3A_537 = arith.cmpf ogt, %add3A_534, %gt3A_536 : vector<16xf32>
      %mul3A_538 = arith.constant 2.000000e-01 : f32
      %mul3A_539 = vector.broadcast %mul3A_538 : f32 to vector<16xf32>
      %mul3A_540 = arith.mulf %mul3A_539, %add3A_534 : vector<16xf32>
      %select_n3A_541 = arith.select %gt3A_537, %add3A_534, %mul3A_540 : vector<16xi1>, vector<16xf32>
      %exp3A_542 = math.exp %select_n3A_541 : vector<16xf32>
      %swap3A_543 = arith.constant 2 : i32
      %swap3A_544 = arith.index_cast %swap3A_543 : i32 to index
      %swap3A_545 = arith.constant 16 : index
      %swap3A_546 = tpu.vector_load %arg17[%swap3A_544, %swap3A_545] {strides = array<i32>} : memref<12x128xf32, #tpu.memory_space<vmem>>, vector<1x16xf32>,
      %swap3A_547 = vector.shape_cast %swap3A_546 : vector<1x16xf32> to vector<16xf32>
      %swap3A_548 = vector.shape_cast %exp3A_542 : vector<16xf32> to vector<1x16xf32>
      tpu.vector_store %arg17[%swap3A_544, %swap3A_545], %swap3A_548 {strides = array<i32>} : memref<12x128xf32, #tpu.memory_space<vmem>>, vector<1x16xf32>,
      %mul3A_549 = arith.mulf %exp3A_542, %get3A_364 : vector<16xf32>
      %swap3A_550 = arith.constant 8 : i32
      %swap3A_551 = arith.index_cast %swap3A_550 : i32 to index
      %swap3A_552 = arith.constant 16 : index
      %swap3A_553 = tpu.vector_load %arg17[%swap3A_551, %swap3A_552] {strides = array<i32>} : memref<12x128xf32, #tpu.memory_space<vmem>>, vector<1x16xf32>,
      %swap3A_554 = vector.shape_cast %swap3A_553 : vector<1x16xf32> to vector<16xf32>
      %swap3A_555 = vector.shape_cast %mul3A_549 : vector<16xf32> to vector<1x16xf32>
      tpu.vector_store %arg17[%swap3A_551, %swap3A_552], %swap3A_555 {strides = array<i32>} : memref<12x128xf32, #tpu.memory_space<vmem>>, vector<1x16xf32>,
      %mul3A_556 = arith.mulf %exp3A_542, %get3A_367 : vector<16xf32>
      %swap3A_557 = arith.constant 9 : i32
      %swap3A_558 = arith.index_cast %swap3A_557 : i32 to index
      %swap3A_559 = arith.constant 16 : index
      %swap3A_560 = tpu.vector_load %arg17[%swap3A_558, %swap3A_559] {strides = array<i32>} : memref<12x128xf32, #tpu.memory_space<vmem>>, vector<1x16xf32>,
      %swap3A_561 = vector.shape_cast %swap3A_560 : vector<1x16xf32> to vector<16xf32>
      %swap3A_562 = vector.shape_cast %mul3A_556 : vector<16xf32> to vector<1x16xf32>
      tpu.vector_store %arg17[%swap3A_558, %swap3A_559], %swap3A_562 {strides = array<i32>} : memref<12x128xf32, #tpu.memory_space<vmem>>, vector<1x16xf32>,
      %get3A_563 = arith.constant 15 : i32
      %get3A_564 = arith.index_cast %get3A_563 : i32 to index
      %get3A_565 = arith.constant 0 : index
      %get3A_566 = tpu.vector_load %arg9[%get3A_564, %get3A_565] {strides = array<i32>} : memref<20x16xf32, #tpu.memory_space<vmem>>, vector<1x16xf32>,
      %get3A_567 = vector.shape_cast %get3A_566 : vector<1x16xf32> to vector<16xf32>
      %mul3A_568 = arith.mulf %get3A_364, %get3A_567 : vector<16xf32>
      %get3A_569 = arith.constant 16 : i32
      %get3A_570 = arith.index_cast %get3A_569 : i32 to index
      %get3A_571 = arith.constant 0 : index
      %get3A_572 = tpu.vector_load %arg9[%get3A_570, %get3A_571] {strides = array<i32>} : memref<20x16xf32, #tpu.memory_space<vmem>>, vector<1x16xf32>,
      %get3A_573 = vector.shape_cast %get3A_572 : vector<1x16xf32> to vector<16xf32>
      %mul3A_574 = arith.mulf %get3A_367, %get3A_573 : vector<16xf32>
      %add3A_575 = arith.addf %mul3A_568, %mul3A_574 : vector<16xf32>
      %get3A_576 = arith.constant 17 : i32
      %get3A_577 = arith.index_cast %get3A_576 : i32 to index
      %get3A_578 = arith.constant 0 : index
      %get3A_579 = tpu.vector_load %arg9[%get3A_577, %get3A_578] {strides = array<i32>} : memref<20x16xf32, #tpu.memory_space<vmem>>, vector<1x16xf32>,
      %get3A_580 = vector.shape_cast %get3A_579 : vector<1x16xf32> to vector<16xf32>
      %mul3A_581 = arith.mulf %get3A_370, %get3A_580 : vector<16xf32>
      %get3A_582 = arith.constant 18 : i32
      %get3A_583 = arith.index_cast %get3A_582 : i32 to index
      %get3A_584 = arith.constant 0 : index
      %get3A_585 = tpu.vector_load %arg9[%get3A_583, %get3A_584] {strides = array<i32>} : memref<20x16xf32, #tpu.memory_space<vmem>>, vector<1x16xf32>,
      %get3A_586 = vector.shape_cast %get3A_585 : vector<1x16xf32> to vector<16xf32>
      %mul3A_587 = arith.mulf %get3A_373, %get3A_586 : vector<16xf32>
      %add3A_588 = arith.addf %mul3A_581, %mul3A_587 : vector<16xf32>
      %add3A_589 = arith.addf %add3A_575, %add3A_588 : vector<16xf32>
      %get3A_590 = arith.constant 19 : i32
      %get3A_591 = arith.index_cast %get3A_590 : i32 to index
      %get3A_592 = arith.constant 0 : index
      %get3A_593 = tpu.vector_load %arg9[%get3A_591, %get3A_592] {strides = array<i32>} : memref<20x16xf32, #tpu.memory_space<vmem>>, vector<1x16xf32>,
      %get3A_594 = vector.shape_cast %get3A_593 : vector<1x16xf32> to vector<16xf32>
      %mul3A_595 = arith.mulf %get3A_376, %get3A_594 : vector<16xf32>
      %add3A_596 = arith.addf %add3A_589, %mul3A_595 : vector<16xf32>
      %gt3A_597 = arith.constant 0.000000e+00 : f32
      %gt3A_598 = vector.broadcast %gt3A_597 : f32 to vector<16xf32>
      %gt3A_599 = arith.cmpf ogt, %add3A_596, %gt3A_598 : vector<16xf32>
      %mul3A_600 = arith.constant 2.000000e-01 : f32
      %mul3A_601 = vector.broadcast %mul3A_600 : f32 to vector<16xf32>
      %mul3A_602 = arith.mulf %mul3A_601, %add3A_596 : vector<16xf32>
      %select_n3A_603 = arith.select %gt3A_599, %add3A_596, %mul3A_602 : vector<16xi1>, vector<16xf32>
      %exp3A_604 = math.exp %select_n3A_603 : vector<16xf32>
      %swap3A_605 = arith.constant 3 : i32
      %swap3A_606 = arith.index_cast %swap3A_605 : i32 to index
      %swap3A_607 = arith.constant 16 : index
      %swap3A_608 = tpu.vector_load %arg17[%swap3A_606, %swap3A_607] {strides = array<i32>} : memref<12x128xf32, #tpu.memory_space<vmem>>, vector<1x16xf32>,
      %swap3A_609 = vector.shape_cast %swap3A_608 : vector<1x16xf32> to vector<16xf32>
      %swap3A_610 = vector.shape_cast %exp3A_604 : vector<16xf32> to vector<1x16xf32>
      tpu.vector_store %arg17[%swap3A_606, %swap3A_607], %swap3A_610 {strides = array<i32>} : memref<12x128xf32, #tpu.memory_space<vmem>>, vector<1x16xf32>,
      %mul3A_611 = arith.mulf %exp3A_604, %get3A_364 : vector<16xf32>
      %swap3A_612 = arith.constant 10 : i32
      %swap3A_613 = arith.index_cast %swap3A_612 : i32 to index
      %swap3A_614 = arith.constant 16 : index
      %swap3A_615 = tpu.vector_load %arg17[%swap3A_613, %swap3A_614] {strides = array<i32>} : memref<12x128xf32, #tpu.memory_space<vmem>>, vector<1x16xf32>,
      %swap3A_616 = vector.shape_cast %swap3A_615 : vector<1x16xf32> to vector<16xf32>
      %swap3A_617 = vector.shape_cast %mul3A_611 : vector<16xf32> to vector<1x16xf32>
      tpu.vector_store %arg17[%swap3A_613, %swap3A_614], %swap3A_617 {strides = array<i32>} : memref<12x128xf32, #tpu.memory_space<vmem>>, vector<1x16xf32>,
      %mul3A_618 = arith.mulf %exp3A_604, %get3A_367 : vector<16xf32>
      %swap3A_619 = arith.constant 11 : i32
      %swap3A_620 = arith.index_cast %swap3A_619 : i32 to index
      %swap3A_621 = arith.constant 16 : index
      %swap3A_622 = tpu.vector_load %arg17[%swap3A_620, %swap3A_621] {strides = array<i32>} : memref<12x128xf32, #tpu.memory_space<vmem>>, vector<1x16xf32>,
      %swap3A_623 = vector.shape_cast %swap3A_622 : vector<1x16xf32> to vector<16xf32>
      %swap3A_624 = vector.shape_cast %mul3A_618 : vector<16xf32> to vector<1x16xf32>
      tpu.vector_store %arg17[%swap3A_620, %swap3A_621], %swap3A_624 {strides = array<i32>} : memref<12x128xf32, #tpu.memory_space<vmem>>, vector<1x16xf32>,
      %get3A_625 = arith.constant 32 : index
      %get3A_626 = tpu.vector_load %arg13[%get3A_625] {strides = array<i32>} : memref<128xf32, #tpu.memory_space<vmem>>, vector<16xf32>,
      %get3A_627 = vector.shape_cast %get3A_626 : vector<16xf32> to vector<16xf32>
      %get3A_628 = arith.constant 32 : index
      %get3A_629 = tpu.vector_load %arg14[%get3A_628] {strides = array<i32>} : memref<128xf32, #tpu.memory_space<vmem>>, vector<16xf32>,
      %get3A_630 = vector.shape_cast %get3A_629 : vector<16xf32> to vector<16xf32>
      %get3A_631 = arith.constant 32 : index
      %get3A_632 = tpu.vector_load %arg15[%get3A_631] {strides = array<i32>} : memref<128xf32, #tpu.memory_space<vmem>>, vector<16xf32>,
      %get3A_633 = vector.shape_cast %get3A_632 : vector<16xf32> to vector<16xf32>
      %get3A_634 = arith.constant 32 : index
      %get3A_635 = tpu.vector_load %arg16[%get3A_634] {strides = array<i32>} : memref<128xf32, #tpu.memory_space<vmem>>, vector<16xf32>,
      %get3A_636 = vector.shape_cast %get3A_635 : vector<16xf32> to vector<16xf32>
      %get3A_637 = arith.constant 32 : index
      %get3A_638 = tpu.vector_load %arg12[%get3A_637] {strides = array<i32>} : memref<128xf32, #tpu.memory_space<vmem>>, vector<16xf32>,
      %get3A_639 = vector.shape_cast %get3A_638 : vector<16xf32> to vector<16xf32>
      %get3A_640 = arith.constant 0 : i32
      %get3A_641 = arith.index_cast %get3A_640 : i32 to index
      %get3A_642 = arith.constant 0 : index
      %get3A_643 = tpu.vector_load %arg9[%get3A_641, %get3A_642] {strides = array<i32>} : memref<20x16xf32, #tpu.memory_space<vmem>>, vector<1x16xf32>,
      %get3A_644 = vector.shape_cast %get3A_643 : vector<1x16xf32> to vector<16xf32>
      %mul3A_645 = arith.mulf %get3A_627, %get3A_644 : vector<16xf32>
      %get3A_646 = arith.constant 1 : i32
      %get3A_647 = arith.index_cast %get3A_646 : i32 to index
      %get3A_648 = arith.constant 0 : index
      %get3A_649 = tpu.vector_load %arg9[%get3A_647, %get3A_648] {strides = array<i32>} : memref<20x16xf32, #tpu.memory_space<vmem>>, vector<1x16xf32>,
      %get3A_650 = vector.shape_cast %get3A_649 : vector<1x16xf32> to vector<16xf32>
      %mul3A_651 = arith.mulf %get3A_630, %get3A_650 : vector<16xf32>
      %add3A_652 = arith.addf %mul3A_645, %mul3A_651 : vector<16xf32>
      %get3A_653 = arith.constant 2 : i32
      %get3A_654 = arith.index_cast %get3A_653 : i32 to index
      %get3A_655 = arith.constant 0 : index
      %get3A_656 = tpu.vector_load %arg9[%get3A_654, %get3A_655] {strides = array<i32>} : memref<20x16xf32, #tpu.memory_space<vmem>>, vector<1x16xf32>,
      %get3A_657 = vector.shape_cast %get3A_656 : vector<1x16xf32> to vector<16xf32>
      %mul3A_658 = arith.mulf %get3A_633, %get3A_657 : vector<16xf32>
      %get3A_659 = arith.constant 3 : i32
      %get3A_660 = arith.index_cast %get3A_659 : i32 to index
      %get3A_661 = arith.constant 0 : index
      %get3A_662 = tpu.vector_load %arg9[%get3A_660, %get3A_661] {strides = array<i32>} : memref<20x16xf32, #tpu.memory_space<vmem>>, vector<1x16xf32>,
      %get3A_663 = vector.shape_cast %get3A_662 : vector<1x16xf32> to vector<16xf32>
      %mul3A_664 = arith.mulf %get3A_636, %get3A_663 : vector<16xf32>
      %add3A_665 = arith.addf %mul3A_658, %mul3A_664 : vector<16xf32>
      %add3A_666 = arith.addf %add3A_652, %add3A_665 : vector<16xf32>
      %get3A_667 = arith.constant 4 : i32
      %get3A_668 = arith.index_cast %get3A_667 : i32 to index
      %get3A_669 = arith.constant 0 : index
      %get3A_670 = tpu.vector_load %arg9[%get3A_668, %get3A_669] {strides = array<i32>} : memref<20x16xf32, #tpu.memory_space<vmem>>, vector<1x16xf32>,
      %get3A_671 = vector.shape_cast %get3A_670 : vector<1x16xf32> to vector<16xf32>
      %mul3A_672 = arith.mulf %get3A_639, %get3A_671 : vector<16xf32>
      %add3A_673 = arith.addf %add3A_666, %mul3A_672 : vector<16xf32>
      %gt3A_674 = arith.constant 0.000000e+00 : f32
      %gt3A_675 = vector.broadcast %gt3A_674 : f32 to vector<16xf32>
      %gt3A_676 = arith.cmpf ogt, %add3A_673, %gt3A_675 : vector<16xf32>
      %mul3A_677 = arith.constant 2.000000e-01 : f32
      %mul3A_678 = vector.broadcast %mul3A_677 : f32 to vector<16xf32>
      %mul3A_679 = arith.mulf %mul3A_678, %add3A_673 : vector<16xf32>
      %select_n3A_680 = arith.select %gt3A_676, %add3A_673, %mul3A_679 : vector<16xi1>, vector<16xf32>
      %exp3A_681 = math.exp %select_n3A_680 : vector<16xf32>
      %swap3A_682 = arith.constant 0 : i32
      %swap3A_683 = arith.index_cast %swap3A_682 : i32 to index
      %swap3A_684 = arith.constant 32 : index
      %swap3A_685 = tpu.vector_load %arg17[%swap3A_683, %swap3A_684] {strides = array<i32>} : memref<12x128xf32, #tpu.memory_space<vmem>>, vector<1x16xf32>,
      %swap3A_686 = vector.shape_cast %swap3A_685 : vector<1x16xf32> to vector<16xf32>
      %swap3A_687 = vector.shape_cast %exp3A_681 : vector<16xf32> to vector<1x16xf32>
      tpu.vector_store %arg17[%swap3A_683, %swap3A_684], %swap3A_687 {strides = array<i32>} : memref<12x128xf32, #tpu.memory_space<vmem>>, vector<1x16xf32>,
      %mul3A_688 = arith.mulf %exp3A_681, %get3A_627 : vector<16xf32>
      %swap3A_689 = arith.constant 4 : i32
      %swap3A_690 = arith.index_cast %swap3A_689 : i32 to index
      %swap3A_691 = arith.constant 32 : index
      %swap3A_692 = tpu.vector_load %arg17[%swap3A_690, %swap3A_691] {strides = array<i32>} : memref<12x128xf32, #tpu.memory_space<vmem>>, vector<1x16xf32>,
      %swap3A_693 = vector.shape_cast %swap3A_692 : vector<1x16xf32> to vector<16xf32>
      %swap3A_694 = vector.shape_cast %mul3A_688 : vector<16xf32> to vector<1x16xf32>
      tpu.vector_store %arg17[%swap3A_690, %swap3A_691], %swap3A_694 {strides = array<i32>} : memref<12x128xf32, #tpu.memory_space<vmem>>, vector<1x16xf32>,
      %mul3A_695 = arith.mulf %exp3A_681, %get3A_630 : vector<16xf32>
      %swap3A_696 = arith.constant 5 : i32
      %swap3A_697 = arith.index_cast %swap3A_696 : i32 to index
      %swap3A_698 = arith.constant 32 : index
      %swap3A_699 = tpu.vector_load %arg17[%swap3A_697, %swap3A_698] {strides = array<i32>} : memref<12x128xf32, #tpu.memory_space<vmem>>, vector<1x16xf32>,
      %swap3A_700 = vector.shape_cast %swap3A_699 : vector<1x16xf32> to vector<16xf32>
      %swap3A_701 = vector.shape_cast %mul3A_695 : vector<16xf32> to vector<1x16xf32>
      tpu.vector_store %arg17[%swap3A_697, %swap3A_698], %swap3A_701 {strides = array<i32>} : memref<12x128xf32, #tpu.memory_space<vmem>>, vector<1x16xf32>,
      %get3A_702 = arith.constant 5 : i32
      %get3A_703 = arith.index_cast %get3A_702 : i32 to index
      %get3A_704 = arith.constant 0 : index
      %get3A_705 = tpu.vector_load %arg9[%get3A_703, %get3A_704] {strides = array<i32>} : memref<20x16xf32, #tpu.memory_space<vmem>>, vector<1x16xf32>,
      %get3A_706 = vector.shape_cast %get3A_705 : vector<1x16xf32> to vector<16xf32>
      %mul3A_707 = arith.mulf %get3A_627, %get3A_706 : vector<16xf32>
      %get3A_708 = arith.constant 6 : i32
      %get3A_709 = arith.index_cast %get3A_708 : i32 to index
      %get3A_710 = arith.constant 0 : index
      %get3A_711 = tpu.vector_load %arg9[%get3A_709, %get3A_710] {strides = array<i32>} : memref<20x16xf32, #tpu.memory_space<vmem>>, vector<1x16xf32>,
      %get3A_712 = vector.shape_cast %get3A_711 : vector<1x16xf32> to vector<16xf32>
      %mul3A_713 = arith.mulf %get3A_630, %get3A_712 : vector<16xf32>
      %add3A_714 = arith.addf %mul3A_707, %mul3A_713 : vector<16xf32>
      %get3A_715 = arith.constant 7 : i32
      %get3A_716 = arith.index_cast %get3A_715 : i32 to index
      %get3A_717 = arith.constant 0 : index
      %get3A_718 = tpu.vector_load %arg9[%get3A_716, %get3A_717] {strides = array<i32>} : memref<20x16xf32, #tpu.memory_space<vmem>>, vector<1x16xf32>,
      %get3A_719 = vector.shape_cast %get3A_718 : vector<1x16xf32> to vector<16xf32>
      %mul3A_720 = arith.mulf %get3A_633, %get3A_719 : vector<16xf32>
      %get3A_721 = arith.constant 8 : i32
      %get3A_722 = arith.index_cast %get3A_721 : i32 to index
      %get3A_723 = arith.constant 0 : index
      %get3A_724 = tpu.vector_load %arg9[%get3A_722, %get3A_723] {strides = array<i32>} : memref<20x16xf32, #tpu.memory_space<vmem>>, vector<1x16xf32>,
      %get3A_725 = vector.shape_cast %get3A_724 : vector<1x16xf32> to vector<16xf32>
      %mul3A_726 = arith.mulf %get3A_636, %get3A_725 : vector<16xf32>
      %add3A_727 = arith.addf %mul3A_720, %mul3A_726 : vector<16xf32>
      %add3A_728 = arith.addf %add3A_714, %add3A_727 : vector<16xf32>
      %get3A_729 = arith.constant 9 : i32
      %get3A_730 = arith.index_cast %get3A_729 : i32 to index
      %get3A_731 = arith.constant 0 : index
      %get3A_732 = tpu.vector_load %arg9[%get3A_730, %get3A_731] {strides = array<i32>} : memref<20x16xf32, #tpu.memory_space<vmem>>, vector<1x16xf32>,
      %get3A_733 = vector.shape_cast %get3A_732 : vector<1x16xf32> to vector<16xf32>
      %mul3A_734 = arith.mulf %get3A_639, %get3A_733 : vector<16xf32>
      %add3A_735 = arith.addf %add3A_728, %mul3A_734 : vector<16xf32>
      %gt3A_736 = arith.constant 0.000000e+00 : f32
      %gt3A_737 = vector.broadcast %gt3A_736 : f32 to vector<16xf32>
      %gt3A_738 = arith.cmpf ogt, %add3A_735, %gt3A_737 : vector<16xf32>
      %mul3A_739 = arith.constant 2.000000e-01 : f32
      %mul3A_740 = vector.broadcast %mul3A_739 : f32 to vector<16xf32>
      %mul3A_741 = arith.mulf %mul3A_740, %add3A_735 : vector<16xf32>
      %select_n3A_742 = arith.select %gt3A_738, %add3A_735, %mul3A_741 : vector<16xi1>, vector<16xf32>
      %exp3A_743 = math.exp %select_n3A_742 : vector<16xf32>
      %swap3A_744 = arith.constant 1 : i32
      %swap3A_745 = arith.index_cast %swap3A_744 : i32 to index
      %swap3A_746 = arith.constant 32 : index
      %swap3A_747 = tpu.vector_load %arg17[%swap3A_745, %swap3A_746] {strides = array<i32>} : memref<12x128xf32, #tpu.memory_space<vmem>>, vector<1x16xf32>,
      %swap3A_748 = vector.shape_cast %swap3A_747 : vector<1x16xf32> to vector<16xf32>
      %swap3A_749 = vector.shape_cast %exp3A_743 : vector<16xf32> to vector<1x16xf32>
      tpu.vector_store %arg17[%swap3A_745, %swap3A_746], %swap3A_749 {strides = array<i32>} : memref<12x128xf32, #tpu.memory_space<vmem>>, vector<1x16xf32>,
      %mul3A_750 = arith.mulf %exp3A_743, %get3A_627 : vector<16xf32>
      %swap3A_751 = arith.constant 6 : i32
      %swap3A_752 = arith.index_cast %swap3A_751 : i32 to index
      %swap3A_753 = arith.constant 32 : index
      %swap3A_754 = tpu.vector_load %arg17[%swap3A_752, %swap3A_753] {strides = array<i32>} : memref<12x128xf32, #tpu.memory_space<vmem>>, vector<1x16xf32>,
      %swap3A_755 = vector.shape_cast %swap3A_754 : vector<1x16xf32> to vector<16xf32>
      %swap3A_756 = vector.shape_cast %mul3A_750 : vector<16xf32> to vector<1x16xf32>
      tpu.vector_store %arg17[%swap3A_752, %swap3A_753], %swap3A_756 {strides = array<i32>} : memref<12x128xf32, #tpu.memory_space<vmem>>, vector<1x16xf32>,
      %mul3A_757 = arith.mulf %exp3A_743, %get3A_630 : vector<16xf32>
      %swap3A_758 = arith.constant 7 : i32
      %swap3A_759 = arith.index_cast %swap3A_758 : i32 to index
      %swap3A_760 = arith.constant 32 : index
      %swap3A_761 = tpu.vector_load %arg17[%swap3A_759, %swap3A_760] {strides = array<i32>} : memref<12x128xf32, #tpu.memory_space<vmem>>, vector<1x16xf32>,
      %swap3A_762 = vector.shape_cast %swap3A_761 : vector<1x16xf32> to vector<16xf32>
      %swap3A_763 = vector.shape_cast %mul3A_757 : vector<16xf32> to vector<1x16xf32>
      tpu.vector_store %arg17[%swap3A_759, %swap3A_760], %swap3A_763 {strides = array<i32>} : memref<12x128xf32, #tpu.memory_space<vmem>>, vector<1x16xf32>,
      %get3A_764 = arith.constant 10 : i32
      %get3A_765 = arith.index_cast %get3A_764 : i32 to index
      %get3A_766 = arith.constant 0 : index
      %get3A_767 = tpu.vector_load %arg9[%get3A_765, %get3A_766] {strides = array<i32>} : memref<20x16xf32, #tpu.memory_space<vmem>>, vector<1x16xf32>,
      %get3A_768 = vector.shape_cast %get3A_767 : vector<1x16xf32> to vector<16xf32>
      %mul3A_769 = arith.mulf %get3A_627, %get3A_768 : vector<16xf32>
      %get3A_770 = arith.constant 11 : i32
      %get3A_771 = arith.index_cast %get3A_770 : i32 to index
      %get3A_772 = arith.constant 0 : index
      %get3A_773 = tpu.vector_load %arg9[%get3A_771, %get3A_772] {strides = array<i32>} : memref<20x16xf32, #tpu.memory_space<vmem>>, vector<1x16xf32>,
      %get3A_774 = vector.shape_cast %get3A_773 : vector<1x16xf32> to vector<16xf32>
      %mul3A_775 = arith.mulf %get3A_630, %get3A_774 : vector<16xf32>
      %add3A_776 = arith.addf %mul3A_769, %mul3A_775 : vector<16xf32>
      %get3A_777 = arith.constant 12 : i32
      %get3A_778 = arith.index_cast %get3A_777 : i32 to index
      %get3A_779 = arith.constant 0 : index
      %get3A_780 = tpu.vector_load %arg9[%get3A_778, %get3A_779] {strides = array<i32>} : memref<20x16xf32, #tpu.memory_space<vmem>>, vector<1x16xf32>,
      %get3A_781 = vector.shape_cast %get3A_780 : vector<1x16xf32> to vector<16xf32>
      %mul3A_782 = arith.mulf %get3A_633, %get3A_781 : vector<16xf32>
      %get3A_783 = arith.constant 13 : i32
      %get3A_784 = arith.index_cast %get3A_783 : i32 to index
      %get3A_785 = arith.constant 0 : index
      %get3A_786 = tpu.vector_load %arg9[%get3A_784, %get3A_785] {strides = array<i32>} : memref<20x16xf32, #tpu.memory_space<vmem>>, vector<1x16xf32>,
      %get3A_787 = vector.shape_cast %get3A_786 : vector<1x16xf32> to vector<16xf32>
      %mul3A_788 = arith.mulf %get3A_636, %get3A_787 : vector<16xf32>
      %add3A_789 = arith.addf %mul3A_782, %mul3A_788 : vector<16xf32>
      %add3A_790 = arith.addf %add3A_776, %add3A_789 : vector<16xf32>
      %get3A_791 = arith.constant 14 : i32
      %get3A_792 = arith.index_cast %get3A_791 : i32 to index
      %get3A_793 = arith.constant 0 : index
      %get3A_794 = tpu.vector_load %arg9[%get3A_792, %get3A_793] {strides = array<i32>} : memref<20x16xf32, #tpu.memory_space<vmem>>, vector<1x16xf32>,
      %get3A_795 = vector.shape_cast %get3A_794 : vector<1x16xf32> to vector<16xf32>
      %mul3A_796 = arith.mulf %get3A_639, %get3A_795 : vector<16xf32>
      %add3A_797 = arith.addf %add3A_790, %mul3A_796 : vector<16xf32>
      %gt3A_798 = arith.constant 0.000000e+00 : f32
      %gt3A_799 = vector.broadcast %gt3A_798 : f32 to vector<16xf32>
      %gt3A_800 = arith.cmpf ogt, %add3A_797, %gt3A_799 : vector<16xf32>
      %mul3A_801 = arith.constant 2.000000e-01 : f32
      %mul3A_802 = vector.broadcast %mul3A_801 : f32 to vector<16xf32>
      %mul3A_803 = arith.mulf %mul3A_802, %add3A_797 : vector<16xf32>
      %select_n3A_804 = arith.select %gt3A_800, %add3A_797, %mul3A_803 : vector<16xi1>, vector<16xf32>
      %exp3A_805 = math.exp %select_n3A_804 : vector<16xf32>
      %swap3A_806 = arith.constant 2 : i32
      %swap3A_807 = arith.index_cast %swap3A_806 : i32 to index
      %swap3A_808 = arith.constant 32 : index
      %swap3A_809 = tpu.vector_load %arg17[%swap3A_807, %swap3A_808] {strides = array<i32>} : memref<12x128xf32, #tpu.memory_space<vmem>>, vector<1x16xf32>,
      %swap3A_810 = vector.shape_cast %swap3A_809 : vector<1x16xf32> to vector<16xf32>
      %swap3A_811 = vector.shape_cast %exp3A_805 : vector<16xf32> to vector<1x16xf32>
      tpu.vector_store %arg17[%swap3A_807, %swap3A_808], %swap3A_811 {strides = array<i32>} : memref<12x128xf32, #tpu.memory_space<vmem>>, vector<1x16xf32>,
      %mul3A_812 = arith.mulf %exp3A_805, %get3A_627 : vector<16xf32>
      %swap3A_813 = arith.constant 8 : i32
      %swap3A_814 = arith.index_cast %swap3A_813 : i32 to index
      %swap3A_815 = arith.constant 32 : index
      %swap3A_816 = tpu.vector_load %arg17[%swap3A_814, %swap3A_815] {strides = array<i32>} : memref<12x128xf32, #tpu.memory_space<vmem>>, vector<1x16xf32>,
      %swap3A_817 = vector.shape_cast %swap3A_816 : vector<1x16xf32> to vector<16xf32>
      %swap3A_818 = vector.shape_cast %mul3A_812 : vector<16xf32> to vector<1x16xf32>
      tpu.vector_store %arg17[%swap3A_814, %swap3A_815], %swap3A_818 {strides = array<i32>} : memref<12x128xf32, #tpu.memory_space<vmem>>, vector<1x16xf32>,
      %mul3A_819 = arith.mulf %exp3A_805, %get3A_630 : vector<16xf32>
      %swap3A_820 = arith.constant 9 : i32
      %swap3A_821 = arith.index_cast %swap3A_820 : i32 to index
      %swap3A_822 = arith.constant 32 : index
      %swap3A_823 = tpu.vector_load %arg17[%swap3A_821, %swap3A_822] {strides = array<i32>} : memref<12x128xf32, #tpu.memory_space<vmem>>, vector<1x16xf32>,
      %swap3A_824 = vector.shape_cast %swap3A_823 : vector<1x16xf32> to vector<16xf32>
      %swap3A_825 = vector.shape_cast %mul3A_819 : vector<16xf32> to vector<1x16xf32>
      tpu.vector_store %arg17[%swap3A_821, %swap3A_822], %swap3A_825 {strides = array<i32>} : memref<12x128xf32, #tpu.memory_space<vmem>>, vector<1x16xf32>,
      %get3A_826 = arith.constant 15 : i32
      %get3A_827 = arith.index_cast %get3A_826 : i32 to index
      %get3A_828 = arith.constant 0 : index
      %get3A_829 = tpu.vector_load %arg9[%get3A_827, %get3A_828] {strides = array<i32>} : memref<20x16xf32, #tpu.memory_space<vmem>>, vector<1x16xf32>,
      %get3A_830 = vector.shape_cast %get3A_829 : vector<1x16xf32> to vector<16xf32>
      %mul3A_831 = arith.mulf %get3A_627, %get3A_830 : vector<16xf32>
      %get3A_832 = arith.constant 16 : i32
      %get3A_833 = arith.index_cast %get3A_832 : i32 to index
      %get3A_834 = arith.constant 0 : index
      %get3A_835 = tpu.vector_load %arg9[%get3A_833, %get3A_834] {strides = array<i32>} : memref<20x16xf32, #tpu.memory_space<vmem>>, vector<1x16xf32>,
      %get3A_836 = vector.shape_cast %get3A_835 : vector<1x16xf32> to vector<16xf32>
      %mul3A_837 = arith.mulf %get3A_630, %get3A_836 : vector<16xf32>
      %add3A_838 = arith.addf %mul3A_831, %mul3A_837 : vector<16xf32>
      %get3A_839 = arith.constant 17 : i32
      %get3A_840 = arith.index_cast %get3A_839 : i32 to index
      %get3A_841 = arith.constant 0 : index
      %get3A_842 = tpu.vector_load %arg9[%get3A_840, %get3A_841] {strides = array<i32>} : memref<20x16xf32, #tpu.memory_space<vmem>>, vector<1x16xf32>,
      %get3A_843 = vector.shape_cast %get3A_842 : vector<1x16xf32> to vector<16xf32>
      %mul3A_844 = arith.mulf %get3A_633, %get3A_843 : vector<16xf32>
      %get3A_845 = arith.constant 18 : i32
      %get3A_846 = arith.index_cast %get3A_845 : i32 to index
      %get3A_847 = arith.constant 0 : index
      %get3A_848 = tpu.vector_load %arg9[%get3A_846, %get3A_847] {strides = array<i32>} : memref<20x16xf32, #tpu.memory_space<vmem>>, vector<1x16xf32>,
      %get3A_849 = vector.shape_cast %get3A_848 : vector<1x16xf32> to vector<16xf32>
      %mul3A_850 = arith.mulf %get3A_636, %get3A_849 : vector<16xf32>
      %add3A_851 = arith.addf %mul3A_844, %mul3A_850 : vector<16xf32>
      %add3A_852 = arith.addf %add3A_838, %add3A_851 : vector<16xf32>
      %get3A_853 = arith.constant 19 : i32
      %get3A_854 = arith.index_cast %get3A_853 : i32 to index
      %get3A_855 = arith.constant 0 : index
      %get3A_856 = tpu.vector_load %arg9[%get3A_854, %get3A_855] {strides = array<i32>} : memref<20x16xf32, #tpu.memory_space<vmem>>, vector<1x16xf32>,
      %get3A_857 = vector.shape_cast %get3A_856 : vector<1x16xf32> to vector<16xf32>
      %mul3A_858 = arith.mulf %get3A_639, %get3A_857 : vector<16xf32>
      %add3A_859 = arith.addf %add3A_852, %mul3A_858 : vector<16xf32>
      %gt3A_860 = arith.constant 0.000000e+00 : f32
      %gt3A_861 = vector.broadcast %gt3A_860 : f32 to vector<16xf32>
      %gt3A_862 = arith.cmpf ogt, %add3A_859, %gt3A_861 : vector<16xf32>
      %mul3A_863 = arith.constant 2.000000e-01 : f32
      %mul3A_864 = vector.broadcast %mul3A_863 : f32 to vector<16xf32>
      %mul3A_865 = arith.mulf %mul3A_864, %add3A_859 : vector<16xf32>
      %select_n3A_866 = arith.select %gt3A_862, %add3A_859, %mul3A_865 : vector<16xi1>, vector<16xf32>
      %exp3A_867 = math.exp %select_n3A_866 : vector<16xf32>
      %swap3A_868 = arith.constant 3 : i32
      %swap3A_869 = arith.index_cast %swap3A_868 : i32 to index
      %swap3A_870 = arith.constant 32 : index
      %swap3A_871 = tpu.vector_load %arg17[%swap3A_869, %swap3A_870] {strides = array<i32>} : memref<12x128xf32, #tpu.memory_space<vmem>>, vector<1x16xf32>,
      %swap3A_872 = vector.shape_cast %swap3A_871 : vector<1x16xf32> to vector<16xf32>
      %swap3A_873 = vector.shape_cast %exp3A_867 : vector<16xf32> to vector<1x16xf32>
      tpu.vector_store %arg17[%swap3A_869, %swap3A_870], %swap3A_873 {strides = array<i32>} : memref<12x128xf32, #tpu.memory_space<vmem>>, vector<1x16xf32>,
      %mul3A_874 = arith.mulf %exp3A_867, %get3A_627 : vector<16xf32>
      %swap3A_875 = arith.constant 10 : i32
      %swap3A_876 = arith.index_cast %swap3A_875 : i32 to index
      %swap3A_877 = arith.constant 32 : index
      %swap3A_878 = tpu.vector_load %arg17[%swap3A_876, %swap3A_877] {strides = array<i32>} : memref<12x128xf32, #tpu.memory_space<vmem>>, vector<1x16xf32>,
      %swap3A_879 = vector.shape_cast %swap3A_878 : vector<1x16xf32> to vector<16xf32>
      %swap3A_880 = vector.shape_cast %mul3A_874 : vector<16xf32> to vector<1x16xf32>
      tpu.vector_store %arg17[%swap3A_876, %swap3A_877], %swap3A_880 {strides = array<i32>} : memref<12x128xf32, #tpu.memory_space<vmem>>, vector<1x16xf32>,
      %mul3A_881 = arith.mulf %exp3A_867, %get3A_630 : vector<16xf32>
      %swap3A_882 = arith.constant 11 : i32
      %swap3A_883 = arith.index_cast %swap3A_882 : i32 to index
      %swap3A_884 = arith.constant 32 : index
      %swap3A_885 = tpu.vector_load %arg17[%swap3A_883, %swap3A_884] {strides = array<i32>} : memref<12x128xf32, #tpu.memory_space<vmem>>, vector<1x16xf32>,
      %swap3A_886 = vector.shape_cast %swap3A_885 : vector<1x16xf32> to vector<16xf32>
      %swap3A_887 = vector.shape_cast %mul3A_881 : vector<16xf32> to vector<1x16xf32>
      tpu.vector_store %arg17[%swap3A_883, %swap3A_884], %swap3A_887 {strides = array<i32>} : memref<12x128xf32, #tpu.memory_space<vmem>>, vector<1x16xf32>,
      %get3A_888 = arith.constant 48 : index
      %get3A_889 = tpu.vector_load %arg13[%get3A_888] {strides = array<i32>} : memref<128xf32, #tpu.memory_space<vmem>>, vector<16xf32>,
      %get3A_890 = vector.shape_cast %get3A_889 : vector<16xf32> to vector<16xf32>
      %get3A_891 = arith.constant 48 : index
      %get3A_892 = tpu.vector_load %arg14[%get3A_891] {strides = array<i32>} : memref<128xf32, #tpu.memory_space<vmem>>, vector<16xf32>,
      %get3A_893 = vector.shape_cast %get3A_892 : vector<16xf32> to vector<16xf32>
      %get3A_894 = arith.constant 48 : index
      %get3A_895 = tpu.vector_load %arg15[%get3A_894] {strides = array<i32>} : memref<128xf32, #tpu.memory_space<vmem>>, vector<16xf32>,
      %get3A_896 = vector.shape_cast %get3A_895 : vector<16xf32> to vector<16xf32>
      %get3A_897 = arith.constant 48 : index
      %get3A_898 = tpu.vector_load %arg16[%get3A_897] {strides = array<i32>} : memref<128xf32, #tpu.memory_space<vmem>>, vector<16xf32>,
      %get3A_899 = vector.shape_cast %get3A_898 : vector<16xf32> to vector<16xf32>
      %get3A_900 = arith.constant 48 : index
      %get3A_901 = tpu.vector_load %arg12[%get3A_900] {strides = array<i32>} : memref<128xf32, #tpu.memory_space<vmem>>, vector<16xf32>,
      %get3A_902 = vector.shape_cast %get3A_901 : vector<16xf32> to vector<16xf32>
      %get3A_903 = arith.constant 0 : i32
      %get3A_904 = arith.index_cast %get3A_903 : i32 to index
      %get3A_905 = arith.constant 0 : index
      %get3A_906 = tpu.vector_load %arg9[%get3A_904, %get3A_905] {strides = array<i32>} : memref<20x16xf32, #tpu.memory_space<vmem>>, vector<1x16xf32>,
      %get3A_907 = vector.shape_cast %get3A_906 : vector<1x16xf32> to vector<16xf32>
      %mul3A_908 = arith.mulf %get3A_890, %get3A_907 : vector<16xf32>
      %get3A_909 = arith.constant 1 : i32
      %get3A_910 = arith.index_cast %get3A_909 : i32 to index
      %get3A_911 = arith.constant 0 : index
      %get3A_912 = tpu.vector_load %arg9[%get3A_910, %get3A_911] {strides = array<i32>} : memref<20x16xf32, #tpu.memory_space<vmem>>, vector<1x16xf32>,
      %get3A_913 = vector.shape_cast %get3A_912 : vector<1x16xf32> to vector<16xf32>
      %mul3A_914 = arith.mulf %get3A_893, %get3A_913 : vector<16xf32>
      %add3A_915 = arith.addf %mul3A_908, %mul3A_914 : vector<16xf32>
      %get3A_916 = arith.constant 2 : i32
      %get3A_917 = arith.index_cast %get3A_916 : i32 to index
      %get3A_918 = arith.constant 0 : index
      %get3A_919 = tpu.vector_load %arg9[%get3A_917, %get3A_918] {strides = array<i32>} : memref<20x16xf32, #tpu.memory_space<vmem>>, vector<1x16xf32>,
      %get3A_920 = vector.shape_cast %get3A_919 : vector<1x16xf32> to vector<16xf32>
      %mul3A_921 = arith.mulf %get3A_896, %get3A_920 : vector<16xf32>
      %get3A_922 = arith.constant 3 : i32
      %get3A_923 = arith.index_cast %get3A_922 : i32 to index
      %get3A_924 = arith.constant 0 : index
      %get3A_925 = tpu.vector_load %arg9[%get3A_923, %get3A_924] {strides = array<i32>} : memref<20x16xf32, #tpu.memory_space<vmem>>, vector<1x16xf32>,
      %get3A_926 = vector.shape_cast %get3A_925 : vector<1x16xf32> to vector<16xf32>
      %mul3A_927 = arith.mulf %get3A_899, %get3A_926 : vector<16xf32>
      %add3A_928 = arith.addf %mul3A_921, %mul3A_927 : vector<16xf32>
      %add3A_929 = arith.addf %add3A_915, %add3A_928 : vector<16xf32>
      %get3A_930 = arith.constant 4 : i32
      %get3A_931 = arith.index_cast %get3A_930 : i32 to index
      %get3A_932 = arith.constant 0 : index
      %get3A_933 = tpu.vector_load %arg9[%get3A_931, %get3A_932] {strides = array<i32>} : memref<20x16xf32, #tpu.memory_space<vmem>>, vector<1x16xf32>,
      %get3A_934 = vector.shape_cast %get3A_933 : vector<1x16xf32> to vector<16xf32>
      %mul3A_935 = arith.mulf %get3A_902, %get3A_934 : vector<16xf32>
      %add3A_936 = arith.addf %add3A_929, %mul3A_935 : vector<16xf32>
      %gt3A_937 = arith.constant 0.000000e+00 : f32
      %gt3A_938 = vector.broadcast %gt3A_937 : f32 to vector<16xf32>
      %gt3A_939 = arith.cmpf ogt, %add3A_936, %gt3A_938 : vector<16xf32>
      %mul3A_940 = arith.constant 2.000000e-01 : f32
      %mul3A_941 = vector.broadcast %mul3A_940 : f32 to vector<16xf32>
      %mul3A_942 = arith.mulf %mul3A_941, %add3A_936 : vector<16xf32>
      %select_n3A_943 = arith.select %gt3A_939, %add3A_936, %mul3A_942 : vector<16xi1>, vector<16xf32>
      %exp3A_944 = math.exp %select_n3A_943 : vector<16xf32>
      %swap3A_945 = arith.constant 0 : i32
      %swap3A_946 = arith.index_cast %swap3A_945 : i32 to index
      %swap3A_947 = arith.constant 48 : index
      %swap3A_948 = tpu.vector_load %arg17[%swap3A_946, %swap3A_947] {strides = array<i32>} : memref<12x128xf32, #tpu.memory_space<vmem>>, vector<1x16xf32>,
      %swap3A_949 = vector.shape_cast %swap3A_948 : vector<1x16xf32> to vector<16xf32>
      %swap3A_950 = vector.shape_cast %exp3A_944 : vector<16xf32> to vector<1x16xf32>
      tpu.vector_store %arg17[%swap3A_946, %swap3A_947], %swap3A_950 {strides = array<i32>} : memref<12x128xf32, #tpu.memory_space<vmem>>, vector<1x16xf32>,
      %mul3A_951 = arith.mulf %exp3A_944, %get3A_890 : vector<16xf32>
      %swap3A_952 = arith.constant 4 : i32
      %swap3A_953 = arith.index_cast %swap3A_952 : i32 to index
      %swap3A_954 = arith.constant 48 : index
      %swap3A_955 = tpu.vector_load %arg17[%swap3A_953, %swap3A_954] {strides = array<i32>} : memref<12x128xf32, #tpu.memory_space<vmem>>, vector<1x16xf32>,
      %swap3A_956 = vector.shape_cast %swap3A_955 : vector<1x16xf32> to vector<16xf32>
      %swap3A_957 = vector.shape_cast %mul3A_951 : vector<16xf32> to vector<1x16xf32>
      tpu.vector_store %arg17[%swap3A_953, %swap3A_954], %swap3A_957 {strides = array<i32>} : memref<12x128xf32, #tpu.memory_space<vmem>>, vector<1x16xf32>,
      %mul3A_958 = arith.mulf %exp3A_944, %get3A_893 : vector<16xf32>
      %swap3A_959 = arith.constant 5 : i32
      %swap3A_960 = arith.index_cast %swap3A_959 : i32 to index
      %swap3A_961 = arith.constant 48 : index
      %swap3A_962 = tpu.vector_load %arg17[%swap3A_960, %swap3A_961] {strides = array<i32>} : memref<12x128xf32, #tpu.memory_space<vmem>>, vector<1x16xf32>,
      %swap3A_963 = vector.shape_cast %swap3A_962 : vector<1x16xf32> to vector<16xf32>
      %swap3A_964 = vector.shape_cast %mul3A_958 : vector<16xf32> to vector<1x16xf32>
      tpu.vector_store %arg17[%swap3A_960, %swap3A_961], %swap3A_964 {strides = array<i32>} : memref<12x128xf32, #tpu.memory_space<vmem>>, vector<1x16xf32>,
      %get3A_965 = arith.constant 5 : i32
      %get3A_966 = arith.index_cast %get3A_965 : i32 to index
      %get3A_967 = arith.constant 0 : index
      %get3A_968 = tpu.vector_load %arg9[%get3A_966, %get3A_967] {strides = array<i32>} : memref<20x16xf32, #tpu.memory_space<vmem>>, vector<1x16xf32>,
      %get3A_969 = vector.shape_cast %get3A_968 : vector<1x16xf32> to vector<16xf32>
      %mul3A_970 = arith.mulf %get3A_890, %get3A_969 : vector<16xf32>
      %get3A_971 = arith.constant 6 : i32
      %get3A_972 = arith.index_cast %get3A_971 : i32 to index
      %get3A_973 = arith.constant 0 : index
      %get3A_974 = tpu.vector_load %arg9[%get3A_972, %get3A_973] {strides = array<i32>} : memref<20x16xf32, #tpu.memory_space<vmem>>, vector<1x16xf32>,
      %get3A_975 = vector.shape_cast %get3A_974 : vector<1x16xf32> to vector<16xf32>
      %mul3A_976 = arith.mulf %get3A_893, %get3A_975 : vector<16xf32>
      %add3A_977 = arith.addf %mul3A_970, %mul3A_976 : vector<16xf32>
      %get3A_978 = arith.constant 7 : i32
      %get3A_979 = arith.index_cast %get3A_978 : i32 to index
      %get3A_980 = arith.constant 0 : index
      %get3A_981 = tpu.vector_load %arg9[%get3A_979, %get3A_980] {strides = array<i32>} : memref<20x16xf32, #tpu.memory_space<vmem>>, vector<1x16xf32>,
      %get3A_982 = vector.shape_cast %get3A_981 : vector<1x16xf32> to vector<16xf32>
      %mul3A_983 = arith.mulf %get3A_896, %get3A_982 : vector<16xf32>
      %get3A_984 = arith.constant 8 : i32
      %get3A_985 = arith.index_cast %get3A_984 : i32 to index
      %get3A_986 = arith.constant 0 : index
      %get3A_987 = tpu.vector_load %arg9[%get3A_985, %get3A_986] {strides = array<i32>} : memref<20x16xf32, #tpu.memory_space<vmem>>, vector<1x16xf32>,
      %get3A_988 = vector.shape_cast %get3A_987 : vector<1x16xf32> to vector<16xf32>
      %mul3A_989 = arith.mulf %get3A_899, %get3A_988 : vector<16xf32>
      %add3A_990 = arith.addf %mul3A_983, %mul3A_989 : vector<16xf32>
      %add3A_991 = arith.addf %add3A_977, %add3A_990 : vector<16xf32>
      %get3A_992 = arith.constant 9 : i32
      %get3A_993 = arith.index_cast %get3A_992 : i32 to index
      %get3A_994 = arith.constant 0 : index
      %get3A_995 = tpu.vector_load %arg9[%get3A_993, %get3A_994] {strides = array<i32>} : memref<20x16xf32, #tpu.memory_space<vmem>>, vector<1x16xf32>,
      %get3A_996 = vector.shape_cast %get3A_995 : vector<1x16xf32> to vector<16xf32>
      %mul3A_997 = arith.mulf %get3A_902, %get3A_996 : vector<16xf32>
      %add3A_998 = arith.addf %add3A_991, %mul3A_997 : vector<16xf32>
      %gt3A_999 = arith.constant 0.000000e+00 : f32
      %gt3A_1000 = vector.broadcast %gt3A_999 : f32 to vector<16xf32>
      %gt3A_1001 = arith.cmpf ogt, %add3A_998, %gt3A_1000 : vector<16xf32>
      %mul3A_1002 = arith.constant 2.000000e-01 : f32
      %mul3A_1003 = vector.broadcast %mul3A_1002 : f32 to vector<16xf32>
      %mul3A_1004 = arith.mulf %mul3A_1003, %add3A_998 : vector<16xf32>
      %select_n3A_1005 = arith.select %gt3A_1001, %add3A_998, %mul3A_1004 : vector<16xi1>, vector<16xf32>
      %exp3A_1006 = math.exp %select_n3A_1005 : vector<16xf32>
      %swap3A_1007 = arith.constant 1 : i32
      %swap3A_1008 = arith.index_cast %swap3A_1007 : i32 to index
      %swap3A_1009 = arith.constant 48 : index
      %swap3A_1010 = tpu.vector_load %arg17[%swap3A_1008, %swap3A_1009] {strides = array<i32>} : memref<12x128xf32, #tpu.memory_space<vmem>>, vector<1x16xf32>,
      %swap3A_1011 = vector.shape_cast %swap3A_1010 : vector<1x16xf32> to vector<16xf32>
      %swap3A_1012 = vector.shape_cast %exp3A_1006 : vector<16xf32> to vector<1x16xf32>
      tpu.vector_store %arg17[%swap3A_1008, %swap3A_1009], %swap3A_1012 {strides = array<i32>} : memref<12x128xf32, #tpu.memory_space<vmem>>, vector<1x16xf32>,
      %mul3A_1013 = arith.mulf %exp3A_1006, %get3A_890 : vector<16xf32>
      %swap3A_1014 = arith.constant 6 : i32
      %swap3A_1015 = arith.index_cast %swap3A_1014 : i32 to index
      %swap3A_1016 = arith.constant 48 : index
      %swap3A_1017 = tpu.vector_load %arg17[%swap3A_1015, %swap3A_1016] {strides = array<i32>} : memref<12x128xf32, #tpu.memory_space<vmem>>, vector<1x16xf32>,
      %swap3A_1018 = vector.shape_cast %swap3A_1017 : vector<1x16xf32> to vector<16xf32>
      %swap3A_1019 = vector.shape_cast %mul3A_1013 : vector<16xf32> to vector<1x16xf32>
      tpu.vector_store %arg17[%swap3A_1015, %swap3A_1016], %swap3A_1019 {strides = array<i32>} : memref<12x128xf32, #tpu.memory_space<vmem>>, vector<1x16xf32>,
      %mul3A_1020 = arith.mulf %exp3A_1006, %get3A_893 : vector<16xf32>
      %swap3A_1021 = arith.constant 7 : i32
      %swap3A_1022 = arith.index_cast %swap3A_1021 : i32 to index
      %swap3A_1023 = arith.constant 48 : index
      %swap3A_1024 = tpu.vector_load %arg17[%swap3A_1022, %swap3A_1023] {strides = array<i32>} : memref<12x128xf32, #tpu.memory_space<vmem>>, vector<1x16xf32>,
      %swap3A_1025 = vector.shape_cast %swap3A_1024 : vector<1x16xf32> to vector<16xf32>
      %swap3A_1026 = vector.shape_cast %mul3A_1020 : vector<16xf32> to vector<1x16xf32>
      tpu.vector_store %arg17[%swap3A_1022, %swap3A_1023], %swap3A_1026 {strides = array<i32>} : memref<12x128xf32, #tpu.memory_space<vmem>>, vector<1x16xf32>,
      %get3A_1027 = arith.constant 10 : i32
      %get3A_1028 = arith.index_cast %get3A_1027 : i32 to index
      %get3A_1029 = arith.constant 0 : index
      %get3A_1030 = tpu.vector_load %arg9[%get3A_1028, %get3A_1029] {strides = array<i32>} : memref<20x16xf32, #tpu.memory_space<vmem>>, vector<1x16xf32>,
      %get3A_1031 = vector.shape_cast %get3A_1030 : vector<1x16xf32> to vector<16xf32>
      %mul3A_1032 = arith.mulf %get3A_890, %get3A_1031 : vector<16xf32>
      %get3A_1033 = arith.constant 11 : i32
      %get3A_1034 = arith.index_cast %get3A_1033 : i32 to index
      %get3A_1035 = arith.constant 0 : index
      %get3A_1036 = tpu.vector_load %arg9[%get3A_1034, %get3A_1035] {strides = array<i32>} : memref<20x16xf32, #tpu.memory_space<vmem>>, vector<1x16xf32>,
      %get3A_1037 = vector.shape_cast %get3A_1036 : vector<1x16xf32> to vector<16xf32>
      %mul3A_1038 = arith.mulf %get3A_893, %get3A_1037 : vector<16xf32>
      %add3A_1039 = arith.addf %mul3A_1032, %mul3A_1038 : vector<16xf32>
      %get3A_1040 = arith.constant 12 : i32
      %get3A_1041 = arith.index_cast %get3A_1040 : i32 to index
      %get3A_1042 = arith.constant 0 : index
      %get3A_1043 = tpu.vector_load %arg9[%get3A_1041, %get3A_1042] {strides = array<i32>} : memref<20x16xf32, #tpu.memory_space<vmem>>, vector<1x16xf32>,
      %get3A_1044 = vector.shape_cast %get3A_1043 : vector<1x16xf32> to vector<16xf32>
      %mul3A_1045 = arith.mulf %get3A_896, %get3A_1044 : vector<16xf32>
      %get3A_1046 = arith.constant 13 : i32
      %get3A_1047 = arith.index_cast %get3A_1046 : i32 to index
      %get3A_1048 = arith.constant 0 : index
      %get3A_1049 = tpu.vector_load %arg9[%get3A_1047, %get3A_1048] {strides = array<i32>} : memref<20x16xf32, #tpu.memory_space<vmem>>, vector<1x16xf32>,
      %get3A_1050 = vector.shape_cast %get3A_1049 : vector<1x16xf32> to vector<16xf32>
      %mul3A_1051 = arith.mulf %get3A_899, %get3A_1050 : vector<16xf32>
      %add3A_1052 = arith.addf %mul3A_1045, %mul3A_1051 : vector<16xf32>
      %add3A_1053 = arith.addf %add3A_1039, %add3A_1052 : vector<16xf32>
      %get3A_1054 = arith.constant 14 : i32
      %get3A_1055 = arith.index_cast %get3A_1054 : i32 to index
      %get3A_1056 = arith.constant 0 : index
      %get3A_1057 = tpu.vector_load %arg9[%get3A_1055, %get3A_1056] {strides = array<i32>} : memref<20x16xf32, #tpu.memory_space<vmem>>, vector<1x16xf32>,
      %get3A_1058 = vector.shape_cast %get3A_1057 : vector<1x16xf32> to vector<16xf32>
      %mul3A_1059 = arith.mulf %get3A_902, %get3A_1058 : vector<16xf32>
      %add3A_1060 = arith.addf %add3A_1053, %mul3A_1059 : vector<16xf32>
      %gt3A_1061 = arith.constant 0.000000e+00 : f32
      %gt3A_1062 = vector.broadcast %gt3A_1061 : f32 to vector<16xf32>
      %gt3A_1063 = arith.cmpf ogt, %add3A_1060, %gt3A_1062 : vector<16xf32>
      %mul3A_1064 = arith.constant 2.000000e-01 : f32
      %mul3A_1065 = vector.broadcast %mul3A_1064 : f32 to vector<16xf32>
      %mul3A_1066 = arith.mulf %mul3A_1065, %add3A_1060 : vector<16xf32>
      %select_n3A_1067 = arith.select %gt3A_1063, %add3A_1060, %mul3A_1066 : vector<16xi1>, vector<16xf32>
      %exp3A_1068 = math.exp %select_n3A_1067 : vector<16xf32>
      %swap3A_1069 = arith.constant 2 : i32
      %swap3A_1070 = arith.index_cast %swap3A_1069 : i32 to index
      %swap3A_1071 = arith.constant 48 : index
      %swap3A_1072 = tpu.vector_load %arg17[%swap3A_1070, %swap3A_1071] {strides = array<i32>} : memref<12x128xf32, #tpu.memory_space<vmem>>, vector<1x16xf32>,
      %swap3A_1073 = vector.shape_cast %swap3A_1072 : vector<1x16xf32> to vector<16xf32>
      %swap3A_1074 = vector.shape_cast %exp3A_1068 : vector<16xf32> to vector<1x16xf32>
      tpu.vector_store %arg17[%swap3A_1070, %swap3A_1071], %swap3A_1074 {strides = array<i32>} : memref<12x128xf32, #tpu.memory_space<vmem>>, vector<1x16xf32>,
      %mul3A_1075 = arith.mulf %exp3A_1068, %get3A_890 : vector<16xf32>
      %swap3A_1076 = arith.constant 8 : i32
      %swap3A_1077 = arith.index_cast %swap3A_1076 : i32 to index
      %swap3A_1078 = arith.constant 48 : index
      %swap3A_1079 = tpu.vector_load %arg17[%swap3A_1077, %swap3A_1078] {strides = array<i32>} : memref<12x128xf32, #tpu.memory_space<vmem>>, vector<1x16xf32>,
      %swap3A_1080 = vector.shape_cast %swap3A_1079 : vector<1x16xf32> to vector<16xf32>
      %swap3A_1081 = vector.shape_cast %mul3A_1075 : vector<16xf32> to vector<1x16xf32>
      tpu.vector_store %arg17[%swap3A_1077, %swap3A_1078], %swap3A_1081 {strides = array<i32>} : memref<12x128xf32, #tpu.memory_space<vmem>>, vector<1x16xf32>,
      %mul3A_1082 = arith.mulf %exp3A_1068, %get3A_893 : vector<16xf32>
      %swap3A_1083 = arith.constant 9 : i32
      %swap3A_1084 = arith.index_cast %swap3A_1083 : i32 to index
      %swap3A_1085 = arith.constant 48 : index
      %swap3A_1086 = tpu.vector_load %arg17[%swap3A_1084, %swap3A_1085] {strides = array<i32>} : memref<12x128xf32, #tpu.memory_space<vmem>>, vector<1x16xf32>,
      %swap3A_1087 = vector.shape_cast %swap3A_1086 : vector<1x16xf32> to vector<16xf32>
      %swap3A_1088 = vector.shape_cast %mul3A_1082 : vector<16xf32> to vector<1x16xf32>
      tpu.vector_store %arg17[%swap3A_1084, %swap3A_1085], %swap3A_1088 {strides = array<i32>} : memref<12x128xf32, #tpu.memory_space<vmem>>, vector<1x16xf32>,
      %get3A_1089 = arith.constant 15 : i32
      %get3A_1090 = arith.index_cast %get3A_1089 : i32 to index
      %get3A_1091 = arith.constant 0 : index
      %get3A_1092 = tpu.vector_load %arg9[%get3A_1090, %get3A_1091] {strides = array<i32>} : memref<20x16xf32, #tpu.memory_space<vmem>>, vector<1x16xf32>,
      %get3A_1093 = vector.shape_cast %get3A_1092 : vector<1x16xf32> to vector<16xf32>
      %mul3A_1094 = arith.mulf %get3A_890, %get3A_1093 : vector<16xf32>
      %get3A_1095 = arith.constant 16 : i32
      %get3A_1096 = arith.index_cast %get3A_1095 : i32 to index
      %get3A_1097 = arith.constant 0 : index
      %get3A_1098 = tpu.vector_load %arg9[%get3A_1096, %get3A_1097] {strides = array<i32>} : memref<20x16xf32, #tpu.memory_space<vmem>>, vector<1x16xf32>,
      %get3A_1099 = vector.shape_cast %get3A_1098 : vector<1x16xf32> to vector<16xf32>
      %mul3A_1100 = arith.mulf %get3A_893, %get3A_1099 : vector<16xf32>
      %add3A_1101 = arith.addf %mul3A_1094, %mul3A_1100 : vector<16xf32>
      %get3A_1102 = arith.constant 17 : i32
      %get3A_1103 = arith.index_cast %get3A_1102 : i32 to index
      %get3A_1104 = arith.constant 0 : index
      %get3A_1105 = tpu.vector_load %arg9[%get3A_1103, %get3A_1104] {strides = array<i32>} : memref<20x16xf32, #tpu.memory_space<vmem>>, vector<1x16xf32>,
      %get3A_1106 = vector.shape_cast %get3A_1105 : vector<1x16xf32> to vector<16xf32>
      %mul3A_1107 = arith.mulf %get3A_896, %get3A_1106 : vector<16xf32>
      %get3A_1108 = arith.constant 18 : i32
      %get3A_1109 = arith.index_cast %get3A_1108 : i32 to index
      %get3A_1110 = arith.constant 0 : index
      %get3A_1111 = tpu.vector_load %arg9[%get3A_1109, %get3A_1110] {strides = array<i32>} : memref<20x16xf32, #tpu.memory_space<vmem>>, vector<1x16xf32>,
      %get3A_1112 = vector.shape_cast %get3A_1111 : vector<1x16xf32> to vector<16xf32>
      %mul3A_1113 = arith.mulf %get3A_899, %get3A_1112 : vector<16xf32>
      %add3A_1114 = arith.addf %mul3A_1107, %mul3A_1113 : vector<16xf32>
      %add3A_1115 = arith.addf %add3A_1101, %add3A_1114 : vector<16xf32>
      %get3A_1116 = arith.constant 19 : i32
      %get3A_1117 = arith.index_cast %get3A_1116 : i32 to index
      %get3A_1118 = arith.constant 0 : index
      %get3A_1119 = tpu.vector_load %arg9[%get3A_1117, %get3A_1118] {strides = array<i32>} : memref<20x16xf32, #tpu.memory_space<vmem>>, vector<1x16xf32>,
      %get3A_1120 = vector.shape_cast %get3A_1119 : vector<1x16xf32> to vector<16xf32>
      %mul3A_1121 = arith.mulf %get3A_902, %get3A_1120 : vector<16xf32>
      %add3A_1122 = arith.addf %add3A_1115, %mul3A_1121 : vector<16xf32>
      %gt3A_1123 = arith.constant 0.000000e+00 : f32
      %gt3A_1124 = vector.broadcast %gt3A_1123 : f32 to vector<16xf32>
      %gt3A_1125 = arith.cmpf ogt, %add3A_1122, %gt3A_1124 : vector<16xf32>
      %mul3A_1126 = arith.constant 2.000000e-01 : f32
      %mul3A_1127 = vector.broadcast %mul3A_1126 : f32 to vector<16xf32>
      %mul3A_1128 = arith.mulf %mul3A_1127, %add3A_1122 : vector<16xf32>
      %select_n3A_1129 = arith.select %gt3A_1125, %add3A_1122, %mul3A_1128 : vector<16xi1>, vector<16xf32>
      %exp3A_1130 = math.exp %select_n3A_1129 : vector<16xf32>
      %swap3A_1131 = arith.constant 3 : i32
      %swap3A_1132 = arith.index_cast %swap3A_1131 : i32 to index
      %swap3A_1133 = arith.constant 48 : index
      %swap3A_1134 = tpu.vector_load %arg17[%swap3A_1132, %swap3A_1133] {strides = array<i32>} : memref<12x128xf32, #tpu.memory_space<vmem>>, vector<1x16xf32>,
      %swap3A_1135 = vector.shape_cast %swap3A_1134 : vector<1x16xf32> to vector<16xf32>
      %swap3A_1136 = vector.shape_cast %exp3A_1130 : vector<16xf32> to vector<1x16xf32>
      tpu.vector_store %arg17[%swap3A_1132, %swap3A_1133], %swap3A_1136 {strides = array<i32>} : memref<12x128xf32, #tpu.memory_space<vmem>>, vector<1x16xf32>,
      %mul3A_1137 = arith.mulf %exp3A_1130, %get3A_890 : vector<16xf32>
      %swap3A_1138 = arith.constant 10 : i32
      %swap3A_1139 = arith.index_cast %swap3A_1138 : i32 to index
      %swap3A_1140 = arith.constant 48 : index
      %swap3A_1141 = tpu.vector_load %arg17[%swap3A_1139, %swap3A_1140] {strides = array<i32>} : memref<12x128xf32, #tpu.memory_space<vmem>>, vector<1x16xf32>,
      %swap3A_1142 = vector.shape_cast %swap3A_1141 : vector<1x16xf32> to vector<16xf32>
      %swap3A_1143 = vector.shape_cast %mul3A_1137 : vector<16xf32> to vector<1x16xf32>
      tpu.vector_store %arg17[%swap3A_1139, %swap3A_1140], %swap3A_1143 {strides = array<i32>} : memref<12x128xf32, #tpu.memory_space<vmem>>, vector<1x16xf32>,
      %mul3A_1144 = arith.mulf %exp3A_1130, %get3A_893 : vector<16xf32>
      %swap3A_1145 = arith.constant 11 : i32
      %swap3A_1146 = arith.index_cast %swap3A_1145 : i32 to index
      %swap3A_1147 = arith.constant 48 : index
      %swap3A_1148 = tpu.vector_load %arg17[%swap3A_1146, %swap3A_1147] {strides = array<i32>} : memref<12x128xf32, #tpu.memory_space<vmem>>, vector<1x16xf32>,
      %swap3A_1149 = vector.shape_cast %swap3A_1148 : vector<1x16xf32> to vector<16xf32>
      %swap3A_1150 = vector.shape_cast %mul3A_1144 : vector<16xf32> to vector<1x16xf32>
      tpu.vector_store %arg17[%swap3A_1146, %swap3A_1147], %swap3A_1150 {strides = array<i32>} : memref<12x128xf32, #tpu.memory_space<vmem>>, vector<1x16xf32>,
      %get3A_1151 = arith.constant 64 : index
      %get3A_1152 = tpu.vector_load %arg13[%get3A_1151] {strides = array<i32>} : memref<128xf32, #tpu.memory_space<vmem>>, vector<16xf32>,
      %get3A_1153 = vector.shape_cast %get3A_1152 : vector<16xf32> to vector<16xf32>
      %get3A_1154 = arith.constant 64 : index
      %get3A_1155 = tpu.vector_load %arg14[%get3A_1154] {strides = array<i32>} : memref<128xf32, #tpu.memory_space<vmem>>, vector<16xf32>,
      %get3A_1156 = vector.shape_cast %get3A_1155 : vector<16xf32> to vector<16xf32>
      %get3A_1157 = arith.constant 64 : index
      %get3A_1158 = tpu.vector_load %arg15[%get3A_1157] {strides = array<i32>} : memref<128xf32, #tpu.memory_space<vmem>>, vector<16xf32>,
      %get3A_1159 = vector.shape_cast %get3A_1158 : vector<16xf32> to vector<16xf32>
      %get3A_1160 = arith.constant 64 : index
      %get3A_1161 = tpu.vector_load %arg16[%get3A_1160] {strides = array<i32>} : memref<128xf32, #tpu.memory_space<vmem>>, vector<16xf32>,
      %get3A_1162 = vector.shape_cast %get3A_1161 : vector<16xf32> to vector<16xf32>
      %get3A_1163 = arith.constant 64 : index
      %get3A_1164 = tpu.vector_load %arg12[%get3A_1163] {strides = array<i32>} : memref<128xf32, #tpu.memory_space<vmem>>, vector<16xf32>,
      %get3A_1165 = vector.shape_cast %get3A_1164 : vector<16xf32> to vector<16xf32>
      %get3A_1166 = arith.constant 0 : i32
      %get3A_1167 = arith.index_cast %get3A_1166 : i32 to index
      %get3A_1168 = arith.constant 0 : index
      %get3A_1169 = tpu.vector_load %arg9[%get3A_1167, %get3A_1168] {strides = array<i32>} : memref<20x16xf32, #tpu.memory_space<vmem>>, vector<1x16xf32>,
      %get3A_1170 = vector.shape_cast %get3A_1169 : vector<1x16xf32> to vector<16xf32>
      %mul3A_1171 = arith.mulf %get3A_1153, %get3A_1170 : vector<16xf32>
      %get3A_1172 = arith.constant 1 : i32
      %get3A_1173 = arith.index_cast %get3A_1172 : i32 to index
      %get3A_1174 = arith.constant 0 : index
      %get3A_1175 = tpu.vector_load %arg9[%get3A_1173, %get3A_1174] {strides = array<i32>} : memref<20x16xf32, #tpu.memory_space<vmem>>, vector<1x16xf32>,
      %get3A_1176 = vector.shape_cast %get3A_1175 : vector<1x16xf32> to vector<16xf32>
      %mul3A_1177 = arith.mulf %get3A_1156, %get3A_1176 : vector<16xf32>
      %add3A_1178 = arith.addf %mul3A_1171, %mul3A_1177 : vector<16xf32>
      %get3A_1179 = arith.constant 2 : i32
      %get3A_1180 = arith.index_cast %get3A_1179 : i32 to index
      %get3A_1181 = arith.constant 0 : index
      %get3A_1182 = tpu.vector_load %arg9[%get3A_1180, %get3A_1181] {strides = array<i32>} : memref<20x16xf32, #tpu.memory_space<vmem>>, vector<1x16xf32>,
      %get3A_1183 = vector.shape_cast %get3A_1182 : vector<1x16xf32> to vector<16xf32>
      %mul3A_1184 = arith.mulf %get3A_1159, %get3A_1183 : vector<16xf32>
      %get3A_1185 = arith.constant 3 : i32
      %get3A_1186 = arith.index_cast %get3A_1185 : i32 to index
      %get3A_1187 = arith.constant 0 : index
      %get3A_1188 = tpu.vector_load %arg9[%get3A_1186, %get3A_1187] {strides = array<i32>} : memref<20x16xf32, #tpu.memory_space<vmem>>, vector<1x16xf32>,
      %get3A_1189 = vector.shape_cast %get3A_1188 : vector<1x16xf32> to vector<16xf32>
      %mul3A_1190 = arith.mulf %get3A_1162, %get3A_1189 : vector<16xf32>
      %add3A_1191 = arith.addf %mul3A_1184, %mul3A_1190 : vector<16xf32>
      %add3A_1192 = arith.addf %add3A_1178, %add3A_1191 : vector<16xf32>
      %get3A_1193 = arith.constant 4 : i32
      %get3A_1194 = arith.index_cast %get3A_1193 : i32 to index
      %get3A_1195 = arith.constant 0 : index
      %get3A_1196 = tpu.vector_load %arg9[%get3A_1194, %get3A_1195] {strides = array<i32>} : memref<20x16xf32, #tpu.memory_space<vmem>>, vector<1x16xf32>,
      %get3A_1197 = vector.shape_cast %get3A_1196 : vector<1x16xf32> to vector<16xf32>
      %mul3A_1198 = arith.mulf %get3A_1165, %get3A_1197 : vector<16xf32>
      %add3A_1199 = arith.addf %add3A_1192, %mul3A_1198 : vector<16xf32>
      %gt3A_1200 = arith.constant 0.000000e+00 : f32
      %gt3A_1201 = vector.broadcast %gt3A_1200 : f32 to vector<16xf32>
      %gt3A_1202 = arith.cmpf ogt, %add3A_1199, %gt3A_1201 : vector<16xf32>
      %mul3A_1203 = arith.constant 2.000000e-01 : f32
      %mul3A_1204 = vector.broadcast %mul3A_1203 : f32 to vector<16xf32>
      %mul3A_1205 = arith.mulf %mul3A_1204, %add3A_1199 : vector<16xf32>
      %select_n3A_1206 = arith.select %gt3A_1202, %add3A_1199, %mul3A_1205 : vector<16xi1>, vector<16xf32>
      %exp3A_1207 = math.exp %select_n3A_1206 : vector<16xf32>
      %swap3A_1208 = arith.constant 0 : i32
      %swap3A_1209 = arith.index_cast %swap3A_1208 : i32 to index
      %swap3A_1210 = arith.constant 64 : index
      %swap3A_1211 = tpu.vector_load %arg17[%swap3A_1209, %swap3A_1210] {strides = array<i32>} : memref<12x128xf32, #tpu.memory_space<vmem>>, vector<1x16xf32>,
      %swap3A_1212 = vector.shape_cast %swap3A_1211 : vector<1x16xf32> to vector<16xf32>
      %swap3A_1213 = vector.shape_cast %exp3A_1207 : vector<16xf32> to vector<1x16xf32>
      tpu.vector_store %arg17[%swap3A_1209, %swap3A_1210], %swap3A_1213 {strides = array<i32>} : memref<12x128xf32, #tpu.memory_space<vmem>>, vector<1x16xf32>,
      %mul3A_1214 = arith.mulf %exp3A_1207, %get3A_1153 : vector<16xf32>
      %swap3A_1215 = arith.constant 4 : i32
      %swap3A_1216 = arith.index_cast %swap3A_1215 : i32 to index
      %swap3A_1217 = arith.constant 64 : index
      %swap3A_1218 = tpu.vector_load %arg17[%swap3A_1216, %swap3A_1217] {strides = array<i32>} : memref<12x128xf32, #tpu.memory_space<vmem>>, vector<1x16xf32>,
      %swap3A_1219 = vector.shape_cast %swap3A_1218 : vector<1x16xf32> to vector<16xf32>
      %swap3A_1220 = vector.shape_cast %mul3A_1214 : vector<16xf32> to vector<1x16xf32>
      tpu.vector_store %arg17[%swap3A_1216, %swap3A_1217], %swap3A_1220 {strides = array<i32>} : memref<12x128xf32, #tpu.memory_space<vmem>>, vector<1x16xf32>,
      %mul3A_1221 = arith.mulf %exp3A_1207, %get3A_1156 : vector<16xf32>
      %swap3A_1222 = arith.constant 5 : i32
      %swap3A_1223 = arith.index_cast %swap3A_1222 : i32 to index
      %swap3A_1224 = arith.constant 64 : index
      %swap3A_1225 = tpu.vector_load %arg17[%swap3A_1223, %swap3A_1224] {strides = array<i32>} : memref<12x128xf32, #tpu.memory_space<vmem>>, vector<1x16xf32>,
      %swap3A_1226 = vector.shape_cast %swap3A_1225 : vector<1x16xf32> to vector<16xf32>
      %swap3A_1227 = vector.shape_cast %mul3A_1221 : vector<16xf32> to vector<1x16xf32>
      tpu.vector_store %arg17[%swap3A_1223, %swap3A_1224], %swap3A_1227 {strides = array<i32>} : memref<12x128xf32, #tpu.memory_space<vmem>>, vector<1x16xf32>,
      %get3A_1228 = arith.constant 5 : i32
      %get3A_1229 = arith.index_cast %get3A_1228 : i32 to index
      %get3A_1230 = arith.constant 0 : index
      %get3A_1231 = tpu.vector_load %arg9[%get3A_1229, %get3A_1230] {strides = array<i32>} : memref<20x16xf32, #tpu.memory_space<vmem>>, vector<1x16xf32>,
      %get3A_1232 = vector.shape_cast %get3A_1231 : vector<1x16xf32> to vector<16xf32>
      %mul3A_1233 = arith.mulf %get3A_1153, %get3A_1232 : vector<16xf32>
      %get3A_1234 = arith.constant 6 : i32
      %get3A_1235 = arith.index_cast %get3A_1234 : i32 to index
      %get3A_1236 = arith.constant 0 : index
      %get3A_1237 = tpu.vector_load %arg9[%get3A_1235, %get3A_1236] {strides = array<i32>} : memref<20x16xf32, #tpu.memory_space<vmem>>, vector<1x16xf32>,
      %get3A_1238 = vector.shape_cast %get3A_1237 : vector<1x16xf32> to vector<16xf32>
      %mul3A_1239 = arith.mulf %get3A_1156, %get3A_1238 : vector<16xf32>
      %add3A_1240 = arith.addf %mul3A_1233, %mul3A_1239 : vector<16xf32>
      %get3A_1241 = arith.constant 7 : i32
      %get3A_1242 = arith.index_cast %get3A_1241 : i32 to index
      %get3A_1243 = arith.constant 0 : index
      %get3A_1244 = tpu.vector_load %arg9[%get3A_1242, %get3A_1243] {strides = array<i32>} : memref<20x16xf32, #tpu.memory_space<vmem>>, vector<1x16xf32>,
      %get3A_1245 = vector.shape_cast %get3A_1244 : vector<1x16xf32> to vector<16xf32>
      %mul3A_1246 = arith.mulf %get3A_1159, %get3A_1245 : vector<16xf32>
      %get3A_1247 = arith.constant 8 : i32
      %get3A_1248 = arith.index_cast %get3A_1247 : i32 to index
      %get3A_1249 = arith.constant 0 : index
      %get3A_1250 = tpu.vector_load %arg9[%get3A_1248, %get3A_1249] {strides = array<i32>} : memref<20x16xf32, #tpu.memory_space<vmem>>, vector<1x16xf32>,
      %get3A_1251 = vector.shape_cast %get3A_1250 : vector<1x16xf32> to vector<16xf32>
      %mul3A_1252 = arith.mulf %get3A_1162, %get3A_1251 : vector<16xf32>
      %add3A_1253 = arith.addf %mul3A_1246, %mul3A_1252 : vector<16xf32>
      %add3A_1254 = arith.addf %add3A_1240, %add3A_1253 : vector<16xf32>
      %get3A_1255 = arith.constant 9 : i32
      %get3A_1256 = arith.index_cast %get3A_1255 : i32 to index
      %get3A_1257 = arith.constant 0 : index
      %get3A_1258 = tpu.vector_load %arg9[%get3A_1256, %get3A_1257] {strides = array<i32>} : memref<20x16xf32, #tpu.memory_space<vmem>>, vector<1x16xf32>,
      %get3A_1259 = vector.shape_cast %get3A_1258 : vector<1x16xf32> to vector<16xf32>
      %mul3A_1260 = arith.mulf %get3A_1165, %get3A_1259 : vector<16xf32>
      %add3A_1261 = arith.addf %add3A_1254, %mul3A_1260 : vector<16xf32>
      %gt3A_1262 = arith.constant 0.000000e+00 : f32
      %gt3A_1263 = vector.broadcast %gt3A_1262 : f32 to vector<16xf32>
      %gt3A_1264 = arith.cmpf ogt, %add3A_1261, %gt3A_1263 : vector<16xf32>
      %mul3A_1265 = arith.constant 2.000000e-01 : f32
      %mul3A_1266 = vector.broadcast %mul3A_1265 : f32 to vector<16xf32>
      %mul3A_1267 = arith.mulf %mul3A_1266, %add3A_1261 : vector<16xf32>
      %select_n3A_1268 = arith.select %gt3A_1264, %add3A_1261, %mul3A_1267 : vector<16xi1>, vector<16xf32>
      %exp3A_1269 = math.exp %select_n3A_1268 : vector<16xf32>
      %swap3A_1270 = arith.constant 1 : i32
      %swap3A_1271 = arith.index_cast %swap3A_1270 : i32 to index
      %swap3A_1272 = arith.constant 64 : index
      %swap3A_1273 = tpu.vector_load %arg17[%swap3A_1271, %swap3A_1272] {strides = array<i32>} : memref<12x128xf32, #tpu.memory_space<vmem>>, vector<1x16xf32>,
      %swap3A_1274 = vector.shape_cast %swap3A_1273 : vector<1x16xf32> to vector<16xf32>
      %swap3A_1275 = vector.shape_cast %exp3A_1269 : vector<16xf32> to vector<1x16xf32>
      tpu.vector_store %arg17[%swap3A_1271, %swap3A_1272], %swap3A_1275 {strides = array<i32>} : memref<12x128xf32, #tpu.memory_space<vmem>>, vector<1x16xf32>,
      %mul3A_1276 = arith.mulf %exp3A_1269, %get3A_1153 : vector<16xf32>
      %swap3A_1277 = arith.constant 6 : i32
      %swap3A_1278 = arith.index_cast %swap3A_1277 : i32 to index
      %swap3A_1279 = arith.constant 64 : index
      %swap3A_1280 = tpu.vector_load %arg17[%swap3A_1278, %swap3A_1279] {strides = array<i32>} : memref<12x128xf32, #tpu.memory_space<vmem>>, vector<1x16xf32>,
      %swap3A_1281 = vector.shape_cast %swap3A_1280 : vector<1x16xf32> to vector<16xf32>
      %swap3A_1282 = vector.shape_cast %mul3A_1276 : vector<16xf32> to vector<1x16xf32>
      tpu.vector_store %arg17[%swap3A_1278, %swap3A_1279], %swap3A_1282 {strides = array<i32>} : memref<12x128xf32, #tpu.memory_space<vmem>>, vector<1x16xf32>,
      %mul3A_1283 = arith.mulf %exp3A_1269, %get3A_1156 : vector<16xf32>
      %swap3A_1284 = arith.constant 7 : i32
      %swap3A_1285 = arith.index_cast %swap3A_1284 : i32 to index
      %swap3A_1286 = arith.constant 64 : index
      %swap3A_1287 = tpu.vector_load %arg17[%swap3A_1285, %swap3A_1286] {strides = array<i32>} : memref<12x128xf32, #tpu.memory_space<vmem>>, vector<1x16xf32>,
      %swap3A_1288 = vector.shape_cast %swap3A_1287 : vector<1x16xf32> to vector<16xf32>
      %swap3A_1289 = vector.shape_cast %mul3A_1283 : vector<16xf32> to vector<1x16xf32>
      tpu.vector_store %arg17[%swap3A_1285, %swap3A_1286], %swap3A_1289 {strides = array<i32>} : memref<12x128xf32, #tpu.memory_space<vmem>>, vector<1x16xf32>,
      %get3A_1290 = arith.constant 10 : i32
      %get3A_1291 = arith.index_cast %get3A_1290 : i32 to index
      %get3A_1292 = arith.constant 0 : index
      %get3A_1293 = tpu.vector_load %arg9[%get3A_1291, %get3A_1292] {strides = array<i32>} : memref<20x16xf32, #tpu.memory_space<vmem>>, vector<1x16xf32>,
      %get3A_1294 = vector.shape_cast %get3A_1293 : vector<1x16xf32> to vector<16xf32>
      %mul3A_1295 = arith.mulf %get3A_1153, %get3A_1294 : vector<16xf32>
      %get3A_1296 = arith.constant 11 : i32
      %get3A_1297 = arith.index_cast %get3A_1296 : i32 to index
      %get3A_1298 = arith.constant 0 : index
      %get3A_1299 = tpu.vector_load %arg9[%get3A_1297, %get3A_1298] {strides = array<i32>} : memref<20x16xf32, #tpu.memory_space<vmem>>, vector<1x16xf32>,
      %get3A_1300 = vector.shape_cast %get3A_1299 : vector<1x16xf32> to vector<16xf32>
      %mul3A_1301 = arith.mulf %get3A_1156, %get3A_1300 : vector<16xf32>
      %add3A_1302 = arith.addf %mul3A_1295, %mul3A_1301 : vector<16xf32>
      %get3A_1303 = arith.constant 12 : i32
      %get3A_1304 = arith.index_cast %get3A_1303 : i32 to index
      %get3A_1305 = arith.constant 0 : index
      %get3A_1306 = tpu.vector_load %arg9[%get3A_1304, %get3A_1305] {strides = array<i32>} : memref<20x16xf32, #tpu.memory_space<vmem>>, vector<1x16xf32>,
      %get3A_1307 = vector.shape_cast %get3A_1306 : vector<1x16xf32> to vector<16xf32>
      %mul3A_1308 = arith.mulf %get3A_1159, %get3A_1307 : vector<16xf32>
      %get3A_1309 = arith.constant 13 : i32
      %get3A_1310 = arith.index_cast %get3A_1309 : i32 to index
      %get3A_1311 = arith.constant 0 : index
      %get3A_1312 = tpu.vector_load %arg9[%get3A_1310, %get3A_1311] {strides = array<i32>} : memref<20x16xf32, #tpu.memory_space<vmem>>, vector<1x16xf32>,
      %get3A_1313 = vector.shape_cast %get3A_1312 : vector<1x16xf32> to vector<16xf32>
      %mul3A_1314 = arith.mulf %get3A_1162, %get3A_1313 : vector<16xf32>
      %add3A_1315 = arith.addf %mul3A_1308, %mul3A_1314 : vector<16xf32>
      %add3A_1316 = arith.addf %add3A_1302, %add3A_1315 : vector<16xf32>
      %get3A_1317 = arith.constant 14 : i32
      %get3A_1318 = arith.index_cast %get3A_1317 : i32 to index
      %get3A_1319 = arith.constant 0 : index
      %get3A_1320 = tpu.vector_load %arg9[%get3A_1318, %get3A_1319] {strides = array<i32>} : memref<20x16xf32, #tpu.memory_space<vmem>>, vector<1x16xf32>,
      %get3A_1321 = vector.shape_cast %get3A_1320 : vector<1x16xf32> to vector<16xf32>
      %mul3A_1322 = arith.mulf %get3A_1165, %get3A_1321 : vector<16xf32>
      %add3A_1323 = arith.addf %add3A_1316, %mul3A_1322 : vector<16xf32>
      %gt3A_1324 = arith.constant 0.000000e+00 : f32
      %gt3A_1325 = vector.broadcast %gt3A_1324 : f32 to vector<16xf32>
      %gt3A_1326 = arith.cmpf ogt, %add3A_1323, %gt3A_1325 : vector<16xf32>
      %mul3A_1327 = arith.constant 2.000000e-01 : f32
      %mul3A_1328 = vector.broadcast %mul3A_1327 : f32 to vector<16xf32>
      %mul3A_1329 = arith.mulf %mul3A_1328, %add3A_1323 : vector<16xf32>
      %select_n3A_1330 = arith.select %gt3A_1326, %add3A_1323, %mul3A_1329 : vector<16xi1>, vector<16xf32>
      %exp3A_1331 = math.exp %select_n3A_1330 : vector<16xf32>
      %swap3A_1332 = arith.constant 2 : i32
      %swap3A_1333 = arith.index_cast %swap3A_1332 : i32 to index
      %swap3A_1334 = arith.constant 64 : index
      %swap3A_1335 = tpu.vector_load %arg17[%swap3A_1333, %swap3A_1334] {strides = array<i32>} : memref<12x128xf32, #tpu.memory_space<vmem>>, vector<1x16xf32>,
      %swap3A_1336 = vector.shape_cast %swap3A_1335 : vector<1x16xf32> to vector<16xf32>
      %swap3A_1337 = vector.shape_cast %exp3A_1331 : vector<16xf32> to vector<1x16xf32>
      tpu.vector_store %arg17[%swap3A_1333, %swap3A_1334], %swap3A_1337 {strides = array<i32>} : memref<12x128xf32, #tpu.memory_space<vmem>>, vector<1x16xf32>,
      %mul3A_1338 = arith.mulf %exp3A_1331, %get3A_1153 : vector<16xf32>
      %swap3A_1339 = arith.constant 8 : i32
      %swap3A_1340 = arith.index_cast %swap3A_1339 : i32 to index
      %swap3A_1341 = arith.constant 64 : index
      %swap3A_1342 = tpu.vector_load %arg17[%swap3A_1340, %swap3A_1341] {strides = array<i32>} : memref<12x128xf32, #tpu.memory_space<vmem>>, vector<1x16xf32>,
      %swap3A_1343 = vector.shape_cast %swap3A_1342 : vector<1x16xf32> to vector<16xf32>
      %swap3A_1344 = vector.shape_cast %mul3A_1338 : vector<16xf32> to vector<1x16xf32>
      tpu.vector_store %arg17[%swap3A_1340, %swap3A_1341], %swap3A_1344 {strides = array<i32>} : memref<12x128xf32, #tpu.memory_space<vmem>>, vector<1x16xf32>,
      %mul3A_1345 = arith.mulf %exp3A_1331, %get3A_1156 : vector<16xf32>
      %swap3A_1346 = arith.constant 9 : i32
      %swap3A_1347 = arith.index_cast %swap3A_1346 : i32 to index
      %swap3A_1348 = arith.constant 64 : index
      %swap3A_1349 = tpu.vector_load %arg17[%swap3A_1347, %swap3A_1348] {strides = array<i32>} : memref<12x128xf32, #tpu.memory_space<vmem>>, vector<1x16xf32>,
      %swap3A_1350 = vector.shape_cast %swap3A_1349 : vector<1x16xf32> to vector<16xf32>
      %swap3A_1351 = vector.shape_cast %mul3A_1345 : vector<16xf32> to vector<1x16xf32>
      tpu.vector_store %arg17[%swap3A_1347, %swap3A_1348], %swap3A_1351 {strides = array<i32>} : memref<12x128xf32, #tpu.memory_space<vmem>>, vector<1x16xf32>,
      %get3A_1352 = arith.constant 15 : i32
      %get3A_1353 = arith.index_cast %get3A_1352 : i32 to index
      %get3A_1354 = arith.constant 0 : index
      %get3A_1355 = tpu.vector_load %arg9[%get3A_1353, %get3A_1354] {strides = array<i32>} : memref<20x16xf32, #tpu.memory_space<vmem>>, vector<1x16xf32>,
      %get3A_1356 = vector.shape_cast %get3A_1355 : vector<1x16xf32> to vector<16xf32>
      %mul3A_1357 = arith.mulf %get3A_1153, %get3A_1356 : vector<16xf32>
      %get3A_1358 = arith.constant 16 : i32
      %get3A_1359 = arith.index_cast %get3A_1358 : i32 to index
      %get3A_1360 = arith.constant 0 : index
      %get3A_1361 = tpu.vector_load %arg9[%get3A_1359, %get3A_1360] {strides = array<i32>} : memref<20x16xf32, #tpu.memory_space<vmem>>, vector<1x16xf32>,
      %get3A_1362 = vector.shape_cast %get3A_1361 : vector<1x16xf32> to vector<16xf32>
      %mul3A_1363 = arith.mulf %get3A_1156, %get3A_1362 : vector<16xf32>
      %add3A_1364 = arith.addf %mul3A_1357, %mul3A_1363 : vector<16xf32>
      %get3A_1365 = arith.constant 17 : i32
      %get3A_1366 = arith.index_cast %get3A_1365 : i32 to index
      %get3A_1367 = arith.constant 0 : index
      %get3A_1368 = tpu.vector_load %arg9[%get3A_1366, %get3A_1367] {strides = array<i32>} : memref<20x16xf32, #tpu.memory_space<vmem>>, vector<1x16xf32>,
      %get3A_1369 = vector.shape_cast %get3A_1368 : vector<1x16xf32> to vector<16xf32>
      %mul3A_1370 = arith.mulf %get3A_1159, %get3A_1369 : vector<16xf32>
      %get3A_1371 = arith.constant 18 : i32
      %get3A_1372 = arith.index_cast %get3A_1371 : i32 to index
      %get3A_1373 = arith.constant 0 : index
      %get3A_1374 = tpu.vector_load %arg9[%get3A_1372, %get3A_1373] {strides = array<i32>} : memref<20x16xf32, #tpu.memory_space<vmem>>, vector<1x16xf32>,
      %get3A_1375 = vector.shape_cast %get3A_1374 : vector<1x16xf32> to vector<16xf32>
      %mul3A_1376 = arith.mulf %get3A_1162, %get3A_1375 : vector<16xf32>
      %add3A_1377 = arith.addf %mul3A_1370, %mul3A_1376 : vector<16xf32>
      %add3A_1378 = arith.addf %add3A_1364, %add3A_1377 : vector<16xf32>
      %get3A_1379 = arith.constant 19 : i32
      %get3A_1380 = arith.index_cast %get3A_1379 : i32 to index
      %get3A_1381 = arith.constant 0 : index
      %get3A_1382 = tpu.vector_load %arg9[%get3A_1380, %get3A_1381] {strides = array<i32>} : memref<20x16xf32, #tpu.memory_space<vmem>>, vector<1x16xf32>,
      %get3A_1383 = vector.shape_cast %get3A_1382 : vector<1x16xf32> to vector<16xf32>
      %mul3A_1384 = arith.mulf %get3A_1165, %get3A_1383 : vector<16xf32>
      %add3A_1385 = arith.addf %add3A_1378, %mul3A_1384 : vector<16xf32>
      %gt3A_1386 = arith.constant 0.000000e+00 : f32
      %gt3A_1387 = vector.broadcast %gt3A_1386 : f32 to vector<16xf32>
      %gt3A_1388 = arith.cmpf ogt, %add3A_1385, %gt3A_1387 : vector<16xf32>
      %mul3A_1389 = arith.constant 2.000000e-01 : f32
      %mul3A_1390 = vector.broadcast %mul3A_1389 : f32 to vector<16xf32>
      %mul3A_1391 = arith.mulf %mul3A_1390, %add3A_1385 : vector<16xf32>
      %select_n3A_1392 = arith.select %gt3A_1388, %add3A_1385, %mul3A_1391 : vector<16xi1>, vector<16xf32>
      %exp3A_1393 = math.exp %select_n3A_1392 : vector<16xf32>
      %swap3A_1394 = arith.constant 3 : i32
      %swap3A_1395 = arith.index_cast %swap3A_1394 : i32 to index
      %swap3A_1396 = arith.constant 64 : index
      %swap3A_1397 = tpu.vector_load %arg17[%swap3A_1395, %swap3A_1396] {strides = array<i32>} : memref<12x128xf32, #tpu.memory_space<vmem>>, vector<1x16xf32>,
      %swap3A_1398 = vector.shape_cast %swap3A_1397 : vector<1x16xf32> to vector<16xf32>
      %swap3A_1399 = vector.shape_cast %exp3A_1393 : vector<16xf32> to vector<1x16xf32>
      tpu.vector_store %arg17[%swap3A_1395, %swap3A_1396], %swap3A_1399 {strides = array<i32>} : memref<12x128xf32, #tpu.memory_space<vmem>>, vector<1x16xf32>,
      %mul3A_1400 = arith.mulf %exp3A_1393, %get3A_1153 : vector<16xf32>
      %swap3A_1401 = arith.constant 10 : i32
      %swap3A_1402 = arith.index_cast %swap3A_1401 : i32 to index
      %swap3A_1403 = arith.constant 64 : index
      %swap3A_1404 = tpu.vector_load %arg17[%swap3A_1402, %swap3A_1403] {strides = array<i32>} : memref<12x128xf32, #tpu.memory_space<vmem>>, vector<1x16xf32>,
      %swap3A_1405 = vector.shape_cast %swap3A_1404 : vector<1x16xf32> to vector<16xf32>
      %swap3A_1406 = vector.shape_cast %mul3A_1400 : vector<16xf32> to vector<1x16xf32>
      tpu.vector_store %arg17[%swap3A_1402, %swap3A_1403], %swap3A_1406 {strides = array<i32>} : memref<12x128xf32, #tpu.memory_space<vmem>>, vector<1x16xf32>,
      %mul3A_1407 = arith.mulf %exp3A_1393, %get3A_1156 : vector<16xf32>
      %swap3A_1408 = arith.constant 11 : i32
      %swap3A_1409 = arith.index_cast %swap3A_1408 : i32 to index
      %swap3A_1410 = arith.constant 64 : index
      %swap3A_1411 = tpu.vector_load %arg17[%swap3A_1409, %swap3A_1410] {strides = array<i32>} : memref<12x128xf32, #tpu.memory_space<vmem>>, vector<1x16xf32>,
      %swap3A_1412 = vector.shape_cast %swap3A_1411 : vector<1x16xf32> to vector<16xf32>
      %swap3A_1413 = vector.shape_cast %mul3A_1407 : vector<16xf32> to vector<1x16xf32>
      tpu.vector_store %arg17[%swap3A_1409, %swap3A_1410], %swap3A_1413 {strides = array<i32>} : memref<12x128xf32, #tpu.memory_space<vmem>>, vector<1x16xf32>,
      %get3A_1414 = arith.constant 80 : index
      %get3A_1415 = tpu.vector_load %arg13[%get3A_1414] {strides = array<i32>} : memref<128xf32, #tpu.memory_space<vmem>>, vector<16xf32>,
      %get3A_1416 = vector.shape_cast %get3A_1415 : vector<16xf32> to vector<16xf32>
      %get3A_1417 = arith.constant 80 : index
      %get3A_1418 = tpu.vector_load %arg14[%get3A_1417] {strides = array<i32>} : memref<128xf32, #tpu.memory_space<vmem>>, vector<16xf32>,
      %get3A_1419 = vector.shape_cast %get3A_1418 : vector<16xf32> to vector<16xf32>
      %get3A_1420 = arith.constant 80 : index
      %get3A_1421 = tpu.vector_load %arg15[%get3A_1420] {strides = array<i32>} : memref<128xf32, #tpu.memory_space<vmem>>, vector<16xf32>,
      %get3A_1422 = vector.shape_cast %get3A_1421 : vector<16xf32> to vector<16xf32>
      %get3A_1423 = arith.constant 80 : index
      %get3A_1424 = tpu.vector_load %arg16[%get3A_1423] {strides = array<i32>} : memref<128xf32, #tpu.memory_space<vmem>>, vector<16xf32>,
      %get3A_1425 = vector.shape_cast %get3A_1424 : vector<16xf32> to vector<16xf32>
      %get3A_1426 = arith.constant 80 : index
      %get3A_1427 = tpu.vector_load %arg12[%get3A_1426] {strides = array<i32>} : memref<128xf32, #tpu.memory_space<vmem>>, vector<16xf32>,
      %get3A_1428 = vector.shape_cast %get3A_1427 : vector<16xf32> to vector<16xf32>
      %get3A_1429 = arith.constant 0 : i32
      %get3A_1430 = arith.index_cast %get3A_1429 : i32 to index
      %get3A_1431 = arith.constant 0 : index
      %get3A_1432 = tpu.vector_load %arg9[%get3A_1430, %get3A_1431] {strides = array<i32>} : memref<20x16xf32, #tpu.memory_space<vmem>>, vector<1x16xf32>,
      %get3A_1433 = vector.shape_cast %get3A_1432 : vector<1x16xf32> to vector<16xf32>
      %mul3A_1434 = arith.mulf %get3A_1416, %get3A_1433 : vector<16xf32>
      %get3A_1435 = arith.constant 1 : i32
      %get3A_1436 = arith.index_cast %get3A_1435 : i32 to index
      %get3A_1437 = arith.constant 0 : index
      %get3A_1438 = tpu.vector_load %arg9[%get3A_1436, %get3A_1437] {strides = array<i32>} : memref<20x16xf32, #tpu.memory_space<vmem>>, vector<1x16xf32>,
      %get3A_1439 = vector.shape_cast %get3A_1438 : vector<1x16xf32> to vector<16xf32>
      %mul3A_1440 = arith.mulf %get3A_1419, %get3A_1439 : vector<16xf32>
      %add3A_1441 = arith.addf %mul3A_1434, %mul3A_1440 : vector<16xf32>
      %get3A_1442 = arith.constant 2 : i32
      %get3A_1443 = arith.index_cast %get3A_1442 : i32 to index
      %get3A_1444 = arith.constant 0 : index
      %get3A_1445 = tpu.vector_load %arg9[%get3A_1443, %get3A_1444] {strides = array<i32>} : memref<20x16xf32, #tpu.memory_space<vmem>>, vector<1x16xf32>,
      %get3A_1446 = vector.shape_cast %get3A_1445 : vector<1x16xf32> to vector<16xf32>
      %mul3A_1447 = arith.mulf %get3A_1422, %get3A_1446 : vector<16xf32>
      %get3A_1448 = arith.constant 3 : i32
      %get3A_1449 = arith.index_cast %get3A_1448 : i32 to index
      %get3A_1450 = arith.constant 0 : index
      %get3A_1451 = tpu.vector_load %arg9[%get3A_1449, %get3A_1450] {strides = array<i32>} : memref<20x16xf32, #tpu.memory_space<vmem>>, vector<1x16xf32>,
      %get3A_1452 = vector.shape_cast %get3A_1451 : vector<1x16xf32> to vector<16xf32>
      %mul3A_1453 = arith.mulf %get3A_1425, %get3A_1452 : vector<16xf32>
      %add3A_1454 = arith.addf %mul3A_1447, %mul3A_1453 : vector<16xf32>
      %add3A_1455 = arith.addf %add3A_1441, %add3A_1454 : vector<16xf32>
      %get3A_1456 = arith.constant 4 : i32
      %get3A_1457 = arith.index_cast %get3A_1456 : i32 to index
      %get3A_1458 = arith.constant 0 : index
      %get3A_1459 = tpu.vector_load %arg9[%get3A_1457, %get3A_1458] {strides = array<i32>} : memref<20x16xf32, #tpu.memory_space<vmem>>, vector<1x16xf32>,
      %get3A_1460 = vector.shape_cast %get3A_1459 : vector<1x16xf32> to vector<16xf32>
      %mul3A_1461 = arith.mulf %get3A_1428, %get3A_1460 : vector<16xf32>
      %add3A_1462 = arith.addf %add3A_1455, %mul3A_1461 : vector<16xf32>
      %gt3A_1463 = arith.constant 0.000000e+00 : f32
      %gt3A_1464 = vector.broadcast %gt3A_1463 : f32 to vector<16xf32>
      %gt3A_1465 = arith.cmpf ogt, %add3A_1462, %gt3A_1464 : vector<16xf32>
      %mul3A_1466 = arith.constant 2.000000e-01 : f32
      %mul3A_1467 = vector.broadcast %mul3A_1466 : f32 to vector<16xf32>
      %mul3A_1468 = arith.mulf %mul3A_1467, %add3A_1462 : vector<16xf32>
      %select_n3A_1469 = arith.select %gt3A_1465, %add3A_1462, %mul3A_1468 : vector<16xi1>, vector<16xf32>
      %exp3A_1470 = math.exp %select_n3A_1469 : vector<16xf32>
      %swap3A_1471 = arith.constant 0 : i32
      %swap3A_1472 = arith.index_cast %swap3A_1471 : i32 to index
      %swap3A_1473 = arith.constant 80 : index
      %swap3A_1474 = tpu.vector_load %arg17[%swap3A_1472, %swap3A_1473] {strides = array<i32>} : memref<12x128xf32, #tpu.memory_space<vmem>>, vector<1x16xf32>,
      %swap3A_1475 = vector.shape_cast %swap3A_1474 : vector<1x16xf32> to vector<16xf32>
      %swap3A_1476 = vector.shape_cast %exp3A_1470 : vector<16xf32> to vector<1x16xf32>
      tpu.vector_store %arg17[%swap3A_1472, %swap3A_1473], %swap3A_1476 {strides = array<i32>} : memref<12x128xf32, #tpu.memory_space<vmem>>, vector<1x16xf32>,
      %mul3A_1477 = arith.mulf %exp3A_1470, %get3A_1416 : vector<16xf32>
      %swap3A_1478 = arith.constant 4 : i32
      %swap3A_1479 = arith.index_cast %swap3A_1478 : i32 to index
      %swap3A_1480 = arith.constant 80 : index
      %swap3A_1481 = tpu.vector_load %arg17[%swap3A_1479, %swap3A_1480] {strides = array<i32>} : memref<12x128xf32, #tpu.memory_space<vmem>>, vector<1x16xf32>,
      %swap3A_1482 = vector.shape_cast %swap3A_1481 : vector<1x16xf32> to vector<16xf32>
      %swap3A_1483 = vector.shape_cast %mul3A_1477 : vector<16xf32> to vector<1x16xf32>
      tpu.vector_store %arg17[%swap3A_1479, %swap3A_1480], %swap3A_1483 {strides = array<i32>} : memref<12x128xf32, #tpu.memory_space<vmem>>, vector<1x16xf32>,
      %mul3A_1484 = arith.mulf %exp3A_1470, %get3A_1419 : vector<16xf32>
      %swap3A_1485 = arith.constant 5 : i32
      %swap3A_1486 = arith.index_cast %swap3A_1485 : i32 to index
      %swap3A_1487 = arith.constant 80 : index
      %swap3A_1488 = tpu.vector_load %arg17[%swap3A_1486, %swap3A_1487] {strides = array<i32>} : memref<12x128xf32, #tpu.memory_space<vmem>>, vector<1x16xf32>,
      %swap3A_1489 = vector.shape_cast %swap3A_1488 : vector<1x16xf32> to vector<16xf32>
      %swap3A_1490 = vector.shape_cast %mul3A_1484 : vector<16xf32> to vector<1x16xf32>
      tpu.vector_store %arg17[%swap3A_1486, %swap3A_1487], %swap3A_1490 {strides = array<i32>} : memref<12x128xf32, #tpu.memory_space<vmem>>, vector<1x16xf32>,
      %get3A_1491 = arith.constant 5 : i32
      %get3A_1492 = arith.index_cast %get3A_1491 : i32 to index
      %get3A_1493 = arith.constant 0 : index
      %get3A_1494 = tpu.vector_load %arg9[%get3A_1492, %get3A_1493] {strides = array<i32>} : memref<20x16xf32, #tpu.memory_space<vmem>>, vector<1x16xf32>,
      %get3A_1495 = vector.shape_cast %get3A_1494 : vector<1x16xf32> to vector<16xf32>
      %mul3A_1496 = arith.mulf %get3A_1416, %get3A_1495 : vector<16xf32>
      %get3A_1497 = arith.constant 6 : i32
      %get3A_1498 = arith.index_cast %get3A_1497 : i32 to index
      %get3A_1499 = arith.constant 0 : index
      %get3A_1500 = tpu.vector_load %arg9[%get3A_1498, %get3A_1499] {strides = array<i32>} : memref<20x16xf32, #tpu.memory_space<vmem>>, vector<1x16xf32>,
      %get3A_1501 = vector.shape_cast %get3A_1500 : vector<1x16xf32> to vector<16xf32>
      %mul3A_1502 = arith.mulf %get3A_1419, %get3A_1501 : vector<16xf32>
      %add3A_1503 = arith.addf %mul3A_1496, %mul3A_1502 : vector<16xf32>
      %get3A_1504 = arith.constant 7 : i32
      %get3A_1505 = arith.index_cast %get3A_1504 : i32 to index
      %get3A_1506 = arith.constant 0 : index
      %get3A_1507 = tpu.vector_load %arg9[%get3A_1505, %get3A_1506] {strides = array<i32>} : memref<20x16xf32, #tpu.memory_space<vmem>>, vector<1x16xf32>,
      %get3A_1508 = vector.shape_cast %get3A_1507 : vector<1x16xf32> to vector<16xf32>
      %mul3A_1509 = arith.mulf %get3A_1422, %get3A_1508 : vector<16xf32>
      %get3A_1510 = arith.constant 8 : i32
      %get3A_1511 = arith.index_cast %get3A_1510 : i32 to index
      %get3A_1512 = arith.constant 0 : index
      %get3A_1513 = tpu.vector_load %arg9[%get3A_1511, %get3A_1512] {strides = array<i32>} : memref<20x16xf32, #tpu.memory_space<vmem>>, vector<1x16xf32>,
      %get3A_1514 = vector.shape_cast %get3A_1513 : vector<1x16xf32> to vector<16xf32>
      %mul3A_1515 = arith.mulf %get3A_1425, %get3A_1514 : vector<16xf32>
      %add3A_1516 = arith.addf %mul3A_1509, %mul3A_1515 : vector<16xf32>
      %add3A_1517 = arith.addf %add3A_1503, %add3A_1516 : vector<16xf32>
      %get3A_1518 = arith.constant 9 : i32
      %get3A_1519 = arith.index_cast %get3A_1518 : i32 to index
      %get3A_1520 = arith.constant 0 : index
      %get3A_1521 = tpu.vector_load %arg9[%get3A_1519, %get3A_1520] {strides = array<i32>} : memref<20x16xf32, #tpu.memory_space<vmem>>, vector<1x16xf32>,
      %get3A_1522 = vector.shape_cast %get3A_1521 : vector<1x16xf32> to vector<16xf32>
      %mul3A_1523 = arith.mulf %get3A_1428, %get3A_1522 : vector<16xf32>
      %add3A_1524 = arith.addf %add3A_1517, %mul3A_1523 : vector<16xf32>
      %gt3A_1525 = arith.constant 0.000000e+00 : f32
      %gt3A_1526 = vector.broadcast %gt3A_1525 : f32 to vector<16xf32>
      %gt3A_1527 = arith.cmpf ogt, %add3A_1524, %gt3A_1526 : vector<16xf32>
      %mul3A_1528 = arith.constant 2.000000e-01 : f32
      %mul3A_1529 = vector.broadcast %mul3A_1528 : f32 to vector<16xf32>
      %mul3A_1530 = arith.mulf %mul3A_1529, %add3A_1524 : vector<16xf32>
      %select_n3A_1531 = arith.select %gt3A_1527, %add3A_1524, %mul3A_1530 : vector<16xi1>, vector<16xf32>
      %exp3A_1532 = math.exp %select_n3A_1531 : vector<16xf32>
      %swap3A_1533 = arith.constant 1 : i32
      %swap3A_1534 = arith.index_cast %swap3A_1533 : i32 to index
      %swap3A_1535 = arith.constant 80 : index
      %swap3A_1536 = tpu.vector_load %arg17[%swap3A_1534, %swap3A_1535] {strides = array<i32>} : memref<12x128xf32, #tpu.memory_space<vmem>>, vector<1x16xf32>,
      %swap3A_1537 = vector.shape_cast %swap3A_1536 : vector<1x16xf32> to vector<16xf32>
      %swap3A_1538 = vector.shape_cast %exp3A_1532 : vector<16xf32> to vector<1x16xf32>
      tpu.vector_store %arg17[%swap3A_1534, %swap3A_1535], %swap3A_1538 {strides = array<i32>} : memref<12x128xf32, #tpu.memory_space<vmem>>, vector<1x16xf32>,
      %mul3A_1539 = arith.mulf %exp3A_1532, %get3A_1416 : vector<16xf32>
      %swap3A_1540 = arith.constant 6 : i32
      %swap3A_1541 = arith.index_cast %swap3A_1540 : i32 to index
      %swap3A_1542 = arith.constant 80 : index
      %swap3A_1543 = tpu.vector_load %arg17[%swap3A_1541, %swap3A_1542] {strides = array<i32>} : memref<12x128xf32, #tpu.memory_space<vmem>>, vector<1x16xf32>,
      %swap3A_1544 = vector.shape_cast %swap3A_1543 : vector<1x16xf32> to vector<16xf32>
      %swap3A_1545 = vector.shape_cast %mul3A_1539 : vector<16xf32> to vector<1x16xf32>
      tpu.vector_store %arg17[%swap3A_1541, %swap3A_1542], %swap3A_1545 {strides = array<i32>} : memref<12x128xf32, #tpu.memory_space<vmem>>, vector<1x16xf32>,
      %mul3A_1546 = arith.mulf %exp3A_1532, %get3A_1419 : vector<16xf32>
      %swap3A_1547 = arith.constant 7 : i32
      %swap3A_1548 = arith.index_cast %swap3A_1547 : i32 to index
      %swap3A_1549 = arith.constant 80 : index
      %swap3A_1550 = tpu.vector_load %arg17[%swap3A_1548, %swap3A_1549] {strides = array<i32>} : memref<12x128xf32, #tpu.memory_space<vmem>>, vector<1x16xf32>,
      %swap3A_1551 = vector.shape_cast %swap3A_1550 : vector<1x16xf32> to vector<16xf32>
      %swap3A_1552 = vector.shape_cast %mul3A_1546 : vector<16xf32> to vector<1x16xf32>
      tpu.vector_store %arg17[%swap3A_1548, %swap3A_1549], %swap3A_1552 {strides = array<i32>} : memref<12x128xf32, #tpu.memory_space<vmem>>, vector<1x16xf32>,
      %get3A_1553 = arith.constant 10 : i32
      %get3A_1554 = arith.index_cast %get3A_1553 : i32 to index
      %get3A_1555 = arith.constant 0 : index
      %get3A_1556 = tpu.vector_load %arg9[%get3A_1554, %get3A_1555] {strides = array<i32>} : memref<20x16xf32, #tpu.memory_space<vmem>>, vector<1x16xf32>,
      %get3A_1557 = vector.shape_cast %get3A_1556 : vector<1x16xf32> to vector<16xf32>
      %mul3A_1558 = arith.mulf %get3A_1416, %get3A_1557 : vector<16xf32>
      %get3A_1559 = arith.constant 11 : i32
      %get3A_1560 = arith.index_cast %get3A_1559 : i32 to index
      %get3A_1561 = arith.constant 0 : index
      %get3A_1562 = tpu.vector_load %arg9[%get3A_1560, %get3A_1561] {strides = array<i32>} : memref<20x16xf32, #tpu.memory_space<vmem>>, vector<1x16xf32>,
      %get3A_1563 = vector.shape_cast %get3A_1562 : vector<1x16xf32> to vector<16xf32>
      %mul3A_1564 = arith.mulf %get3A_1419, %get3A_1563 : vector<16xf32>
      %add3A_1565 = arith.addf %mul3A_1558, %mul3A_1564 : vector<16xf32>
      %get3A_1566 = arith.constant 12 : i32
      %get3A_1567 = arith.index_cast %get3A_1566 : i32 to index
      %get3A_1568 = arith.constant 0 : index
      %get3A_1569 = tpu.vector_load %arg9[%get3A_1567, %get3A_1568] {strides = array<i32>} : memref<20x16xf32, #tpu.memory_space<vmem>>, vector<1x16xf32>,
      %get3A_1570 = vector.shape_cast %get3A_1569 : vector<1x16xf32> to vector<16xf32>
      %mul3A_1571 = arith.mulf %get3A_1422, %get3A_1570 : vector<16xf32>
      %get3A_1572 = arith.constant 13 : i32
      %get3A_1573 = arith.index_cast %get3A_1572 : i32 to index
      %get3A_1574 = arith.constant 0 : index
      %get3A_1575 = tpu.vector_load %arg9[%get3A_1573, %get3A_1574] {strides = array<i32>} : memref<20x16xf32, #tpu.memory_space<vmem>>, vector<1x16xf32>,
      %get3A_1576 = vector.shape_cast %get3A_1575 : vector<1x16xf32> to vector<16xf32>
      %mul3A_1577 = arith.mulf %get3A_1425, %get3A_1576 : vector<16xf32>
      %add3A_1578 = arith.addf %mul3A_1571, %mul3A_1577 : vector<16xf32>
      %add3A_1579 = arith.addf %add3A_1565, %add3A_1578 : vector<16xf32>
      %get3A_1580 = arith.constant 14 : i32
      %get3A_1581 = arith.index_cast %get3A_1580 : i32 to index
      %get3A_1582 = arith.constant 0 : index
      %get3A_1583 = tpu.vector_load %arg9[%get3A_1581, %get3A_1582] {strides = array<i32>} : memref<20x16xf32, #tpu.memory_space<vmem>>, vector<1x16xf32>,
      %get3A_1584 = vector.shape_cast %get3A_1583 : vector<1x16xf32> to vector<16xf32>
      %mul3A_1585 = arith.mulf %get3A_1428, %get3A_1584 : vector<16xf32>
      %add3A_1586 = arith.addf %add3A_1579, %mul3A_1585 : vector<16xf32>
      %gt3A_1587 = arith.constant 0.000000e+00 : f32
      %gt3A_1588 = vector.broadcast %gt3A_1587 : f32 to vector<16xf32>
      %gt3A_1589 = arith.cmpf ogt, %add3A_1586, %gt3A_1588 : vector<16xf32>
      %mul3A_1590 = arith.constant 2.000000e-01 : f32
      %mul3A_1591 = vector.broadcast %mul3A_1590 : f32 to vector<16xf32>
      %mul3A_1592 = arith.mulf %mul3A_1591, %add3A_1586 : vector<16xf32>
      %select_n3A_1593 = arith.select %gt3A_1589, %add3A_1586, %mul3A_1592 : vector<16xi1>, vector<16xf32>
      %exp3A_1594 = math.exp %select_n3A_1593 : vector<16xf32>
      %swap3A_1595 = arith.constant 2 : i32
      %swap3A_1596 = arith.index_cast %swap3A_1595 : i32 to index
      %swap3A_1597 = arith.constant 80 : index
      %swap3A_1598 = tpu.vector_load %arg17[%swap3A_1596, %swap3A_1597] {strides = array<i32>} : memref<12x128xf32, #tpu.memory_space<vmem>>, vector<1x16xf32>,
      %swap3A_1599 = vector.shape_cast %swap3A_1598 : vector<1x16xf32> to vector<16xf32>
      %swap3A_1600 = vector.shape_cast %exp3A_1594 : vector<16xf32> to vector<1x16xf32>
      tpu.vector_store %arg17[%swap3A_1596, %swap3A_1597], %swap3A_1600 {strides = array<i32>} : memref<12x128xf32, #tpu.memory_space<vmem>>, vector<1x16xf32>,
      %mul3A_1601 = arith.mulf %exp3A_1594, %get3A_1416 : vector<16xf32>
      %swap3A_1602 = arith.constant 8 : i32
      %swap3A_1603 = arith.index_cast %swap3A_1602 : i32 to index
      %swap3A_1604 = arith.constant 80 : index
      %swap3A_1605 = tpu.vector_load %arg17[%swap3A_1603, %swap3A_1604] {strides = array<i32>} : memref<12x128xf32, #tpu.memory_space<vmem>>, vector<1x16xf32>,
      %swap3A_1606 = vector.shape_cast %swap3A_1605 : vector<1x16xf32> to vector<16xf32>
      %swap3A_1607 = vector.shape_cast %mul3A_1601 : vector<16xf32> to vector<1x16xf32>
      tpu.vector_store %arg17[%swap3A_1603, %swap3A_1604], %swap3A_1607 {strides = array<i32>} : memref<12x128xf32, #tpu.memory_space<vmem>>, vector<1x16xf32>,
      %mul3A_1608 = arith.mulf %exp3A_1594, %get3A_1419 : vector<16xf32>
      %swap3A_1609 = arith.constant 9 : i32
      %swap3A_1610 = arith.index_cast %swap3A_1609 : i32 to index
      %swap3A_1611 = arith.constant 80 : index
      %swap3A_1612 = tpu.vector_load %arg17[%swap3A_1610, %swap3A_1611] {strides = array<i32>} : memref<12x128xf32, #tpu.memory_space<vmem>>, vector<1x16xf32>,
      %swap3A_1613 = vector.shape_cast %swap3A_1612 : vector<1x16xf32> to vector<16xf32>
      %swap3A_1614 = vector.shape_cast %mul3A_1608 : vector<16xf32> to vector<1x16xf32>
      tpu.vector_store %arg17[%swap3A_1610, %swap3A_1611], %swap3A_1614 {strides = array<i32>} : memref<12x128xf32, #tpu.memory_space<vmem>>, vector<1x16xf32>,
      %get3A_1615 = arith.constant 15 : i32
      %get3A_1616 = arith.index_cast %get3A_1615 : i32 to index
      %get3A_1617 = arith.constant 0 : index
      %get3A_1618 = tpu.vector_load %arg9[%get3A_1616, %get3A_1617] {strides = array<i32>} : memref<20x16xf32, #tpu.memory_space<vmem>>, vector<1x16xf32>,
      %get3A_1619 = vector.shape_cast %get3A_1618 : vector<1x16xf32> to vector<16xf32>
      %mul3A_1620 = arith.mulf %get3A_1416, %get3A_1619 : vector<16xf32>
      %get3A_1621 = arith.constant 16 : i32
      %get3A_1622 = arith.index_cast %get3A_1621 : i32 to index
      %get3A_1623 = arith.constant 0 : index
      %get3A_1624 = tpu.vector_load %arg9[%get3A_1622, %get3A_1623] {strides = array<i32>} : memref<20x16xf32, #tpu.memory_space<vmem>>, vector<1x16xf32>,
      %get3A_1625 = vector.shape_cast %get3A_1624 : vector<1x16xf32> to vector<16xf32>
      %mul3A_1626 = arith.mulf %get3A_1419, %get3A_1625 : vector<16xf32>
      %add3A_1627 = arith.addf %mul3A_1620, %mul3A_1626 : vector<16xf32>
      %get3A_1628 = arith.constant 17 : i32
      %get3A_1629 = arith.index_cast %get3A_1628 : i32 to index
      %get3A_1630 = arith.constant 0 : index
      %get3A_1631 = tpu.vector_load %arg9[%get3A_1629, %get3A_1630] {strides = array<i32>} : memref<20x16xf32, #tpu.memory_space<vmem>>, vector<1x16xf32>,
      %get3A_1632 = vector.shape_cast %get3A_1631 : vector<1x16xf32> to vector<16xf32>
      %mul3A_1633 = arith.mulf %get3A_1422, %get3A_1632 : vector<16xf32>
      %get3A_1634 = arith.constant 18 : i32
      %get3A_1635 = arith.index_cast %get3A_1634 : i32 to index
      %get3A_1636 = arith.constant 0 : index
      %get3A_1637 = tpu.vector_load %arg9[%get3A_1635, %get3A_1636] {strides = array<i32>} : memref<20x16xf32, #tpu.memory_space<vmem>>, vector<1x16xf32>,
      %get3A_1638 = vector.shape_cast %get3A_1637 : vector<1x16xf32> to vector<16xf32>
      %mul3A_1639 = arith.mulf %get3A_1425, %get3A_1638 : vector<16xf32>
      %add3A_1640 = arith.addf %mul3A_1633, %mul3A_1639 : vector<16xf32>
      %add3A_1641 = arith.addf %add3A_1627, %add3A_1640 : vector<16xf32>
      %get3A_1642 = arith.constant 19 : i32
      %get3A_1643 = arith.index_cast %get3A_1642 : i32 to index
      %get3A_1644 = arith.constant 0 : index
      %get3A_1645 = tpu.vector_load %arg9[%get3A_1643, %get3A_1644] {strides = array<i32>} : memref<20x16xf32, #tpu.memory_space<vmem>>, vector<1x16xf32>,
      %get3A_1646 = vector.shape_cast %get3A_1645 : vector<1x16xf32> to vector<16xf32>
      %mul3A_1647 = arith.mulf %get3A_1428, %get3A_1646 : vector<16xf32>
      %add3A_1648 = arith.addf %add3A_1641, %mul3A_1647 : vector<16xf32>
      %gt3A_1649 = arith.constant 0.000000e+00 : f32
      %gt3A_1650 = vector.broadcast %gt3A_1649 : f32 to vector<16xf32>
      %gt3A_1651 = arith.cmpf ogt, %add3A_1648, %gt3A_1650 : vector<16xf32>
      %mul3A_1652 = arith.constant 2.000000e-01 : f32
      %mul3A_1653 = vector.broadcast %mul3A_1652 : f32 to vector<16xf32>
      %mul3A_1654 = arith.mulf %mul3A_1653, %add3A_1648 : vector<16xf32>
      %select_n3A_1655 = arith.select %gt3A_1651, %add3A_1648, %mul3A_1654 : vector<16xi1>, vector<16xf32>
      %exp3A_1656 = math.exp %select_n3A_1655 : vector<16xf32>
      %swap3A_1657 = arith.constant 3 : i32
      %swap3A_1658 = arith.index_cast %swap3A_1657 : i32 to index
      %swap3A_1659 = arith.constant 80 : index
      %swap3A_1660 = tpu.vector_load %arg17[%swap3A_1658, %swap3A_1659] {strides = array<i32>} : memref<12x128xf32, #tpu.memory_space<vmem>>, vector<1x16xf32>,
      %swap3A_1661 = vector.shape_cast %swap3A_1660 : vector<1x16xf32> to vector<16xf32>
      %swap3A_1662 = vector.shape_cast %exp3A_1656 : vector<16xf32> to vector<1x16xf32>
      tpu.vector_store %arg17[%swap3A_1658, %swap3A_1659], %swap3A_1662 {strides = array<i32>} : memref<12x128xf32, #tpu.memory_space<vmem>>, vector<1x16xf32>,
      %mul3A_1663 = arith.mulf %exp3A_1656, %get3A_1416 : vector<16xf32>
      %swap3A_1664 = arith.constant 10 : i32
      %swap3A_1665 = arith.index_cast %swap3A_1664 : i32 to index
      %swap3A_1666 = arith.constant 80 : index
      %swap3A_1667 = tpu.vector_load %arg17[%swap3A_1665, %swap3A_1666] {strides = array<i32>} : memref<12x128xf32, #tpu.memory_space<vmem>>, vector<1x16xf32>,
      %swap3A_1668 = vector.shape_cast %swap3A_1667 : vector<1x16xf32> to vector<16xf32>
      %swap3A_1669 = vector.shape_cast %mul3A_1663 : vector<16xf32> to vector<1x16xf32>
      tpu.vector_store %arg17[%swap3A_1665, %swap3A_1666], %swap3A_1669 {strides = array<i32>} : memref<12x128xf32, #tpu.memory_space<vmem>>, vector<1x16xf32>,
      %mul3A_1670 = arith.mulf %exp3A_1656, %get3A_1419 : vector<16xf32>
      %swap3A_1671 = arith.constant 11 : i32
      %swap3A_1672 = arith.index_cast %swap3A_1671 : i32 to index
      %swap3A_1673 = arith.constant 80 : index
      %swap3A_1674 = tpu.vector_load %arg17[%swap3A_1672, %swap3A_1673] {strides = array<i32>} : memref<12x128xf32, #tpu.memory_space<vmem>>, vector<1x16xf32>,
      %swap3A_1675 = vector.shape_cast %swap3A_1674 : vector<1x16xf32> to vector<16xf32>
      %swap3A_1676 = vector.shape_cast %mul3A_1670 : vector<16xf32> to vector<1x16xf32>
      tpu.vector_store %arg17[%swap3A_1672, %swap3A_1673], %swap3A_1676 {strides = array<i32>} : memref<12x128xf32, #tpu.memory_space<vmem>>, vector<1x16xf32>,
      %get3A_1677 = arith.constant 96 : index
      %get3A_1678 = tpu.vector_load %arg13[%get3A_1677] {strides = array<i32>} : memref<128xf32, #tpu.memory_space<vmem>>, vector<16xf32>,
      %get3A_1679 = vector.shape_cast %get3A_1678 : vector<16xf32> to vector<16xf32>
      %get3A_1680 = arith.constant 96 : index
      %get3A_1681 = tpu.vector_load %arg14[%get3A_1680] {strides = array<i32>} : memref<128xf32, #tpu.memory_space<vmem>>, vector<16xf32>,
      %get3A_1682 = vector.shape_cast %get3A_1681 : vector<16xf32> to vector<16xf32>
      %get3A_1683 = arith.constant 96 : index
      %get3A_1684 = tpu.vector_load %arg15[%get3A_1683] {strides = array<i32>} : memref<128xf32, #tpu.memory_space<vmem>>, vector<16xf32>,
      %get3A_1685 = vector.shape_cast %get3A_1684 : vector<16xf32> to vector<16xf32>
      %get3A_1686 = arith.constant 96 : index
      %get3A_1687 = tpu.vector_load %arg16[%get3A_1686] {strides = array<i32>} : memref<128xf32, #tpu.memory_space<vmem>>, vector<16xf32>,
      %get3A_1688 = vector.shape_cast %get3A_1687 : vector<16xf32> to vector<16xf32>
      %get3A_1689 = arith.constant 96 : index
      %get3A_1690 = tpu.vector_load %arg12[%get3A_1689] {strides = array<i32>} : memref<128xf32, #tpu.memory_space<vmem>>, vector<16xf32>,
      %get3A_1691 = vector.shape_cast %get3A_1690 : vector<16xf32> to vector<16xf32>
      %get3A_1692 = arith.constant 0 : i32
      %get3A_1693 = arith.index_cast %get3A_1692 : i32 to index
      %get3A_1694 = arith.constant 0 : index
      %get3A_1695 = tpu.vector_load %arg9[%get3A_1693, %get3A_1694] {strides = array<i32>} : memref<20x16xf32, #tpu.memory_space<vmem>>, vector<1x16xf32>,
      %get3A_1696 = vector.shape_cast %get3A_1695 : vector<1x16xf32> to vector<16xf32>
      %mul3A_1697 = arith.mulf %get3A_1679, %get3A_1696 : vector<16xf32>
      %get3A_1698 = arith.constant 1 : i32
      %get3A_1699 = arith.index_cast %get3A_1698 : i32 to index
      %get3A_1700 = arith.constant 0 : index
      %get3A_1701 = tpu.vector_load %arg9[%get3A_1699, %get3A_1700] {strides = array<i32>} : memref<20x16xf32, #tpu.memory_space<vmem>>, vector<1x16xf32>,
      %get3A_1702 = vector.shape_cast %get3A_1701 : vector<1x16xf32> to vector<16xf32>
      %mul3A_1703 = arith.mulf %get3A_1682, %get3A_1702 : vector<16xf32>
      %add3A_1704 = arith.addf %mul3A_1697, %mul3A_1703 : vector<16xf32>
      %get3A_1705 = arith.constant 2 : i32
      %get3A_1706 = arith.index_cast %get3A_1705 : i32 to index
      %get3A_1707 = arith.constant 0 : index
      %get3A_1708 = tpu.vector_load %arg9[%get3A_1706, %get3A_1707] {strides = array<i32>} : memref<20x16xf32, #tpu.memory_space<vmem>>, vector<1x16xf32>,
      %get3A_1709 = vector.shape_cast %get3A_1708 : vector<1x16xf32> to vector<16xf32>
      %mul3A_1710 = arith.mulf %get3A_1685, %get3A_1709 : vector<16xf32>
      %get3A_1711 = arith.constant 3 : i32
      %get3A_1712 = arith.index_cast %get3A_1711 : i32 to index
      %get3A_1713 = arith.constant 0 : index
      %get3A_1714 = tpu.vector_load %arg9[%get3A_1712, %get3A_1713] {strides = array<i32>} : memref<20x16xf32, #tpu.memory_space<vmem>>, vector<1x16xf32>,
      %get3A_1715 = vector.shape_cast %get3A_1714 : vector<1x16xf32> to vector<16xf32>
      %mul3A_1716 = arith.mulf %get3A_1688, %get3A_1715 : vector<16xf32>
      %add3A_1717 = arith.addf %mul3A_1710, %mul3A_1716 : vector<16xf32>
      %add3A_1718 = arith.addf %add3A_1704, %add3A_1717 : vector<16xf32>
      %get3A_1719 = arith.constant 4 : i32
      %get3A_1720 = arith.index_cast %get3A_1719 : i32 to index
      %get3A_1721 = arith.constant 0 : index
      %get3A_1722 = tpu.vector_load %arg9[%get3A_1720, %get3A_1721] {strides = array<i32>} : memref<20x16xf32, #tpu.memory_space<vmem>>, vector<1x16xf32>,
      %get3A_1723 = vector.shape_cast %get3A_1722 : vector<1x16xf32> to vector<16xf32>
      %mul3A_1724 = arith.mulf %get3A_1691, %get3A_1723 : vector<16xf32>
      %add3A_1725 = arith.addf %add3A_1718, %mul3A_1724 : vector<16xf32>
      %gt3A_1726 = arith.constant 0.000000e+00 : f32
      %gt3A_1727 = vector.broadcast %gt3A_1726 : f32 to vector<16xf32>
      %gt3A_1728 = arith.cmpf ogt, %add3A_1725, %gt3A_1727 : vector<16xf32>
      %mul3A_1729 = arith.constant 2.000000e-01 : f32
      %mul3A_1730 = vector.broadcast %mul3A_1729 : f32 to vector<16xf32>
      %mul3A_1731 = arith.mulf %mul3A_1730, %add3A_1725 : vector<16xf32>
      %select_n3A_1732 = arith.select %gt3A_1728, %add3A_1725, %mul3A_1731 : vector<16xi1>, vector<16xf32>
      %exp3A_1733 = math.exp %select_n3A_1732 : vector<16xf32>
      %swap3A_1734 = arith.constant 0 : i32
      %swap3A_1735 = arith.index_cast %swap3A_1734 : i32 to index
      %swap3A_1736 = arith.constant 96 : index
      %swap3A_1737 = tpu.vector_load %arg17[%swap3A_1735, %swap3A_1736] {strides = array<i32>} : memref<12x128xf32, #tpu.memory_space<vmem>>, vector<1x16xf32>,
      %swap3A_1738 = vector.shape_cast %swap3A_1737 : vector<1x16xf32> to vector<16xf32>
      %swap3A_1739 = vector.shape_cast %exp3A_1733 : vector<16xf32> to vector<1x16xf32>
      tpu.vector_store %arg17[%swap3A_1735, %swap3A_1736], %swap3A_1739 {strides = array<i32>} : memref<12x128xf32, #tpu.memory_space<vmem>>, vector<1x16xf32>,
      %mul3A_1740 = arith.mulf %exp3A_1733, %get3A_1679 : vector<16xf32>
      %swap3A_1741 = arith.constant 4 : i32
      %swap3A_1742 = arith.index_cast %swap3A_1741 : i32 to index
      %swap3A_1743 = arith.constant 96 : index
      %swap3A_1744 = tpu.vector_load %arg17[%swap3A_1742, %swap3A_1743] {strides = array<i32>} : memref<12x128xf32, #tpu.memory_space<vmem>>, vector<1x16xf32>,
      %swap3A_1745 = vector.shape_cast %swap3A_1744 : vector<1x16xf32> to vector<16xf32>
      %swap3A_1746 = vector.shape_cast %mul3A_1740 : vector<16xf32> to vector<1x16xf32>
      tpu.vector_store %arg17[%swap3A_1742, %swap3A_1743], %swap3A_1746 {strides = array<i32>} : memref<12x128xf32, #tpu.memory_space<vmem>>, vector<1x16xf32>,
      %mul3A_1747 = arith.mulf %exp3A_1733, %get3A_1682 : vector<16xf32>
      %swap3A_1748 = arith.constant 5 : i32
      %swap3A_1749 = arith.index_cast %swap3A_1748 : i32 to index
      %swap3A_1750 = arith.constant 96 : index
      %swap3A_1751 = tpu.vector_load %arg17[%swap3A_1749, %swap3A_1750] {strides = array<i32>} : memref<12x128xf32, #tpu.memory_space<vmem>>, vector<1x16xf32>,
      %swap3A_1752 = vector.shape_cast %swap3A_1751 : vector<1x16xf32> to vector<16xf32>
      %swap3A_1753 = vector.shape_cast %mul3A_1747 : vector<16xf32> to vector<1x16xf32>
      tpu.vector_store %arg17[%swap3A_1749, %swap3A_1750], %swap3A_1753 {strides = array<i32>} : memref<12x128xf32, #tpu.memory_space<vmem>>, vector<1x16xf32>,
      %get3A_1754 = arith.constant 5 : i32
      %get3A_1755 = arith.index_cast %get3A_1754 : i32 to index
      %get3A_1756 = arith.constant 0 : index
      %get3A_1757 = tpu.vector_load %arg9[%get3A_1755, %get3A_1756] {strides = array<i32>} : memref<20x16xf32, #tpu.memory_space<vmem>>, vector<1x16xf32>,
      %get3A_1758 = vector.shape_cast %get3A_1757 : vector<1x16xf32> to vector<16xf32>
      %mul3A_1759 = arith.mulf %get3A_1679, %get3A_1758 : vector<16xf32>
      %get3A_1760 = arith.constant 6 : i32
      %get3A_1761 = arith.index_cast %get3A_1760 : i32 to index
      %get3A_1762 = arith.constant 0 : index
      %get3A_1763 = tpu.vector_load %arg9[%get3A_1761, %get3A_1762] {strides = array<i32>} : memref<20x16xf32, #tpu.memory_space<vmem>>, vector<1x16xf32>,
      %get3A_1764 = vector.shape_cast %get3A_1763 : vector<1x16xf32> to vector<16xf32>
      %mul3A_1765 = arith.mulf %get3A_1682, %get3A_1764 : vector<16xf32>
      %add3A_1766 = arith.addf %mul3A_1759, %mul3A_1765 : vector<16xf32>
      %get3A_1767 = arith.constant 7 : i32
      %get3A_1768 = arith.index_cast %get3A_1767 : i32 to index
      %get3A_1769 = arith.constant 0 : index
      %get3A_1770 = tpu.vector_load %arg9[%get3A_1768, %get3A_1769] {strides = array<i32>} : memref<20x16xf32, #tpu.memory_space<vmem>>, vector<1x16xf32>,
      %get3A_1771 = vector.shape_cast %get3A_1770 : vector<1x16xf32> to vector<16xf32>
      %mul3A_1772 = arith.mulf %get3A_1685, %get3A_1771 : vector<16xf32>
      %get3A_1773 = arith.constant 8 : i32
      %get3A_1774 = arith.index_cast %get3A_1773 : i32 to index
      %get3A_1775 = arith.constant 0 : index
      %get3A_1776 = tpu.vector_load %arg9[%get3A_1774, %get3A_1775] {strides = array<i32>} : memref<20x16xf32, #tpu.memory_space<vmem>>, vector<1x16xf32>,
      %get3A_1777 = vector.shape_cast %get3A_1776 : vector<1x16xf32> to vector<16xf32>
      %mul3A_1778 = arith.mulf %get3A_1688, %get3A_1777 : vector<16xf32>
      %add3A_1779 = arith.addf %mul3A_1772, %mul3A_1778 : vector<16xf32>
      %add3A_1780 = arith.addf %add3A_1766, %add3A_1779 : vector<16xf32>
      %get3A_1781 = arith.constant 9 : i32
      %get3A_1782 = arith.index_cast %get3A_1781 : i32 to index
      %get3A_1783 = arith.constant 0 : index
      %get3A_1784 = tpu.vector_load %arg9[%get3A_1782, %get3A_1783] {strides = array<i32>} : memref<20x16xf32, #tpu.memory_space<vmem>>, vector<1x16xf32>,
      %get3A_1785 = vector.shape_cast %get3A_1784 : vector<1x16xf32> to vector<16xf32>
      %mul3A_1786 = arith.mulf %get3A_1691, %get3A_1785 : vector<16xf32>
      %add3A_1787 = arith.addf %add3A_1780, %mul3A_1786 : vector<16xf32>
      %gt3A_1788 = arith.constant 0.000000e+00 : f32
      %gt3A_1789 = vector.broadcast %gt3A_1788 : f32 to vector<16xf32>
      %gt3A_1790 = arith.cmpf ogt, %add3A_1787, %gt3A_1789 : vector<16xf32>
      %mul3A_1791 = arith.constant 2.000000e-01 : f32
      %mul3A_1792 = vector.broadcast %mul3A_1791 : f32 to vector<16xf32>
      %mul3A_1793 = arith.mulf %mul3A_1792, %add3A_1787 : vector<16xf32>
      %select_n3A_1794 = arith.select %gt3A_1790, %add3A_1787, %mul3A_1793 : vector<16xi1>, vector<16xf32>
      %exp3A_1795 = math.exp %select_n3A_1794 : vector<16xf32>
      %swap3A_1796 = arith.constant 1 : i32
      %swap3A_1797 = arith.index_cast %swap3A_1796 : i32 to index
      %swap3A_1798 = arith.constant 96 : index
      %swap3A_1799 = tpu.vector_load %arg17[%swap3A_1797, %swap3A_1798] {strides = array<i32>} : memref<12x128xf32, #tpu.memory_space<vmem>>, vector<1x16xf32>,
      %swap3A_1800 = vector.shape_cast %swap3A_1799 : vector<1x16xf32> to vector<16xf32>
      %swap3A_1801 = vector.shape_cast %exp3A_1795 : vector<16xf32> to vector<1x16xf32>
      tpu.vector_store %arg17[%swap3A_1797, %swap3A_1798], %swap3A_1801 {strides = array<i32>} : memref<12x128xf32, #tpu.memory_space<vmem>>, vector<1x16xf32>,
      %mul3A_1802 = arith.mulf %exp3A_1795, %get3A_1679 : vector<16xf32>
      %swap3A_1803 = arith.constant 6 : i32
      %swap3A_1804 = arith.index_cast %swap3A_1803 : i32 to index
      %swap3A_1805 = arith.constant 96 : index
      %swap3A_1806 = tpu.vector_load %arg17[%swap3A_1804, %swap3A_1805] {strides = array<i32>} : memref<12x128xf32, #tpu.memory_space<vmem>>, vector<1x16xf32>,
      %swap3A_1807 = vector.shape_cast %swap3A_1806 : vector<1x16xf32> to vector<16xf32>
      %swap3A_1808 = vector.shape_cast %mul3A_1802 : vector<16xf32> to vector<1x16xf32>
      tpu.vector_store %arg17[%swap3A_1804, %swap3A_1805], %swap3A_1808 {strides = array<i32>} : memref<12x128xf32, #tpu.memory_space<vmem>>, vector<1x16xf32>,
      %mul3A_1809 = arith.mulf %exp3A_1795, %get3A_1682 : vector<16xf32>
      %swap3A_1810 = arith.constant 7 : i32
      %swap3A_1811 = arith.index_cast %swap3A_1810 : i32 to index
      %swap3A_1812 = arith.constant 96 : index
      %swap3A_1813 = tpu.vector_load %arg17[%swap3A_1811, %swap3A_1812] {strides = array<i32>} : memref<12x128xf32, #tpu.memory_space<vmem>>, vector<1x16xf32>,
      %swap3A_1814 = vector.shape_cast %swap3A_1813 : vector<1x16xf32> to vector<16xf32>
      %swap3A_1815 = vector.shape_cast %mul3A_1809 : vector<16xf32> to vector<1x16xf32>
      tpu.vector_store %arg17[%swap3A_1811, %swap3A_1812], %swap3A_1815 {strides = array<i32>} : memref<12x128xf32, #tpu.memory_space<vmem>>, vector<1x16xf32>,
      %get3A_1816 = arith.constant 10 : i32
      %get3A_1817 = arith.index_cast %get3A_1816 : i32 to index
      %get3A_1818 = arith.constant 0 : index
      %get3A_1819 = tpu.vector_load %arg9[%get3A_1817, %get3A_1818] {strides = array<i32>} : memref<20x16xf32, #tpu.memory_space<vmem>>, vector<1x16xf32>,
      %get3A_1820 = vector.shape_cast %get3A_1819 : vector<1x16xf32> to vector<16xf32>
      %mul3A_1821 = arith.mulf %get3A_1679, %get3A_1820 : vector<16xf32>
      %get3A_1822 = arith.constant 11 : i32
      %get3A_1823 = arith.index_cast %get3A_1822 : i32 to index
      %get3A_1824 = arith.constant 0 : index
      %get3A_1825 = tpu.vector_load %arg9[%get3A_1823, %get3A_1824] {strides = array<i32>} : memref<20x16xf32, #tpu.memory_space<vmem>>, vector<1x16xf32>,
      %get3A_1826 = vector.shape_cast %get3A_1825 : vector<1x16xf32> to vector<16xf32>
      %mul3A_1827 = arith.mulf %get3A_1682, %get3A_1826 : vector<16xf32>
      %add3A_1828 = arith.addf %mul3A_1821, %mul3A_1827 : vector<16xf32>
      %get3A_1829 = arith.constant 12 : i32
      %get3A_1830 = arith.index_cast %get3A_1829 : i32 to index
      %get3A_1831 = arith.constant 0 : index
      %get3A_1832 = tpu.vector_load %arg9[%get3A_1830, %get3A_1831] {strides = array<i32>} : memref<20x16xf32, #tpu.memory_space<vmem>>, vector<1x16xf32>,
      %get3A_1833 = vector.shape_cast %get3A_1832 : vector<1x16xf32> to vector<16xf32>
      %mul3A_1834 = arith.mulf %get3A_1685, %get3A_1833 : vector<16xf32>
      %get3A_1835 = arith.constant 13 : i32
      %get3A_1836 = arith.index_cast %get3A_1835 : i32 to index
      %get3A_1837 = arith.constant 0 : index
      %get3A_1838 = tpu.vector_load %arg9[%get3A_1836, %get3A_1837] {strides = array<i32>} : memref<20x16xf32, #tpu.memory_space<vmem>>, vector<1x16xf32>,
      %get3A_1839 = vector.shape_cast %get3A_1838 : vector<1x16xf32> to vector<16xf32>
      %mul3A_1840 = arith.mulf %get3A_1688, %get3A_1839 : vector<16xf32>
      %add3A_1841 = arith.addf %mul3A_1834, %mul3A_1840 : vector<16xf32>
      %add3A_1842 = arith.addf %add3A_1828, %add3A_1841 : vector<16xf32>
      %get3A_1843 = arith.constant 14 : i32
      %get3A_1844 = arith.index_cast %get3A_1843 : i32 to index
      %get3A_1845 = arith.constant 0 : index
      %get3A_1846 = tpu.vector_load %arg9[%get3A_1844, %get3A_1845] {strides = array<i32>} : memref<20x16xf32, #tpu.memory_space<vmem>>, vector<1x16xf32>,
      %get3A_1847 = vector.shape_cast %get3A_1846 : vector<1x16xf32> to vector<16xf32>
      %mul3A_1848 = arith.mulf %get3A_1691, %get3A_1847 : vector<16xf32>
      %add3A_1849 = arith.addf %add3A_1842, %mul3A_1848 : vector<16xf32>
      %gt3A_1850 = arith.constant 0.000000e+00 : f32
      %gt3A_1851 = vector.broadcast %gt3A_1850 : f32 to vector<16xf32>
      %gt3A_1852 = arith.cmpf ogt, %add3A_1849, %gt3A_1851 : vector<16xf32>
      %mul3A_1853 = arith.constant 2.000000e-01 : f32
      %mul3A_1854 = vector.broadcast %mul3A_1853 : f32 to vector<16xf32>
      %mul3A_1855 = arith.mulf %mul3A_1854, %add3A_1849 : vector<16xf32>
      %select_n3A_1856 = arith.select %gt3A_1852, %add3A_1849, %mul3A_1855 : vector<16xi1>, vector<16xf32>
      %exp3A_1857 = math.exp %select_n3A_1856 : vector<16xf32>
      %swap3A_1858 = arith.constant 2 : i32
      %swap3A_1859 = arith.index_cast %swap3A_1858 : i32 to index
      %swap3A_1860 = arith.constant 96 : index
      %swap3A_1861 = tpu.vector_load %arg17[%swap3A_1859, %swap3A_1860] {strides = array<i32>} : memref<12x128xf32, #tpu.memory_space<vmem>>, vector<1x16xf32>,
      %swap3A_1862 = vector.shape_cast %swap3A_1861 : vector<1x16xf32> to vector<16xf32>
      %swap3A_1863 = vector.shape_cast %exp3A_1857 : vector<16xf32> to vector<1x16xf32>
      tpu.vector_store %arg17[%swap3A_1859, %swap3A_1860], %swap3A_1863 {strides = array<i32>} : memref<12x128xf32, #tpu.memory_space<vmem>>, vector<1x16xf32>,
      %mul3A_1864 = arith.mulf %exp3A_1857, %get3A_1679 : vector<16xf32>
      %swap3A_1865 = arith.constant 8 : i32
      %swap3A_1866 = arith.index_cast %swap3A_1865 : i32 to index
      %swap3A_1867 = arith.constant 96 : index
      %swap3A_1868 = tpu.vector_load %arg17[%swap3A_1866, %swap3A_1867] {strides = array<i32>} : memref<12x128xf32, #tpu.memory_space<vmem>>, vector<1x16xf32>,
      %swap3A_1869 = vector.shape_cast %swap3A_1868 : vector<1x16xf32> to vector<16xf32>
      %swap3A_1870 = vector.shape_cast %mul3A_1864 : vector<16xf32> to vector<1x16xf32>
      tpu.vector_store %arg17[%swap3A_1866, %swap3A_1867], %swap3A_1870 {strides = array<i32>} : memref<12x128xf32, #tpu.memory_space<vmem>>, vector<1x16xf32>,
      %mul3A_1871 = arith.mulf %exp3A_1857, %get3A_1682 : vector<16xf32>
      %swap3A_1872 = arith.constant 9 : i32
      %swap3A_1873 = arith.index_cast %swap3A_1872 : i32 to index
      %swap3A_1874 = arith.constant 96 : index
      %swap3A_1875 = tpu.vector_load %arg17[%swap3A_1873, %swap3A_1874] {strides = array<i32>} : memref<12x128xf32, #tpu.memory_space<vmem>>, vector<1x16xf32>,
      %swap3A_1876 = vector.shape_cast %swap3A_1875 : vector<1x16xf32> to vector<16xf32>
      %swap3A_1877 = vector.shape_cast %mul3A_1871 : vector<16xf32> to vector<1x16xf32>
      tpu.vector_store %arg17[%swap3A_1873, %swap3A_1874], %swap3A_1877 {strides = array<i32>} : memref<12x128xf32, #tpu.memory_space<vmem>>, vector<1x16xf32>,
      %get3A_1878 = arith.constant 15 : i32
      %get3A_1879 = arith.index_cast %get3A_1878 : i32 to index
      %get3A_1880 = arith.constant 0 : index
      %get3A_1881 = tpu.vector_load %arg9[%get3A_1879, %get3A_1880] {strides = array<i32>} : memref<20x16xf32, #tpu.memory_space<vmem>>, vector<1x16xf32>,
      %get3A_1882 = vector.shape_cast %get3A_1881 : vector<1x16xf32> to vector<16xf32>
      %mul3A_1883 = arith.mulf %get3A_1679, %get3A_1882 : vector<16xf32>
      %get3A_1884 = arith.constant 16 : i32
      %get3A_1885 = arith.index_cast %get3A_1884 : i32 to index
      %get3A_1886 = arith.constant 0 : index
      %get3A_1887 = tpu.vector_load %arg9[%get3A_1885, %get3A_1886] {strides = array<i32>} : memref<20x16xf32, #tpu.memory_space<vmem>>, vector<1x16xf32>,
      %get3A_1888 = vector.shape_cast %get3A_1887 : vector<1x16xf32> to vector<16xf32>
      %mul3A_1889 = arith.mulf %get3A_1682, %get3A_1888 : vector<16xf32>
      %add3A_1890 = arith.addf %mul3A_1883, %mul3A_1889 : vector<16xf32>
      %get3A_1891 = arith.constant 17 : i32
      %get3A_1892 = arith.index_cast %get3A_1891 : i32 to index
      %get3A_1893 = arith.constant 0 : index
      %get3A_1894 = tpu.vector_load %arg9[%get3A_1892, %get3A_1893] {strides = array<i32>} : memref<20x16xf32, #tpu.memory_space<vmem>>, vector<1x16xf32>,
      %get3A_1895 = vector.shape_cast %get3A_1894 : vector<1x16xf32> to vector<16xf32>
      %mul3A_1896 = arith.mulf %get3A_1685, %get3A_1895 : vector<16xf32>
      %get3A_1897 = arith.constant 18 : i32
      %get3A_1898 = arith.index_cast %get3A_1897 : i32 to index
      %get3A_1899 = arith.constant 0 : index
      %get3A_1900 = tpu.vector_load %arg9[%get3A_1898, %get3A_1899] {strides = array<i32>} : memref<20x16xf32, #tpu.memory_space<vmem>>, vector<1x16xf32>,
      %get3A_1901 = vector.shape_cast %get3A_1900 : vector<1x16xf32> to vector<16xf32>
      %mul3A_1902 = arith.mulf %get3A_1688, %get3A_1901 : vector<16xf32>
      %add3A_1903 = arith.addf %mul3A_1896, %mul3A_1902 : vector<16xf32>
      %add3A_1904 = arith.addf %add3A_1890, %add3A_1903 : vector<16xf32>
      %get3A_1905 = arith.constant 19 : i32
      %get3A_1906 = arith.index_cast %get3A_1905 : i32 to index
      %get3A_1907 = arith.constant 0 : index
      %get3A_1908 = tpu.vector_load %arg9[%get3A_1906, %get3A_1907] {strides = array<i32>} : memref<20x16xf32, #tpu.memory_space<vmem>>, vector<1x16xf32>,
      %get3A_1909 = vector.shape_cast %get3A_1908 : vector<1x16xf32> to vector<16xf32>
      %mul3A_1910 = arith.mulf %get3A_1691, %get3A_1909 : vector<16xf32>
      %add3A_1911 = arith.addf %add3A_1904, %mul3A_1910 : vector<16xf32>
      %gt3A_1912 = arith.constant 0.000000e+00 : f32
      %gt3A_1913 = vector.broadcast %gt3A_1912 : f32 to vector<16xf32>
      %gt3A_1914 = arith.cmpf ogt, %add3A_1911, %gt3A_1913 : vector<16xf32>
      %mul3A_1915 = arith.constant 2.000000e-01 : f32
      %mul3A_1916 = vector.broadcast %mul3A_1915 : f32 to vector<16xf32>
      %mul3A_1917 = arith.mulf %mul3A_1916, %add3A_1911 : vector<16xf32>
      %select_n3A_1918 = arith.select %gt3A_1914, %add3A_1911, %mul3A_1917 : vector<16xi1>, vector<16xf32>
      %exp3A_1919 = math.exp %select_n3A_1918 : vector<16xf32>
      %swap3A_1920 = arith.constant 3 : i32
      %swap3A_1921 = arith.index_cast %swap3A_1920 : i32 to index
      %swap3A_1922 = arith.constant 96 : index
      %swap3A_1923 = tpu.vector_load %arg17[%swap3A_1921, %swap3A_1922] {strides = array<i32>} : memref<12x128xf32, #tpu.memory_space<vmem>>, vector<1x16xf32>,
      %swap3A_1924 = vector.shape_cast %swap3A_1923 : vector<1x16xf32> to vector<16xf32>
      %swap3A_1925 = vector.shape_cast %exp3A_1919 : vector<16xf32> to vector<1x16xf32>
      tpu.vector_store %arg17[%swap3A_1921, %swap3A_1922], %swap3A_1925 {strides = array<i32>} : memref<12x128xf32, #tpu.memory_space<vmem>>, vector<1x16xf32>,
      %mul3A_1926 = arith.mulf %exp3A_1919, %get3A_1679 : vector<16xf32>
      %swap3A_1927 = arith.constant 10 : i32
      %swap3A_1928 = arith.index_cast %swap3A_1927 : i32 to index
      %swap3A_1929 = arith.constant 96 : index
      %swap3A_1930 = tpu.vector_load %arg17[%swap3A_1928, %swap3A_1929] {strides = array<i32>} : memref<12x128xf32, #tpu.memory_space<vmem>>, vector<1x16xf32>,
      %swap3A_1931 = vector.shape_cast %swap3A_1930 : vector<1x16xf32> to vector<16xf32>
      %swap3A_1932 = vector.shape_cast %mul3A_1926 : vector<16xf32> to vector<1x16xf32>
      tpu.vector_store %arg17[%swap3A_1928, %swap3A_1929], %swap3A_1932 {strides = array<i32>} : memref<12x128xf32, #tpu.memory_space<vmem>>, vector<1x16xf32>,
      %mul3A_1933 = arith.mulf %exp3A_1919, %get3A_1682 : vector<16xf32>
      %swap3A_1934 = arith.constant 11 : i32
      %swap3A_1935 = arith.index_cast %swap3A_1934 : i32 to index
      %swap3A_1936 = arith.constant 96 : index
      %swap3A_1937 = tpu.vector_load %arg17[%swap3A_1935, %swap3A_1936] {strides = array<i32>} : memref<12x128xf32, #tpu.memory_space<vmem>>, vector<1x16xf32>,
      %swap3A_1938 = vector.shape_cast %swap3A_1937 : vector<1x16xf32> to vector<16xf32>
      %swap3A_1939 = vector.shape_cast %mul3A_1933 : vector<16xf32> to vector<1x16xf32>
      tpu.vector_store %arg17[%swap3A_1935, %swap3A_1936], %swap3A_1939 {strides = array<i32>} : memref<12x128xf32, #tpu.memory_space<vmem>>, vector<1x16xf32>,
      %get3A_1940 = arith.constant 112 : index
      %get3A_1941 = tpu.vector_load %arg13[%get3A_1940] {strides = array<i32>} : memref<128xf32, #tpu.memory_space<vmem>>, vector<16xf32>,
      %get3A_1942 = vector.shape_cast %get3A_1941 : vector<16xf32> to vector<16xf32>
      %get3A_1943 = arith.constant 112 : index
      %get3A_1944 = tpu.vector_load %arg14[%get3A_1943] {strides = array<i32>} : memref<128xf32, #tpu.memory_space<vmem>>, vector<16xf32>,
      %get3A_1945 = vector.shape_cast %get3A_1944 : vector<16xf32> to vector<16xf32>
      %get3A_1946 = arith.constant 112 : index
      %get3A_1947 = tpu.vector_load %arg15[%get3A_1946] {strides = array<i32>} : memref<128xf32, #tpu.memory_space<vmem>>, vector<16xf32>,
      %get3A_1948 = vector.shape_cast %get3A_1947 : vector<16xf32> to vector<16xf32>
      %get3A_1949 = arith.constant 112 : index
      %get3A_1950 = tpu.vector_load %arg16[%get3A_1949] {strides = array<i32>} : memref<128xf32, #tpu.memory_space<vmem>>, vector<16xf32>,
      %get3A_1951 = vector.shape_cast %get3A_1950 : vector<16xf32> to vector<16xf32>
      %get3A_1952 = arith.constant 112 : index
      %get3A_1953 = tpu.vector_load %arg12[%get3A_1952] {strides = array<i32>} : memref<128xf32, #tpu.memory_space<vmem>>, vector<16xf32>,
      %get3A_1954 = vector.shape_cast %get3A_1953 : vector<16xf32> to vector<16xf32>
      %get3A_1955 = arith.constant 0 : i32
      %get3A_1956 = arith.index_cast %get3A_1955 : i32 to index
      %get3A_1957 = arith.constant 0 : index
      %get3A_1958 = tpu.vector_load %arg9[%get3A_1956, %get3A_1957] {strides = array<i32>} : memref<20x16xf32, #tpu.memory_space<vmem>>, vector<1x16xf32>,
      %get3A_1959 = vector.shape_cast %get3A_1958 : vector<1x16xf32> to vector<16xf32>
      %mul3A_1960 = arith.mulf %get3A_1942, %get3A_1959 : vector<16xf32>
      %get3A_1961 = arith.constant 1 : i32
      %get3A_1962 = arith.index_cast %get3A_1961 : i32 to index
      %get3A_1963 = arith.constant 0 : index
      %get3A_1964 = tpu.vector_load %arg9[%get3A_1962, %get3A_1963] {strides = array<i32>} : memref<20x16xf32, #tpu.memory_space<vmem>>, vector<1x16xf32>,
      %get3A_1965 = vector.shape_cast %get3A_1964 : vector<1x16xf32> to vector<16xf32>
      %mul3A_1966 = arith.mulf %get3A_1945, %get3A_1965 : vector<16xf32>
      %add3A_1967 = arith.addf %mul3A_1960, %mul3A_1966 : vector<16xf32>
      %get3A_1968 = arith.constant 2 : i32
      %get3A_1969 = arith.index_cast %get3A_1968 : i32 to index
      %get3A_1970 = arith.constant 0 : index
      %get3A_1971 = tpu.vector_load %arg9[%get3A_1969, %get3A_1970] {strides = array<i32>} : memref<20x16xf32, #tpu.memory_space<vmem>>, vector<1x16xf32>,
      %get3A_1972 = vector.shape_cast %get3A_1971 : vector<1x16xf32> to vector<16xf32>
      %mul3A_1973 = arith.mulf %get3A_1948, %get3A_1972 : vector<16xf32>
      %get3A_1974 = arith.constant 3 : i32
      %get3A_1975 = arith.index_cast %get3A_1974 : i32 to index
      %get3A_1976 = arith.constant 0 : index
      %get3A_1977 = tpu.vector_load %arg9[%get3A_1975, %get3A_1976] {strides = array<i32>} : memref<20x16xf32, #tpu.memory_space<vmem>>, vector<1x16xf32>,
      %get3A_1978 = vector.shape_cast %get3A_1977 : vector<1x16xf32> to vector<16xf32>
      %mul3A_1979 = arith.mulf %get3A_1951, %get3A_1978 : vector<16xf32>
      %add3A_1980 = arith.addf %mul3A_1973, %mul3A_1979 : vector<16xf32>
      %add3A_1981 = arith.addf %add3A_1967, %add3A_1980 : vector<16xf32>
      %get3A_1982 = arith.constant 4 : i32
      %get3A_1983 = arith.index_cast %get3A_1982 : i32 to index
      %get3A_1984 = arith.constant 0 : index
      %get3A_1985 = tpu.vector_load %arg9[%get3A_1983, %get3A_1984] {strides = array<i32>} : memref<20x16xf32, #tpu.memory_space<vmem>>, vector<1x16xf32>,
      %get3A_1986 = vector.shape_cast %get3A_1985 : vector<1x16xf32> to vector<16xf32>
      %mul3A_1987 = arith.mulf %get3A_1954, %get3A_1986 : vector<16xf32>
      %add3A_1988 = arith.addf %add3A_1981, %mul3A_1987 : vector<16xf32>
      %gt3A_1989 = arith.constant 0.000000e+00 : f32
      %gt3A_1990 = vector.broadcast %gt3A_1989 : f32 to vector<16xf32>
      %gt3A_1991 = arith.cmpf ogt, %add3A_1988, %gt3A_1990 : vector<16xf32>
      %mul3A_1992 = arith.constant 2.000000e-01 : f32
      %mul3A_1993 = vector.broadcast %mul3A_1992 : f32 to vector<16xf32>
      %mul3A_1994 = arith.mulf %mul3A_1993, %add3A_1988 : vector<16xf32>
      %select_n3A_1995 = arith.select %gt3A_1991, %add3A_1988, %mul3A_1994 : vector<16xi1>, vector<16xf32>
      %exp3A_1996 = math.exp %select_n3A_1995 : vector<16xf32>
      %swap3A_1997 = arith.constant 0 : i32
      %swap3A_1998 = arith.index_cast %swap3A_1997 : i32 to index
      %swap3A_1999 = arith.constant 112 : index
      %swap3A_2000 = tpu.vector_load %arg17[%swap3A_1998, %swap3A_1999] {strides = array<i32>} : memref<12x128xf32, #tpu.memory_space<vmem>>, vector<1x16xf32>,
      %swap3A_2001 = vector.shape_cast %swap3A_2000 : vector<1x16xf32> to vector<16xf32>
      %swap3A_2002 = vector.shape_cast %exp3A_1996 : vector<16xf32> to vector<1x16xf32>
      tpu.vector_store %arg17[%swap3A_1998, %swap3A_1999], %swap3A_2002 {strides = array<i32>} : memref<12x128xf32, #tpu.memory_space<vmem>>, vector<1x16xf32>,
      %mul3A_2003 = arith.mulf %exp3A_1996, %get3A_1942 : vector<16xf32>
      %swap3A_2004 = arith.constant 4 : i32
      %swap3A_2005 = arith.index_cast %swap3A_2004 : i32 to index
      %swap3A_2006 = arith.constant 112 : index
      %swap3A_2007 = tpu.vector_load %arg17[%swap3A_2005, %swap3A_2006] {strides = array<i32>} : memref<12x128xf32, #tpu.memory_space<vmem>>, vector<1x16xf32>,
      %swap3A_2008 = vector.shape_cast %swap3A_2007 : vector<1x16xf32> to vector<16xf32>
      %swap3A_2009 = vector.shape_cast %mul3A_2003 : vector<16xf32> to vector<1x16xf32>
      tpu.vector_store %arg17[%swap3A_2005, %swap3A_2006], %swap3A_2009 {strides = array<i32>} : memref<12x128xf32, #tpu.memory_space<vmem>>, vector<1x16xf32>,
      %mul3A_2010 = arith.mulf %exp3A_1996, %get3A_1945 : vector<16xf32>
      %swap3A_2011 = arith.constant 5 : i32
      %swap3A_2012 = arith.index_cast %swap3A_2011 : i32 to index
      %swap3A_2013 = arith.constant 112 : index
      %swap3A_2014 = tpu.vector_load %arg17[%swap3A_2012, %swap3A_2013] {strides = array<i32>} : memref<12x128xf32, #tpu.memory_space<vmem>>, vector<1x16xf32>,
      %swap3A_2015 = vector.shape_cast %swap3A_2014 : vector<1x16xf32> to vector<16xf32>
      %swap3A_2016 = vector.shape_cast %mul3A_2010 : vector<16xf32> to vector<1x16xf32>
      tpu.vector_store %arg17[%swap3A_2012, %swap3A_2013], %swap3A_2016 {strides = array<i32>} : memref<12x128xf32, #tpu.memory_space<vmem>>, vector<1x16xf32>,
      %get3A_2017 = arith.constant 5 : i32
      %get3A_2018 = arith.index_cast %get3A_2017 : i32 to index
      %get3A_2019 = arith.constant 0 : index
      %get3A_2020 = tpu.vector_load %arg9[%get3A_2018, %get3A_2019] {strides = array<i32>} : memref<20x16xf32, #tpu.memory_space<vmem>>, vector<1x16xf32>,
      %get3A_2021 = vector.shape_cast %get3A_2020 : vector<1x16xf32> to vector<16xf32>
      %mul3A_2022 = arith.mulf %get3A_1942, %get3A_2021 : vector<16xf32>
      %get3A_2023 = arith.constant 6 : i32
      %get3A_2024 = arith.index_cast %get3A_2023 : i32 to index
      %get3A_2025 = arith.constant 0 : index
      %get3A_2026 = tpu.vector_load %arg9[%get3A_2024, %get3A_2025] {strides = array<i32>} : memref<20x16xf32, #tpu.memory_space<vmem>>, vector<1x16xf32>,
      %get3A_2027 = vector.shape_cast %get3A_2026 : vector<1x16xf32> to vector<16xf32>
      %mul3A_2028 = arith.mulf %get3A_1945, %get3A_2027 : vector<16xf32>
      %add3A_2029 = arith.addf %mul3A_2022, %mul3A_2028 : vector<16xf32>
      %get3A_2030 = arith.constant 7 : i32
      %get3A_2031 = arith.index_cast %get3A_2030 : i32 to index
      %get3A_2032 = arith.constant 0 : index
      %get3A_2033 = tpu.vector_load %arg9[%get3A_2031, %get3A_2032] {strides = array<i32>} : memref<20x16xf32, #tpu.memory_space<vmem>>, vector<1x16xf32>,
      %get3A_2034 = vector.shape_cast %get3A_2033 : vector<1x16xf32> to vector<16xf32>
      %mul3A_2035 = arith.mulf %get3A_1948, %get3A_2034 : vector<16xf32>
      %get3A_2036 = arith.constant 8 : i32
      %get3A_2037 = arith.index_cast %get3A_2036 : i32 to index
      %get3A_2038 = arith.constant 0 : index
      %get3A_2039 = tpu.vector_load %arg9[%get3A_2037, %get3A_2038] {strides = array<i32>} : memref<20x16xf32, #tpu.memory_space<vmem>>, vector<1x16xf32>,
      %get3A_2040 = vector.shape_cast %get3A_2039 : vector<1x16xf32> to vector<16xf32>
      %mul3A_2041 = arith.mulf %get3A_1951, %get3A_2040 : vector<16xf32>
      %add3A_2042 = arith.addf %mul3A_2035, %mul3A_2041 : vector<16xf32>
      %add3A_2043 = arith.addf %add3A_2029, %add3A_2042 : vector<16xf32>
      %get3A_2044 = arith.constant 9 : i32
      %get3A_2045 = arith.index_cast %get3A_2044 : i32 to index
      %get3A_2046 = arith.constant 0 : index
      %get3A_2047 = tpu.vector_load %arg9[%get3A_2045, %get3A_2046] {strides = array<i32>} : memref<20x16xf32, #tpu.memory_space<vmem>>, vector<1x16xf32>,
      %get3A_2048 = vector.shape_cast %get3A_2047 : vector<1x16xf32> to vector<16xf32>
      %mul3A_2049 = arith.mulf %get3A_1954, %get3A_2048 : vector<16xf32>
      %add3A_2050 = arith.addf %add3A_2043, %mul3A_2049 : vector<16xf32>
      %gt3A_2051 = arith.constant 0.000000e+00 : f32
      %gt3A_2052 = vector.broadcast %gt3A_2051 : f32 to vector<16xf32>
      %gt3A_2053 = arith.cmpf ogt, %add3A_2050, %gt3A_2052 : vector<16xf32>
      %mul3A_2054 = arith.constant 2.000000e-01 : f32
      %mul3A_2055 = vector.broadcast %mul3A_2054 : f32 to vector<16xf32>
      %mul3A_2056 = arith.mulf %mul3A_2055, %add3A_2050 : vector<16xf32>
      %select_n3A_2057 = arith.select %gt3A_2053, %add3A_2050, %mul3A_2056 : vector<16xi1>, vector<16xf32>
      %exp3A_2058 = math.exp %select_n3A_2057 : vector<16xf32>
      %swap3A_2059 = arith.constant 1 : i32
      %swap3A_2060 = arith.index_cast %swap3A_2059 : i32 to index
      %swap3A_2061 = arith.constant 112 : index
      %swap3A_2062 = tpu.vector_load %arg17[%swap3A_2060, %swap3A_2061] {strides = array<i32>} : memref<12x128xf32, #tpu.memory_space<vmem>>, vector<1x16xf32>,
      %swap3A_2063 = vector.shape_cast %swap3A_2062 : vector<1x16xf32> to vector<16xf32>
      %swap3A_2064 = vector.shape_cast %exp3A_2058 : vector<16xf32> to vector<1x16xf32>
      tpu.vector_store %arg17[%swap3A_2060, %swap3A_2061], %swap3A_2064 {strides = array<i32>} : memref<12x128xf32, #tpu.memory_space<vmem>>, vector<1x16xf32>,
      %mul3A_2065 = arith.mulf %exp3A_2058, %get3A_1942 : vector<16xf32>
      %swap3A_2066 = arith.constant 6 : i32
      %swap3A_2067 = arith.index_cast %swap3A_2066 : i32 to index
      %swap3A_2068 = arith.constant 112 : index
      %swap3A_2069 = tpu.vector_load %arg17[%swap3A_2067, %swap3A_2068] {strides = array<i32>} : memref<12x128xf32, #tpu.memory_space<vmem>>, vector<1x16xf32>,
      %swap3A_2070 = vector.shape_cast %swap3A_2069 : vector<1x16xf32> to vector<16xf32>
      %swap3A_2071 = vector.shape_cast %mul3A_2065 : vector<16xf32> to vector<1x16xf32>
      tpu.vector_store %arg17[%swap3A_2067, %swap3A_2068], %swap3A_2071 {strides = array<i32>} : memref<12x128xf32, #tpu.memory_space<vmem>>, vector<1x16xf32>,
      %mul3A_2072 = arith.mulf %exp3A_2058, %get3A_1945 : vector<16xf32>
      %swap3A_2073 = arith.constant 7 : i32
      %swap3A_2074 = arith.index_cast %swap3A_2073 : i32 to index
      %swap3A_2075 = arith.constant 112 : index
      %swap3A_2076 = tpu.vector_load %arg17[%swap3A_2074, %swap3A_2075] {strides = array<i32>} : memref<12x128xf32, #tpu.memory_space<vmem>>, vector<1x16xf32>,
      %swap3A_2077 = vector.shape_cast %swap3A_2076 : vector<1x16xf32> to vector<16xf32>
      %swap3A_2078 = vector.shape_cast %mul3A_2072 : vector<16xf32> to vector<1x16xf32>
      tpu.vector_store %arg17[%swap3A_2074, %swap3A_2075], %swap3A_2078 {strides = array<i32>} : memref<12x128xf32, #tpu.memory_space<vmem>>, vector<1x16xf32>,
      %get3A_2079 = arith.constant 10 : i32
      %get3A_2080 = arith.index_cast %get3A_2079 : i32 to index
      %get3A_2081 = arith.constant 0 : index
      %get3A_2082 = tpu.vector_load %arg9[%get3A_2080, %get3A_2081] {strides = array<i32>} : memref<20x16xf32, #tpu.memory_space<vmem>>, vector<1x16xf32>,
      %get3A_2083 = vector.shape_cast %get3A_2082 : vector<1x16xf32> to vector<16xf32>
      %mul3A_2084 = arith.mulf %get3A_1942, %get3A_2083 : vector<16xf32>
      %get3A_2085 = arith.constant 11 : i32
      %get3A_2086 = arith.index_cast %get3A_2085 : i32 to index
      %get3A_2087 = arith.constant 0 : index
      %get3A_2088 = tpu.vector_load %arg9[%get3A_2086, %get3A_2087] {strides = array<i32>} : memref<20x16xf32, #tpu.memory_space<vmem>>, vector<1x16xf32>,
      %get3A_2089 = vector.shape_cast %get3A_2088 : vector<1x16xf32> to vector<16xf32>
      %mul3A_2090 = arith.mulf %get3A_1945, %get3A_2089 : vector<16xf32>
      %add3A_2091 = arith.addf %mul3A_2084, %mul3A_2090 : vector<16xf32>
      %get3A_2092 = arith.constant 12 : i32
      %get3A_2093 = arith.index_cast %get3A_2092 : i32 to index
      %get3A_2094 = arith.constant 0 : index
      %get3A_2095 = tpu.vector_load %arg9[%get3A_2093, %get3A_2094] {strides = array<i32>} : memref<20x16xf32, #tpu.memory_space<vmem>>, vector<1x16xf32>,
      %get3A_2096 = vector.shape_cast %get3A_2095 : vector<1x16xf32> to vector<16xf32>
      %mul3A_2097 = arith.mulf %get3A_1948, %get3A_2096 : vector<16xf32>
      %get3A_2098 = arith.constant 13 : i32
      %get3A_2099 = arith.index_cast %get3A_2098 : i32 to index
      %get3A_2100 = arith.constant 0 : index
      %get3A_2101 = tpu.vector_load %arg9[%get3A_2099, %get3A_2100] {strides = array<i32>} : memref<20x16xf32, #tpu.memory_space<vmem>>, vector<1x16xf32>,
      %get3A_2102 = vector.shape_cast %get3A_2101 : vector<1x16xf32> to vector<16xf32>
      %mul3A_2103 = arith.mulf %get3A_1951, %get3A_2102 : vector<16xf32>
      %add3A_2104 = arith.addf %mul3A_2097, %mul3A_2103 : vector<16xf32>
      %add3A_2105 = arith.addf %add3A_2091, %add3A_2104 : vector<16xf32>
      %get3A_2106 = arith.constant 14 : i32
      %get3A_2107 = arith.index_cast %get3A_2106 : i32 to index
      %get3A_2108 = arith.constant 0 : index
      %get3A_2109 = tpu.vector_load %arg9[%get3A_2107, %get3A_2108] {strides = array<i32>} : memref<20x16xf32, #tpu.memory_space<vmem>>, vector<1x16xf32>,
      %get3A_2110 = vector.shape_cast %get3A_2109 : vector<1x16xf32> to vector<16xf32>
      %mul3A_2111 = arith.mulf %get3A_1954, %get3A_2110 : vector<16xf32>
      %add3A_2112 = arith.addf %add3A_2105, %mul3A_2111 : vector<16xf32>
      %gt3A_2113 = arith.constant 0.000000e+00 : f32
      %gt3A_2114 = vector.broadcast %gt3A_2113 : f32 to vector<16xf32>
      %gt3A_2115 = arith.cmpf ogt, %add3A_2112, %gt3A_2114 : vector<16xf32>
      %mul3A_2116 = arith.constant 2.000000e-01 : f32
      %mul3A_2117 = vector.broadcast %mul3A_2116 : f32 to vector<16xf32>
      %mul3A_2118 = arith.mulf %mul3A_2117, %add3A_2112 : vector<16xf32>
      %select_n3A_2119 = arith.select %gt3A_2115, %add3A_2112, %mul3A_2118 : vector<16xi1>, vector<16xf32>
      %exp3A_2120 = math.exp %select_n3A_2119 : vector<16xf32>
      %swap3A_2121 = arith.constant 2 : i32
      %swap3A_2122 = arith.index_cast %swap3A_2121 : i32 to index
      %swap3A_2123 = arith.constant 112 : index
      %swap3A_2124 = tpu.vector_load %arg17[%swap3A_2122, %swap3A_2123] {strides = array<i32>} : memref<12x128xf32, #tpu.memory_space<vmem>>, vector<1x16xf32>,
      %swap3A_2125 = vector.shape_cast %swap3A_2124 : vector<1x16xf32> to vector<16xf32>
      %swap3A_2126 = vector.shape_cast %exp3A_2120 : vector<16xf32> to vector<1x16xf32>
      tpu.vector_store %arg17[%swap3A_2122, %swap3A_2123], %swap3A_2126 {strides = array<i32>} : memref<12x128xf32, #tpu.memory_space<vmem>>, vector<1x16xf32>,
      %mul3A_2127 = arith.mulf %exp3A_2120, %get3A_1942 : vector<16xf32>
      %swap3A_2128 = arith.constant 8 : i32
      %swap3A_2129 = arith.index_cast %swap3A_2128 : i32 to index
      %swap3A_2130 = arith.constant 112 : index
      %swap3A_2131 = tpu.vector_load %arg17[%swap3A_2129, %swap3A_2130] {strides = array<i32>} : memref<12x128xf32, #tpu.memory_space<vmem>>, vector<1x16xf32>,
      %swap3A_2132 = vector.shape_cast %swap3A_2131 : vector<1x16xf32> to vector<16xf32>
      %swap3A_2133 = vector.shape_cast %mul3A_2127 : vector<16xf32> to vector<1x16xf32>
      tpu.vector_store %arg17[%swap3A_2129, %swap3A_2130], %swap3A_2133 {strides = array<i32>} : memref<12x128xf32, #tpu.memory_space<vmem>>, vector<1x16xf32>,
      %mul3A_2134 = arith.mulf %exp3A_2120, %get3A_1945 : vector<16xf32>
      %swap3A_2135 = arith.constant 9 : i32
      %swap3A_2136 = arith.index_cast %swap3A_2135 : i32 to index
      %swap3A_2137 = arith.constant 112 : index
      %swap3A_2138 = tpu.vector_load %arg17[%swap3A_2136, %swap3A_2137] {strides = array<i32>} : memref<12x128xf32, #tpu.memory_space<vmem>>, vector<1x16xf32>,
      %swap3A_2139 = vector.shape_cast %swap3A_2138 : vector<1x16xf32> to vector<16xf32>
      %swap3A_2140 = vector.shape_cast %mul3A_2134 : vector<16xf32> to vector<1x16xf32>
      tpu.vector_store %arg17[%swap3A_2136, %swap3A_2137], %swap3A_2140 {strides = array<i32>} : memref<12x128xf32, #tpu.memory_space<vmem>>, vector<1x16xf32>,
      %get3A_2141 = arith.constant 15 : i32
      %get3A_2142 = arith.index_cast %get3A_2141 : i32 to index
      %get3A_2143 = arith.constant 0 : index
      %get3A_2144 = tpu.vector_load %arg9[%get3A_2142, %get3A_2143] {strides = array<i32>} : memref<20x16xf32, #tpu.memory_space<vmem>>, vector<1x16xf32>,
      %get3A_2145 = vector.shape_cast %get3A_2144 : vector<1x16xf32> to vector<16xf32>
      %mul3A_2146 = arith.mulf %get3A_1942, %get3A_2145 : vector<16xf32>
      %get3A_2147 = arith.constant 16 : i32
      %get3A_2148 = arith.index_cast %get3A_2147 : i32 to index
      %get3A_2149 = arith.constant 0 : index
      %get3A_2150 = tpu.vector_load %arg9[%get3A_2148, %get3A_2149] {strides = array<i32>} : memref<20x16xf32, #tpu.memory_space<vmem>>, vector<1x16xf32>,
      %get3A_2151 = vector.shape_cast %get3A_2150 : vector<1x16xf32> to vector<16xf32>
      %mul3A_2152 = arith.mulf %get3A_1945, %get3A_2151 : vector<16xf32>
      %add3A_2153 = arith.addf %mul3A_2146, %mul3A_2152 : vector<16xf32>
      %get3A_2154 = arith.constant 17 : i32
      %get3A_2155 = arith.index_cast %get3A_2154 : i32 to index
      %get3A_2156 = arith.constant 0 : index
      %get3A_2157 = tpu.vector_load %arg9[%get3A_2155, %get3A_2156] {strides = array<i32>} : memref<20x16xf32, #tpu.memory_space<vmem>>, vector<1x16xf32>,
      %get3A_2158 = vector.shape_cast %get3A_2157 : vector<1x16xf32> to vector<16xf32>
      %mul3A_2159 = arith.mulf %get3A_1948, %get3A_2158 : vector<16xf32>
      %get3A_2160 = arith.constant 18 : i32
      %get3A_2161 = arith.index_cast %get3A_2160 : i32 to index
      %get3A_2162 = arith.constant 0 : index
      %get3A_2163 = tpu.vector_load %arg9[%get3A_2161, %get3A_2162] {strides = array<i32>} : memref<20x16xf32, #tpu.memory_space<vmem>>, vector<1x16xf32>,
      %get3A_2164 = vector.shape_cast %get3A_2163 : vector<1x16xf32> to vector<16xf32>
      %mul3A_2165 = arith.mulf %get3A_1951, %get3A_2164 : vector<16xf32>
      %add3A_2166 = arith.addf %mul3A_2159, %mul3A_2165 : vector<16xf32>
      %add3A_2167 = arith.addf %add3A_2153, %add3A_2166 : vector<16xf32>
      %get3A_2168 = arith.constant 19 : i32
      %get3A_2169 = arith.index_cast %get3A_2168 : i32 to index
      %get3A_2170 = arith.constant 0 : index
      %get3A_2171 = tpu.vector_load %arg9[%get3A_2169, %get3A_2170] {strides = array<i32>} : memref<20x16xf32, #tpu.memory_space<vmem>>, vector<1x16xf32>,
      %get3A_2172 = vector.shape_cast %get3A_2171 : vector<1x16xf32> to vector<16xf32>
      %mul3A_2173 = arith.mulf %get3A_1954, %get3A_2172 : vector<16xf32>
      %add3A_2174 = arith.addf %add3A_2167, %mul3A_2173 : vector<16xf32>
      %gt3A_2175 = arith.constant 0.000000e+00 : f32
      %gt3A_2176 = vector.broadcast %gt3A_2175 : f32 to vector<16xf32>
      %gt3A_2177 = arith.cmpf ogt, %add3A_2174, %gt3A_2176 : vector<16xf32>
      %mul3A_2178 = arith.constant 2.000000e-01 : f32
      %mul3A_2179 = vector.broadcast %mul3A_2178 : f32 to vector<16xf32>
      %mul3A_2180 = arith.mulf %mul3A_2179, %add3A_2174 : vector<16xf32>
      %select_n3A_2181 = arith.select %gt3A_2177, %add3A_2174, %mul3A_2180 : vector<16xi1>, vector<16xf32>
      %exp3A_2182 = math.exp %select_n3A_2181 : vector<16xf32>
      %swap3A_2183 = arith.constant 3 : i32
      %swap3A_2184 = arith.index_cast %swap3A_2183 : i32 to index
      %swap3A_2185 = arith.constant 112 : index
      %swap3A_2186 = tpu.vector_load %arg17[%swap3A_2184, %swap3A_2185] {strides = array<i32>} : memref<12x128xf32, #tpu.memory_space<vmem>>, vector<1x16xf32>,
      %swap3A_2187 = vector.shape_cast %swap3A_2186 : vector<1x16xf32> to vector<16xf32>
      %swap3A_2188 = vector.shape_cast %exp3A_2182 : vector<16xf32> to vector<1x16xf32>
      tpu.vector_store %arg17[%swap3A_2184, %swap3A_2185], %swap3A_2188 {strides = array<i32>} : memref<12x128xf32, #tpu.memory_space<vmem>>, vector<1x16xf32>,
      %mul3A_2189 = arith.mulf %exp3A_2182, %get3A_1942 : vector<16xf32>
      %swap3A_2190 = arith.constant 10 : i32
      %swap3A_2191 = arith.index_cast %swap3A_2190 : i32 to index
      %swap3A_2192 = arith.constant 112 : index
      %swap3A_2193 = tpu.vector_load %arg17[%swap3A_2191, %swap3A_2192] {strides = array<i32>} : memref<12x128xf32, #tpu.memory_space<vmem>>, vector<1x16xf32>,
      %swap3A_2194 = vector.shape_cast %swap3A_2193 : vector<1x16xf32> to vector<16xf32>
      %swap3A_2195 = vector.shape_cast %mul3A_2189 : vector<16xf32> to vector<1x16xf32>
      tpu.vector_store %arg17[%swap3A_2191, %swap3A_2192], %swap3A_2195 {strides = array<i32>} : memref<12x128xf32, #tpu.memory_space<vmem>>, vector<1x16xf32>,
      %mul3A_2196 = arith.mulf %exp3A_2182, %get3A_1945 : vector<16xf32>
      %swap3A_2197 = arith.constant 11 : i32
      %swap3A_2198 = arith.index_cast %swap3A_2197 : i32 to index
      %swap3A_2199 = arith.constant 112 : index
      %swap3A_2200 = tpu.vector_load %arg17[%swap3A_2198, %swap3A_2199] {strides = array<i32>} : memref<12x128xf32, #tpu.memory_space<vmem>>, vector<1x16xf32>,
      %swap3A_2201 = vector.shape_cast %swap3A_2200 : vector<1x16xf32> to vector<16xf32>
      %swap3A_2202 = vector.shape_cast %mul3A_2196 : vector<16xf32> to vector<1x16xf32>
      tpu.vector_store %arg17[%swap3A_2198, %swap3A_2199], %swap3A_2202 {strides = array<i32>} : memref<12x128xf32, #tpu.memory_space<vmem>>, vector<1x16xf32>,
      %dma_start3A_2203 = arith.constant 0 : i32
      %dma_start3A_2204 = arith.constant 0 : i32
      %dma_start3A_2205 = tpu.memref_slice %arg17[%dma_start3A_2203, %dma_start3A_2204] : memref<12x128xf32, #tpu.memory_space<vmem>> -> memref<1x128xf32, #tpu.memory_space<vmem>>
      %dma_start3A_2206 = tpu.memref_squeeze %dma_start3A_2205 : memref<1x128xf32, #tpu.memory_space<vmem>> -> memref<128xf32, #tpu.memory_space<vmem>>
      %dma_start3A_2207 = arith.constant 0 : i32
      %dma_start3A_2208 = tpu.memref_slice %arg20[%dma_start3A_2207] : memref<51200xf32, #tpu.memory_space<vmem_shared>> -> memref<51200xf32, #tpu.memory_space<vmem_shared>>
      tpu.enqueue_indirect_dma source(%dma_start3A_2206 : memref<128xf32, #tpu.memory_space<vmem>>) target(%dma_start3A_2208 : memref<51200xf32, #tpu.memory_space<vmem_shared>>) offsets(%arg11 : memref<128xi32, #tpu.memory_space<vmem>>) semaphore(%arg19 : memref<!tpu.dma_semaphore, #tpu.memory_space<semaphore_mem>>) {add = true}
      %dma_start3A_2209 = arith.constant 1 : i32
      %dma_start3A_2210 = arith.constant 0 : i32
      %dma_start3A_2211 = tpu.memref_slice %arg17[%dma_start3A_2209, %dma_start3A_2210] : memref<12x128xf32, #tpu.memory_space<vmem>> -> memref<1x128xf32, #tpu.memory_space<vmem>>
      %dma_start3A_2212 = tpu.memref_squeeze %dma_start3A_2211 : memref<1x128xf32, #tpu.memory_space<vmem>> -> memref<128xf32, #tpu.memory_space<vmem>>
      %dma_start3A_2213 = arith.constant 0 : i32
      %dma_start3A_2214 = tpu.memref_slice %arg21[%dma_start3A_2213] : memref<51200xf32, #tpu.memory_space<vmem_shared>> -> memref<51200xf32, #tpu.memory_space<vmem_shared>>
      tpu.enqueue_indirect_dma source(%dma_start3A_2212 : memref<128xf32, #tpu.memory_space<vmem>>) target(%dma_start3A_2214 : memref<51200xf32, #tpu.memory_space<vmem_shared>>) offsets(%arg11 : memref<128xi32, #tpu.memory_space<vmem>>) semaphore(%arg19 : memref<!tpu.dma_semaphore, #tpu.memory_space<semaphore_mem>>) {add = true}
      %dma_start3A_2215 = arith.constant 2 : i32
      %dma_start3A_2216 = arith.constant 0 : i32
      %dma_start3A_2217 = tpu.memref_slice %arg17[%dma_start3A_2215, %dma_start3A_2216] : memref<12x128xf32, #tpu.memory_space<vmem>> -> memref<1x128xf32, #tpu.memory_space<vmem>>
      %dma_start3A_2218 = tpu.memref_squeeze %dma_start3A_2217 : memref<1x128xf32, #tpu.memory_space<vmem>> -> memref<128xf32, #tpu.memory_space<vmem>>
      %dma_start3A_2219 = arith.constant 0 : i32
      %dma_start3A_2220 = tpu.memref_slice %arg22[%dma_start3A_2219] : memref<51200xf32, #tpu.memory_space<vmem_shared>> -> memref<51200xf32, #tpu.memory_space<vmem_shared>>
      tpu.enqueue_indirect_dma source(%dma_start3A_2218 : memref<128xf32, #tpu.memory_space<vmem>>) target(%dma_start3A_2220 : memref<51200xf32, #tpu.memory_space<vmem_shared>>) offsets(%arg11 : memref<128xi32, #tpu.memory_space<vmem>>) semaphore(%arg19 : memref<!tpu.dma_semaphore, #tpu.memory_space<semaphore_mem>>) {add = true}
      %dma_start3A_2221 = arith.constant 3 : i32
      %dma_start3A_2222 = arith.constant 0 : i32
      %dma_start3A_2223 = tpu.memref_slice %arg17[%dma_start3A_2221, %dma_start3A_2222] : memref<12x128xf32, #tpu.memory_space<vmem>> -> memref<1x128xf32, #tpu.memory_space<vmem>>
      %dma_start3A_2224 = tpu.memref_squeeze %dma_start3A_2223 : memref<1x128xf32, #tpu.memory_space<vmem>> -> memref<128xf32, #tpu.memory_space<vmem>>
      %dma_start3A_2225 = arith.constant 0 : i32
      %dma_start3A_2226 = tpu.memref_slice %arg23[%dma_start3A_2225] : memref<51200xf32, #tpu.memory_space<vmem_shared>> -> memref<51200xf32, #tpu.memory_space<vmem_shared>>
      tpu.enqueue_indirect_dma source(%dma_start3A_2224 : memref<128xf32, #tpu.memory_space<vmem>>) target(%dma_start3A_2226 : memref<51200xf32, #tpu.memory_space<vmem_shared>>) offsets(%arg11 : memref<128xi32, #tpu.memory_space<vmem>>) semaphore(%arg19 : memref<!tpu.dma_semaphore, #tpu.memory_space<semaphore_mem>>) {add = true}
      %dma_start3A_2227 = arith.constant 4 : i32
      %dma_start3A_2228 = arith.constant 0 : i32
      %dma_start3A_2229 = tpu.memref_slice %arg17[%dma_start3A_2227, %dma_start3A_2228] : memref<12x128xf32, #tpu.memory_space<vmem>> -> memref<1x128xf32, #tpu.memory_space<vmem>>
      %dma_start3A_2230 = tpu.memref_squeeze %dma_start3A_2229 : memref<1x128xf32, #tpu.memory_space<vmem>> -> memref<128xf32, #tpu.memory_space<vmem>>
      %dma_start3A_2231 = arith.constant 0 : i32
      %dma_start3A_2232 = tpu.memref_slice %arg24[%dma_start3A_2231] : memref<51200xf32, #tpu.memory_space<vmem_shared>> -> memref<51200xf32, #tpu.memory_space<vmem_shared>>
      tpu.enqueue_indirect_dma source(%dma_start3A_2230 : memref<128xf32, #tpu.memory_space<vmem>>) target(%dma_start3A_2232 : memref<51200xf32, #tpu.memory_space<vmem_shared>>) offsets(%arg11 : memref<128xi32, #tpu.memory_space<vmem>>) semaphore(%arg19 : memref<!tpu.dma_semaphore, #tpu.memory_space<semaphore_mem>>) {add = true}
      %dma_start3A_2233 = arith.constant 5 : i32
      %dma_start3A_2234 = arith.constant 0 : i32
      %dma_start3A_2235 = tpu.memref_slice %arg17[%dma_start3A_2233, %dma_start3A_2234] : memref<12x128xf32, #tpu.memory_space<vmem>> -> memref<1x128xf32, #tpu.memory_space<vmem>>
      %dma_start3A_2236 = tpu.memref_squeeze %dma_start3A_2235 : memref<1x128xf32, #tpu.memory_space<vmem>> -> memref<128xf32, #tpu.memory_space<vmem>>
      %dma_start3A_2237 = arith.constant 0 : i32
      %dma_start3A_2238 = tpu.memref_slice %arg25[%dma_start3A_2237] : memref<51200xf32, #tpu.memory_space<vmem_shared>> -> memref<51200xf32, #tpu.memory_space<vmem_shared>>
      tpu.enqueue_indirect_dma source(%dma_start3A_2236 : memref<128xf32, #tpu.memory_space<vmem>>) target(%dma_start3A_2238 : memref<51200xf32, #tpu.memory_space<vmem_shared>>) offsets(%arg11 : memref<128xi32, #tpu.memory_space<vmem>>) semaphore(%arg19 : memref<!tpu.dma_semaphore, #tpu.memory_space<semaphore_mem>>) {add = true}
      %dma_start3A_2239 = arith.constant 6 : i32
      %dma_start3A_2240 = arith.constant 0 : i32
      %dma_start3A_2241 = tpu.memref_slice %arg17[%dma_start3A_2239, %dma_start3A_2240] : memref<12x128xf32, #tpu.memory_space<vmem>> -> memref<1x128xf32, #tpu.memory_space<vmem>>
      %dma_start3A_2242 = tpu.memref_squeeze %dma_start3A_2241 : memref<1x128xf32, #tpu.memory_space<vmem>> -> memref<128xf32, #tpu.memory_space<vmem>>
      %dma_start3A_2243 = arith.constant 0 : i32
      %dma_start3A_2244 = tpu.memref_slice %arg26[%dma_start3A_2243] : memref<51200xf32, #tpu.memory_space<vmem_shared>> -> memref<51200xf32, #tpu.memory_space<vmem_shared>>
      tpu.enqueue_indirect_dma source(%dma_start3A_2242 : memref<128xf32, #tpu.memory_space<vmem>>) target(%dma_start3A_2244 : memref<51200xf32, #tpu.memory_space<vmem_shared>>) offsets(%arg11 : memref<128xi32, #tpu.memory_space<vmem>>) semaphore(%arg19 : memref<!tpu.dma_semaphore, #tpu.memory_space<semaphore_mem>>) {add = true}
      %dma_start3A_2245 = arith.constant 7 : i32
      %dma_start3A_2246 = arith.constant 0 : i32
      %dma_start3A_2247 = tpu.memref_slice %arg17[%dma_start3A_2245, %dma_start3A_2246] : memref<12x128xf32, #tpu.memory_space<vmem>> -> memref<1x128xf32, #tpu.memory_space<vmem>>
      %dma_start3A_2248 = tpu.memref_squeeze %dma_start3A_2247 : memref<1x128xf32, #tpu.memory_space<vmem>> -> memref<128xf32, #tpu.memory_space<vmem>>
      %dma_start3A_2249 = arith.constant 0 : i32
      %dma_start3A_2250 = tpu.memref_slice %arg27[%dma_start3A_2249] : memref<51200xf32, #tpu.memory_space<vmem_shared>> -> memref<51200xf32, #tpu.memory_space<vmem_shared>>
      tpu.enqueue_indirect_dma source(%dma_start3A_2248 : memref<128xf32, #tpu.memory_space<vmem>>) target(%dma_start3A_2250 : memref<51200xf32, #tpu.memory_space<vmem_shared>>) offsets(%arg11 : memref<128xi32, #tpu.memory_space<vmem>>) semaphore(%arg19 : memref<!tpu.dma_semaphore, #tpu.memory_space<semaphore_mem>>) {add = true}
      %dma_start3A_2251 = arith.constant 8 : i32
      %dma_start3A_2252 = arith.constant 0 : i32
      %dma_start3A_2253 = tpu.memref_slice %arg17[%dma_start3A_2251, %dma_start3A_2252] : memref<12x128xf32, #tpu.memory_space<vmem>> -> memref<1x128xf32, #tpu.memory_space<vmem>>
      %dma_start3A_2254 = tpu.memref_squeeze %dma_start3A_2253 : memref<1x128xf32, #tpu.memory_space<vmem>> -> memref<128xf32, #tpu.memory_space<vmem>>
      %dma_start3A_2255 = arith.constant 0 : i32
      %dma_start3A_2256 = tpu.memref_slice %arg28[%dma_start3A_2255] : memref<51200xf32, #tpu.memory_space<vmem_shared>> -> memref<51200xf32, #tpu.memory_space<vmem_shared>>
      tpu.enqueue_indirect_dma source(%dma_start3A_2254 : memref<128xf32, #tpu.memory_space<vmem>>) target(%dma_start3A_2256 : memref<51200xf32, #tpu.memory_space<vmem_shared>>) offsets(%arg11 : memref<128xi32, #tpu.memory_space<vmem>>) semaphore(%arg19 : memref<!tpu.dma_semaphore, #tpu.memory_space<semaphore_mem>>) {add = true}
      %dma_start3A_2257 = arith.constant 9 : i32
      %dma_start3A_2258 = arith.constant 0 : i32
      %dma_start3A_2259 = tpu.memref_slice %arg17[%dma_start3A_2257, %dma_start3A_2258] : memref<12x128xf32, #tpu.memory_space<vmem>> -> memref<1x128xf32, #tpu.memory_space<vmem>>
      %dma_start3A_2260 = tpu.memref_squeeze %dma_start3A_2259 : memref<1x128xf32, #tpu.memory_space<vmem>> -> memref<128xf32, #tpu.memory_space<vmem>>
      %dma_start3A_2261 = arith.constant 0 : i32
      %dma_start3A_2262 = tpu.memref_slice %arg29[%dma_start3A_2261] : memref<51200xf32, #tpu.memory_space<vmem_shared>> -> memref<51200xf32, #tpu.memory_space<vmem_shared>>
      tpu.enqueue_indirect_dma source(%dma_start3A_2260 : memref<128xf32, #tpu.memory_space<vmem>>) target(%dma_start3A_2262 : memref<51200xf32, #tpu.memory_space<vmem_shared>>) offsets(%arg11 : memref<128xi32, #tpu.memory_space<vmem>>) semaphore(%arg19 : memref<!tpu.dma_semaphore, #tpu.memory_space<semaphore_mem>>) {add = true}
      %dma_start3A_2263 = arith.constant 10 : i32
      %dma_start3A_2264 = arith.constant 0 : i32
      %dma_start3A_2265 = tpu.memref_slice %arg17[%dma_start3A_2263, %dma_start3A_2264] : memref<12x128xf32, #tpu.memory_space<vmem>> -> memref<1x128xf32, #tpu.memory_space<vmem>>
      %dma_start3A_2266 = tpu.memref_squeeze %dma_start3A_2265 : memref<1x128xf32, #tpu.memory_space<vmem>> -> memref<128xf32, #tpu.memory_space<vmem>>
      %dma_start3A_2267 = arith.constant 0 : i32
      %dma_start3A_2268 = tpu.memref_slice %arg30[%dma_start3A_2267] : memref<51200xf32, #tpu.memory_space<vmem_shared>> -> memref<51200xf32, #tpu.memory_space<vmem_shared>>
      tpu.enqueue_indirect_dma source(%dma_start3A_2266 : memref<128xf32, #tpu.memory_space<vmem>>) target(%dma_start3A_2268 : memref<51200xf32, #tpu.memory_space<vmem_shared>>) offsets(%arg11 : memref<128xi32, #tpu.memory_space<vmem>>) semaphore(%arg19 : memref<!tpu.dma_semaphore, #tpu.memory_space<semaphore_mem>>) {add = true}
      %dma_start3A_2269 = arith.constant 11 : i32
      %dma_start3A_2270 = arith.constant 0 : i32
      %dma_start3A_2271 = tpu.memref_slice %arg17[%dma_start3A_2269, %dma_start3A_2270] : memref<12x128xf32, #tpu.memory_space<vmem>> -> memref<1x128xf32, #tpu.memory_space<vmem>>
      %dma_start3A_2272 = tpu.memref_squeeze %dma_start3A_2271 : memref<1x128xf32, #tpu.memory_space<vmem>> -> memref<128xf32, #tpu.memory_space<vmem>>
      %dma_start3A_2273 = arith.constant 0 : i32
      %dma_start3A_2274 = tpu.memref_slice %arg31[%dma_start3A_2273] : memref<51200xf32, #tpu.memory_space<vmem_shared>> -> memref<51200xf32, #tpu.memory_space<vmem_shared>>
      tpu.enqueue_indirect_dma source(%dma_start3A_2272 : memref<128xf32, #tpu.memory_space<vmem>>) target(%dma_start3A_2274 : memref<51200xf32, #tpu.memory_space<vmem_shared>>) offsets(%arg11 : memref<128xi32, #tpu.memory_space<vmem>>) semaphore(%arg19 : memref<!tpu.dma_semaphore, #tpu.memory_space<semaphore_mem>>) {add = true}
      %dma_wait3A_2275 = arith.constant 0 : i32
      %dma_wait3A_2276 = arith.constant 0 : i32
      %dma_wait3A_2277 = tpu.memref_slice %arg17[%dma_wait3A_2275, %dma_wait3A_2276] : memref<12x128xf32, #tpu.memory_space<vmem>> -> memref<1x128xf32, #tpu.memory_space<vmem>>
      %dma_wait3A_2278 = tpu.memref_squeeze %dma_wait3A_2277 : memref<1x128xf32, #tpu.memory_space<vmem>> -> memref<128xf32, #tpu.memory_space<vmem>>
      %dma_wait3A_2279 = arith.constant 0 : i32
      %dma_wait3A_2280 = tpu.memref_slice %arg20[%dma_wait3A_2279] : memref<51200xf32, #tpu.memory_space<vmem_shared>> -> memref<51200xf32, #tpu.memory_space<vmem_shared>>
      tpu.wait_indirect_dma semaphore(%arg19 : memref<!tpu.dma_semaphore, #tpu.memory_space<semaphore_mem>>) src(%dma_wait3A_2278 : memref<128xf32, #tpu.memory_space<vmem>>) dst(%dma_wait3A_2280 : memref<51200xf32, #tpu.memory_space<vmem_shared>>)
      %dma_wait3A_2281 = arith.constant 1 : i32
      %dma_wait3A_2282 = arith.constant 0 : i32
      %dma_wait3A_2283 = tpu.memref_slice %arg17[%dma_wait3A_2281, %dma_wait3A_2282] : memref<12x128xf32, #tpu.memory_space<vmem>> -> memref<1x128xf32, #tpu.memory_space<vmem>>
      %dma_wait3A_2284 = tpu.memref_squeeze %dma_wait3A_2283 : memref<1x128xf32, #tpu.memory_space<vmem>> -> memref<128xf32, #tpu.memory_space<vmem>>
      %dma_wait3A_2285 = arith.constant 0 : i32
      %dma_wait3A_2286 = tpu.memref_slice %arg21[%dma_wait3A_2285] : memref<51200xf32, #tpu.memory_space<vmem_shared>> -> memref<51200xf32, #tpu.memory_space<vmem_shared>>
      tpu.wait_indirect_dma semaphore(%arg19 : memref<!tpu.dma_semaphore, #tpu.memory_space<semaphore_mem>>) src(%dma_wait3A_2284 : memref<128xf32, #tpu.memory_space<vmem>>) dst(%dma_wait3A_2286 : memref<51200xf32, #tpu.memory_space<vmem_shared>>)
      %dma_wait3A_2287 = arith.constant 2 : i32
      %dma_wait3A_2288 = arith.constant 0 : i32
      %dma_wait3A_2289 = tpu.memref_slice %arg17[%dma_wait3A_2287, %dma_wait3A_2288] : memref<12x128xf32, #tpu.memory_space<vmem>> -> memref<1x128xf32, #tpu.memory_space<vmem>>
      %dma_wait3A_2290 = tpu.memref_squeeze %dma_wait3A_2289 : memref<1x128xf32, #tpu.memory_space<vmem>> -> memref<128xf32, #tpu.memory_space<vmem>>
      %dma_wait3A_2291 = arith.constant 0 : i32
      %dma_wait3A_2292 = tpu.memref_slice %arg22[%dma_wait3A_2291] : memref<51200xf32, #tpu.memory_space<vmem_shared>> -> memref<51200xf32, #tpu.memory_space<vmem_shared>>
      tpu.wait_indirect_dma semaphore(%arg19 : memref<!tpu.dma_semaphore, #tpu.memory_space<semaphore_mem>>) src(%dma_wait3A_2290 : memref<128xf32, #tpu.memory_space<vmem>>) dst(%dma_wait3A_2292 : memref<51200xf32, #tpu.memory_space<vmem_shared>>)
      %dma_wait3A_2293 = arith.constant 3 : i32
      %dma_wait3A_2294 = arith.constant 0 : i32
      %dma_wait3A_2295 = tpu.memref_slice %arg17[%dma_wait3A_2293, %dma_wait3A_2294] : memref<12x128xf32, #tpu.memory_space<vmem>> -> memref<1x128xf32, #tpu.memory_space<vmem>>
      %dma_wait3A_2296 = tpu.memref_squeeze %dma_wait3A_2295 : memref<1x128xf32, #tpu.memory_space<vmem>> -> memref<128xf32, #tpu.memory_space<vmem>>
      %dma_wait3A_2297 = arith.constant 0 : i32
      %dma_wait3A_2298 = tpu.memref_slice %arg23[%dma_wait3A_2297] : memref<51200xf32, #tpu.memory_space<vmem_shared>> -> memref<51200xf32, #tpu.memory_space<vmem_shared>>
      tpu.wait_indirect_dma semaphore(%arg19 : memref<!tpu.dma_semaphore, #tpu.memory_space<semaphore_mem>>) src(%dma_wait3A_2296 : memref<128xf32, #tpu.memory_space<vmem>>) dst(%dma_wait3A_2298 : memref<51200xf32, #tpu.memory_space<vmem_shared>>)
      %dma_wait3A_2299 = arith.constant 4 : i32
      %dma_wait3A_2300 = arith.constant 0 : i32
      %dma_wait3A_2301 = tpu.memref_slice %arg17[%dma_wait3A_2299, %dma_wait3A_2300] : memref<12x128xf32, #tpu.memory_space<vmem>> -> memref<1x128xf32, #tpu.memory_space<vmem>>
      %dma_wait3A_2302 = tpu.memref_squeeze %dma_wait3A_2301 : memref<1x128xf32, #tpu.memory_space<vmem>> -> memref<128xf32, #tpu.memory_space<vmem>>
      %dma_wait3A_2303 = arith.constant 0 : i32
      %dma_wait3A_2304 = tpu.memref_slice %arg24[%dma_wait3A_2303] : memref<51200xf32, #tpu.memory_space<vmem_shared>> -> memref<51200xf32, #tpu.memory_space<vmem_shared>>
      tpu.wait_indirect_dma semaphore(%arg19 : memref<!tpu.dma_semaphore, #tpu.memory_space<semaphore_mem>>) src(%dma_wait3A_2302 : memref<128xf32, #tpu.memory_space<vmem>>) dst(%dma_wait3A_2304 : memref<51200xf32, #tpu.memory_space<vmem_shared>>)
      %dma_wait3A_2305 = arith.constant 5 : i32
      %dma_wait3A_2306 = arith.constant 0 : i32
      %dma_wait3A_2307 = tpu.memref_slice %arg17[%dma_wait3A_2305, %dma_wait3A_2306] : memref<12x128xf32, #tpu.memory_space<vmem>> -> memref<1x128xf32, #tpu.memory_space<vmem>>
      %dma_wait3A_2308 = tpu.memref_squeeze %dma_wait3A_2307 : memref<1x128xf32, #tpu.memory_space<vmem>> -> memref<128xf32, #tpu.memory_space<vmem>>
      %dma_wait3A_2309 = arith.constant 0 : i32
      %dma_wait3A_2310 = tpu.memref_slice %arg25[%dma_wait3A_2309] : memref<51200xf32, #tpu.memory_space<vmem_shared>> -> memref<51200xf32, #tpu.memory_space<vmem_shared>>
      tpu.wait_indirect_dma semaphore(%arg19 : memref<!tpu.dma_semaphore, #tpu.memory_space<semaphore_mem>>) src(%dma_wait3A_2308 : memref<128xf32, #tpu.memory_space<vmem>>) dst(%dma_wait3A_2310 : memref<51200xf32, #tpu.memory_space<vmem_shared>>)
      %dma_wait3A_2311 = arith.constant 6 : i32
      %dma_wait3A_2312 = arith.constant 0 : i32
      %dma_wait3A_2313 = tpu.memref_slice %arg17[%dma_wait3A_2311, %dma_wait3A_2312] : memref<12x128xf32, #tpu.memory_space<vmem>> -> memref<1x128xf32, #tpu.memory_space<vmem>>
      %dma_wait3A_2314 = tpu.memref_squeeze %dma_wait3A_2313 : memref<1x128xf32, #tpu.memory_space<vmem>> -> memref<128xf32, #tpu.memory_space<vmem>>
      %dma_wait3A_2315 = arith.constant 0 : i32
      %dma_wait3A_2316 = tpu.memref_slice %arg26[%dma_wait3A_2315] : memref<51200xf32, #tpu.memory_space<vmem_shared>> -> memref<51200xf32, #tpu.memory_space<vmem_shared>>
      tpu.wait_indirect_dma semaphore(%arg19 : memref<!tpu.dma_semaphore, #tpu.memory_space<semaphore_mem>>) src(%dma_wait3A_2314 : memref<128xf32, #tpu.memory_space<vmem>>) dst(%dma_wait3A_2316 : memref<51200xf32, #tpu.memory_space<vmem_shared>>)
      %dma_wait3A_2317 = arith.constant 7 : i32
      %dma_wait3A_2318 = arith.constant 0 : i32
      %dma_wait3A_2319 = tpu.memref_slice %arg17[%dma_wait3A_2317, %dma_wait3A_2318] : memref<12x128xf32, #tpu.memory_space<vmem>> -> memref<1x128xf32, #tpu.memory_space<vmem>>
      %dma_wait3A_2320 = tpu.memref_squeeze %dma_wait3A_2319 : memref<1x128xf32, #tpu.memory_space<vmem>> -> memref<128xf32, #tpu.memory_space<vmem>>
      %dma_wait3A_2321 = arith.constant 0 : i32
      %dma_wait3A_2322 = tpu.memref_slice %arg27[%dma_wait3A_2321] : memref<51200xf32, #tpu.memory_space<vmem_shared>> -> memref<51200xf32, #tpu.memory_space<vmem_shared>>
      tpu.wait_indirect_dma semaphore(%arg19 : memref<!tpu.dma_semaphore, #tpu.memory_space<semaphore_mem>>) src(%dma_wait3A_2320 : memref<128xf32, #tpu.memory_space<vmem>>) dst(%dma_wait3A_2322 : memref<51200xf32, #tpu.memory_space<vmem_shared>>)
      %dma_wait3A_2323 = arith.constant 8 : i32
      %dma_wait3A_2324 = arith.constant 0 : i32
      %dma_wait3A_2325 = tpu.memref_slice %arg17[%dma_wait3A_2323, %dma_wait3A_2324] : memref<12x128xf32, #tpu.memory_space<vmem>> -> memref<1x128xf32, #tpu.memory_space<vmem>>
      %dma_wait3A_2326 = tpu.memref_squeeze %dma_wait3A_2325 : memref<1x128xf32, #tpu.memory_space<vmem>> -> memref<128xf32, #tpu.memory_space<vmem>>
      %dma_wait3A_2327 = arith.constant 0 : i32
      %dma_wait3A_2328 = tpu.memref_slice %arg28[%dma_wait3A_2327] : memref<51200xf32, #tpu.memory_space<vmem_shared>> -> memref<51200xf32, #tpu.memory_space<vmem_shared>>
      tpu.wait_indirect_dma semaphore(%arg19 : memref<!tpu.dma_semaphore, #tpu.memory_space<semaphore_mem>>) src(%dma_wait3A_2326 : memref<128xf32, #tpu.memory_space<vmem>>) dst(%dma_wait3A_2328 : memref<51200xf32, #tpu.memory_space<vmem_shared>>)
      %dma_wait3A_2329 = arith.constant 9 : i32
      %dma_wait3A_2330 = arith.constant 0 : i32
      %dma_wait3A_2331 = tpu.memref_slice %arg17[%dma_wait3A_2329, %dma_wait3A_2330] : memref<12x128xf32, #tpu.memory_space<vmem>> -> memref<1x128xf32, #tpu.memory_space<vmem>>
      %dma_wait3A_2332 = tpu.memref_squeeze %dma_wait3A_2331 : memref<1x128xf32, #tpu.memory_space<vmem>> -> memref<128xf32, #tpu.memory_space<vmem>>
      %dma_wait3A_2333 = arith.constant 0 : i32
      %dma_wait3A_2334 = tpu.memref_slice %arg29[%dma_wait3A_2333] : memref<51200xf32, #tpu.memory_space<vmem_shared>> -> memref<51200xf32, #tpu.memory_space<vmem_shared>>
      tpu.wait_indirect_dma semaphore(%arg19 : memref<!tpu.dma_semaphore, #tpu.memory_space<semaphore_mem>>) src(%dma_wait3A_2332 : memref<128xf32, #tpu.memory_space<vmem>>) dst(%dma_wait3A_2334 : memref<51200xf32, #tpu.memory_space<vmem_shared>>)
      %dma_wait3A_2335 = arith.constant 10 : i32
      %dma_wait3A_2336 = arith.constant 0 : i32
      %dma_wait3A_2337 = tpu.memref_slice %arg17[%dma_wait3A_2335, %dma_wait3A_2336] : memref<12x128xf32, #tpu.memory_space<vmem>> -> memref<1x128xf32, #tpu.memory_space<vmem>>
      %dma_wait3A_2338 = tpu.memref_squeeze %dma_wait3A_2337 : memref<1x128xf32, #tpu.memory_space<vmem>> -> memref<128xf32, #tpu.memory_space<vmem>>
      %dma_wait3A_2339 = arith.constant 0 : i32
      %dma_wait3A_2340 = tpu.memref_slice %arg30[%dma_wait3A_2339] : memref<51200xf32, #tpu.memory_space<vmem_shared>> -> memref<51200xf32, #tpu.memory_space<vmem_shared>>
      tpu.wait_indirect_dma semaphore(%arg19 : memref<!tpu.dma_semaphore, #tpu.memory_space<semaphore_mem>>) src(%dma_wait3A_2338 : memref<128xf32, #tpu.memory_space<vmem>>) dst(%dma_wait3A_2340 : memref<51200xf32, #tpu.memory_space<vmem_shared>>)
      %dma_wait3A_2341 = arith.constant 11 : i32
      %dma_wait3A_2342 = arith.constant 0 : i32
      %dma_wait3A_2343 = tpu.memref_slice %arg17[%dma_wait3A_2341, %dma_wait3A_2342] : memref<12x128xf32, #tpu.memory_space<vmem>> -> memref<1x128xf32, #tpu.memory_space<vmem>>
      %dma_wait3A_2344 = tpu.memref_squeeze %dma_wait3A_2343 : memref<1x128xf32, #tpu.memory_space<vmem>> -> memref<128xf32, #tpu.memory_space<vmem>>
      %dma_wait3A_2345 = arith.constant 0 : i32
      %dma_wait3A_2346 = tpu.memref_slice %arg31[%dma_wait3A_2345] : memref<51200xf32, #tpu.memory_space<vmem_shared>> -> memref<51200xf32, #tpu.memory_space<vmem_shared>>
      tpu.wait_indirect_dma semaphore(%arg19 : memref<!tpu.dma_semaphore, #tpu.memory_space<semaphore_mem>>) src(%dma_wait3A_2344 : memref<128xf32, #tpu.memory_space<vmem>>) dst(%dma_wait3A_2346 : memref<51200xf32, #tpu.memory_space<vmem_shared>>)
    }
    %scan3A_37 = arith.constant 196 : i32
    %barrier3A_38 = arith.constant 0 : index
    tpu.barrier barrier_id(%barrier3A_38)
    %mul3A_39 = arith.constant 3200 : i32
    %mul3A_40 = arith.muli %arg1, %mul3A_39 : i32
    %run_scoped3A = arith.constant 0 : i32
    "tpu.region"() ({
      %run_scoped3A_74 = tpu.sem_alloc : memref<!tpu.dma_semaphore, #tpu.memory_space<semaphore_mem>>
      %dma_start3A = tpu.memref_slice %arg8[%arg0, %run_scoped3A, %mul3A_40] : memref<2x12x51200xf32, #tpu.memory_space<hbm>> -> memref<1x1x3200xf32, #tpu.memory_space<hbm>>
      %dma_start3A_75 = tpu.memref_squeeze %dma_start3A : memref<1x1x3200xf32, #tpu.memory_space<hbm>> -> memref<3200xf32, #tpu.memory_space<hbm>>
      %dma_start3A_76 = tpu.memref_slice %arg20[%mul3A_40] : memref<51200xf32, #tpu.memory_space<vmem_shared>> -> memref<3200xf32, #tpu.memory_space<vmem_shared>>
      tpu.enqueue_dma source(%dma_start3A_76 : memref<3200xf32, #tpu.memory_space<vmem_shared>>) target(%dma_start3A_75 : memref<3200xf32, #tpu.memory_space<hbm>>) target_semaphore(%run_scoped3A_74 : memref<!tpu.dma_semaphore, #tpu.memory_space<semaphore_mem>>)
      %dma_wait3A = tpu.memref_slice %arg8[%arg0, %run_scoped3A, %mul3A_40] : memref<2x12x51200xf32, #tpu.memory_space<hbm>> -> memref<1x1x3200xf32, #tpu.memory_space<hbm>>
      %dma_wait3A_77 = tpu.memref_squeeze %dma_wait3A : memref<1x1x3200xf32, #tpu.memory_space<hbm>> -> memref<3200xf32, #tpu.memory_space<hbm>>
      %dma_wait3A_78 = tpu.memref_slice %arg20[%mul3A_40] : memref<51200xf32, #tpu.memory_space<vmem_shared>> -> memref<3200xf32, #tpu.memory_space<vmem_shared>>
      tpu.wait_dma2 semaphore(%run_scoped3A_74 : memref<!tpu.dma_semaphore, #tpu.memory_space<semaphore_mem>>) src(%dma_wait3A_78 : memref<3200xf32, #tpu.memory_space<vmem_shared>>) dst(%dma_wait3A_77 : memref<3200xf32, #tpu.memory_space<hbm>>)
      tpu.yield
    }) : () -> ()
    %mul3A_41 = arith.constant 3200 : i32
    %mul3A_42 = arith.muli %arg1, %mul3A_41 : i32
    %run_scoped3A_43 = arith.constant 1 : i32
    "tpu.region"() ({
      %run_scoped3A_74 = tpu.sem_alloc : memref<!tpu.dma_semaphore, #tpu.memory_space<semaphore_mem>>
      %dma_start3A = tpu.memref_slice %arg8[%arg0, %run_scoped3A_43, %mul3A_42] : memref<2x12x51200xf32, #tpu.memory_space<hbm>> -> memref<1x1x3200xf32, #tpu.memory_space<hbm>>
      %dma_start3A_75 = tpu.memref_squeeze %dma_start3A : memref<1x1x3200xf32, #tpu.memory_space<hbm>> -> memref<3200xf32, #tpu.memory_space<hbm>>
      %dma_start3A_76 = tpu.memref_slice %arg21[%mul3A_42] : memref<51200xf32, #tpu.memory_space<vmem_shared>> -> memref<3200xf32, #tpu.memory_space<vmem_shared>>
      tpu.enqueue_dma source(%dma_start3A_76 : memref<3200xf32, #tpu.memory_space<vmem_shared>>) target(%dma_start3A_75 : memref<3200xf32, #tpu.memory_space<hbm>>) target_semaphore(%run_scoped3A_74 : memref<!tpu.dma_semaphore, #tpu.memory_space<semaphore_mem>>)
      %dma_wait3A = tpu.memref_slice %arg8[%arg0, %run_scoped3A_43, %mul3A_42] : memref<2x12x51200xf32, #tpu.memory_space<hbm>> -> memref<1x1x3200xf32, #tpu.memory_space<hbm>>
      %dma_wait3A_77 = tpu.memref_squeeze %dma_wait3A : memref<1x1x3200xf32, #tpu.memory_space<hbm>> -> memref<3200xf32, #tpu.memory_space<hbm>>
      %dma_wait3A_78 = tpu.memref_slice %arg21[%mul3A_42] : memref<51200xf32, #tpu.memory_space<vmem_shared>> -> memref<3200xf32, #tpu.memory_space<vmem_shared>>
      tpu.wait_dma2 semaphore(%run_scoped3A_74 : memref<!tpu.dma_semaphore, #tpu.memory_space<semaphore_mem>>) src(%dma_wait3A_78 : memref<3200xf32, #tpu.memory_space<vmem_shared>>) dst(%dma_wait3A_77 : memref<3200xf32, #tpu.memory_space<hbm>>)
      tpu.yield
    }) : () -> ()
    %mul3A_44 = arith.constant 3200 : i32
    %mul3A_45 = arith.muli %arg1, %mul3A_44 : i32
    %run_scoped3A_46 = arith.constant 2 : i32
    "tpu.region"() ({
      %run_scoped3A_74 = tpu.sem_alloc : memref<!tpu.dma_semaphore, #tpu.memory_space<semaphore_mem>>
      %dma_start3A = tpu.memref_slice %arg8[%arg0, %run_scoped3A_46, %mul3A_45] : memref<2x12x51200xf32, #tpu.memory_space<hbm>> -> memref<1x1x3200xf32, #tpu.memory_space<hbm>>
      %dma_start3A_75 = tpu.memref_squeeze %dma_start3A : memref<1x1x3200xf32, #tpu.memory_space<hbm>> -> memref<3200xf32, #tpu.memory_space<hbm>>
      %dma_start3A_76 = tpu.memref_slice %arg22[%mul3A_45] : memref<51200xf32, #tpu.memory_space<vmem_shared>> -> memref<3200xf32, #tpu.memory_space<vmem_shared>>
      tpu.enqueue_dma source(%dma_start3A_76 : memref<3200xf32, #tpu.memory_space<vmem_shared>>) target(%dma_start3A_75 : memref<3200xf32, #tpu.memory_space<hbm>>) target_semaphore(%run_scoped3A_74 : memref<!tpu.dma_semaphore, #tpu.memory_space<semaphore_mem>>)
      %dma_wait3A = tpu.memref_slice %arg8[%arg0, %run_scoped3A_46, %mul3A_45] : memref<2x12x51200xf32, #tpu.memory_space<hbm>> -> memref<1x1x3200xf32, #tpu.memory_space<hbm>>
      %dma_wait3A_77 = tpu.memref_squeeze %dma_wait3A : memref<1x1x3200xf32, #tpu.memory_space<hbm>> -> memref<3200xf32, #tpu.memory_space<hbm>>
      %dma_wait3A_78 = tpu.memref_slice %arg22[%mul3A_45] : memref<51200xf32, #tpu.memory_space<vmem_shared>> -> memref<3200xf32, #tpu.memory_space<vmem_shared>>
      tpu.wait_dma2 semaphore(%run_scoped3A_74 : memref<!tpu.dma_semaphore, #tpu.memory_space<semaphore_mem>>) src(%dma_wait3A_78 : memref<3200xf32, #tpu.memory_space<vmem_shared>>) dst(%dma_wait3A_77 : memref<3200xf32, #tpu.memory_space<hbm>>)
      tpu.yield
    }) : () -> ()
    %mul3A_47 = arith.constant 3200 : i32
    %mul3A_48 = arith.muli %arg1, %mul3A_47 : i32
    %run_scoped3A_49 = arith.constant 3 : i32
    "tpu.region"() ({
      %run_scoped3A_74 = tpu.sem_alloc : memref<!tpu.dma_semaphore, #tpu.memory_space<semaphore_mem>>
      %dma_start3A = tpu.memref_slice %arg8[%arg0, %run_scoped3A_49, %mul3A_48] : memref<2x12x51200xf32, #tpu.memory_space<hbm>> -> memref<1x1x3200xf32, #tpu.memory_space<hbm>>
      %dma_start3A_75 = tpu.memref_squeeze %dma_start3A : memref<1x1x3200xf32, #tpu.memory_space<hbm>> -> memref<3200xf32, #tpu.memory_space<hbm>>
      %dma_start3A_76 = tpu.memref_slice %arg23[%mul3A_48] : memref<51200xf32, #tpu.memory_space<vmem_shared>> -> memref<3200xf32, #tpu.memory_space<vmem_shared>>
      tpu.enqueue_dma source(%dma_start3A_76 : memref<3200xf32, #tpu.memory_space<vmem_shared>>) target(%dma_start3A_75 : memref<3200xf32, #tpu.memory_space<hbm>>) target_semaphore(%run_scoped3A_74 : memref<!tpu.dma_semaphore, #tpu.memory_space<semaphore_mem>>)
      %dma_wait3A = tpu.memref_slice %arg8[%arg0, %run_scoped3A_49, %mul3A_48] : memref<2x12x51200xf32, #tpu.memory_space<hbm>> -> memref<1x1x3200xf32, #tpu.memory_space<hbm>>
      %dma_wait3A_77 = tpu.memref_squeeze %dma_wait3A : memref<1x1x3200xf32, #tpu.memory_space<hbm>> -> memref<3200xf32, #tpu.memory_space<hbm>>
      %dma_wait3A_78 = tpu.memref_slice %arg23[%mul3A_48] : memref<51200xf32, #tpu.memory_space<vmem_shared>> -> memref<3200xf32, #tpu.memory_space<vmem_shared>>
      tpu.wait_dma2 semaphore(%run_scoped3A_74 : memref<!tpu.dma_semaphore, #tpu.memory_space<semaphore_mem>>) src(%dma_wait3A_78 : memref<3200xf32, #tpu.memory_space<vmem_shared>>) dst(%dma_wait3A_77 : memref<3200xf32, #tpu.memory_space<hbm>>)
      tpu.yield
    }) : () -> ()
    %mul3A_50 = arith.constant 3200 : i32
    %mul3A_51 = arith.muli %arg1, %mul3A_50 : i32
    %run_scoped3A_52 = arith.constant 4 : i32
    "tpu.region"() ({
      %run_scoped3A_74 = tpu.sem_alloc : memref<!tpu.dma_semaphore, #tpu.memory_space<semaphore_mem>>
      %dma_start3A = tpu.memref_slice %arg8[%arg0, %run_scoped3A_52, %mul3A_51] : memref<2x12x51200xf32, #tpu.memory_space<hbm>> -> memref<1x1x3200xf32, #tpu.memory_space<hbm>>
      %dma_start3A_75 = tpu.memref_squeeze %dma_start3A : memref<1x1x3200xf32, #tpu.memory_space<hbm>> -> memref<3200xf32, #tpu.memory_space<hbm>>
      %dma_start3A_76 = tpu.memref_slice %arg24[%mul3A_51] : memref<51200xf32, #tpu.memory_space<vmem_shared>> -> memref<3200xf32, #tpu.memory_space<vmem_shared>>
      tpu.enqueue_dma source(%dma_start3A_76 : memref<3200xf32, #tpu.memory_space<vmem_shared>>) target(%dma_start3A_75 : memref<3200xf32, #tpu.memory_space<hbm>>) target_semaphore(%run_scoped3A_74 : memref<!tpu.dma_semaphore, #tpu.memory_space<semaphore_mem>>)
      %dma_wait3A = tpu.memref_slice %arg8[%arg0, %run_scoped3A_52, %mul3A_51] : memref<2x12x51200xf32, #tpu.memory_space<hbm>> -> memref<1x1x3200xf32, #tpu.memory_space<hbm>>
      %dma_wait3A_77 = tpu.memref_squeeze %dma_wait3A : memref<1x1x3200xf32, #tpu.memory_space<hbm>> -> memref<3200xf32, #tpu.memory_space<hbm>>
      %dma_wait3A_78 = tpu.memref_slice %arg24[%mul3A_51] : memref<51200xf32, #tpu.memory_space<vmem_shared>> -> memref<3200xf32, #tpu.memory_space<vmem_shared>>
      tpu.wait_dma2 semaphore(%run_scoped3A_74 : memref<!tpu.dma_semaphore, #tpu.memory_space<semaphore_mem>>) src(%dma_wait3A_78 : memref<3200xf32, #tpu.memory_space<vmem_shared>>) dst(%dma_wait3A_77 : memref<3200xf32, #tpu.memory_space<hbm>>)
      tpu.yield
    }) : () -> ()
    %mul3A_53 = arith.constant 3200 : i32
    %mul3A_54 = arith.muli %arg1, %mul3A_53 : i32
    %run_scoped3A_55 = arith.constant 5 : i32
    "tpu.region"() ({
      %run_scoped3A_74 = tpu.sem_alloc : memref<!tpu.dma_semaphore, #tpu.memory_space<semaphore_mem>>
      %dma_start3A = tpu.memref_slice %arg8[%arg0, %run_scoped3A_55, %mul3A_54] : memref<2x12x51200xf32, #tpu.memory_space<hbm>> -> memref<1x1x3200xf32, #tpu.memory_space<hbm>>
      %dma_start3A_75 = tpu.memref_squeeze %dma_start3A : memref<1x1x3200xf32, #tpu.memory_space<hbm>> -> memref<3200xf32, #tpu.memory_space<hbm>>
      %dma_start3A_76 = tpu.memref_slice %arg25[%mul3A_54] : memref<51200xf32, #tpu.memory_space<vmem_shared>> -> memref<3200xf32, #tpu.memory_space<vmem_shared>>
      tpu.enqueue_dma source(%dma_start3A_76 : memref<3200xf32, #tpu.memory_space<vmem_shared>>) target(%dma_start3A_75 : memref<3200xf32, #tpu.memory_space<hbm>>) target_semaphore(%run_scoped3A_74 : memref<!tpu.dma_semaphore, #tpu.memory_space<semaphore_mem>>)
      %dma_wait3A = tpu.memref_slice %arg8[%arg0, %run_scoped3A_55, %mul3A_54] : memref<2x12x51200xf32, #tpu.memory_space<hbm>> -> memref<1x1x3200xf32, #tpu.memory_space<hbm>>
      %dma_wait3A_77 = tpu.memref_squeeze %dma_wait3A : memref<1x1x3200xf32, #tpu.memory_space<hbm>> -> memref<3200xf32, #tpu.memory_space<hbm>>
      %dma_wait3A_78 = tpu.memref_slice %arg25[%mul3A_54] : memref<51200xf32, #tpu.memory_space<vmem_shared>> -> memref<3200xf32, #tpu.memory_space<vmem_shared>>
      tpu.wait_dma2 semaphore(%run_scoped3A_74 : memref<!tpu.dma_semaphore, #tpu.memory_space<semaphore_mem>>) src(%dma_wait3A_78 : memref<3200xf32, #tpu.memory_space<vmem_shared>>) dst(%dma_wait3A_77 : memref<3200xf32, #tpu.memory_space<hbm>>)
      tpu.yield
    }) : () -> ()
    %mul3A_56 = arith.constant 3200 : i32
    %mul3A_57 = arith.muli %arg1, %mul3A_56 : i32
    %run_scoped3A_58 = arith.constant 6 : i32
    "tpu.region"() ({
      %run_scoped3A_74 = tpu.sem_alloc : memref<!tpu.dma_semaphore, #tpu.memory_space<semaphore_mem>>
      %dma_start3A = tpu.memref_slice %arg8[%arg0, %run_scoped3A_58, %mul3A_57] : memref<2x12x51200xf32, #tpu.memory_space<hbm>> -> memref<1x1x3200xf32, #tpu.memory_space<hbm>>
      %dma_start3A_75 = tpu.memref_squeeze %dma_start3A : memref<1x1x3200xf32, #tpu.memory_space<hbm>> -> memref<3200xf32, #tpu.memory_space<hbm>>
      %dma_start3A_76 = tpu.memref_slice %arg26[%mul3A_57] : memref<51200xf32, #tpu.memory_space<vmem_shared>> -> memref<3200xf32, #tpu.memory_space<vmem_shared>>
      tpu.enqueue_dma source(%dma_start3A_76 : memref<3200xf32, #tpu.memory_space<vmem_shared>>) target(%dma_start3A_75 : memref<3200xf32, #tpu.memory_space<hbm>>) target_semaphore(%run_scoped3A_74 : memref<!tpu.dma_semaphore, #tpu.memory_space<semaphore_mem>>)
      %dma_wait3A = tpu.memref_slice %arg8[%arg0, %run_scoped3A_58, %mul3A_57] : memref<2x12x51200xf32, #tpu.memory_space<hbm>> -> memref<1x1x3200xf32, #tpu.memory_space<hbm>>
      %dma_wait3A_77 = tpu.memref_squeeze %dma_wait3A : memref<1x1x3200xf32, #tpu.memory_space<hbm>> -> memref<3200xf32, #tpu.memory_space<hbm>>
      %dma_wait3A_78 = tpu.memref_slice %arg26[%mul3A_57] : memref<51200xf32, #tpu.memory_space<vmem_shared>> -> memref<3200xf32, #tpu.memory_space<vmem_shared>>
      tpu.wait_dma2 semaphore(%run_scoped3A_74 : memref<!tpu.dma_semaphore, #tpu.memory_space<semaphore_mem>>) src(%dma_wait3A_78 : memref<3200xf32, #tpu.memory_space<vmem_shared>>) dst(%dma_wait3A_77 : memref<3200xf32, #tpu.memory_space<hbm>>)
      tpu.yield
    }) : () -> ()
    %mul3A_59 = arith.constant 3200 : i32
    %mul3A_60 = arith.muli %arg1, %mul3A_59 : i32
    %run_scoped3A_61 = arith.constant 7 : i32
    "tpu.region"() ({
      %run_scoped3A_74 = tpu.sem_alloc : memref<!tpu.dma_semaphore, #tpu.memory_space<semaphore_mem>>
      %dma_start3A = tpu.memref_slice %arg8[%arg0, %run_scoped3A_61, %mul3A_60] : memref<2x12x51200xf32, #tpu.memory_space<hbm>> -> memref<1x1x3200xf32, #tpu.memory_space<hbm>>
      %dma_start3A_75 = tpu.memref_squeeze %dma_start3A : memref<1x1x3200xf32, #tpu.memory_space<hbm>> -> memref<3200xf32, #tpu.memory_space<hbm>>
      %dma_start3A_76 = tpu.memref_slice %arg27[%mul3A_60] : memref<51200xf32, #tpu.memory_space<vmem_shared>> -> memref<3200xf32, #tpu.memory_space<vmem_shared>>
      tpu.enqueue_dma source(%dma_start3A_76 : memref<3200xf32, #tpu.memory_space<vmem_shared>>) target(%dma_start3A_75 : memref<3200xf32, #tpu.memory_space<hbm>>) target_semaphore(%run_scoped3A_74 : memref<!tpu.dma_semaphore, #tpu.memory_space<semaphore_mem>>)
      %dma_wait3A = tpu.memref_slice %arg8[%arg0, %run_scoped3A_61, %mul3A_60] : memref<2x12x51200xf32, #tpu.memory_space<hbm>> -> memref<1x1x3200xf32, #tpu.memory_space<hbm>>
      %dma_wait3A_77 = tpu.memref_squeeze %dma_wait3A : memref<1x1x3200xf32, #tpu.memory_space<hbm>> -> memref<3200xf32, #tpu.memory_space<hbm>>
      %dma_wait3A_78 = tpu.memref_slice %arg27[%mul3A_60] : memref<51200xf32, #tpu.memory_space<vmem_shared>> -> memref<3200xf32, #tpu.memory_space<vmem_shared>>
      tpu.wait_dma2 semaphore(%run_scoped3A_74 : memref<!tpu.dma_semaphore, #tpu.memory_space<semaphore_mem>>) src(%dma_wait3A_78 : memref<3200xf32, #tpu.memory_space<vmem_shared>>) dst(%dma_wait3A_77 : memref<3200xf32, #tpu.memory_space<hbm>>)
      tpu.yield
    }) : () -> ()
    %mul3A_62 = arith.constant 3200 : i32
    %mul3A_63 = arith.muli %arg1, %mul3A_62 : i32
    %run_scoped3A_64 = arith.constant 8 : i32
    "tpu.region"() ({
      %run_scoped3A_74 = tpu.sem_alloc : memref<!tpu.dma_semaphore, #tpu.memory_space<semaphore_mem>>
      %dma_start3A = tpu.memref_slice %arg8[%arg0, %run_scoped3A_64, %mul3A_63] : memref<2x12x51200xf32, #tpu.memory_space<hbm>> -> memref<1x1x3200xf32, #tpu.memory_space<hbm>>
      %dma_start3A_75 = tpu.memref_squeeze %dma_start3A : memref<1x1x3200xf32, #tpu.memory_space<hbm>> -> memref<3200xf32, #tpu.memory_space<hbm>>
      %dma_start3A_76 = tpu.memref_slice %arg28[%mul3A_63] : memref<51200xf32, #tpu.memory_space<vmem_shared>> -> memref<3200xf32, #tpu.memory_space<vmem_shared>>
      tpu.enqueue_dma source(%dma_start3A_76 : memref<3200xf32, #tpu.memory_space<vmem_shared>>) target(%dma_start3A_75 : memref<3200xf32, #tpu.memory_space<hbm>>) target_semaphore(%run_scoped3A_74 : memref<!tpu.dma_semaphore, #tpu.memory_space<semaphore_mem>>)
      %dma_wait3A = tpu.memref_slice %arg8[%arg0, %run_scoped3A_64, %mul3A_63] : memref<2x12x51200xf32, #tpu.memory_space<hbm>> -> memref<1x1x3200xf32, #tpu.memory_space<hbm>>
      %dma_wait3A_77 = tpu.memref_squeeze %dma_wait3A : memref<1x1x3200xf32, #tpu.memory_space<hbm>> -> memref<3200xf32, #tpu.memory_space<hbm>>
      %dma_wait3A_78 = tpu.memref_slice %arg28[%mul3A_63] : memref<51200xf32, #tpu.memory_space<vmem_shared>> -> memref<3200xf32, #tpu.memory_space<vmem_shared>>
      tpu.wait_dma2 semaphore(%run_scoped3A_74 : memref<!tpu.dma_semaphore, #tpu.memory_space<semaphore_mem>>) src(%dma_wait3A_78 : memref<3200xf32, #tpu.memory_space<vmem_shared>>) dst(%dma_wait3A_77 : memref<3200xf32, #tpu.memory_space<hbm>>)
      tpu.yield
    }) : () -> ()
    %mul3A_65 = arith.constant 3200 : i32
    %mul3A_66 = arith.muli %arg1, %mul3A_65 : i32
    %run_scoped3A_67 = arith.constant 9 : i32
    "tpu.region"() ({
      %run_scoped3A_74 = tpu.sem_alloc : memref<!tpu.dma_semaphore, #tpu.memory_space<semaphore_mem>>
      %dma_start3A = tpu.memref_slice %arg8[%arg0, %run_scoped3A_67, %mul3A_66] : memref<2x12x51200xf32, #tpu.memory_space<hbm>> -> memref<1x1x3200xf32, #tpu.memory_space<hbm>>
      %dma_start3A_75 = tpu.memref_squeeze %dma_start3A : memref<1x1x3200xf32, #tpu.memory_space<hbm>> -> memref<3200xf32, #tpu.memory_space<hbm>>
      %dma_start3A_76 = tpu.memref_slice %arg29[%mul3A_66] : memref<51200xf32, #tpu.memory_space<vmem_shared>> -> memref<3200xf32, #tpu.memory_space<vmem_shared>>
      tpu.enqueue_dma source(%dma_start3A_76 : memref<3200xf32, #tpu.memory_space<vmem_shared>>) target(%dma_start3A_75 : memref<3200xf32, #tpu.memory_space<hbm>>) target_semaphore(%run_scoped3A_74 : memref<!tpu.dma_semaphore, #tpu.memory_space<semaphore_mem>>)
      %dma_wait3A = tpu.memref_slice %arg8[%arg0, %run_scoped3A_67, %mul3A_66] : memref<2x12x51200xf32, #tpu.memory_space<hbm>> -> memref<1x1x3200xf32, #tpu.memory_space<hbm>>
      %dma_wait3A_77 = tpu.memref_squeeze %dma_wait3A : memref<1x1x3200xf32, #tpu.memory_space<hbm>> -> memref<3200xf32, #tpu.memory_space<hbm>>
      %dma_wait3A_78 = tpu.memref_slice %arg29[%mul3A_66] : memref<51200xf32, #tpu.memory_space<vmem_shared>> -> memref<3200xf32, #tpu.memory_space<vmem_shared>>
      tpu.wait_dma2 semaphore(%run_scoped3A_74 : memref<!tpu.dma_semaphore, #tpu.memory_space<semaphore_mem>>) src(%dma_wait3A_78 : memref<3200xf32, #tpu.memory_space<vmem_shared>>) dst(%dma_wait3A_77 : memref<3200xf32, #tpu.memory_space<hbm>>)
      tpu.yield
    }) : () -> ()
    %mul3A_68 = arith.constant 3200 : i32
    %mul3A_69 = arith.muli %arg1, %mul3A_68 : i32
    %run_scoped3A_70 = arith.constant 10 : i32
    "tpu.region"() ({
      %run_scoped3A_74 = tpu.sem_alloc : memref<!tpu.dma_semaphore, #tpu.memory_space<semaphore_mem>>
      %dma_start3A = tpu.memref_slice %arg8[%arg0, %run_scoped3A_70, %mul3A_69] : memref<2x12x51200xf32, #tpu.memory_space<hbm>> -> memref<1x1x3200xf32, #tpu.memory_space<hbm>>
      %dma_start3A_75 = tpu.memref_squeeze %dma_start3A : memref<1x1x3200xf32, #tpu.memory_space<hbm>> -> memref<3200xf32, #tpu.memory_space<hbm>>
      %dma_start3A_76 = tpu.memref_slice %arg30[%mul3A_69] : memref<51200xf32, #tpu.memory_space<vmem_shared>> -> memref<3200xf32, #tpu.memory_space<vmem_shared>>
      tpu.enqueue_dma source(%dma_start3A_76 : memref<3200xf32, #tpu.memory_space<vmem_shared>>) target(%dma_start3A_75 : memref<3200xf32, #tpu.memory_space<hbm>>) target_semaphore(%run_scoped3A_74 : memref<!tpu.dma_semaphore, #tpu.memory_space<semaphore_mem>>)
      %dma_wait3A = tpu.memref_slice %arg8[%arg0, %run_scoped3A_70, %mul3A_69] : memref<2x12x51200xf32, #tpu.memory_space<hbm>> -> memref<1x1x3200xf32, #tpu.memory_space<hbm>>
      %dma_wait3A_77 = tpu.memref_squeeze %dma_wait3A : memref<1x1x3200xf32, #tpu.memory_space<hbm>> -> memref<3200xf32, #tpu.memory_space<hbm>>
      %dma_wait3A_78 = tpu.memref_slice %arg30[%mul3A_69] : memref<51200xf32, #tpu.memory_space<vmem_shared>> -> memref<3200xf32, #tpu.memory_space<vmem_shared>>
      tpu.wait_dma2 semaphore(%run_scoped3A_74 : memref<!tpu.dma_semaphore, #tpu.memory_space<semaphore_mem>>) src(%dma_wait3A_78 : memref<3200xf32, #tpu.memory_space<vmem_shared>>) dst(%dma_wait3A_77 : memref<3200xf32, #tpu.memory_space<hbm>>)
      tpu.yield
    }) : () -> ()
    %mul3A_71 = arith.constant 3200 : i32
    %mul3A_72 = arith.muli %arg1, %mul3A_71 : i32
    %run_scoped3A_73 = arith.constant 11 : i32
    "tpu.region"() ({
      %run_scoped3A_74 = tpu.sem_alloc : memref<!tpu.dma_semaphore, #tpu.memory_space<semaphore_mem>>
      %dma_start3A = tpu.memref_slice %arg8[%arg0, %run_scoped3A_73, %mul3A_72] : memref<2x12x51200xf32, #tpu.memory_space<hbm>> -> memref<1x1x3200xf32, #tpu.memory_space<hbm>>
      %dma_start3A_75 = tpu.memref_squeeze %dma_start3A : memref<1x1x3200xf32, #tpu.memory_space<hbm>> -> memref<3200xf32, #tpu.memory_space<hbm>>
      %dma_start3A_76 = tpu.memref_slice %arg31[%mul3A_72] : memref<51200xf32, #tpu.memory_space<vmem_shared>> -> memref<3200xf32, #tpu.memory_space<vmem_shared>>
      tpu.enqueue_dma source(%dma_start3A_76 : memref<3200xf32, #tpu.memory_space<vmem_shared>>) target(%dma_start3A_75 : memref<3200xf32, #tpu.memory_space<hbm>>) target_semaphore(%run_scoped3A_74 : memref<!tpu.dma_semaphore, #tpu.memory_space<semaphore_mem>>)
      %dma_wait3A = tpu.memref_slice %arg8[%arg0, %run_scoped3A_73, %mul3A_72] : memref<2x12x51200xf32, #tpu.memory_space<hbm>> -> memref<1x1x3200xf32, #tpu.memory_space<hbm>>
      %dma_wait3A_77 = tpu.memref_squeeze %dma_wait3A : memref<1x1x3200xf32, #tpu.memory_space<hbm>> -> memref<3200xf32, #tpu.memory_space<hbm>>
      %dma_wait3A_78 = tpu.memref_slice %arg31[%mul3A_72] : memref<51200xf32, #tpu.memory_space<vmem_shared>> -> memref<3200xf32, #tpu.memory_space<vmem_shared>>
      tpu.wait_dma2 semaphore(%run_scoped3A_74 : memref<!tpu.dma_semaphore, #tpu.memory_space<semaphore_mem>>) src(%dma_wait3A_78 : memref<3200xf32, #tpu.memory_space<vmem_shared>>) dst(%dma_wait3A_77 : memref<3200xf32, #tpu.memory_space<hbm>>)
      tpu.yield
    }) : () -> ()
    return
  }
}

module attributes {stable_mosaic.version = 14 : i64} {
  func.func @_node_body(%arg0: i32, %arg1: memref<24x2048xf32, #tpu.memory_space<vmem>>, %arg2: memref<1x128xf32, #tpu.memory_space<vmem>>, %arg3: memref<8x128xf32, #tpu.memory_space<vmem>>, %arg4: memref<1x128xf32, #tpu.memory_space<vmem>>, %arg5: memref<16x128xf32, #tpu.memory_space<vmem>>) attributes {dimension_semantics = [#tpu.dimension_semantics<arbitrary>], iteration_bounds = array<i64: 25>, scalar_prefetch = 0 : i64, scratch_operands = 0 : i64, tpu.core_type = #tpu.core_type<tc>, window_params = [{transform_indices = @transform_0, window_bounds = array<i64: 24, 2048>}, {pipeline_mode = #tpu.pipeline_mode<synchronous>, transform_indices = @transform_1, window_bounds = array<i64: 1, 128>}, {pipeline_mode = #tpu.pipeline_mode<synchronous>, transform_indices = @transform_2, window_bounds = array<i64: 8, 128>}, {pipeline_mode = #tpu.pipeline_mode<synchronous>, transform_indices = @transform_3, window_bounds = array<i64: 1, 128>}, {transform_indices = @transform_4, window_bounds = array<i64: 16, 128>}]} {
    %get3A = arith.constant 0 : index
    %get3A_0 = arith.constant 0 : index
    %get3A_1 = vector.load %arg1[%get3A, %get3A_0] : memref<24x2048xf32, #tpu.memory_space<vmem>>, vector<24x2048xf32>
    %slice3A = vector.extract_strided_slice %get3A_1 {offsets = [0, 0], sizes = [12, 2048], strides = [1, 1]} : vector<24x2048xf32> to vector<12x2048xf32>
    %slice3A_2 = vector.extract_strided_slice %get3A_1 {offsets = [12, 0], sizes = [12, 2048], strides = [1, 1]} : vector<24x2048xf32> to vector<12x2048xf32>
    %add3A = arith.addf %slice3A, %slice3A_2 : vector<12x2048xf32>
    %slice3A_3 = vector.extract_strided_slice %add3A {offsets = [0, 0], sizes = [4, 2048], strides = [1, 1]} : vector<12x2048xf32> to vector<4x2048xf32>
    %add3A_4 = arith.constant 1.000000e-16 : f32
    %add3A_5 = vector.broadcast %add3A_4 : f32 to vector<4x2048xf32>
    %add3A_6 = arith.addf %slice3A_3, %add3A_5 : vector<4x2048xf32>
    %div3A = arith.constant 1.000000e+00 : f32
    %div3A_7 = vector.broadcast %div3A : f32 to vector<4x2048xf32>
    %div3A_8 = arith.divf %div3A_7, %add3A_6 : vector<4x2048xf32>
    %slice3A_9 = vector.extract_strided_slice %div3A_8 {offsets = [0, 0], sizes = [1, 2048], strides = [1, 1]} : vector<4x2048xf32> to vector<1x2048xf32>
    %slice3A_10 = vector.extract_strided_slice %add3A {offsets = [4, 0], sizes = [1, 2048], strides = [1, 1]} : vector<12x2048xf32> to vector<1x2048xf32>
    %mul3A = arith.mulf %slice3A_10, %slice3A_9 : vector<1x2048xf32>
    %slice3A_11 = vector.extract_strided_slice %add3A {offsets = [5, 0], sizes = [1, 2048], strides = [1, 1]} : vector<12x2048xf32> to vector<1x2048xf32>
    %mul3A_12 = arith.mulf %slice3A_11, %slice3A_9 : vector<1x2048xf32>
    %slice3A_13 = vector.extract_strided_slice %div3A_8 {offsets = [1, 0], sizes = [1, 2048], strides = [1, 1]} : vector<4x2048xf32> to vector<1x2048xf32>
    %slice3A_14 = vector.extract_strided_slice %add3A {offsets = [6, 0], sizes = [1, 2048], strides = [1, 1]} : vector<12x2048xf32> to vector<1x2048xf32>
    %mul3A_15 = arith.mulf %slice3A_14, %slice3A_13 : vector<1x2048xf32>
    %slice3A_16 = vector.extract_strided_slice %add3A {offsets = [7, 0], sizes = [1, 2048], strides = [1, 1]} : vector<12x2048xf32> to vector<1x2048xf32>
    %mul3A_17 = arith.mulf %slice3A_16, %slice3A_13 : vector<1x2048xf32>
    %slice3A_18 = vector.extract_strided_slice %div3A_8 {offsets = [2, 0], sizes = [1, 2048], strides = [1, 1]} : vector<4x2048xf32> to vector<1x2048xf32>
    %slice3A_19 = vector.extract_strided_slice %add3A {offsets = [8, 0], sizes = [1, 2048], strides = [1, 1]} : vector<12x2048xf32> to vector<1x2048xf32>
    %mul3A_20 = arith.mulf %slice3A_19, %slice3A_18 : vector<1x2048xf32>
    %slice3A_21 = vector.extract_strided_slice %add3A {offsets = [9, 0], sizes = [1, 2048], strides = [1, 1]} : vector<12x2048xf32> to vector<1x2048xf32>
    %mul3A_22 = arith.mulf %slice3A_21, %slice3A_18 : vector<1x2048xf32>
    %slice3A_23 = vector.extract_strided_slice %div3A_8 {offsets = [3, 0], sizes = [1, 2048], strides = [1, 1]} : vector<4x2048xf32> to vector<1x2048xf32>
    %slice3A_24 = vector.extract_strided_slice %add3A {offsets = [10, 0], sizes = [1, 2048], strides = [1, 1]} : vector<12x2048xf32> to vector<1x2048xf32>
    %mul3A_25 = arith.mulf %slice3A_24, %slice3A_23 : vector<1x2048xf32>
    %slice3A_26 = vector.extract_strided_slice %add3A {offsets = [11, 0], sizes = [1, 2048], strides = [1, 1]} : vector<12x2048xf32> to vector<1x2048xf32>
    %mul3A_27 = arith.mulf %slice3A_26, %slice3A_23 : vector<1x2048xf32>
    %concatenate3A = tpu.concatenate %mul3A, %mul3A_12, %mul3A_15, %mul3A_17, %mul3A_20, %mul3A_22, %mul3A_25, %mul3A_27 in 0 : vector<1x2048xf32>, vector<1x2048xf32>, vector<1x2048xf32>, vector<1x2048xf32>, vector<1x2048xf32>, vector<1x2048xf32>, vector<1x2048xf32>, vector<1x2048xf32> -> vector<8x2048xf32>
    %get3A_28 = arith.constant 0 : index
    %get3A_29 = arith.constant 0 : index
    %get3A_30 = vector.load %arg3[%get3A_28, %get3A_29] : memref<8x128xf32, #tpu.memory_space<vmem>>, vector<8x128xf32>
    %dot_general3A = arith.constant dense<0.000000e+00> : vector<2048x128xf32>
    %dot_general3A_31 = tpu.matmul %concatenate3A, %get3A_30, %dot_general3A {dimension_numbers = #tpu.dot_dimension_numbers<[0], [0], [1], [1], [0, 1, 1, 1], [], []>, precision = #tpu.contract_precision<fp32>, transpose_lhs_hint = false} : vector<8x2048xf32>, vector<8x128xf32>, vector<2048x128xf32> -> vector<2048x128xf32>
    %get3A_32 = arith.constant 0 : index
    %get3A_33 = arith.constant 0 : index
    %get3A_34 = vector.load %arg2[%get3A_32, %get3A_33] : memref<1x128xf32, #tpu.memory_space<vmem>>, vector<1x128xf32>
    %add3A_35 = vector.broadcast %get3A_34 : vector<1x128xf32> to vector<2048x128xf32>
    %add3A_36 = arith.addf %dot_general3A_31, %add3A_35 : vector<2048x128xf32>
    %gt3A = arith.constant 0.000000e+00 : f32
    %gt3A_37 = vector.broadcast %gt3A : f32 to vector<2048x128xf32>
    %gt3A_38 = arith.cmpf ogt, %add3A_36, %gt3A_37 : vector<2048x128xf32>
    %exp3A = math.exp %add3A_36 : vector<2048x128xf32>
    %sub3A = arith.constant 1.000000e+00 : f32
    %sub3A_39 = vector.broadcast %sub3A : f32 to vector<2048x128xf32>
    %sub3A_40 = arith.subf %exp3A, %sub3A_39 : vector<2048x128xf32>
    %select_n3A = arith.select %gt3A_38, %add3A_36, %sub3A_40 : vector<2048x128xi1>, vector<2048x128xf32>
    %convert_element_type3A = arith.truncf %select_n3A : vector<2048x128xf32> to vector<2048x128xbf16>
    %convert_element_type3A_41 = arith.extf %convert_element_type3A : vector<2048x128xbf16> to vector<2048x128xf32>
    %get3A_42 = arith.constant 0 : index
    %get3A_43 = arith.constant 0 : index
    %get3A_44 = vector.load %arg4[%get3A_42, %get3A_43] : memref<1x128xf32, #tpu.memory_space<vmem>>, vector<1x128xf32>
    %mul3A_45 = vector.broadcast %get3A_44 : vector<1x128xf32> to vector<2048x128xf32>
    %mul3A_46 = arith.mulf %convert_element_type3A_41, %mul3A_45 : vector<2048x128xf32>
    %reduce_sum3A = arith.constant dense<0.000000e+00> : vector<2048xf32>
    %reduce_sum3A_47 = vector.multi_reduction <add>, %mul3A_46, %reduce_sum3A [1] : vector<2048x128xf32> to vector<2048xf32>
    %reshape3A = vector.shape_cast %reduce_sum3A_47 : vector<2048xf32> to vector<16x128xf32>
    %swap3A = arith.constant 0 : index
    %swap3A_48 = arith.constant 0 : index
    %swap3A_49 = vector.load %arg5[%swap3A, %swap3A_48] : memref<16x128xf32, #tpu.memory_space<vmem>>, vector<16x128xf32>
    tpu.vector_store %arg5[%swap3A, %swap3A_48], %reshape3A {strides = array<i32>} : memref<16x128xf32, #tpu.memory_space<vmem>>, vector<16x128xf32>,
    return
  }
  func.func @transform_0(%arg0: i32) -> (i32, i32) {
    %c0_i32 = arith.constant 0 : i32
    %c0_i32_0 = arith.constant 0 : i32
    return %c0_i32, %arg0 : i32, i32
  }
  func.func @transform_1(%arg0: i32) -> (i32, i32) {
    %c0_i32 = arith.constant 0 : i32
    %c0_i32_0 = arith.constant 0 : i32
    %c0_i32_1 = arith.constant 0 : i32
    return %c0_i32, %c0_i32_0 : i32, i32
  }
  func.func @transform_2(%arg0: i32) -> (i32, i32) {
    %c0_i32 = arith.constant 0 : i32
    %c0_i32_0 = arith.constant 0 : i32
    %c0_i32_1 = arith.constant 0 : i32
    return %c0_i32, %c0_i32_0 : i32, i32
  }
  func.func @transform_3(%arg0: i32) -> (i32, i32) {
    %c0_i32 = arith.constant 0 : i32
    %c0_i32_0 = arith.constant 0 : i32
    %c0_i32_1 = arith.constant 0 : i32
    return %c0_i32, %c0_i32_0 : i32, i32
  }
  func.func @transform_4(%arg0: i32) -> (i32, i32) {
    %c0_i32 = arith.constant 0 : i32
    %c0_i32_0 = arith.constant 0 : i32
    return %arg0, %c0_i32 : i32, i32
  }
}

module attributes {stable_mosaic.version = 14 : i64} {
  func.func @_epi_body(%arg0: i32, %arg1: memref<4x2048xf32, #tpu.memory_space<vmem>>, %arg2: memref<1x1xf32, #tpu.memory_space<smem>>, %arg3: memref<16x128xf32, #tpu.memory_space<vmem>>) attributes {dimension_semantics = [#tpu.dimension_semantics<arbitrary>], iteration_bounds = array<i64: 25>, scalar_prefetch = 0 : i64, scratch_operands = 0 : i64, tpu.core_type = #tpu.core_type<tc>, window_params = [{transform_indices = @transform_0, window_bounds = array<i64: 4, 2048>}, {transform_indices = @transform_1, window_bounds = array<i64: 1, 1>}, {transform_indices = @transform_2, window_bounds = array<i64: 16, 128>}]} {
    %get3A = arith.constant 0 : index
    %get3A_0 = arith.constant 0 : index
    %get3A_1 = vector.load %arg1[%get3A, %get3A_0] : memref<4x2048xf32, #tpu.memory_space<vmem>>, vector<4x2048xf32>
    %slice3A = vector.extract_strided_slice %get3A_1 {offsets = [1, 0], sizes = [1, 2048], strides = [1, 1]} : vector<4x2048xf32> to vector<1x2048xf32>
    %slice3A_2 = vector.extract_strided_slice %get3A_1 {offsets = [3, 0], sizes = [1, 2048], strides = [1, 1]} : vector<4x2048xf32> to vector<1x2048xf32>
    %add3A = arith.addf %slice3A, %slice3A_2 : vector<1x2048xf32>
    %slice3A_3 = vector.extract_strided_slice %get3A_1 {offsets = [0, 0], sizes = [1, 2048], strides = [1, 1]} : vector<4x2048xf32> to vector<1x2048xf32>
    %slice3A_4 = vector.extract_strided_slice %get3A_1 {offsets = [2, 0], sizes = [1, 2048], strides = [1, 1]} : vector<4x2048xf32> to vector<1x2048xf32>
    %add3A_5 = arith.addf %slice3A_3, %slice3A_4 : vector<1x2048xf32>
    %add3A_6 = arith.constant 1.000000e-16 : f32
    %add3A_7 = vector.broadcast %add3A_6 : f32 to vector<1x2048xf32>
    %add3A_8 = arith.addf %add3A_5, %add3A_7 : vector<1x2048xf32>
    %div3A = arith.divf %add3A, %add3A_8 : vector<1x2048xf32>
    %get3A_9 = arith.constant 0 : index
    %get3A_10 = arith.constant 0 : index
    %get3A_11 = memref.load %arg2[%get3A_9, %get3A_10] : memref<1x1xf32, #tpu.memory_space<smem>>
    %add3A_12 = vector.broadcast %get3A_11 : f32 to vector<1x2048xf32>
    %add3A_13 = arith.addf %div3A, %add3A_12 : vector<1x2048xf32>
    %reshape3A = vector.shape_cast %add3A_13 : vector<1x2048xf32> to vector<16x128xf32>
    %swap3A = arith.constant 0 : index
    %swap3A_14 = arith.constant 0 : index
    %swap3A_15 = vector.load %arg3[%swap3A, %swap3A_14] : memref<16x128xf32, #tpu.memory_space<vmem>>, vector<16x128xf32>
    tpu.vector_store %arg3[%swap3A, %swap3A_14], %reshape3A {strides = array<i32>} : memref<16x128xf32, #tpu.memory_space<vmem>>, vector<16x128xf32>,
    return
  }
  func.func @transform_0(%arg0: i32) -> (i32, i32) {
    %c0_i32 = arith.constant 0 : i32
    %c0_i32_0 = arith.constant 0 : i32
    return %c0_i32, %arg0 : i32, i32
  }
  func.func @transform_1(%arg0: i32) -> (i32, i32) {
    %c0_i32 = arith.constant 0 : i32
    %c0_i32_0 = arith.constant 0 : i32
    %c0_i32_1 = arith.constant 0 : i32
    return %c0_i32, %c0_i32_0 : i32, i32
  }
  func.func @transform_2(%arg0: i32) -> (i32, i32) {
    %c0_i32 = arith.constant 0 : i32
    %c0_i32_0 = arith.constant 0 : i32
    return %arg0, %c0_i32 : i32, i32
  }
}

</mosaic_0001>

<sc_bundles>
// kernel: kernel.6.cloned.1.call-start
scs
__scs_entry_jumppad:
0x0: {  	(pc) =	sbr.rel $0x88, $3  }
0x1: {  	(tag) =	ssettag $0x0;
	lr =	simm.s32 $0x1  }
0x2: {  	[smem:$0x3F92] =	sst lr;
	_ =	strace $0xD0000000  }
0x3: {  	_ = 	snop  }
0x4: {  	_ = 	snop  }
0x5: {  	_ = 	snop  }
0x6: {  	_ = 	snop  }
0x7: {  	_ = 	snop  }
__scs_overlays_trampoline_lowered:
0x8: {  	[smem:$0x3FA1] =	sst s0  }
0x9: {  	[smem:$0x3FA2] =	sst s1  }
0xa: {  	[smem:$0x3FA3] =	sst s2  }
0xb: {  	[smem:$0x3FA4] =	sst s3  }
0xc: {  	[smem:$0x3FA5] =	sst s4  }
0xd: {  	[smem:$0x3FA6] =	sst s5  }
0xe: {  	[smem:$0x3FA7] =	sst s6  }
0xf: {  	[smem:$0x3FA8] =	sst s7  }
0x10: {  	[smem:$0x3FA9] =	sst s8  }
0x11: {  	[smem:$0x3FAA] =	sst s9;
	s0 =	simm.s32 @!p0 $0x0  }
0x12: {  	s1 =	sld [smem:$0x3F90];
	s0 =	simm.s32 @p0 $0x1  }
0x13: {  	[smem:$0x3FAB] =	sst s0;
	s0 =	simm.s32 @!p1 $0x0  }
0x14: {  	s2 =	sld [smem:$0x3F8F];
	s0 =	simm.s32 @p1 $0x1  }
0x15: {  	[smem:$0x3FAC] =	sst s0;
	s0 =	simm.s32 @!p2 $0x0  }
0x16: {  	s3 =	sld [smem:$0x3FDB];
	s0 =	simm.s32 @p2 $0x1  }
0x17: {  	s4 =	simm.s32 $0x1BF5;
	[smem:$0x3FAE] =	sst s0  }
0x18: {  	s0 =	sld [smem:$0x3F91];
	_ =	swait.ge [sflag:s4], $0x0  }
0x19: {  	s7 =	sld [smem:$0x3F92]  }
0x1a: {  	s8 =	sadd.s32 $0xFFFFE003, lr  }
0x1b: {  	s9 =	sadd.s32 $0xFFFFFEF7, lr;
	s5 =	simm.s32 $0xFFFFFFFF;
	p2 =	slt.u32 s8, $0xFFFFF086  }
0x1c: {  	p1 =	slt.u32 s9, $0xF7A;
	s5 =	simm.s32 @!p2 $0x0  }
0x1d: {  	s5 =	simm.s32 @p1 $0x1;
	p0 =	seq.s32 s7, s2  }
0x1e: {  	s7 =	smul.u32 @!p0 $0xF7A, s2;
	p2 =	seq.s32 @!p0 s5, $0x0  }
0x1f: {  	s9 =	smul.u32 $0xF7A, s1;
	s8 =	simm.s32 @!p0 $0x1BF5;
	p2 =	por !p2, p0  }
0x20: {  	[sflag:s8] =	ssyncset.s32 @!p0 $0xFFFFF086;
	s6 =	sadd.s32 @!p0 s3, s7;
	s7 =	simm.s32 @!p0 $0x108  }
0x21: {  	s3 =	sadd.s32 s3, s9;
	s6 =	sadd.s32 @!p0 $0x88, s6;
	s7 =	simm.s32 @p2 $0x1082  }
0x22: {  	[simem:s7], [sflag:s8] =	dma.local @!p0 [hbm:s6], $0xF7A  }
0x23: {  	s9 =	sor.u32 $0xD0000000, s2;
	s6 =	simm.s32 $0x108;
	_ =	swait.ge @!p0 [sflag:s8], $0x0  }
0x24: {  	s3 =	sadd.s32 $0x88, s3;
	s6 =	simm.s32 @!p1 $0x1082;
	[sflag:s4] =	ssyncset.s32 $0xFFFFF086  }
0x25: {  	[simem:s6], [sflag:s4] =	dma.local [hbm:s3], $0xF7A  }
0x26: {  	[smem:$0x3F92] =	sst s1;
	(tag) =	ssettag s2;
	_ =	strace s9  }
0x27: {  	s1 =	sld [smem:$0x3FA2]  }
0x28: {  	s2 =	sld [smem:$0x3FA3]  }
0x29: {  	s4 =	sld [smem:$0x3FA5]  }
0x2a: {  	p0 =	seq.s32 s5, $0x0;
	s5 =	sld [smem:$0x3FA6]  }
0x2b: {  	s6 =	sld [smem:$0x3FA7]  }
0x2c: {  	s7 =	sld [smem:$0x3FA8]  }
0x2d: {  	s3 =	simm.s32 $0x108;
	s8 =	sld [smem:$0x3FA9]  }
0x2e: {  	s3 =	simm.s32 @!p0 $0x1082;
	s9 =	sld [smem:$0x3FAA]  }
0x2f: {  	lr =	sadd.s32 s0, s3;
	s0 =	sld [smem:$0x3FA1]  }
0x30: {  	s3 =	sld [smem:$0x3FA4]  }
0x31: {  	[smem:$0x3FAD] =	sst s10  }
0x32: {  	s10 =	sld [smem:$0x3FAB];
	_ =	sdelay $0x3  }
0x33: {  	p0 =	seq.s32 s10, $0x1;
	s10 =	sld [smem:$0x3FAD];
	_ =	sdelay $0x3  }
0x34: {  	[smem:$0x3FAD] =	sst s10  }
0x35: {  	s10 =	sld [smem:$0x3FAC];
	_ =	sdelay $0x3  }
0x36: {  	p1 =	seq.s32 s10, $0x1;
	s10 =	sld [smem:$0x3FAD];
	_ =	sdelay $0x3  }
0x37: {  	[smem:$0x3FAD] =	sst s10  }
0x38: {  	s10 =	sld [smem:$0x3FAE]  }
0x39: {  	_ = 	snop;
	(pc) =	sbr.ind lr, $3  }
0x3a: {  	_ = 	snop  }
0x3b: {  	_ = 	snop  }
0x3c: {  	p2 =	seq.s32 s10, $0x1;
	s10 =	sld [smem:$0x3FAD]  }
0x3d: {  	_ =	shalt  }
0x3e: {  	_ =	shalt  }
0x3f: {  	_ =	shalt  }
0x40: {  	_ =	shalt  }
0x41: {  	_ =	shalt  }
0x42: {  	_ =	shalt  }
0x43: {  	_ =	shalt  }
0x44: {  	_ =	shalt  }
0x45: {  	_ =	shalt  }
0x46: {  	_ =	shalt  }
0x47: {  	_ =	shalt  }
0x48: {  	_ =	shalt  }
0x49: {  	_ =	shalt  }
0x4a: {  	_ =	shalt  }
0x4b: {  	_ =	shalt  }
0x4c: {  	_ =	shalt  }
0x4d: {  	_ =	shalt  }
0x4e: {  	_ =	shalt  }
0x4f: {  	_ =	shalt  }
0x50: {  	_ =	shalt  }
0x51: {  	_ =	shalt  }
0x52: {  	_ =	shalt  }
0x53: {  	_ =	shalt  }
0x54: {  	_ =	shalt  }
0x55: {  	_ =	shalt  }
0x56: {  	_ =	shalt  }
0x57: {  	_ =	shalt  }
0x58: {  	_ =	shalt  }
0x59: {  	_ =	shalt  }
0x5a: {  	_ =	shalt  }
0x5b: {  	_ =	shalt  }
0x5c: {  	_ =	shalt  }
0x5d: {  	_ =	shalt  }
0x5e: {  	_ =	shalt  }
0x5f: {  	_ =	shalt  }
0x60: {  	_ =	shalt  }
0x61: {  	_ =	shalt  }
0x62: {  	_ =	shalt  }
0x63: {  	_ =	shalt  }
0x64: {  	_ =	shalt  }
0x65: {  	_ =	shalt  }
0x66: {  	_ =	shalt  }
0x67: {  	_ =	shalt  }
0x68: {  	_ =	shalt  }
0x69: {  	_ =	shalt  }
0x6a: {  	_ =	shalt  }
0x6b: {  	_ =	shalt  }
0x6c: {  	_ =	shalt  }
0x6d: {  	_ =	shalt  }
0x6e: {  	_ =	shalt  }
0x6f: {  	_ =	shalt  }
0x70: {  	_ =	shalt  }
0x71: {  	_ =	shalt  }
0x72: {  	_ =	shalt  }
0x73: {  	_ =	shalt  }
0x74: {  	_ =	shalt  }
0x75: {  	_ =	shalt  }
0x76: {  	_ =	shalt  }
0x77: {  	_ =	shalt  }
0x78: {  	_ =	shalt  }
0x79: {  	_ =	shalt  }
0x7a: {  	_ =	shalt  }
0x7b: {  	_ =	shalt  }
0x7c: {  	_ =	shalt  }
0x7d: {  	_ =	shalt  }
0x7e: {  	_ =	shalt  }
0x7f: {  	_ =	shalt  }
0x80: {  	_ =	shalt  }
0x81: {  	_ =	shalt  }
0x82: {  	_ =	shalt  }
0x83: {  	_ =	shalt  }
0x84: {  	_ =	shalt  }
0x85: {  	_ =	shalt  }
0x86: {  	_ =	shalt  }
0x87: {  	_ =	shalt  }
.Lfunc_end0:
.L_simem_size_0:
called_computation_lowered:
.L_overlay_start_0:
0x88: {  	s2 =	sld [smem:$0x3FD9]  }
0x89: {  	s3 =	sld [smem:$0x3FFE];
	_ =	sdelay $0x1  }
0x8a: {  	s1 =	srdreg.scid  }
0x8b: {  	s0 =	sand.u32 $0x1, s1  }
0x8c: {  	s11 =	sshll.u32 s0, $0xA;
	s2 =	sadd.s32 s3, s2  }
0x8d: {  	s2 =	sadd.s32 s2, s11  }
0x8e: {  	[smem:$0x3FB9] =	sst s2  }
0x8f: {  	_ = 	snop  }
0x90: {  	s12 =	sld [smem:$0x3FD0];
	(tm) =	ssettm $0x1  }
0x91: {  	s13 =	sld [smem:$0x3FFB];
	_ =	sdelay $0x3  }
0x92: {  	_ =	strace s13  }
0x93: {  	s2 =	sld [smem:$0x3FFC];
	_ =	sdelay $0x3  }
0x94: {  	_ =	strace s2  }
0x95: {  	s2 =	sld [smem:$0x3FFD];
	_ =	sdelay $0x3  }
0x96: {  	_ =	strace s2  }
0x97: {  	_ =	strace $0x8FFFFFFF  }
0x98: {  	s14 =	sld [smem:$0x3FDB];
	_ =	sdelay $0x1  }
0x99: {  	s4 =	simm.s32 $_scs_section_size  }
0x9a: {  	s5 =	simm.s32 $_size__tile_task_arg_handler_lowered;
	s6 =	simm.s32 $_tile_task_arg_handler_lowered  }
0x9b: {  	s17 =	simm.s32 $0x1BFF;
	s16 =	sshll.u32 s6, $0x1;
	s4 =	sadd.s32 s4, s14  }
0x9c: {  	s7 =	simm.s32 $0x60;
	s15 =	sshll.u32 s5, $0x1;
	s5 =	sadd.s32 s16, s4  }
0x9d: {  	[timem:s7], [sflag:s17] =	dma.local [hbm:s5], s15  }
0x9e: {  	_ =	swait.ge [sflag:s17], s15  }
0x9f: {  	s18 =	simm.s32 $_tile_overlayer_lowered;
	s2 =	ssub.s32 $0x0, s15;
	[sflag:s17] =	ssyncset.done $0x0  }
0xa0: {  	s19 =	simm.s32 $_size__tile_overlayer_lowered;
	s5 =	sshll.u32 s18, $0x1;
	[sflag:s17] =	ssyncadd.s32 s2  }
0xa1: {  	s21 =	simm.s32 $0x0;
	s20 =	sshll.u32 s19, $0x1;
	s5 =	sadd.s32 s5, s4  }
0xa2: {  	[timem:s21], [sflag:s17] =	dma.local [hbm:s5], s20  }
0xa3: {  	_ =	swait.ge [sflag:s17], s20  }
0xa4: {  	s22 =	ssub.s32 $0x0, s20;
	[sflag:s17] =	ssyncset.done $0x0  }
0xa5: {  	[sflag:s17] =	ssyncadd.s32 s22;
	_ =	sdelay $0x1  }
0xa6: {  	s23 =	simm.s32 $0x1B8B  }
0xa7: {  	_ =	swait.ge [sflag:s23], $0x1  }
0xa8: {  	[sflag:s23] =	ssyncset.done $0x0  }
0xa9: {  	s25 =	simm.s32 $0x1B8E;
	s24 =	sld [smem:$0x3FFE];
	[sflag:s23] =	ssyncadd.s32 $0xFFFFFFFF  }
0xaa: {  	s26 =	simm.s32 $execute0_lowered;
	[smem:$0x3FD2] =	sst s25  }
0xab: {  	s6 =	sshll.u32 s26, $0x1;
	_ =	strace $0x80000046;
	[dreg:$0x1] =	wrdreg $0xFFFFFFFF  }
0xac: {  	s28 =	simm.s32 $_size_execute0_lowered;
	s4 =	sadd.s32 s4, s6;
	[dreg:$0x0] =	wrdreg $0x0  }
0xad: {  	s6 =	sshll.u32 s28, $0x1;
	[dreg:$0x2] =	wrdreg s4  }
0xae: {  	[dreg:$0x3] =	wrdreg s6  }
0xaf: {  	[dreg:$0x4] =	wrdreg $0xC0  }
0xb0: {  	_ =	task [dreg:s21], $0x5FFFF  }
0xb1: {  	[dreg:$0x1] =	wrdreg $0xFFFFFFFF  }
0xb2: {  	[dreg:$0x0] =	wrdreg $0x30  }
0xb3: {  	[dreg:$0x2] =	wrdreg $0x0  }
0xb4: {  	[dreg:$0x3] =	wrdreg $0x9  }
0xb5: {  	_ =	task [dreg:s21], $0x4FFFF  }
0xb6: {  	[dreg:$0x1] =	wrdreg $0xFFFFFFFF  }
0xb7: {  	[dreg:$0x0] =	wrdreg $0x60  }
0xb8: {  	[dreg:$0x2] =	wrdreg s24  }
0xb9: {  	[dreg:$0x3] =	wrdreg s12  }
0xba: {  	[dreg:$0x4] =	wrdreg $0x24000  }
0xbb: {  	[dreg:$0x5] =	wrdreg $0x30800  }
0xbc: {  	[dreg:$0x6] =	wrdreg $0x3D000  }
0xbd: {  	[dreg:$0x7] =	wrdreg $0x49800  }
0xbe: {  	[dreg:$0x8] =	wrdreg $0x56000  }
0xbf: {  	[dreg:$0x9] =	wrdreg $0x62800  }
0xc0: {  	[dreg:$0xa] =	wrdreg $0x6F000  }
0xc1: {  	[dreg:$0xb] =	wrdreg $0x7B800  }
0xc2: {  	[dreg:$0xc] =	wrdreg $0x88000  }
0xc3: {  	[dreg:$0xd] =	wrdreg $0x94800  }
0xc4: {  	[dreg:$0xe] =	wrdreg $0xA1000  }
0xc5: {  	[dreg:$0xf] =	wrdreg $0xAD800  }
0xc6: {  	_ =	task.clear_ibuf [dreg:s21], $0x10FFFF;
	_ =	strace $0x90000046  }
0xc7: {  	s29 =	simm.s32 $0x9;
	_ =	strace $0x80000048  }
0xc8: {  	_ =	swait.ge [sflag:s29], $0x1  }
0xc9: {  	[sflag:s29] =	ssyncadd.s32 $0xFFFFFFFF  }
0xca: {  	_ =	strace $0x90000048  }
0xcb: {  	_ =	sfence  }
0xcc: {  	s30 =	sld [smem:$0x0];
	_ =	sdelay $0x2  }
0xcd: {  	s31 =	sshll.u32 s1, $0xD;
	s1 =	sshrl.u32 s1, $0x2  }
0xce: {  	s4 =	sand.u32 $0x4000, s31;
	s1 =	sadd.s32 s1, s30  }
0xcf: {  	s0 =	sor.u32 s4, s0;
	s1 =	sshll.u32 s1, $0x11  }
0xd0: {  	s0 =	sor.u32 s1, s0  }
0xd1: {  	s0 =	sadd.s32 $0x8F2B, s0  }
0xd2: {  	[sflag:s0] =	ssyncadd.remote.s32 $0x1  }
0xd3: {  	_ =	sfence.sel $0xFFFF  }
0xd4: {  	[dreg:$0x0] =	wrdreg $0xFFFFFFFF;
	(pc) =	sbr.abs _section_cstart, $3  }
0xd5: {  	[dreg:$0x1] =	wrdreg $0xFFFFFFFF  }
0xd6: {  	_ =	task.clear_ibuf [dreg:s21], $0x2FFFF;
	_ =	strace $0x9FFFFFFF  }
0xd7: {  	(tm) =	ssettm $0x7FFFFFFF  }
tec
_tile_task_arg_handler_lowered:
.L_overlay_start_1:
0x0: {  	(tag) =	ssettag $0x1  }
0x1: {  	s0 =	rddreg [dreg:$0x0]  }
0x2: {  	s1 =	rddreg [dreg:$0x1]  }
0x3: {  	s2 =	rddreg [dreg:$0x2]  }
0x4: {  	s3 =	rddreg [dreg:$0x3]  }
0x5: {  	s4 =	rddreg [dreg:$0x4]  }
0x6: {  	s5 =	rddreg [dreg:$0x5]  }
0x7: {  	s6 =	rddreg [dreg:$0x6]  }
0x8: {  	s7 =	rddreg [dreg:$0x7]  }
0x9: {  	s8 =	rddreg [dreg:$0x8]  }
0xa: {  	s9 =	rddreg [dreg:$0x9]  }
0xb: {  	s10 =	rddreg [dreg:$0xa]  }
0xc: {  	s11 =	rddreg [dreg:$0xb]  }
0xd: {  	s12 =	rddreg [dreg:$0xc]  }
0xe: {  	s13 =	rddreg [dreg:$0xd]  }
0xf: {  	[smem:s0] =	sst s1  }
0x10: {  	[smem:s0+$0x1] =	sst s2  }
0x11: {  	[smem:s0+$0x2] =	sst s3  }
0x12: {  	[smem:s0+$0x3] =	sst s4  }
0x13: {  	[smem:s0+$0x4] =	sst s5  }
0x14: {  	[smem:s0+$0x5] =	sst s6  }
0x15: {  	[smem:s0+$0x6] =	sst s7  }
0x16: {  	[smem:s0+$0x7] =	sst s8  }
0x17: {  	[smem:s0+$0x8] =	sst s9  }
0x18: {  	[smem:s0+$0x9] =	sst s10  }
0x19: {  	[smem:s0+$0xA] =	sst s11  }
0x1a: {  	[smem:s0+$0xB] =	sst s12  }
0x1b: {  	[smem:s0+$0xC] =	sst s13;
	_ =	shalt  }
.Lfunc_end2:
execute0_lowered:
.L_overlay_start_2:
0x1c: {  	(tag) =	ssettag $0x2  }
0x1d: {  	s0 =	rddreg [dreg:$0x0]  }
0x1e: {  	s1 =	rddreg [dreg:$0x2]  }
0x1f: {  	s2 =	rddreg [dreg:$0x3]  }
0x20: {  	s3 =	rddreg [dreg:$0x4]  }
0x21: {  	s4 =	rddreg [dreg:$0x5]  }
0x22: {  	s5 =	rddreg [dreg:$0x6]  }
0x23: {  	s6 =	rddreg [dreg:$0x7]  }
0x24: {  	s7 =	rddreg [dreg:$0x8]  }
0x25: {  	s9 =	rddreg [dreg:$0x9]  }
0x26: {  	s10 =	rddreg [dreg:$0xa]  }
0x27: {  	s11 =	rddreg [dreg:$0xb]  }
0x28: {  	s8 =	srdreg.scid;
	s22 =	stileid.u32;
	s15 =	simm.s32 $0x0  }
0x29: {  	s8 =	sand.u32 $0x1, s8;
	s13 =	smul.u32 $0x1880, s22;
	[smem:$0x7FF] =	sst s15  }
0x2a: {  	s16 =	smul.u32 $0xC40, s8;
	s17 =	sld [smem:$0x0]  }
0x2b: {  	s12 =	rddreg [dreg:$0xc];
	s13 =	sadd.s32 s13, s0  }
0x2c: {  	s14 =	rddreg [dreg:$0xd];
	s16 =	sadd.s32 s16, s13  }
0x2d: {  	[dreg:$0x1b] =	wrdreg s17;
	s20 =	sadd.s32 $0x31000, s16  }
0x2e: {  	s21 =	sadd.s32 $0x18800, s16;
	_ =	strace $0x80000047;
	[dreg:$0xe] =	wrdreg s20  }
0x2f: {  	s23 =	simm.s32 $0xD00;
	[dreg:$0xf] =	wrdreg s21  }
0x30: {  	s24 =	simm.s32 $0xD80;
	s25 =	simm.s32 $0xE00;
	[dreg:$0x10] =	wrdreg s23  }
0x31: {  	s26 =	simm.s32 $0xE80;
	s18 =	ssub.s32 $0x2, s8;
	[dreg:$0x11] =	wrdreg s24  }
0x32: {  	s8 =	smul.u32 $0xC8000, s8;
	s19 =	sshrl.u32 s18, $0x1;
	[dreg:$0x12] =	wrdreg s25  }
0x33: {  	s18 =	ssub.s32 s18, s19;
	s19 =	simm.s32 $0xF00;
	[dreg:$0x13] =	wrdreg s26  }
0x34: {  	s13 =	sadd.s32 $0x4CC00, s0;
	[dreg:$0x14] =	wrdreg s19;
	s21 =	simm.s32 $0x1000  }
0x35: {  	s17 =	sadd.s32 $0x4CC30, s0;
	s24 =	simm.s32 $0x1080;
	[dreg:$0x16] =	wrdreg s21  }
0x36: {  	s20 =	smul.u32 $0x6400, s22;
	s26 =	simm.s32 $0x1100;
	[dreg:$0x17] =	wrdreg s24  }
0x37: {  	s19 =	sadd.s32 $0x4CC10, s0;
	[dreg:$0x18] =	wrdreg s26;
	s21 =	simm.s32 $0x1180  }
0x38: {  	s26 =	simm.s32 $0x1200;
	s8 =	sadd.s32 s20, s8;
	[dreg:$0x19] =	wrdreg s21  }
0x39: {  	s20 =	simm.s32 $0xF80;
	[dreg:$0x1a] =	wrdreg s26;
	s8 =	sshrl.u32 s8, $0x3  }
0x3a: {  	[dreg:$0x15] =	wrdreg s20;
	s20 =	sadd.s32 $0x4CC20, s0;
	s25 =	sadd.s32 s8, s19  }
0x3b: {  	s23 =	sadd.s32 s13, s8;
	s24 =	sadd.s32 s8, s20;
	[dreg:$0x1d] =	wrdreg s25  }
0x3c: {  	s21 =	sadd.s32 $0xC800, s8;
	s8 =	sadd.s32 s8, s17;
	[dreg:$0x1e] =	wrdreg s24  }
0x3d: {  	[dreg:$0x1f] =	wrdreg s8  }
0x3e: {  	s24 =	sadd.s32 s13, s21;
	[dreg:$0x1c] =	wrdreg s23  }
0x3f: {  	s25 =	sadd.s32 s21, s19;
	[smem:$0x7E9] =	sst s24  }
0x40: {  	s8 =	smul.u32 $0xC80, s22;
	s20 =	sadd.s32 s21, s20;
	[smem:$0x7EA] =	sst s25  }
0x41: {  	s17 =	sadd.s32 s21, s17;
	[smem:$0x7EB] =	sst s20  }
0x42: {  	[smem:$0x7EC] =	sst s17;
	s21 =	sadd.s32 s8, s1  }
0x43: {  	s22 =	sadd.s32 s8, s2;
	[smem:$0x7ED] =	sst s21  }
0x44: {  	s24 =	sadd.s32 s8, s3;
	[smem:$0x7EE] =	sst s22  }
0x45: {  	s13 =	sadd.s32 s8, s4;
	[smem:$0x7EF] =	sst s24  }
0x46: {  	s17 =	sadd.s32 s8, s5;
	[smem:$0x7F0] =	sst s13  }
0x47: {  	s28 =	simm.s32 $0xC80;
	s19 =	sadd.s32 s8, s6;
	[smem:$0x7F1] =	sst s17  }
0x48: {  	s29 =	simm.s32 $0x1;
	s20 =	sadd.s32 s8, s7;
	[smem:$0x7F2] =	sst s19  }
0x49: {  	s30 =	simm.s32 $0x80;
	[smem:$0x7F3] =	sst s20;
	s21 =	sadd.s32 s8, s9  }
0x4a: {  	s31 =	simm.s32 $0x1280;
	s22 =	sadd.s32 s8, s10;
	[smem:$0x7F4] =	sst s21  }
0x4b: {  	s26 =	sadd.s32 $0x4B200, s0;
	s24 =	sadd.s32 s8, s11;
	[smem:$0x7F5] =	sst s22  }
0x4c: {  	s25 =	sadd.s32 $0x49800, s0;
	s13 =	sadd.s32 s8, s12;
	[smem:$0x7F6] =	sst s24  }
0x4d: {  	s0 =	simm.s32 $0x1380;
	s17 =	sadd.s32 s8, s14;
	[smem:$0x7F7] =	sst s13  }
0x4e: {  	s19 =	smax.u32 s18, $0x1;
	s20 =	sadd.s32 $0x40, s23;
	[smem:$0x7F8] =	sst s17  }
0x4f: {  	s8 =	simm.s32 $0x1400;
	s18 =	simm.s32 $0x1480;
	[smem:$0x7F9] =	sst s19  }
0x50: {  	[smem:$0x7FA] =	sst s20;
	s21 =	sadd.s32 $0x50, s23;
	s22 =	sadd.s32 $0x60, s23  }
0x51: {  	s24 =	sadd.s32 $0x70, s23;
	s17 =	simm.s32 $0xC00;
	[smem:$0x7FB] =	sst s21  }
0x52: {  	s13 =	simm.s32 $0x1300;
	s19 =	simm.s32 $0x1500;
	[smem:$0x7FC] =	sst s22  }
0x53: {  	v0 =	vimm.f32 $0.0e+00;
	[smem:$0x7FD] =	sst s24;
	s24 =	simm.s32 $0x2;
	s21 =	simm.s32 $0x0  }
.LBB3_1:
0x54: {  	[smem:$0x7E8] =	sst s21  }
0x55: {  	s20 =	rddreg [dreg:$0x1]  }
0x56: {  	[tilespmem:s15], [sflag:$0x2] =	stream.linear.gather [hbm4b:s20+s15], $0xA00, $0x38;
	[tilespmem:$0xBA00] =	vst v63  }
0x57: {  	_ =	swait.ge [sflag:s24], $0xA00  }
0x58: {  	[sflag:s24] =	ssyncset.done $0x0  }
0x59: {  	s22 =	simm.s32 $0x40;
	s23 =	simm.s32 $0x0;
	[sflag:s24] =	ssyncadd.s32 $0xFFFFF600  }
.LBB3_2:
0x5a: {  	p0 =	sne.s32 s22, $0x31C0;
	[tilespmem:s23+$0x1780] =	vst v0;
	s23 =	smov.u32 s22;
	s22 =	sadd.s32 $0x40, s22  }
.Ltmp0:
0x5b: {  	(pc) =	sbr.rel @p0 .LBB3_2-.Ltmp0, $2  }
0x5c: {  	_ =	sdelay $0x2  }
0x5d: {  	s23 =	sshra.s32 s23, $0x2  }
0x5e: {  	s20 =	sld [smem:$0x7ED];
	_ =	sdelay $0x1  }
0x5f: {  	[tilespmem:s23+$0x1780] =	vst v0;
	s21 =	simm.s32 $0x1780  }
0x60: {  	[spmem:s20] =	stream.linear.scatter [tilespmem:s21], [sflag:$0x2], $0xC80, $0x38;
	[tilespmem:$0xBA00] =	vst v63  }
0x61: {  	_ =	swait.ge [sflag:s24], $0xC80  }
0x62: {  	s23 =	sld [smem:$0x7EE]  }
0x63: {  	[sflag:s24] =	ssyncset.done $0x0  }
0x64: {  	[sflag:s24] =	ssyncadd.s32 $0xFFFFF380  }
0x65: {  	[spmem:s23] =	stream.linear.scatter [tilespmem:s21], [sflag:$0x2], $0xC80, $0x38;
	[tilespmem:$0xBA00] =	vst v63  }
0x66: {  	_ =	swait.ge [sflag:s24], $0xC80  }
0x67: {  	s22 =	sld [smem:$0x7EF]  }
0x68: {  	[sflag:s24] =	ssyncset.done $0x0  }
0x69: {  	[sflag:s24] =	ssyncadd.s32 $0xFFFFF380  }
0x6a: {  	[spmem:s22] =	stream.linear.scatter [tilespmem:s21], [sflag:$0x2], $0xC80, $0x38;
	[tilespmem:$0xBA00] =	vst v63  }
0x6b: {  	_ =	swait.ge [sflag:s24], $0xC80  }
0x6c: {  	s23 =	sld [smem:$0x7F0]  }
0x6d: {  	[sflag:s24] =	ssyncset.done $0x0  }
0x6e: {  	[sflag:s24] =	ssyncadd.s32 $0xFFFFF380  }
0x6f: {  	[spmem:s23] =	stream.linear.scatter [tilespmem:s21], [sflag:$0x2], $0xC80, $0x38;
	[tilespmem:$0xBA00] =	vst v63  }
0x70: {  	_ =	swait.ge [sflag:s24], $0xC80  }
0x71: {  	s22 =	sld [smem:$0x7F1]  }
0x72: {  	[sflag:s24] =	ssyncset.done $0x0  }
0x73: {  	[sflag:s24] =	ssyncadd.s32 $0xFFFFF380  }
0x74: {  	[spmem:s22] =	stream.linear.scatter [tilespmem:s21], [sflag:$0x2], $0xC80, $0x38;
	[tilespmem:$0xBA00] =	vst v63  }
0x75: {  	_ =	swait.ge [sflag:s24], $0xC80  }
0x76: {  	s23 =	sld [smem:$0x7F2]  }
0x77: {  	[sflag:s24] =	ssyncset.done $0x0  }
0x78: {  	[sflag:s24] =	ssyncadd.s32 $0xFFFFF380  }
0x79: {  	[spmem:s23] =	stream.linear.scatter [tilespmem:s21], [sflag:$0x2], $0xC80, $0x38;
	[tilespmem:$0xBA00] =	vst v63  }
0x7a: {  	_ =	swait.ge [sflag:s24], $0xC80  }
0x7b: {  	s22 =	sld [smem:$0x7F3]  }
0x7c: {  	[sflag:s24] =	ssyncset.done $0x0  }
0x7d: {  	[sflag:s24] =	ssyncadd.s32 $0xFFFFF380  }
0x7e: {  	[spmem:s22] =	stream.linear.scatter [tilespmem:s21], [sflag:$0x2], $0xC80, $0x38;
	[tilespmem:$0xBA00] =	vst v63  }
0x7f: {  	_ =	swait.ge [sflag:s24], $0xC80  }
0x80: {  	s23 =	sld [smem:$0x7F4]  }
0x81: {  	[sflag:s24] =	ssyncset.done $0x0  }
0x82: {  	[sflag:s24] =	ssyncadd.s32 $0xFFFFF380  }
0x83: {  	[spmem:s23] =	stream.linear.scatter [tilespmem:s21], [sflag:$0x2], $0xC80, $0x38;
	[tilespmem:$0xBA00] =	vst v63  }
0x84: {  	_ =	swait.ge [sflag:s24], $0xC80  }
0x85: {  	s22 =	sld [smem:$0x7F5]  }
0x86: {  	[sflag:s24] =	ssyncset.done $0x0  }
0x87: {  	[sflag:s24] =	ssyncadd.s32 $0xFFFFF380  }
0x88: {  	[spmem:s22] =	stream.linear.scatter [tilespmem:s21], [sflag:$0x2], $0xC80, $0x38;
	[tilespmem:$0xBA00] =	vst v63  }
0x89: {  	_ =	swait.ge [sflag:s24], $0xC80  }
0x8a: {  	s23 =	sld [smem:$0x7F6]  }
0x8b: {  	[sflag:s24] =	ssyncset.done $0x0  }
0x8c: {  	[sflag:s24] =	ssyncadd.s32 $0xFFFFF380  }
0x8d: {  	[spmem:s23] =	stream.linear.scatter [tilespmem:s21], [sflag:$0x2], $0xC80, $0x38;
	[tilespmem:$0xBA00] =	vst v63  }
0x8e: {  	_ =	swait.ge [sflag:s24], $0xC80  }
0x8f: {  	s22 =	sld [smem:$0x7F7]  }
0x90: {  	[sflag:s24] =	ssyncset.done $0x0  }
0x91: {  	[sflag:s24] =	ssyncadd.s32 $0xFFFFF380  }
0x92: {  	[spmem:s22] =	stream.linear.scatter [tilespmem:s21], [sflag:$0x2], $0xC80, $0x38;
	[tilespmem:$0xBA00] =	vst v63  }
0x93: {  	_ =	swait.ge [sflag:s24], $0xC80  }
0x94: {  	s23 =	sld [smem:$0x7F8]  }
0x95: {  	[sflag:s24] =	ssyncset.done $0x0  }
0x96: {  	[sflag:s24] =	ssyncadd.s32 $0xFFFFF380  }
0x97: {  	[spmem:s23] =	stream.linear.scatter [tilespmem:s21], [sflag:$0x2], $0xC80, $0x38;
	[tilespmem:$0xBA00] =	vst v63  }
0x98: {  	_ =	swait.ge [sflag:s24], $0xC80  }
0x99: {  	[sflag:s24] =	ssyncset.done $0x0  }
0x9a: {  	[sflag:s24] =	ssyncadd.s32 $0xFFFFF380  }
0x9b: {  	s22 =	simm.s32 $0x0;
	[bflag:$0x0] =	sbarrier.arrive $0xFFFF  }
.LBB3_4:
0x9c: {  	s23 =	sadd.s32 s22, s16;
	s20 =	rddreg [dreg:$0xf]  }
0x9d: {  	[tilespmem:s17], [sflag:$0x1] =	stream.linear.gather [hbm4b:s23+s15], $0x80, $0x38;
	[tilespmem:$0xBA00] =	vst v63  }
0x9e: {  	s23 =	rddreg [dreg:$0xe];
	s20 =	sadd.s32 s22, s20  }
0x9f: {  	[tilespmem:s28], [sflag:$0x1] =	stream.linear.gather [hbm4b:s20+s15], $0x80, $0x38;
	[tilespmem:$0xBA00] =	vst v63  }
0xa0: {  	s21 =	rddreg [dreg:$0x10];
	s23 =	sadd.s32 s22, s23  }
0xa1: {  	[tilespmem:s21], [sflag:$0x1] =	stream.linear.gather [hbm4b:s23+s15], $0x80, $0x38;
	[tilespmem:$0xBA00] =	vst v63  }
0xa2: {  	_ =	swait.ge [sflag:s29], $0x80  }
0xa3: {  	[sflag:s29] =	ssyncset.done $0x0  }
0xa4: {  	[sflag:s29] =	ssyncadd.s32 $0xFFFFFF80  }
0xa5: {  	_ =	swait.ge [sflag:s29], $0x80  }
0xa6: {  	[sflag:s29] =	ssyncset.done $0x0  }
0xa7: {  	[sflag:s29] =	ssyncadd.s32 $0xFFFFFF80  }
0xa8: {  	_ =	swait.ge [sflag:s29], $0x80  }
0xa9: {  	[sflag:s29] =	ssyncset.done $0x0  }
0xaa: {  	s21 =	rddreg [dreg:$0x11];
	[sflag:s29] =	ssyncadd.s32 $0xFFFFFF80  }
0xab: {  	[tilespmem:s21], [sflag:$0x1] =	stream.indirect.gather [hbm4b:s25+s30], $0x1, s17, s30, $0xb8;
	[tilespmem:$0xBA00] =	vst v63  }
0xac: {  	s23 =	rddreg [dreg:$0x12]  }
0xad: {  	[tilespmem:s23], [sflag:$0x1] =	stream.indirect.gather [hbm4b:s26+s30], $0x1, s17, s30, $0xb8;
	[tilespmem:$0xBA00] =	vst v63  }
0xae: {  	s20 =	rddreg [dreg:$0x13]  }
0xaf: {  	[tilespmem:s20], [sflag:$0x1] =	stream.indirect.gather [hbm4b:s25+s30], $0x1, s28, s30, $0xb8;
	[tilespmem:$0xBA00] =	vst v63  }
0xb0: {  	s23 =	rddreg [dreg:$0x14]  }
0xb1: {  	[tilespmem:s23], [sflag:$0x1] =	stream.indirect.gather [hbm4b:s26+s30], $0x1, s28, s30, $0xb8;
	[tilespmem:$0xBA00] =	vst v63  }
0xb2: {  	_ =	swait.ge [sflag:s29], $0x80  }
0xb3: {  	[sflag:s29] =	ssyncset.done $0x0  }
0xb4: {  	[sflag:s29] =	ssyncadd.s32 $0xFFFFFF80  }
0xb5: {  	_ =	swait.ge [sflag:s29], $0x80  }
0xb6: {  	[sflag:s29] =	ssyncset.done $0x0  }
0xb7: {  	[sflag:s29] =	ssyncadd.s32 $0xFFFFFF80  }
0xb8: {  	_ =	swait.ge [sflag:s29], $0x80  }
0xb9: {  	[sflag:s29] =	ssyncset.done $0x0  }
0xba: {  	[sflag:s29] =	ssyncadd.s32 $0xFFFFFF80  }
0xbb: {  	_ =	swait.ge [sflag:s29], $0x80  }
0xbc: {  	[sflag:s29] =	ssyncset.done $0x0  }
0xbd: {  	[sflag:s29] =	ssyncadd.s32 $0xFFFFFF80  }
0xbe: {  	v2 =	vld [tilespmem:$0xD80]  }
0xbf: {  	v3 =	vld [tilespmem:$0xE00]  }
0xc0: {  	v6 =	vld [tilespmem:$0xE80]  }
0xc1: {  	v7 =	vld [tilespmem:$0xF00]  }
0xc2: {  	v8 =	vld [tilespmem:$0xD00]  }
0xc3: {  	v9 =	vld [tilespmem:$0x0]  }
0xc4: {  	v10 =	vld [tilespmem:$0x80]  }
0xc5: {  	v11 =	vld [tilespmem:$0x100]  }
0xc6: {  	v12 =	vld [tilespmem:$0x180]  }
0xc7: {  	v13 =	vld [tilespmem:$0x200]  }
0xc8: {  	v14 =	vld [tilespmem:$0x280]  }
0xc9: {  	v15 =	vld [tilespmem:$0x300]  }
0xca: {  	v16 =	vld [tilespmem:$0x380]  }
0xcb: {  	v17 =	vld [tilespmem:$0x400]  }
0xcc: {  	v18 =	vld [tilespmem:$0x480]  }
0xcd: {  	v19 =	vld [tilespmem:$0x500]  }
0xce: {  	v22 =	vld [tilespmem:$0x580]  }
0xcf: {  	v23 =	vld [tilespmem:$0x600]  }
0xd0: {  	v24 =	vld [tilespmem:$0x680]  }
0xd1: {  	v25 =	vld [tilespmem:$0x700]  }
0xd2: {  	v26 =	vld [tilespmem:$0x780]  }
0xd3: {  	v27 =	vld [tilespmem:$0x800]  }
0xd4: {  	v28 =	vld [tilespmem:$0x880]  }
0xd5: {  	v29 =	vld [tilespmem:$0x900]  }
0xd6: {  	v30 =	vld [tilespmem:$0x980]  }
0xd7: {  	v4 =	vld [tilespmem:$0xD90]  }
0xd8: {  	v5 =	vld [tilespmem:$0xE10]  }
0xd9: {  	v20 =	vld [tilespmem:$0xE90]  }
0xda: {  	v21 =	vld [tilespmem:$0xF10]  }
0xdb: {  	v1 =	vld [tilespmem:$0xD10]  }
0xdc: {  	v31 =	vld [tilespmem:$0x0]  }
0xdd: {  	v32 =	vld [tilespmem:$0x80]  }
0xde: {  	v33 =	vld [tilespmem:$0x100]  }
0xdf: {  	v34 =	vld [tilespmem:$0x280]  }
0xe0: {  	v35 =	vld [tilespmem:$0x300]  }
0xe1: {  	v36 =	vld [tilespmem:$0x380]  }
0xe2: {  	v37 =	vld [tilespmem:$0x400]  }
0xe3: {  	v38 =	vld [tilespmem:$0x480]  }
0xe4: {  	v61 =	vld [tilespmem:$0x580]  }
0xe5: {  	v63 =	vld [tilespmem:$0x600]  }
0xe6: {  	v39 =	vld [tilespmem:$0x680]  }
0xe7: {  	v40 =	vld [tilespmem:$0x880]  }
0xe8: {  	v41 =	vld [tilespmem:$0x980];
	v9 =	vmul.f32 v9, v2;
	v10 =	vmul.f32 v10, v3  }
0xe9: {  	v42 =	vld [tilespmem:$0x0];
	v11 =	vmul.f32 v11, v6;
	v12 =	vmul.f32 v12, v7  }
0xea: {  	v43 =	vld [tilespmem:$0x200];
	v50 =	vmul.f32 v13, v8;
	v51 =	vmul.f32 v14, v2  }
0xeb: {  	v53 =	vmul.f32 v16, v6;
	v58 =	vmul.f32 v22, v3;
	v22 =	vld [tilespmem:$0x500]  }
0xec: {  	v59 =	vmul.f32 v23, v6;
	v6 =	vmul.f32 v28, v6;
	v28 =	vld [tilespmem:$0x700]  }
0xed: {  	v54 =	vmul.f32 v17, v7;
	v48 =	vmul.f32 v25, v8;
	v25 =	vld [tilespmem:$0x780]  }
0xee: {  	v60 =	vmul.f32 v24, v7;
	v7 =	vmul.f32 v29, v7;
	v29 =	vld [tilespmem:$0x800]  }
0xef: {  	v62 =	vmul.f32 v18, v8;
	v8 =	vmul.f32 v30, v8;
	v30 =	vld [tilespmem:$0x900]  }
0xf0: {  	v52 =	vmul.f32 v15, v3;
	v45 =	vmul.f32 v26, v2;
	v26 =	vld [tilespmem:$0xEA0]  }
0xf1: {  	v57 =	vmul.f32 v19, v2;
	v46 =	vmul.f32 v27, v3;
	v27 =	vld [tilespmem:$0xF20]  }
0xf2: {  	v23 =	vmul.f32 v61, v5;
	v61 =	vmul.f32 v39, v21;
	v39 =	vld [tilespmem:$0x780]  }
0xf3: {  	v34 =	vmul.f32 v34, v4;
	v35 =	vmul.f32 v35, v5;
	v49 =	vadd.f32 v12, v11;
	v11 =	vld [tilespmem:$0x180]  }
0xf4: {  	v36 =	vmul.f32 v36, v20;
	v9 =	vadd.f32 v10, v9;
	v12 =	vld [tilespmem:$0x200];
	v10 =	vadd.f32 v52, v51  }
0xf5: {  	v56 =	vadd.f32 v54, v53;
	v14 =	vadd.f32 v58, v57;
	v57 =	vmul.f32 v33, v20;
	v33 =	vld [tilespmem:$0x180]  }
0xf6: {  	v37 =	vmul.f32 v37, v21;
	v44 =	vadd.f32 v60, v59;
	v34 =	vadd.f32 v35, v34;
	v35 =	vld [tilespmem:$0x680]  }
0xf7: {  	v10 =	vadd.f32 v56, v10;
	v56 =	vmul.f32 v32, v5;
	v32 =	vld [tilespmem:$0x100]  }
0xf8: {  	v36 =	vadd.f32 v37, v36;
	v47 =	vadd.f32 v44, v14;
	v44 =	vld [tilespmem:$0x280]  }
0xf9: {  	v9 =	vadd.f32 v49, v9;
	v49 =	vadd.f32 v46, v45;
	v45 =	vld [tilespmem:$0x300]  }
0xfa: {  	v24 =	vmul.f32 v63, v20;
	v6 =	vadd.f32 v7, v6;
	v46 =	vld [tilespmem:$0x380]  }
0xfb: {  	v20 =	vmul.f32 v40, v20;
	v34 =	vadd.f32 v36, v34;
	v36 =	vld [tilespmem:$0xD30];
	v22 =	vmul.f32 v22, v4  }
0xfc: {  	v37 =	vmul.f32 v25, v4;
	v10 =	vadd.f32 v10, v62;
	v51 =	vadd.f32 v47, v48;
	v47 =	vld [tilespmem:$0x400]  }
0xfd: {  	v6 =	vadd.f32 v6, v49;
	v48 =	vld [tilespmem:$0x480];
	v62 =	vmul.f32 v38, v1;
	v38 =	vmul.f32 v29, v5  }
0xfe: {  	v63 =	vadd.f32 v61, v24;
	v11 =	vmul.f32 v11, v21;
	v21 =	vmul.f32 v30, v21;
	v30 =	vld [tilespmem:$0x900]  }
0xff: {  	v9 =	vadd.f32 v9, v50;
	v60 =	vmul.f32 v12, v1;
	v6 =	vadd.f32 v6, v8;
	v8 =	vld [tilespmem:$0xDA0]  }
0x100: {  	v22 =	vadd.f32 v23, v22;
	v61 =	vmul.f32 v33, v27;
	v24 =	vadd.f32 v38, v37;
	v37 =	vld [tilespmem:$0xEB0]  }
0x101: {  	v55 =	vmul.f32 $2.000000030e-01, v9;
	vm0 =	vgt.f32 v9, $0.0e+00;
	v52 =	vmul.f32 $2.000000030e-01, v10;
	v38 =	vld [tilespmem:$0xF30]  }
0x102: {  	v14 =	vmul.f32 $2.000000030e-01, v51;
	v59 =	vadd.f32 v11, v57;
	v57 =	vmul.f32 v41, v1;
	v41 =	vld [tilespmem:$0x0]  }
0x103: {  	vm10 =	vgt.f32 v51, $0.0e+00;
	v50 =	vsel vm0, v9, v55;
	v55 =	vmul.f32 v31, v4;
	v31 =	vld [tilespmem:$0x80]  }
0x104: {  	v35 =	vmul.f32 v35, v27;
	vm9 =	vgt.f32 v10, $0.0e+00;
	v9 =	vsel vm10, v51, v14;
	v51 =	vld [tilespmem:$0x580]  }
0x105: {  	v40 =	vadd.f32 v34, v62;
	v10 =	vsel vm9, v10, v52;
	v53 =	vmul.f32 $2.000000030e-01, v6;
	v52 =	vld [tilespmem:$0x600]  }
0x106: {  	v20 =	vadd.f32 v21, v20;
	vm11 =	vgt.f32 v6, $0.0e+00;
	v7 =	vmul.f32 $1.442695020e+00, v50;
	v50 =	vld [tilespmem:$0x500]  }
0x107: {  	v22 =	vadd.f32 v63, v22;
	vm13 =	vgt.f32 v40, $0.0e+00;
	v54 =	vsel vm11, v6, v53;
	v6 =	vld [tilespmem:$0xD20]  }
0x108: {  	v10 =	vmul.f32 $1.442695020e+00, v10;
	v9 =	vmul.f32 $1.442695020e+00, v9;
	v20 =	vadd.f32 v20, v24;
	v53 =	vld [tilespmem:$0x800]  }
0x109: {  	v58 =	vadd.f32 v56, v55;
	v55 =	vmul.f32 v28, v1;
	v28 =	vld [tilespmem:$0x980];
	v56 =	vmul.f32 $2.000000030e-01, v40  }
0x10a: {  	(erf) = vpow2.f32 v7;
	v7 =	vld [tilespmem:$0xE20];
	v20 =	vadd.f32 v20, v57;
	v24 =	vmul.f32 v44, v8  }
0x10b: {  	v1 =	vld [tilespmem:$0xE30];
	v39 =	vmul.f32 v39, v8;
	(erf) = vpow2.f32 v10;
	v22 =	vadd.f32 v22, v55  }
0x10c: {  	v57 =	vld [tilespmem:$0x200];
	v21 =	vsel vm13, v40, v56;
	(erf) = vpow2.f32 v9;
	v9 =	vmul.f32 $1.442695020e+00, v54  }
0x10d: {  	v44 =	vld [tilespmem:$0x380];
	v40 =	vmul.f32 v46, v26;
	v34 =	vmul.f32 $1.442695020e+00, v21  }
0x10e: {  	v55 =	vld [tilespmem:$0x100];
	v62 =	vmul.f32 $2.000000030e-01, v22;
	(erf) = vpow2.f32 v9;
	v9 =	vadd.f32 v59, v58  }
0x10f: {  	v56 =	vld [tilespmem:$0x180];
	v58 =	vmul.f32 v42, v8;
	v59 =	vmul.f32 v31, v7  }
0x110: {  	v46 =	vld [tilespmem:$0x480];
	vm15 =	vgt.f32 v20, $0.0e+00;
	vm14 =	vgt.f32 v22, $0.0e+00;
	v10 =	vadd.f32 v9, v60  }
0x111: {  	v54 =	vld [tilespmem:$0x880];
	v22 =	vsel vm14, v22, v62;
	v60 =	vmul.f32 v32, v26;
	v63 =	vadd.f32 v59, v58  }
0x112: {  	v42 =	vld [tilespmem:$0x80];
	v59 =	vmul.f32 $2.000000030e-01, v20;
	v49 =	vmul.f32 $2.000000030e-01, v10;
	vm12 =	vgt.f32 v10, $0.0e+00  }
0x113: {  	v58 =	vld [tilespmem:$0x280];
	v33 =	vadd.f32 v61, v60;
	v60 =	vmul.f32 v43, v6;
	v43 =	vmul.f32 v47, v27;
	v19 =	vpop (erf)  }
0x114: {  	v47 =	vld [tilespmem:$0x500];
	v61 =	vsel vm15, v20, v59;
	v18 =	vmul.f32 v19, v2;
	v17 =	vmul.f32 v19, v3  }
0x115: {  	v59 =	vld [tilespmem:$0x300];
	v16 =	vpop (erf);
	v23 =	vadd.f32 v33, v63;
	v62 =	vmul.f32 $1.442695020e+00, v61;
	v63 =	vmul.f32 v45, v7  }
0x116: {  	v49 =	vsel vm12, v10, v49;
	v45 =	vld [tilespmem:$0x400];
	v61 =	vmul.f32 v51, v7;
	v15 =	vmul.f32 v16, v2;
	v13 =	vpop (erf)  }
0x117: {  	v51 =	vld [tilespmem:$0x680];
	v14 =	vmul.f32 v16, v3;
	v11 =	vmul.f32 v13, v2;
	v23 =	vadd.f32 v23, v60  }
0x118: {  	v60 =	vmul.f32 v50, v8;
	v24 =	vadd.f32 v63, v24;
	v63 =	vadd.f32 v43, v40;
	v50 =	vld [tilespmem:$0x580];
	v12 =	vpop (erf)  }
0x119: {  	v10 =	vmul.f32 v12, v2;
	v2 =	vmul.f32 $1.442695020e+00, v49;
	v49 =	vld [tilespmem:$0x700]  }
0x11a: {  	v9 =	vmul.f32 v13, v3;
	v21 =	vmul.f32 v12, v3;
	v24 =	vadd.f32 v63, v24;
	v63 =	vld [tilespmem:$0x980]  }
0x11b: {  	v3 =	vmul.f32 $1.442695020e+00, v22;
	[tilespmem:$0x1380] =	vst v11;
	v11 =	vld [tilespmem:$0xEE0];
	(erf) = vpow2.f32 v2  }
0x11c: {  	v44 =	vmul.f32 v44, v37;
	[tilespmem:$0x1400] =	vst v9;
	v9 =	vld [tilespmem:$0xD60];
	(erf) = vpow2.f32 v34  }
0x11d: {  	v2 =	vld [tilespmem:$0xDB0];
	(erf) = vpow2.f32 v3;
	v3 =	vmul.f32 $2.000000030e-01, v23  }
0x11e: {  	vm4 =	vgt.f32 v23, $0.0e+00;
	v45 =	vmul.f32 v45, v38;
	[tilespmem:$0x1480] =	vst v10;
	v10 =	vld [tilespmem:$0xF60];
	(erf) = vpow2.f32 v62  }
0x11f: {  	v62 =	vmul.f32 v52, v26;
	v52 =	vmul.f32 v48, v6;
	v48 =	vld [tilespmem:$0x700];
	v3 =	vsel vm4, v23, v3  }
0x120: {  	v40 =	vadd.f32 v61, v60;
	v60 =	vmul.f32 v49, v6;
	v49 =	vld [tilespmem:$0x780];
	v3 =	vmul.f32 $1.442695020e+00, v3  }
0x121: {  	v53 =	vmul.f32 v53, v7;
	v46 =	vmul.f32 v46, v36;
	v43 =	vadd.f32 v35, v62;
	v35 =	vld [tilespmem:$0x600]  }
0x122: {  	v44 =	vadd.f32 v45, v44;
	v62 =	vld [tilespmem:$0x900];
	(erf) = vpow2.f32 v3;
	v3 =	vadd.f32 v24, v52  }
0x123: {  	v45 =	vmul.f32 v47, v2;
	v47 =	vmul.f32 v50, v1;
	v50 =	vld [tilespmem:$0x380];
	v23 =	vadd.f32 v43, v40  }
0x124: {  	v54 =	vmul.f32 v54, v26;
	v52 =	vld [tilespmem:$0x800];
	v43 =	vmul.f32 $2.000000030e-01, v3  }
0x125: {  	v27 =	vmul.f32 v30, v27;
	v20 =	vpop (erf);
	v40 =	vadd.f32 v23, v60;
	v60 =	vld [tilespmem:$0x880];
	vm5 =	vgt.f32 v3, $0.0e+00  }
0x126: {  	v51 =	vmul.f32 v51, v38;
	v22 =	vmul.f32 v20, v4;
	v33 =	vpop (erf);
	v43 =	vsel vm5, v3, v43;
	v3 =	vld [tilespmem:$0xDC0]  }
0x127: {  	v39 =	vadd.f32 v53, v39;
	v34 =	vmul.f32 v33, v4;
	v31 =	vmul.f32 v33, v5;
	v29 =	vpop (erf);
	[tilespmem:$0x1010] =	vst v33;
	v33 =	vld [tilespmem:$0x80]  }
0x128: {  	v54 =	vadd.f32 v27, v54;
	v61 =	vmul.f32 $2.000000030e-01, v40;
	v25 =	vpop (erf);
	v30 =	vmul.f32 $1.442695020e+00, v43;
	v43 =	vld [tilespmem:$0xF40]  }
0x129: {  	vm6 =	vgt.f32 v40, $0.0e+00;
	v24 =	vmul.f32 v29, v4;
	v26 =	vmul.f32 v25, v4;
	v4 =	vld [tilespmem:$0xE40]  }
0x12a: {  	v6 =	vmul.f32 v28, v6;
	v32 =	vmul.f32 v20, v5;
	v61 =	vsel vm6, v40, v61;
	v40 =	vld [tilespmem:$0xEC0]  }
0x12b: {  	v23 =	vmul.f32 v29, v5;
	v53 =	vmul.f32 v25, v5;
	[tilespmem:$0x1290] =	vst v34;
	v34 =	vld [tilespmem:$0x0]  }
0x12c: {  	v5 =	vmul.f32 $1.442695020e+00, v61;
	(erf) = vpow2.f32 v30;
	v61 =	vadd.f32 v54, v39;
	v39 =	vld [tilespmem:$0xD40]  }
0x12d: {  	v30 =	vmul.f32 v41, v2;
	v41 =	vmul.f32 v42, v1;
	v42 =	vld [tilespmem:$0x80]  }
0x12e: {  	v54 =	vmul.f32 v55, v37;
	v55 =	vmul.f32 v56, v38;
	v56 =	vld [tilespmem:$0x100]  }
0x12f: {  	v45 =	vadd.f32 v47, v45;
	v52 =	vmul.f32 v52, v1;
	v38 =	vmul.f32 v62, v38;
	[tilespmem:$0x1510] =	vst v53;
	v53 =	vld [tilespmem:$0x580]  }
0x130: {  	(erf) = vpow2.f32 v5;
	v5 =	vld [tilespmem:$0x0];
	v6 =	vadd.f32 v61, v6;
	v30 =	vadd.f32 v41, v30  }
0x131: {  	v27 =	vpop (erf);
	v41 =	vld [tilespmem:$0x180];
	v54 =	vadd.f32 v55, v54;
	v55 =	vmul.f32 v58, v2;
	v58 =	vmul.f32 v59, v1  }
0x132: {  	v59 =	vld [tilespmem:$0x200];
	v28 =	vmul.f32 v27, v8;
	vm7 =	vgt.f32 v6, $0.0e+00;
	v61 =	vmul.f32 $2.000000030e-01, v6  }
0x133: {  	v30 =	vadd.f32 v54, v30;
	v54 =	vmul.f32 v57, v36;
	v55 =	vadd.f32 v58, v55;
	v57 =	vld [tilespmem:$0x300]  }
0x134: {  	v58 =	vld [tilespmem:$0x400];
	v50 =	vmul.f32 v50, v40;
	v42 =	vmul.f32 v42, v4;
	v6 =	vsel vm7, v6, v61  }
0x135: {  	[tilespmem:$0x11A0] =	vst v28;
	v28 =	vld [tilespmem:$0x780];
	v30 =	vadd.f32 v30, v54;
	v54 =	vmul.f32 v35, v37;
	v35 =	vmul.f32 v27, v7  }
0x136: {  	v61 =	vld [tilespmem:$0x280];
	v44 =	vadd.f32 v44, v55;
	v37 =	vmul.f32 v60, v37;
	v6 =	vmul.f32 $1.442695020e+00, v6  }
0x137: {  	v55 =	vld [tilespmem:$0x480];
	v41 =	vmul.f32 v41, v43;
	v59 =	vmul.f32 v59, v39;
	v47 =	vadd.f32 v51, v54  }
0x138: {  	v60 =	vld [tilespmem:$0x680];
	v54 =	vmul.f32 $2.000000030e-01, v30;
	v44 =	vadd.f32 v44, v46;
	v46 =	vmul.f32 v48, v36  }
0x139: {  	v51 =	vld [tilespmem:$0x500];
	vm8 =	vgt.f32 v30, $0.0e+00;
	v36 =	vmul.f32 v63, v36;
	v63 =	vmul.f32 v56, v40  }
0x13a: {  	v48 =	vld [tilespmem:$0x580];
	v37 =	vadd.f32 v38, v37;
	(erf) = vpow2.f32 v6;
	v58 =	vmul.f32 v58, v43  }
0x13b: {  	v56 =	vld [tilespmem:$0x980];
	v45 =	vadd.f32 v47, v45;
	v47 =	vmul.f32 v49, v2;
	v30 =	vsel vm8, v30, v54  }
0x13c: {  	v49 =	vld [tilespmem:$0x600];
	v62 =	vmul.f32 $2.000000030e-01, v44;
	vm9 =	vgt.f32 v44, $0.0e+00;
	v54 =	vmul.f32 v5, v3  }
0x13d: {  	v5 =	vld [tilespmem:$0xDD0];
	v6 =	vmul.f32 $1.442695020e+00, v30;
	v50 =	vadd.f32 v58, v50;
	v47 =	vadd.f32 v52, v47  }
0x13e: {  	v58 =	vld [tilespmem:$0x180];
	v55 =	vmul.f32 v55, v39;
	v45 =	vadd.f32 v45, v46;
	v30 =	vsel vm9, v44, v62  }
0x13f: {  	v44 =	vld [tilespmem:$0x800];
	(erf) = vpow2.f32 v6;
	v30 =	vmul.f32 $1.442695020e+00, v30;
	v37 =	vadd.f32 v37, v47  }
0x140: {  	v46 =	vld [tilespmem:$0x700];
	v54 =	vadd.f32 v42, v54;
	v48 =	vmul.f32 v48, v4;
	v38 =	vmul.f32 $2.000000030e-01, v45  }
0x141: {  	v52 =	vld [tilespmem:$0x780];
	vm10 =	vgt.f32 v45, $0.0e+00;
	(erf) = vpow2.f32 v30;
	v36 =	vadd.f32 v37, v36  }
0x142: {  	v47 =	vld [tilespmem:$0x880];
	v49 =	vmul.f32 v49, v40;
	v38 =	vsel vm10, v45, v38;
	v37 =	vadd.f32 v41, v63  }
0x143: {  	v62 =	vld [tilespmem:$0x900];
	v63 =	vmul.f32 $1.442695020e+00, v38;
	v45 =	vmul.f32 $2.000000030e-01, v36  }
0x144: {  	v42 =	vld [tilespmem:$0xED0];
	v44 =	vmul.f32 v44, v4;
	vm11 =	vgt.f32 v36, $0.0e+00;
	v37 =	vadd.f32 v37, v54  }
0x145: {  	v6 =	vld [tilespmem:$0xE50];
	(erf) = vpow2.f32 v63;
	v63 =	vmul.f32 v61, v3;
	v36 =	vsel vm11, v36, v45  }
0x146: {  	v41 =	vld [tilespmem:$0xF50];
	v61 =	vmul.f32 v57, v4;
	v30 =	vmul.f32 $1.442695020e+00, v36  }
0x147: {  	v46 =	vmul.f32 v46, v39;
	v57 =	vld [tilespmem:$0x0];
	v47 =	vmul.f32 v47, v40;
	v45 =	vadd.f32 v37, v59  }
0x148: {  	v59 =	vld [tilespmem:$0x80];
	v54 =	vadd.f32 v61, v63;
	v63 =	vmul.f32 v52, v3;
	v37 =	vpop (erf);
	(erf) = vpow2.f32 v30  }
0x149: {  	[tilespmem:$0xF80] =	vst v19;
	v36 =	vld [tilespmem:$0xD50];
	v30 =	vmul.f32 $2.000000030e-01, v45;
	v38 =	vmul.f32 v37, v8  }
0x14a: {  	[tilespmem:$0x1000] =	vst v16;
	v61 =	vld [tilespmem:$0x100];
	v50 =	vadd.f32 v50, v54;
	v54 =	vmul.f32 v60, v43;
	v40 =	vmul.f32 v37, v7  }
0x14b: {  	[tilespmem:$0x1180] =	vst v18;
	v52 =	vld [tilespmem:$0x300];
	v43 =	vmul.f32 v62, v43;
	v19 =	vpop (erf);
	v44 =	vadd.f32 v44, v63;
	v63 =	vmul.f32 v56, v39  }
0x14c: {  	[tilespmem:$0x1200] =	vst v17;
	vm12 =	vgt.f32 v45, $0.0e+00;
	v39 =	vld [tilespmem:$0x680];
	v18 =	vmul.f32 v19, v8;
	v17 =	vmul.f32 v19, v7  }
0x14d: {  	[tilespmem:$0x1080] =	vst v13;
	v60 =	vld [tilespmem:$0x280];
	v16 =	vpop (erf);
	v13 =	vmul.f32 v57, v5;
	v30 =	vsel vm12, v45, v30;
	v45 =	vmul.f32 v51, v3  }
0x14e: {  	[tilespmem:$0x1280] =	vst v15;
	v51 =	vld [tilespmem:$0x200];
	v50 =	vadd.f32 v50, v55;
	v43 =	vadd.f32 v43, v47;
	v15 =	vmul.f32 v16, v8  }
0x14f: {  	[tilespmem:$0x1100] =	vst v12;
	v49 =	vadd.f32 v54, v49;
	v54 =	vld [tilespmem:$0x380];
	v12 =	vmul.f32 v16, v7;
	v30 =	vmul.f32 $1.442695020e+00, v30  }
0x150: {  	v7 =	vld [tilespmem:$0xDE0];
	v45 =	vadd.f32 v48, v45;
	v62 =	vmul.f32 $2.000000030e-01, v50;
	v43 =	vadd.f32 v43, v44  }
0x151: {  	v55 =	vld [tilespmem:$0x400];
	vm13 =	vgt.f32 v50, $0.0e+00;
	(erf) = vpow2.f32 v30;
	v39 =	vmul.f32 v39, v41  }
0x152: {  	v47 =	vld [tilespmem:$0x500];
	v45 =	vadd.f32 v49, v45;
	v8 =	vadd.f32 v43, v63;
	v43 =	vmul.f32 v59, v6  }
0x153: {  	[tilespmem:$0x1300] =	vst v14;
	v48 =	vld [tilespmem:$0x480];
	v14 =	vsel vm13, v50, v62;
	v62 =	vmul.f32 v61, v42;
	v63 =	vmul.f32 v58, v41  }
0x154: {  	v44 =	vld [tilespmem:$0x600];
	v59 =	vmul.f32 $1.442695020e+00, v14;
	v57 =	vmul.f32 v51, v36  }
0x155: {  	[tilespmem:$0x1520] =	vst v12;
	v12 =	vld [tilespmem:$0xEF0];
	v34 =	vmul.f32 v34, v7;
	v28 =	vmul.f32 v28, v7;
	v45 =	vadd.f32 v45, v46  }
0x156: {  	v30 =	vld [tilespmem:$0x580];
	v61 =	vmul.f32 $2.000000030e-01, v8;
	v13 =	vadd.f32 v43, v13;
	v14 =	vpop (erf);
	(erf) = vpow2.f32 v59  }
0x157: {  	v49 =	vld [tilespmem:$0x700];
	vm15 =	vgt.f32 v8, $0.0e+00;
	v59 =	vmul.f32 v60, v5;
	v60 =	vmul.f32 v52, v6  }
0x158: {  	[tilespmem:$0x1500] =	vst v21;
	v50 =	vld [tilespmem:$0x780];
	v62 =	vadd.f32 v63, v62;
	v52 =	vmul.f32 v47, v5;
	v56 =	vmul.f32 $2.000000030e-01, v45  }
0x159: {  	[tilespmem:$0xF90] =	vst v20;
	v51 =	vld [tilespmem:$0x500];
	v8 =	vsel vm15, v8, v61;
	v21 =	vmul.f32 v14, v2;
	v61 =	vmul.f32 v54, v42  }
0x15a: {  	[tilespmem:$0x1190] =	vst v22;
	v43 =	vld [tilespmem:$0x880];
	v13 =	vadd.f32 v62, v13;
	v62 =	vmul.f32 v55, v41;
	v22 =	vmul.f32 v14, v1  }
0x15b: {  	[tilespmem:$0x1210] =	vst v32;
	v46 =	vld [tilespmem:$0x900];
	vm14 =	vgt.f32 v45, $0.0e+00;
	v30 =	vmul.f32 v30, v6;
	v54 =	vmul.f32 v44, v42  }
0x15c: {  	[tilespmem:$0x1090] =	vst v29;
	v29 =	vpop (erf);
	v44 =	vld [tilespmem:$0x100];
	v55 =	vmul.f32 v48, v36;
	v58 =	vmul.f32 $1.442695020e+00, v8;
	v20 =	vadd.f32 v60, v59  }
0x15d: {  	[tilespmem:$0x1390] =	vst v24;
	v8 =	vld [tilespmem:$0xE60];
	v24 =	vmul.f32 v29, v2;
	v59 =	vmul.f32 v50, v5;
	v45 =	vsel vm14, v45, v56  }
0x15e: {  	[tilespmem:$0x1490] =	vst v26;
	v26 =	vmul.f32 v29, v1;
	v56 =	vld [tilespmem:$0x800];
	v32 =	vadd.f32 v62, v61;
	v63 =	vmul.f32 $1.442695020e+00, v45  }
0x15f: {  	v48 =	vld [tilespmem:$0x380];
	v13 =	vadd.f32 v13, v57;
	v30 =	vadd.f32 v30, v52;
	v60 =	vmul.f32 v43, v42  }
0x160: {  	v57 =	vld [tilespmem:$0x180];
	v41 =	vmul.f32 v46, v41;
	v20 =	vadd.f32 v32, v20;
	(erf) = vpow2.f32 v63  }
0x161: {  	v61 =	vld [tilespmem:$0x200];
	vm4 =	vgt.f32 v13, $0.0e+00;
	v63 =	vmul.f32 $2.000000030e-01, v13;
	(erf) = vpow2.f32 v58  }
0x162: {  	[tilespmem:$0x1310] =	vst v31;
	v45 =	vld [tilespmem:$0x980];
	v20 =	vadd.f32 v20, v55;
	v33 =	vmul.f32 v33, v8;
	v55 =	vmul.f32 v44, v11  }
0x163: {  	[tilespmem:$0xFA0] =	vst v27;
	v43 =	vld [tilespmem:$0x280];
	v32 =	vpop (erf);
	v13 =	vsel vm4, v13, v63;
	v62 =	vmul.f32 v56, v6;
	v63 =	vmul.f32 v49, v36  }
0x164: {  	[tilespmem:$0x1220] =	vst v35;
	v42 =	vld [tilespmem:$0x980];
	v58 =	vadd.f32 v39, v54;
	v27 =	vmul.f32 v32, v2;
	v35 =	vmul.f32 v32, v1  }
0x165: {  	[tilespmem:$0x1410] =	vst v23;
	v39 =	vadd.f32 v41, v60;
	v54 =	vld [tilespmem:$0x600];
	v31 =	vmul.f32 v57, v10;
	v13 =	vmul.f32 $1.442695020e+00, v13  }
0x166: {  	[tilespmem:$0x10A0] =	vst v19;
	v60 =	vld [tilespmem:$0x800];
	v19 =	vpop (erf);
	v23 =	vadd.f32 v58, v30;
	v50 =	vmul.f32 $2.000000030e-01, v20;
	vm5 =	vgt.f32 v20, $0.0e+00  }
0x167: {  	[tilespmem:$0x13A0] =	vst v18;
	v49 =	vld [tilespmem:$0x400];
	v36 =	vmul.f32 v45, v36;
	v33 =	vadd.f32 v33, v34;
	v18 =	vmul.f32 v19, v2;
	v44 =	vpop (erf)  }
0x168: {  	[tilespmem:$0x1120] =	vst v16;
	v56 =	vld [tilespmem:$0x680];
	v16 =	vmul.f32 v19, v1;
	v2 =	vadd.f32 v31, v55;
	v55 =	vmul.f32 v44, v4  }
0x169: {  	[tilespmem:$0x1110] =	vst v25;
	v30 =	vld [tilespmem:$0x300];
	(erf) = vpow2.f32 v13;
	v23 =	vadd.f32 v23, v63;
	v20 =	vsel vm5, v20, v50  }
0x16a: {  	[tilespmem:$0x1020] =	vst v37;
	v34 =	vld [tilespmem:$0x700];
	v25 =	vadd.f32 v62, v59;
	v50 =	vmul.f32 v53, v8;
	v20 =	vmul.f32 $1.442695020e+00, v20  }
0x16b: {  	[tilespmem:$0x12A0] =	vst v38;
	v63 =	vld [tilespmem:$0x900];
	v1 =	vadd.f32 v2, v33;
	v2 =	vmul.f32 v61, v9;
	v52 =	vmul.f32 $2.000000030e-01, v23  }
0x16c: {  	[tilespmem:$0x1320] =	vst v40;
	v53 =	vld [tilespmem:$0x0];
	v25 =	vadd.f32 v39, v25;
	v13 =	vmul.f32 v49, v10;
	v49 =	vmul.f32 v51, v7  }
0x16d: {  	[tilespmem:$0x14B0] =	vst v18;
	v18 =	vld [tilespmem:$0xD70];
	vm6 =	vgt.f32 v23, $0.0e+00;
	v51 =	vmul.f32 v54, v11;
	(erf) = vpow2.f32 v20  }
0x16e: {  	[tilespmem:$0x1420] =	vst v17;
	v39 =	vld [tilespmem:$0x480];
	v33 =	vadd.f32 v1, v2;
	v2 =	vmul.f32 v43, v7;
	v40 =	vmul.f32 v30, v8  }
0x16f: {  	[tilespmem:$0x14A0] =	vst v15;
	v61 =	vld [tilespmem:$0x880];
	v25 =	vadd.f32 v25, v36;
	v43 =	vmul.f32 v48, v11;
	v48 =	vmul.f32 v44, v3  }
0x170: {  	[tilespmem:$0x1240] =	vst v55;
	v55 =	vld [tilespmem:$0x400];
	v37 =	vmul.f32 v34, v9;
	v23 =	vsel vm6, v23, v52;
	v52 =	vmul.f32 v56, v10  }
0x171: {  	[tilespmem:$0xFB0] =	vst v14;
	v1 =	vld [tilespmem:$0xDF0];
	v20 =	vadd.f32 v50, v49;
	v57 =	vmul.f32 $2.000000030e-01, v25;
	vm7 =	vgt.f32 v25, $0.0e+00  }
0x172: {  	[tilespmem:$0x1030] =	vst v29;
	v50 =	vld [tilespmem:$0x280];
	v59 =	vmul.f32 $1.442695020e+00, v23;
	v46 =	vmul.f32 $2.000000030e-01, v33;
	v47 =	vadd.f32 v40, v2  }
0x173: {  	[tilespmem:$0x11B0] =	vst v21;
	v2 =	vld [tilespmem:$0xE70];
	vm8 =	vgt.f32 v33, $0.0e+00;
	v23 =	vmul.f32 v60, v8;
	v10 =	vmul.f32 v63, v10  }
0x174: {  	[tilespmem:$0x1230] =	vst v22;
	v54 =	vpop (erf);
	v14 =	vadd.f32 v13, v43;
	v13 =	vld [tilespmem:$0xF70];
	v56 =	vmul.f32 v39, v9;
	v11 =	vmul.f32 v61, v11  }
0x175: {  	[tilespmem:$0x12B0] =	vst v24;
	v60 =	vld [tilespmem:$0x180];
	v24 =	vadd.f32 v52, v51;
	v61 =	vmul.f32 v54, v4;
	v9 =	vmul.f32 v42, v9  }
0x176: {  	[tilespmem:$0x1330] =	vst v26;
	v42 =	vld [tilespmem:$0x200];
	v58 =	vsel vm7, v25, v57;
	(erf) = vpow2.f32 v59;
	v15 =	vsel vm8, v33, v46  }
0x177: {  	[tilespmem:$0x10B0] =	vst v32;
	v14 =	vadd.f32 v14, v47;
	v57 =	vld [tilespmem:$0x80];
	v63 =	vadd.f32 v23, v28;
	v62 =	vmul.f32 $1.442695020e+00, v58  }
0x178: {  	[tilespmem:$0x1130] =	vst v19;
	v59 =	vld [tilespmem:$0x100];
	v58 =	vmul.f32 v54, v3;
	v20 =	vadd.f32 v24, v20;
	v40 =	vmul.f32 v53, v1  }
0x179: {  	[tilespmem:$0x1530] =	vst v16;
	v52 =	vld [tilespmem:$0x300];
	v15 =	vmul.f32 $1.442695020e+00, v15;
	v14 =	vadd.f32 v14, v56;
	v28 =	vmul.f32 v50, v1  }
0x17a: {  	[tilespmem:$0x11C0] =	vst v48;
	v10 =	vadd.f32 v10, v11;
	(erf) = vpow2.f32 v62;
	v25 =	vmul.f32 v60, v13  }
0x17b: {  	[tilespmem:$0x1340] =	vst v61;
	v61 =	vld [tilespmem:$0x580];
	v39 =	vadd.f32 v20, v37;
	v16 =	vmul.f32 v55, v13;
	v48 =	vmul.f32 $2.000000030e-01, v14  }
0x17c: {  	[tilespmem:$0x13B0] =	vst v27;
	v10 =	vadd.f32 v10, v63;
	v49 =	vmul.f32 v42, v18;
	v41 =	vmul.f32 v57, v2  }
0x17d: {  	[tilespmem:$0xFC0] =	vst v44;
	v30 =	vld [tilespmem:$0x780];
	vm9 =	vgt.f32 v14, $0.0e+00;
	v62 =	vpop (erf);
	v44 =	vmul.f32 v59, v12;
	(erf) = vpow2.f32 v15  }
0x17e: {  	v29 =	vld [tilespmem:$0x680];
	[tilespmem:$0x1430] =	vst v35;
	v9 =	vadd.f32 v10, v9;
	v51 =	vmul.f32 $2.000000030e-01, v39;
	v15 =	vmul.f32 v52, v2  }
0x17f: {  	[tilespmem:$0x12C0] =	vst v58;
	v58 =	vld [tilespmem:$0x480];
	vm10 =	vgt.f32 v39, $0.0e+00;
	v35 =	vmul.f32 v62, v3;
	v38 =	vmul.f32 v62, v4;
	v43 =	vpop (erf)  }
0x180: {  	[tilespmem:$0x1040] =	vst v54;
	v37 =	vld [tilespmem:$0x900];
	v10 =	vsel vm9, v14, v48;
	v36 =	vmul.f32 v61, v2;
	v3 =	vmul.f32 v43, v3  }
0x181: {  	[tilespmem:$0x10C0] =	vst v62;
	v4 =	vmul.f32 v43, v4;
	v20 =	vadd.f32 v41, v40;
	v53 =	vmul.f32 $2.000000030e-01, v9  }
0x182: {  	v54 =	vld [tilespmem:$0x380];
	v45 =	vpop (erf);
	v21 =	vadd.f32 v25, v44;
	v10 =	vmul.f32 $1.442695020e+00, v10;
	[tilespmem:$0x1140] =	vst v43;
	v43 =	vmul.f32 v30, v1  }
0x183: {  	v14 =	vsel vm10, v39, v51;
	v46 =	vmul.f32 v45, v5;
	v47 =	vmul.f32 v45, v6;
	[tilespmem:$0x13C0] =	vst v35  }
0x184: {  	[tilespmem:$0x1440] =	vst v38;
	v56 =	vmul.f32 $1.442695020e+00, v14;
	v38 =	vmul.f32 v29, v13;
	v20 =	vadd.f32 v21, v20  }
0x185: {  	v60 =	vld [tilespmem:$0x500];
	vm11 =	vgt.f32 v9, $0.0e+00;
	v59 =	vpop (erf);
	[tilespmem:$0xFD0] =	vst v45;
	v17 =	vmul.f32 v58, v18;
	v11 =	vmul.f32 v37, v13  }
0x186: {  	v63 =	vld [tilespmem:$0x600];
	(erf) = vpow2.f32 v10;
	[tilespmem:$0x14C0] =	vst v3;
	v3 =	vmul.f32 v59, v5;
	v20 =	vadd.f32 v20, v49  }
0x187: {  	v33 =	vld [tilespmem:$0x800];
	v9 =	vsel vm11, v9, v53;
	[tilespmem:$0x1540] =	vst v4;
	v21 =	vmul.f32 v54, v12;
	v31 =	vmul.f32 v59, v6  }
0x188: {  	v39 =	vld [tilespmem:$0x700];
	[tilespmem:$0x1050] =	vst v59;
	v9 =	vmul.f32 $1.442695020e+00, v9;
	v57 =	vmul.f32 $2.000000030e-01, v20  }
0x189: {  	v44 =	vld [tilespmem:$0x980];
	(erf) = vpow2.f32 v56;
	[tilespmem:$0x11D0] =	vst v46;
	v16 =	vadd.f32 v16, v21;
	vm12 =	vgt.f32 v20, $0.0e+00  }
0x18a: {  	[tilespmem:$0x12D0] =	vst v3;
	v3 =	vmul.f32 v60, v1;
	(erf) = vpow2.f32 v9;
	v14 =	vsel vm12, v20, v57  }
0x18b: {  	v35 =	vld [tilespmem:$0x880];
	v32 =	vpop (erf);
	[tilespmem:$0x1250] =	vst v47;
	v9 =	vmul.f32 v63, v12;
	v62 =	vmul.f32 $1.442695020e+00, v14;
	v14 =	vadd.f32 v15, v28  }
0x18c: {  	v4 =	vmul.f32 v33, v2;
	v34 =	vmul.f32 v32, v5;
	[tilespmem:$0x10D0] =	vst v32;
	v3 =	vadd.f32 v36, v3  }
0x18d: {  	v41 =	vmul.f32 v32, v6;
	[tilespmem:$0x1350] =	vst v31;
	v9 =	vadd.f32 v38, v9;
	v14 =	vadd.f32 v16, v14  }
0x18e: {  	v40 =	vpop (erf);
	[tilespmem:$0x13D0] =	vst v34;
	v48 =	vmul.f32 v39, v18;
	v52 =	vmul.f32 v44, v18  }
0x18f: {  	[tilespmem:$0x1450] =	vst v41;
	v5 =	vmul.f32 v40, v5;
	v3 =	vadd.f32 v9, v3;
	v42 =	vadd.f32 v14, v17  }
0x190: {  	v4 =	vadd.f32 v4, v43;
	v6 =	vmul.f32 v40, v6;
	[tilespmem:$0x1150] =	vst v40;
	v45 =	vmul.f32 v35, v12;
	v46 =	vpop (erf)  }
0x191: {  	[tilespmem:$0x14D0] =	vst v5;
	v49 =	vmul.f32 v46, v7;
	v3 =	vadd.f32 v3, v48;
	v47 =	vmul.f32 $2.000000030e-01, v42  }
0x192: {  	[tilespmem:$0x1550] =	vst v6;
	v51 =	vmul.f32 v46, v8;
	v9 =	vadd.f32 v11, v45;
	vm13 =	vgt.f32 v42, $0.0e+00  }
0x193: {  	[tilespmem:$0xFE0] =	vst v46;
	(erf) = vpow2.f32 v62;
	v54 =	vmul.f32 $2.000000030e-01, v3;
	v5 =	vsel vm13, v42, v47  }
0x194: {  	[tilespmem:$0x11E0] =	vst v49;
	v50 =	vpop (erf);
	v4 =	vadd.f32 v9, v4;
	vm14 =	vgt.f32 v3, $0.0e+00;
	v5 =	vmul.f32 $1.442695020e+00, v5  }
0x195: {  	[tilespmem:$0x1260] =	vst v51;
	v53 =	vmul.f32 v50, v7;
	v3 =	vsel vm14, v3, v54  }
0x196: {  	[tilespmem:$0x1060] =	vst v50;
	v55 =	vpop (erf);
	v4 =	vadd.f32 v4, v52;
	v3 =	vmul.f32 $1.442695020e+00, v3;
	(erf) = vpow2.f32 v5  }
0x197: {  	v11 =	vmul.f32 v50, v8;
	v56 =	vmul.f32 v55, v7;
	[tilespmem:$0x10E0] =	vst v55  }
0x198: {  	[tilespmem:$0x12E0] =	vst v53;
	v58 =	vpop (erf);
	v57 =	vmul.f32 $2.000000030e-01, v4;
	(erf) = vpow2.f32 v3  }
0x199: {  	v6 =	vmul.f32 v55, v8;
	[tilespmem:$0x1360] =	vst v11;
	vm15 =	vgt.f32 v4, $0.0e+00;
	v3 =	vmul.f32 v58, v7  }
0x19a: {  	[tilespmem:$0x13E0] =	vst v56;
	v4 =	vsel vm15, v4, v57  }
0x19b: {  	[tilespmem:$0x1460] =	vst v6;
	v4 =	vmul.f32 $1.442695020e+00, v4  }
0x19c: {  	[tilespmem:$0x1160] =	vst v58  }
0x19d: {  	v5 =	vmul.f32 v58, v8;
	[tilespmem:$0x14E0] =	vst v3;
	v3 =	vpop (erf);
	(erf) = vpow2.f32 v4  }
0x19e: {  	v59 =	vmul.f32 v3, v1;
	[tilespmem:$0xFF0] =	vst v3;
	v3 =	vmul.f32 v3, v2  }
0x19f: {  	[tilespmem:$0x1560] =	vst v5;
	v60 =	vpop (erf)  }
0x1a0: {  	[tilespmem:$0x1270] =	vst v3;
	v3 =	vmul.f32 v60, v1  }
0x1a1: {  	[tilespmem:$0x11F0] =	vst v59;
	v62 =	vpop (erf)  }
0x1a2: {  	[tilespmem:$0x12F0] =	vst v3;
	v3 =	vmul.f32 v62, v1  }
0x1a3: {  	[tilespmem:$0x1070] =	vst v60;
	v61 =	vmul.f32 v60, v2  }
0x1a4: {  	[tilespmem:$0x10F0] =	vst v62  }
0x1a5: {  	v63 =	vmul.f32 v62, v2;
	[tilespmem:$0x1370] =	vst v61  }
0x1a6: {  	[tilespmem:$0x13F0] =	vst v3;
	v3 =	vpop (erf)  }
0x1a7: {  	[tilespmem:$0x1470] =	vst v63;
	v1 =	vmul.f32 v3, v1  }
0x1a8: {  	[tilespmem:$0x1170] =	vst v3;
	v2 =	vmul.f32 v3, v2  }
0x1a9: {  	[tilespmem:$0x14F0] =	vst v1  }
0x1aa: {  	s21 =	rddreg [dreg:$0x15];
	[tilespmem:$0x1570] =	vst v2  }
0x1ab: {  	[spmem:s1] =	stream.indirect.scatter.add.f32 [tilespmem:s21], [sflag:$0x1], $0x1, s28, s30, $0xb8;
	[tilespmem:$0xBA00] =	vst v63  }
0x1ac: {  	s23 =	rddreg [dreg:$0x16]  }
0x1ad: {  	[spmem:s2] =	stream.indirect.scatter.add.f32 [tilespmem:s23], [sflag:$0x1], $0x1, s28, s30, $0xb8;
	[tilespmem:$0xBA00] =	vst v63  }
0x1ae: {  	s20 =	rddreg [dreg:$0x17]  }
0x1af: {  	[spmem:s3] =	stream.indirect.scatter.add.f32 [tilespmem:s20], [sflag:$0x1], $0x1, s28, s30, $0xb8;
	[tilespmem:$0xBA00] =	vst v63  }
0x1b0: {  	s23 =	rddreg [dreg:$0x18]  }
0x1b1: {  	[spmem:s4] =	stream.indirect.scatter.add.f32 [tilespmem:s23], [sflag:$0x1], $0x1, s28, s30, $0xb8;
	[tilespmem:$0xBA00] =	vst v63  }
0x1b2: {  	s20 =	rddreg [dreg:$0x19]  }
0x1b3: {  	[spmem:s5] =	stream.indirect.scatter.add.f32 [tilespmem:s20], [sflag:$0x1], $0x1, s28, s30, $0xb8;
	[tilespmem:$0xBA00] =	vst v63  }
0x1b4: {  	s23 =	rddreg [dreg:$0x1a]  }
0x1b5: {  	[spmem:s6] =	stream.indirect.scatter.add.f32 [tilespmem:s23], [sflag:$0x1], $0x1, s28, s30, $0xb8;
	[tilespmem:$0xBA00] =	vst v63  }
0x1b6: {  	_ = 	snop  }
0x1b7: {  	[spmem:s7] =	stream.indirect.scatter.add.f32 [tilespmem:s31], [sflag:$0x1], $0x1, s28, s30, $0xb8;
	[tilespmem:$0xBA00] =	vst v63  }
0x1b8: {  	_ = 	snop  }
0x1b9: {  	[spmem:s9] =	stream.indirect.scatter.add.f32 [tilespmem:s13], [sflag:$0x1], $0x1, s28, s30, $0xb8;
	[tilespmem:$0xBA00] =	vst v63  }
0x1ba: {  	_ = 	snop  }
0x1bb: {  	[spmem:s10] =	stream.indirect.scatter.add.f32 [tilespmem:s0], [sflag:$0x1], $0x1, s28, s30, $0xb8;
	[tilespmem:$0xBA00] =	vst v63  }
0x1bc: {  	_ = 	snop  }
0x1bd: {  	[spmem:s11] =	stream.indirect.scatter.add.f32 [tilespmem:s8], [sflag:$0x1], $0x1, s28, s30, $0xb8;
	[tilespmem:$0xBA00] =	vst v63  }
0x1be: {  	_ = 	snop  }
0x1bf: {  	[spmem:s12] =	stream.indirect.scatter.add.f32 [tilespmem:s18], [sflag:$0x1], $0x1, s28, s30, $0xb8;
	[tilespmem:$0xBA00] =	vst v63  }
0x1c0: {  	_ = 	snop  }
0x1c1: {  	[spmem:s14] =	stream.indirect.scatter.add.f32 [tilespmem:s19], [sflag:$0x1], $0x1, s28, s30, $0xb8;
	[tilespmem:$0xBA00] =	vst v63  }
0x1c2: {  	_ =	swait.ge [sflag:s29], $0x80  }
0x1c3: {  	[sflag:s29] =	ssyncset.done $0x0  }
0x1c4: {  	[sflag:s29] =	ssyncadd.s32 $0xFFFFFF80  }
0x1c5: {  	_ =	swait.ge [sflag:s29], $0x80  }
0x1c6: {  	[sflag:s29] =	ssyncset.done $0x0  }
0x1c7: {  	[sflag:s29] =	ssyncadd.s32 $0xFFFFFF80  }
0x1c8: {  	_ =	swait.ge [sflag:s29], $0x80  }
0x1c9: {  	[sflag:s29] =	ssyncset.done $0x0  }
0x1ca: {  	[sflag:s29] =	ssyncadd.s32 $0xFFFFFF80  }
0x1cb: {  	_ =	swait.ge [sflag:s29], $0x80  }
0x1cc: {  	[sflag:s29] =	ssyncset.done $0x0  }
0x1cd: {  	[sflag:s29] =	ssyncadd.s32 $0xFFFFFF80  }
0x1ce: {  	_ =	swait.ge [sflag:s29], $0x80  }
0x1cf: {  	[sflag:s29] =	ssyncset.done $0x0  }
0x1d0: {  	[sflag:s29] =	ssyncadd.s32 $0xFFFFFF80  }
0x1d1: {  	_ =	swait.ge [sflag:s29], $0x80  }
0x1d2: {  	[sflag:s29] =	ssyncset.done $0x0  }
0x1d3: {  	[sflag:s29] =	ssyncadd.s32 $0xFFFFFF80  }
0x1d4: {  	_ =	swait.ge [sflag:s29], $0x80  }
0x1d5: {  	[sflag:s29] =	ssyncset.done $0x0  }
0x1d6: {  	[sflag:s29] =	ssyncadd.s32 $0xFFFFFF80  }
0x1d7: {  	_ =	swait.ge [sflag:s29], $0x80  }
0x1d8: {  	[sflag:s29] =	ssyncset.done $0x0  }
0x1d9: {  	[sflag:s29] =	ssyncadd.s32 $0xFFFFFF80  }
0x1da: {  	_ =	swait.ge [sflag:s29], $0x80  }
0x1db: {  	[sflag:s29] =	ssyncset.done $0x0  }
0x1dc: {  	[sflag:s29] =	ssyncadd.s32 $0xFFFFFF80  }
0x1dd: {  	_ =	swait.ge [sflag:s29], $0x80  }
0x1de: {  	[sflag:s29] =	ssyncset.done $0x0  }
0x1df: {  	[sflag:s29] =	ssyncadd.s32 $0xFFFFFF80  }
0x1e0: {  	p0 =	sne.s32 s22, $0xC30;
	_ =	swait.ge [sflag:s29], $0x80  }
.Ltmp1:
0x1e1: {  	[sflag:s29] =	ssyncset.done $0x0;
	(pc) =	sbr.rel @p0 .LBB3_4-.Ltmp1, $4  }
0x1e2: {  	[sflag:s29] =	ssyncadd.s32 $0xFFFFFF80  }
0x1e3: {  	_ =	swait.ge [sflag:s29], $0x80  }
0x1e4: {  	[sflag:s29] =	ssyncset.done $0x0  }
0x1e5: {  	s22 =	sadd.s32 $0x10, s22;
	[sflag:s29] =	ssyncadd.s32 $0xFFFFFF80  }
0x1e6: {  	[bflag:$0x0] =	sbarrier.arrive $0xFFFF  }
0x1e7: {  	s21 =	sld [smem:$0x7ED]  }
0x1e8: {  	s20 =	stileid.u32  }
0x1e9: {  	s23 =	simm.s32 $0x10;
	s20 =	sshll.u32 s20, $0x6  }
0x1ea: {  	s22 =	rddreg [dreg:$0x1c];
	s20 =	sor.u32 $0x1C02, s20;
	s21 =	sshrl.u32 s21, $0x3  }
0x1eb: {  	[hbm:s22@s30], [sflag:s20] =	dma.strided [spmem:s21@s23], $0x190, s29, $0x10   }
0x1ec: {  	_ =	swait.ge [sflag:s24], $0x190  }
0x1ed: {  	s22 =	sld [smem:$0x7EE];
	_ =	sdelay $0x1  }
0x1ee: {  	[sflag:s24] =	ssyncset.done $0x0  }
0x1ef: {  	[sflag:s24] =	ssyncadd.s32 $0xFFFFFE70;
	s21 =	sshrl.u32 s22, $0x3;
	s22 =	rddreg [dreg:$0x1d]  }
0x1f0: {  	[hbm:s22@s30], [sflag:s20] =	dma.strided [spmem:s21@s23], $0x190, s29, $0x10   }
0x1f1: {  	_ =	swait.ge [sflag:s24], $0x190  }
0x1f2: {  	s22 =	sld [smem:$0x7EF];
	_ =	sdelay $0x1  }
0x1f3: {  	[sflag:s24] =	ssyncset.done $0x0  }
0x1f4: {  	[sflag:s24] =	ssyncadd.s32 $0xFFFFFE70;
	s21 =	sshrl.u32 s22, $0x3;
	s22 =	rddreg [dreg:$0x1e]  }
0x1f5: {  	[hbm:s22@s30], [sflag:s20] =	dma.strided [spmem:s21@s23], $0x190, s29, $0x10   }
0x1f6: {  	_ =	swait.ge [sflag:s24], $0x190  }
0x1f7: {  	s22 =	sld [smem:$0x7F0];
	_ =	sdelay $0x1  }
0x1f8: {  	[sflag:s24] =	ssyncset.done $0x0  }
0x1f9: {  	[sflag:s24] =	ssyncadd.s32 $0xFFFFFE70;
	s21 =	sshrl.u32 s22, $0x3;
	s22 =	rddreg [dreg:$0x1f]  }
0x1fa: {  	[hbm:s22@s30], [sflag:s20] =	dma.strided [spmem:s21@s23], $0x190, s29, $0x10   }
0x1fb: {  	_ =	swait.ge [sflag:s24], $0x190  }
0x1fc: {  	s22 =	sld [smem:$0x7F1];
	_ =	sdelay $0x2  }
0x1fd: {  	s21 =	sshrl.u32 s22, $0x3;
	s22 =	sld [smem:$0x7FA]  }
0x1fe: {  	[sflag:s24] =	ssyncset.done $0x0  }
0x1ff: {  	[sflag:s24] =	ssyncadd.s32 $0xFFFFFE70  }
0x200: {  	[hbm:s22@s30], [sflag:s20] =	dma.strided [spmem:s21@s23], $0x190, s29, $0x10   }
0x201: {  	_ =	swait.ge [sflag:s24], $0x190  }
0x202: {  	s22 =	sld [smem:$0x7F2];
	_ =	sdelay $0x2  }
0x203: {  	s21 =	sshrl.u32 s22, $0x3;
	s22 =	sld [smem:$0x7FB]  }
0x204: {  	[sflag:s24] =	ssyncset.done $0x0  }
0x205: {  	[sflag:s24] =	ssyncadd.s32 $0xFFFFFE70  }
0x206: {  	[hbm:s22@s30], [sflag:s20] =	dma.strided [spmem:s21@s23], $0x190, s29, $0x10   }
0x207: {  	_ =	swait.ge [sflag:s24], $0x190  }
0x208: {  	s22 =	sld [smem:$0x7F3];
	_ =	sdelay $0x2  }
0x209: {  	s21 =	sshrl.u32 s22, $0x3;
	s22 =	sld [smem:$0x7FC]  }
0x20a: {  	[sflag:s24] =	ssyncset.done $0x0  }
0x20b: {  	[sflag:s24] =	ssyncadd.s32 $0xFFFFFE70  }
0x20c: {  	[hbm:s22@s30], [sflag:s20] =	dma.strided [spmem:s21@s23], $0x190, s29, $0x10   }
0x20d: {  	_ =	swait.ge [sflag:s24], $0x190  }
0x20e: {  	s22 =	sld [smem:$0x7F4];
	_ =	sdelay $0x2  }
0x20f: {  	s21 =	sshrl.u32 s22, $0x3;
	s22 =	sld [smem:$0x7FD]  }
0x210: {  	[sflag:s24] =	ssyncset.done $0x0  }
0x211: {  	[sflag:s24] =	ssyncadd.s32 $0xFFFFFE70  }
0x212: {  	[hbm:s22@s30], [sflag:s20] =	dma.strided [spmem:s21@s23], $0x190, s29, $0x10   }
0x213: {  	_ =	swait.ge [sflag:s24], $0x190  }
0x214: {  	s22 =	sld [smem:$0x7F5];
	_ =	sdelay $0x2  }
0x215: {  	s21 =	sshrl.u32 s22, $0x3;
	s22 =	sld [smem:$0x7E9]  }
0x216: {  	[sflag:s24] =	ssyncset.done $0x0  }
0x217: {  	[sflag:s24] =	ssyncadd.s32 $0xFFFFFE70  }
0x218: {  	[hbm:s22@s30], [sflag:s20] =	dma.strided [spmem:s21@s23], $0x190, s29, $0x10   }
0x219: {  	_ =	swait.ge [sflag:s24], $0x190  }
0x21a: {  	s22 =	sld [smem:$0x7F6];
	_ =	sdelay $0x2  }
0x21b: {  	s21 =	sshrl.u32 s22, $0x3;
	s22 =	sld [smem:$0x7EA]  }
0x21c: {  	[sflag:s24] =	ssyncset.done $0x0  }
0x21d: {  	[sflag:s24] =	ssyncadd.s32 $0xFFFFFE70  }
0x21e: {  	[hbm:s22@s30], [sflag:s20] =	dma.strided [spmem:s21@s23], $0x190, s29, $0x10   }
0x21f: {  	_ =	swait.ge [sflag:s24], $0x190  }
0x220: {  	s22 =	sld [smem:$0x7F7];
	_ =	sdelay $0x2  }
0x221: {  	s21 =	sshrl.u32 s22, $0x3;
	s22 =	sld [smem:$0x7EB]  }
0x222: {  	[sflag:s24] =	ssyncset.done $0x0  }
0x223: {  	[sflag:s24] =	ssyncadd.s32 $0xFFFFFE70  }
0x224: {  	[hbm:s22@s30], [sflag:s20] =	dma.strided [spmem:s21@s23], $0x190, s29, $0x10   }
0x225: {  	_ =	swait.ge [sflag:s24], $0x190  }
0x226: {  	s22 =	sld [smem:$0x7F8];
	_ =	sdelay $0x2  }
0x227: {  	s21 =	sshrl.u32 s22, $0x3;
	s22 =	sld [smem:$0x7EC]  }
0x228: {  	[sflag:s24] =	ssyncset.done $0x0  }
0x229: {  	[sflag:s24] =	ssyncadd.s32 $0xFFFFFE70  }
0x22a: {  	[hbm:s22@s30], [sflag:s20] =	dma.strided [spmem:s21@s23], $0x190, s29, $0x10   }
0x22b: {  	_ =	swait.ge [sflag:s24], $0x190  }
0x22c: {  	s22 =	sld [smem:$0x7E8]  }
0x22d: {  	s23 =	sld [smem:$0x7F9];
	_ =	sdelay $0x1  }
0x22e: {  	s21 =	sadd.s32 $0x1, s22  }
0x22f: {  	p0 =	sne.s32 s21, s23  }
.Ltmp2:
0x230: {  	_ = 	snop;
	(pc) =	sbr.rel @p0 .LBB3_1-.Ltmp2, $3  }
0x231: {  	_ =	sdelay $0x1  }
0x232: {  	[sflag:s24] =	ssyncset.done $0x0  }
0x233: {  	[sflag:s24] =	ssyncadd.s32 $0xFFFFFE70  }
0x234: {  	_ =	sfence.sel $0x180000  }
0x235: {  	[bflag:$0x0] =	sbarrier.arrive $0xFFFF  }
0x236: {  	_ =	strace $0x90000047  }
0x237: {  	s0 =	stileid.u32;
	[bflag:$0x2] =	sbarrier.arrive $0xFFFF  }
0x238: {  	p0 =	sne.s32 s0, $0x0;
	s0 =	rddreg [dreg:$0x1b]  }
0x239: {  	s0 =	sadd.s32 @!p0 $0x100000, s0  }
0x23a: {  	[sflag:s0] =	ssyncadd.tile.s32 @!p0 $0x1;
	_ =	shalt  }
.Lfunc_end3:
_tile_overlayer_lowered:
.L_overlay_start_3:
0x23b: {  	(tag) =	ssettag $0x3  }
0x23c: {  	s0 =	rddreg [dreg:$0x0];
	s2 =	stileid.u32  }
0x23d: {  	s1 =	rddreg [dreg:$0x1];
	p0 =	sne.s32 s2, $0x0  }
0x23e: {  	s3 =	rddreg [dreg:$0x2];
	[bflag:$0x3] =	sbarrier.arrive $0xFFFF;
	s2 =	simm.s32 @!p0 $0x1C02  }
0x23f: {  	[timem:s3], [sflag:s2] =	dma.local @!p0 [hbm:s0], s1  }
0x240: {  	s0 =	simm.s32 @!p0 $0x2  }
0x241: {  	_ =	swait.ge @!p0 [sflag:s0], s1  }
0x242: {  	s1 =	ssub.s32 @!p0 $0x0, s1;
	[sflag:s0] =	ssyncset.done @!p0 $0x0  }
0x243: {  	[sflag:s0] =	ssyncadd.s32 @!p0 s1  }
0x244: {  	[bflag:$0x3] =	sbarrier.arrive $0xFFFF  }
0x245: {  	_ =	shalt  }

// kernel: kernel.9.cloned.1.call-start
scs
__scs_entry_jumppad:
0x0: {  	(pc) =	sbr.rel $0x88, $3  }
0x1: {  	(tag) =	ssettag $0x0;
	lr =	simm.s32 $0x1  }
0x2: {  	[smem:$0x3F92] =	sst lr;
	_ =	strace $0xD0000000  }
0x3: {  	_ = 	snop  }
0x4: {  	_ = 	snop  }
0x5: {  	_ = 	snop  }
0x6: {  	_ = 	snop  }
0x7: {  	_ = 	snop  }
__scs_overlays_trampoline_lowered:
0x8: {  	[smem:$0x3FA1] =	sst s0  }
0x9: {  	[smem:$0x3FA2] =	sst s1  }
0xa: {  	[smem:$0x3FA3] =	sst s2  }
0xb: {  	[smem:$0x3FA4] =	sst s3  }
0xc: {  	[smem:$0x3FA5] =	sst s4  }
0xd: {  	[smem:$0x3FA6] =	sst s5  }
0xe: {  	[smem:$0x3FA7] =	sst s6  }
0xf: {  	[smem:$0x3FA8] =	sst s7  }
0x10: {  	[smem:$0x3FA9] =	sst s8  }
0x11: {  	[smem:$0x3FAA] =	sst s9;
	s0 =	simm.s32 @!p0 $0x0  }
0x12: {  	s1 =	sld [smem:$0x3F90];
	s0 =	simm.s32 @p0 $0x1  }
0x13: {  	[smem:$0x3FAB] =	sst s0;
	s0 =	simm.s32 @!p1 $0x0  }
0x14: {  	s2 =	sld [smem:$0x3F8F];
	s0 =	simm.s32 @p1 $0x1  }
0x15: {  	[smem:$0x3FAC] =	sst s0;
	s0 =	simm.s32 @!p2 $0x0  }
0x16: {  	s3 =	sld [smem:$0x3FDB];
	s0 =	simm.s32 @p2 $0x1  }
0x17: {  	s4 =	simm.s32 $0x1BF5;
	[smem:$0x3FAE] =	sst s0  }
0x18: {  	s0 =	sld [smem:$0x3F91];
	_ =	swait.ge [sflag:s4], $0x0  }
0x19: {  	s7 =	sld [smem:$0x3F92]  }
0x1a: {  	s8 =	sadd.s32 $0xFFFFE003, lr  }
0x1b: {  	s9 =	sadd.s32 $0xFFFFFEF7, lr;
	s5 =	simm.s32 $0xFFFFFFFF;
	p2 =	slt.u32 s8, $0xFFFFF086  }
0x1c: {  	p1 =	slt.u32 s9, $0xF7A;
	s5 =	simm.s32 @!p2 $0x0  }
0x1d: {  	s5 =	simm.s32 @p1 $0x1;
	p0 =	seq.s32 s7, s2  }
0x1e: {  	s7 =	smul.u32 @!p0 $0xF7A, s2;
	p2 =	seq.s32 @!p0 s5, $0x0  }
0x1f: {  	s9 =	smul.u32 $0xF7A, s1;
	s8 =	simm.s32 @!p0 $0x1BF5;
	p2 =	por !p2, p0  }
0x20: {  	[sflag:s8] =	ssyncset.s32 @!p0 $0xFFFFF086;
	s6 =	sadd.s32 @!p0 s3, s7;
	s7 =	simm.s32 @!p0 $0x108  }
0x21: {  	s3 =	sadd.s32 s3, s9;
	s6 =	sadd.s32 @!p0 $0x88, s6;
	s7 =	simm.s32 @p2 $0x1082  }
0x22: {  	[simem:s7], [sflag:s8] =	dma.local @!p0 [hbm:s6], $0xF7A  }
0x23: {  	s9 =	sor.u32 $0xD0000000, s2;
	s6 =	simm.s32 $0x108;
	_ =	swait.ge @!p0 [sflag:s8], $0x0  }
0x24: {  	s3 =	sadd.s32 $0x88, s3;
	s6 =	simm.s32 @!p1 $0x1082;
	[sflag:s4] =	ssyncset.s32 $0xFFFFF086  }
0x25: {  	[simem:s6], [sflag:s4] =	dma.local [hbm:s3], $0xF7A  }
0x26: {  	[smem:$0x3F92] =	sst s1;
	(tag) =	ssettag s2;
	_ =	strace s9  }
0x27: {  	s1 =	sld [smem:$0x3FA2]  }
0x28: {  	s2 =	sld [smem:$0x3FA3]  }
0x29: {  	s4 =	sld [smem:$0x3FA5]  }
0x2a: {  	p0 =	seq.s32 s5, $0x0;
	s5 =	sld [smem:$0x3FA6]  }
0x2b: {  	s6 =	sld [smem:$0x3FA7]  }
0x2c: {  	s7 =	sld [smem:$0x3FA8]  }
0x2d: {  	s3 =	simm.s32 $0x108;
	s8 =	sld [smem:$0x3FA9]  }
0x2e: {  	s3 =	simm.s32 @!p0 $0x1082;
	s9 =	sld [smem:$0x3FAA]  }
0x2f: {  	lr =	sadd.s32 s0, s3;
	s0 =	sld [smem:$0x3FA1]  }
0x30: {  	s3 =	sld [smem:$0x3FA4]  }
0x31: {  	[smem:$0x3FAD] =	sst s10  }
0x32: {  	s10 =	sld [smem:$0x3FAB];
	_ =	sdelay $0x3  }
0x33: {  	p0 =	seq.s32 s10, $0x1;
	s10 =	sld [smem:$0x3FAD];
	_ =	sdelay $0x3  }
0x34: {  	[smem:$0x3FAD] =	sst s10  }
0x35: {  	s10 =	sld [smem:$0x3FAC];
	_ =	sdelay $0x3  }
0x36: {  	p1 =	seq.s32 s10, $0x1;
	s10 =	sld [smem:$0x3FAD];
	_ =	sdelay $0x3  }
0x37: {  	[smem:$0x3FAD] =	sst s10  }
0x38: {  	s10 =	sld [smem:$0x3FAE]  }
0x39: {  	_ = 	snop;
	(pc) =	sbr.ind lr, $3  }
0x3a: {  	_ = 	snop  }
0x3b: {  	_ = 	snop  }
0x3c: {  	p2 =	seq.s32 s10, $0x1;
	s10 =	sld [smem:$0x3FAD]  }
0x3d: {  	_ =	shalt  }
0x3e: {  	_ =	shalt  }
0x3f: {  	_ =	shalt  }
0x40: {  	_ =	shalt  }
0x41: {  	_ =	shalt  }
0x42: {  	_ =	shalt  }
0x43: {  	_ =	shalt  }
0x44: {  	_ =	shalt  }
0x45: {  	_ =	shalt  }
0x46: {  	_ =	shalt  }
0x47: {  	_ =	shalt  }
0x48: {  	_ =	shalt  }
0x49: {  	_ =	shalt  }
0x4a: {  	_ =	shalt  }
0x4b: {  	_ =	shalt  }
0x4c: {  	_ =	shalt  }
0x4d: {  	_ =	shalt  }
0x4e: {  	_ =	shalt  }
0x4f: {  	_ =	shalt  }
0x50: {  	_ =	shalt  }
0x51: {  	_ =	shalt  }
0x52: {  	_ =	shalt  }
0x53: {  	_ =	shalt  }
0x54: {  	_ =	shalt  }
0x55: {  	_ =	shalt  }
0x56: {  	_ =	shalt  }
0x57: {  	_ =	shalt  }
0x58: {  	_ =	shalt  }
0x59: {  	_ =	shalt  }
0x5a: {  	_ =	shalt  }
0x5b: {  	_ =	shalt  }
0x5c: {  	_ =	shalt  }
0x5d: {  	_ =	shalt  }
0x5e: {  	_ =	shalt  }
0x5f: {  	_ =	shalt  }
0x60: {  	_ =	shalt  }
0x61: {  	_ =	shalt  }
0x62: {  	_ =	shalt  }
0x63: {  	_ =	shalt  }
0x64: {  	_ =	shalt  }
0x65: {  	_ =	shalt  }
0x66: {  	_ =	shalt  }
0x67: {  	_ =	shalt  }
0x68: {  	_ =	shalt  }
0x69: {  	_ =	shalt  }
0x6a: {  	_ =	shalt  }
0x6b: {  	_ =	shalt  }
0x6c: {  	_ =	shalt  }
0x6d: {  	_ =	shalt  }
0x6e: {  	_ =	shalt  }
0x6f: {  	_ =	shalt  }
0x70: {  	_ =	shalt  }
0x71: {  	_ =	shalt  }
0x72: {  	_ =	shalt  }
0x73: {  	_ =	shalt  }
0x74: {  	_ =	shalt  }
0x75: {  	_ =	shalt  }
0x76: {  	_ =	shalt  }
0x77: {  	_ =	shalt  }
0x78: {  	_ =	shalt  }
0x79: {  	_ =	shalt  }
0x7a: {  	_ =	shalt  }
0x7b: {  	_ =	shalt  }
0x7c: {  	_ =	shalt  }
0x7d: {  	_ =	shalt  }
0x7e: {  	_ =	shalt  }
0x7f: {  	_ =	shalt  }
0x80: {  	_ =	shalt  }
0x81: {  	_ =	shalt  }
0x82: {  	_ =	shalt  }
0x83: {  	_ =	shalt  }
0x84: {  	_ =	shalt  }
0x85: {  	_ =	shalt  }
0x86: {  	_ =	shalt  }
0x87: {  	_ =	shalt  }
.Lfunc_end0:
.L_simem_size_0:
called_computation.1_lowered:
.L_overlay_start_0:
0x88: {  	s2 =	sld [smem:$0x3FD9]  }
0x89: {  	s3 =	sld [smem:$0x3FFE];
	_ =	sdelay $0x1  }
0x8a: {  	s1 =	srdreg.scid  }
0x8b: {  	s0 =	sand.u32 $0x1, s1  }
0x8c: {  	s17 =	sshll.u32 s0, $0xA;
	s2 =	sadd.s32 s3, s2  }
0x8d: {  	s2 =	sadd.s32 s2, s17  }
0x8e: {  	[smem:$0x3FB9] =	sst s2  }
0x8f: {  	_ = 	snop  }
0x90: {  	s2 =	sld [smem:$0x3FD0];
	(tm) =	ssettm $0x1  }
0x91: {  	s18 =	sld [smem:$0x3FFB];
	_ =	sdelay $0x3  }
0x92: {  	_ =	strace s18  }
0x93: {  	s3 =	sld [smem:$0x3FFC];
	_ =	sdelay $0x3  }
0x94: {  	_ =	strace s3  }
0x95: {  	s3 =	sld [smem:$0x3FFD];
	_ =	sdelay $0x3  }
0x96: {  	_ =	strace s3  }
0x97: {  	_ =	strace $0x8FFFFFFF  }
0x98: {  	s19 =	sld [smem:$0x3FDB];
	_ =	sdelay $0x1  }
0x99: {  	s4 =	simm.s32 $_scs_section_size  }
0x9a: {  	s5 =	simm.s32 $_size__tile_overlayer_lowered;
	s6 =	simm.s32 $_tile_overlayer_lowered  }
0x9b: {  	s22 =	simm.s32 $0x1BFF;
	s21 =	sshll.u32 s6, $0x1;
	s3 =	sadd.s32 s4, s19  }
0x9c: {  	s7 =	simm.s32 $0x0;
	s20 =	sshll.u32 s5, $0x1;
	s5 =	sadd.s32 s21, s3  }
0x9d: {  	[timem:s7], [sflag:s22] =	dma.local [hbm:s5], s20  }
0x9e: {  	_ =	swait.ge [sflag:s22], s20  }
0x9f: {  	s4 =	ssub.s32 $0x0, s20;
	[sflag:s22] =	ssyncset.done $0x0  }
0xa0: {  	[sflag:s22] =	ssyncadd.s32 s4;
	_ =	sdelay $0x1  }
0xa1: {  	s23 =	simm.s32 $0x1B8B  }
0xa2: {  	_ =	swait.ge [sflag:s23], $0x1  }
0xa3: {  	[sflag:s23] =	ssyncset.done $0x0  }
0xa4: {  	s25 =	simm.s32 $0x1B8E;
	s24 =	sld [smem:$0x3FFE];
	[sflag:s23] =	ssyncadd.s32 $0xFFFFFFFF  }
0xa5: {  	s26 =	simm.s32 $execute0_lowered;
	[smem:$0x3FD2] =	sst s25  }
0xa6: {  	s5 =	sshll.u32 s26, $0x1;
	_ =	strace $0x80000049;
	[dreg:$0x1] =	wrdreg $0xFFFFFFFF  }
0xa7: {  	s28 =	simm.s32 $_size_execute0_lowered;
	s3 =	sadd.s32 s3, s5;
	[dreg:$0x0] =	wrdreg $0x0  }
0xa8: {  	s5 =	sshll.u32 s28, $0x1;
	[dreg:$0x2] =	wrdreg s3  }
0xa9: {  	[dreg:$0x3] =	wrdreg s5  }
0xaa: {  	[dreg:$0x4] =	wrdreg $0xC0  }
0xab: {  	_ =	task [dreg:s7], $0x5FFFF  }
0xac: {  	[dreg:$0x1] =	wrdreg $0xFFFFFFFF  }
0xad: {  	[dreg:$0x0] =	wrdreg $0x60  }
0xae: {  	[dreg:$0x2] =	wrdreg s24  }
0xaf: {  	[dreg:$0x3] =	wrdreg s2  }
0xb0: {  	[dreg:$0x4] =	wrdreg $0x12000  }
0xb1: {  	[dreg:$0x5] =	wrdreg $0x1E800  }
0xb2: {  	[dreg:$0x6] =	wrdreg $0x9  }
0xb3: {  	_ =	task.clear_ibuf [dreg:s7], $0x7FFFF;
	_ =	strace $0x90000049  }
0xb4: {  	s29 =	simm.s32 $0x9;
	_ =	strace $0x8000004B  }
0xb5: {  	_ =	swait.ge [sflag:s29], $0x1  }
0xb6: {  	[sflag:s29] =	ssyncadd.s32 $0xFFFFFFFF  }
0xb7: {  	_ =	strace $0x9000004B  }
0xb8: {  	_ =	sfence  }
0xb9: {  	s30 =	sld [smem:$0x0];
	_ =	sdelay $0x2  }
0xba: {  	s31 =	sshll.u32 s1, $0xD;
	s1 =	sshrl.u32 s1, $0x2  }
0xbb: {  	s3 =	sand.u32 $0x4000, s31;
	s1 =	sadd.s32 s1, s30  }
0xbc: {  	s0 =	sor.u32 s3, s0;
	s1 =	sshll.u32 s1, $0x11  }
0xbd: {  	s0 =	sor.u32 s1, s0  }
0xbe: {  	s0 =	sadd.s32 $0x8F2B, s0  }
0xbf: {  	[sflag:s0] =	ssyncadd.remote.s32 $0x1  }
0xc0: {  	_ =	sfence.sel $0xFFFF  }
0xc1: {  	[dreg:$0x0] =	wrdreg $0xFFFFFFFF;
	(pc) =	sbr.abs _section_cstart, $3  }
0xc2: {  	[dreg:$0x1] =	wrdreg $0xFFFFFFFF  }
0xc3: {  	_ =	task.clear_ibuf [dreg:s7], $0x2FFFF;
	_ =	strace $0x9FFFFFFF  }
0xc4: {  	(tm) =	ssettm $0x7FFFFFFF  }
0xc5: {  	_ =	shalt  }
tec
execute0_lowered:
.L_overlay_start_1:
0x0: {  	(tag) =	ssettag $0x1  }
0x1: {  	s8 =	rddreg [dreg:$0x0]  }
0x2: {  	s1 =	rddreg [dreg:$0x1]  }
0x3: {  	s2 =	rddreg [dreg:$0x2]  }
0x4: {  	s3 =	rddreg [dreg:$0x3];
	s4 =	srdreg.scid;
	s5 =	simm.s32 $0x0  }
0x5: {  	s16 =	simm.s32 $0x580;
	s17 =	simm.s32 $0x200;
	s18 =	simm.s32 $0x280  }
0x6: {  	s19 =	simm.s32 $0x300;
	s20 =	simm.s32 $0x1;
	s21 =	simm.s32 $0x80  }
0x7: {  	s22 =	simm.s32 $0x380;
	s23 =	simm.s32 $0x400;
	s7 =	sand.u32 $0x1, s4  }
0x8: {  	s24 =	simm.s32 $0x480;
	s4 =	stileid.u32;
	s9 =	smul.u32 $0x19000, s7  }
0x9: {  	s25 =	simm.s32 $0x500;
	s28 =	simm.s32 $0x10;
	s10 =	smul.u32 $0x1900, s4  }
0xa: {  	s29 =	simm.s32 $0x0;
	[smem:$0x7FF] =	sst s5;
	s26 =	smul.u32 $0xC80, s4  }
0xb: {  	s6 =	sadd.s32 $0x49800, s8;
	s11 =	ssub.s32 $0x2, s7;
	s12 =	smul.u32 $0x1880, s4  }
0xc: {  	_ =	strace $0x8000004A;
	s14 =	smul.u32 $0xC40, s7;
	s30 =	sshrl.u32 s11, $0x1  }
0xd: {  	s9 =	sadd.s32 s10, s9;
	s15 =	ssub.s32 s11, s30;
	s31 =	sadd.s32 s12, s8  }
0xe: {  	s7 =	sadd.s32 s26, s2;
	s9 =	sshrl.u32 s9, $0x3;
	s10 =	sadd.s32 s14, s31  }
0xf: {  	s12 =	smax.u32 s15, $0x1;
	s15 =	simm.s32 $0x2;
	s13 =	sadd.s32 s9, s8  }
0x10: {  	s8 =	sadd.s32 s26, s3;
	s14 =	sadd.s32 $0x18800, s10;
	s26 =	simm.s32 $0x20  }
0x11: {  	v0 =	vimm.f32 $0.0e+00;
	s9 =	sadd.s32 $0x4B200, s13;
	s11 =	sadd.s32 $0x4B210, s13;
	s13 =	sadd.s32 $0x31000, s10  }
.LBB2_1:
0x12: {  	[tilespmem:s5], [sflag:$0x2] =	stream.linear.gather [hbm4b:s1+s5], $0x180, $0x38;
	[tilespmem:$0x2B00] =	vst v63  }
0x13: {  	_ =	swait.ge [sflag:s15], $0x180  }
0x14: {  	[sflag:s15] =	ssyncset.done $0x0  }
0x15: {  	s30 =	simm.s32 $0x40;
	s31 =	simm.s32 $0x0;
	[sflag:s15] =	ssyncadd.s32 $0xFFFFFE80  }
.LBB2_2:
0x16: {  	p0 =	sne.s32 s30, $0x31C0;
	[tilespmem:s31+$0x580] =	vst v0;
	s31 =	smov.u32 s30;
	s30 =	sadd.s32 $0x40, s30  }
.Ltmp0:
0x17: {  	(pc) =	sbr.rel @p0 .LBB2_2-.Ltmp0, $2  }
0x18: {  	_ =	sdelay $0x2  }
0x19: {  	s31 =	sshra.s32 s31, $0x2  }
0x1a: {  	[tilespmem:s31+$0x580] =	vst v0  }
0x1b: {  	[spmem:s7] =	stream.linear.scatter [tilespmem:s16], [sflag:$0x2], $0xC80, $0x38;
	[tilespmem:$0x2B00] =	vst v63  }
0x1c: {  	_ =	swait.ge [sflag:s15], $0xC80  }
0x1d: {  	[sflag:s15] =	ssyncset.done $0x0  }
0x1e: {  	[sflag:s15] =	ssyncadd.s32 $0xFFFFF380  }
0x1f: {  	[spmem:s8] =	stream.linear.scatter [tilespmem:s16], [sflag:$0x2], $0xC80, $0x38;
	[tilespmem:$0x2B00] =	vst v63  }
0x20: {  	_ =	swait.ge [sflag:s15], $0xC80  }
0x21: {  	[sflag:s15] =	ssyncset.done $0x0  }
0x22: {  	[sflag:s15] =	ssyncadd.s32 $0xFFFFF380  }
0x23: {  	s30 =	sadd.s32 $0x0, s10;
	[bflag:$0x0] =	sbarrier.arrive $0xFFFF  }
0x24: {  	[tilespmem:s17], [sflag:$0x1] =	stream.linear.gather [hbm4b:s30+s5], $0x80, $0x38;
	[tilespmem:$0x2B00] =	vst v63  }
0x25: {  	s30 =	sadd.s32 $0x0, s14  }
0x26: {  	[tilespmem:s18], [sflag:$0x1] =	stream.linear.gather [hbm4b:s30+s5], $0x80, $0x38;
	[tilespmem:$0x2B00] =	vst v63  }
0x27: {  	s30 =	sadd.s32 $0x0, s13  }
0x28: {  	[tilespmem:s19], [sflag:$0x1] =	stream.linear.gather [hbm4b:s30+s5], $0x80, $0x38;
	[tilespmem:$0x2B00] =	vst v63  }
0x29: {  	_ =	swait.ge [sflag:s20], $0x80  }
0x2a: {  	[sflag:s20] =	ssyncset.done $0x0  }
0x2b: {  	[sflag:s20] =	ssyncadd.s32 $0xFFFFFF80  }
0x2c: {  	_ =	swait.ge [sflag:s20], $0x80  }
0x2d: {  	[sflag:s20] =	ssyncset.done $0x0  }
0x2e: {  	[sflag:s20] =	ssyncadd.s32 $0xFFFFFF80  }
0x2f: {  	_ =	swait.ge [sflag:s20], $0x80  }
0x30: {  	[sflag:s20] =	ssyncset.done $0x0  }
0x31: {  	[sflag:s20] =	ssyncadd.s32 $0xFFFFFF80  }
0x32: {  	[tilespmem:s22], [sflag:$0x1] =	stream.indirect.gather [hbm4b:s6+s21], $0x1, s17, s21, $0xb8;
	[tilespmem:$0x2B00] =	vst v63  }
0x33: {  	_ = 	snop  }
0x34: {  	[tilespmem:s23], [sflag:$0x1] =	stream.indirect.gather [hbm4b:s6+s21], $0x1, s18, s21, $0xb8;
	[tilespmem:$0x2B00] =	vst v63  }
0x35: {  	_ =	swait.ge [sflag:s20], $0x80  }
0x36: {  	[sflag:s20] =	ssyncset.done $0x0  }
0x37: {  	[sflag:s20] =	ssyncadd.s32 $0xFFFFFF80  }
0x38: {  	_ =	swait.ge [sflag:s20], $0x80  }
0x39: {  	[sflag:s20] =	ssyncset.done $0x0  }
0x3a: {  	[sflag:s20] =	ssyncadd.s32 $0xFFFFFF80  }
0x3b: {  	v5 =	vld [tilespmem:$0x330]  }
0x3c: {  	v6 =	vld [tilespmem:$0x100]  }
0x3d: {  	v7 =	vld [tilespmem:$0x80]  }
0x3e: {  	v2 =	vld [tilespmem:$0x3B0]  }
0x3f: {  	v8 =	vld [tilespmem:$0x300]  }
0x40: {  	v9 =	vld [tilespmem:$0x100]  }
0x41: {  	v10 =	vld [tilespmem:$0x0]  }
0x42: {  	v11 =	vld [tilespmem:$0x370]  }
0x43: {  	v13 =	vld [tilespmem:$0x100]  }
0x44: {  	v12 =	vld [tilespmem:$0x430]  }
0x45: {  	v14 =	vld [tilespmem:$0x100]  }
0x46: {  	v15 =	vld [tilespmem:$0x320]  }
0x47: {  	v18 =	vld [tilespmem:$0x80]  }
0x48: {  	v19 =	vld [tilespmem:$0x80]  }
0x49: {  	v16 =	vld [tilespmem:$0x80]  }
0x4a: {  	v17 =	vld [tilespmem:$0x420]  }
0x4b: {  	v20 =	vld [tilespmem:$0x80]  }
0x4c: {  	v21 =	vld [tilespmem:$0x0]  }
0x4d: {  	v4 =	vld [tilespmem:$0x3A0]  }
0x4e: {  	v22 =	vld [tilespmem:$0x0]  }
0x4f: {  	v1 =	vld [tilespmem:$0x390]  }
0x50: {  	v23 =	vld [tilespmem:$0x0]  }
0x51: {  	v3 =	vld [tilespmem:$0x3F0]  }
0x52: {  	v24 =	vld [tilespmem:$0x470]  }
0x53: {  	v25 =	vld [tilespmem:$0x410];
	v7 =	vmul.f32 v7, v12;
	v10 =	vmul.f32 v10, v2  }
0x54: {  	v63 =	vld [tilespmem:$0x400];
	v16 =	vmul.f32 v16, v17;
	v17 =	vmul.f32 v21, v4  }
0x55: {  	v26 =	vmul.f32 v6, v5;
	v12 =	vmul.f32 v9, v11;
	v9 =	vld [tilespmem:$0x0];
	v10 =	vadd.f32 v7, v10  }
0x56: {  	v14 =	vmul.f32 v14, v15;
	v5 =	vmul.f32 v13, v8;
	v11 =	vld [tilespmem:$0x80];
	v8 =	vadd.f32 v16, v17  }
0x57: {  	v6 =	vmul.f32 v22, v1;
	v18 =	vmul.f32 v18, v24;
	v13 =	vld [tilespmem:$0x100];
	v16 =	vadd.f32 v26, v10  }
0x58: {  	v7 =	vld [tilespmem:$0x100];
	v17 =	vmul.f32 v23, v3;
	v15 =	vadd.f32 v14, v8;
	v8 =	vmul.f32 v20, v25  }
0x59: {  	s30 =	simm.s32 $0x10;
	v10 =	vmul.f32 v19, v63;
	v14 =	vld [tilespmem:$0x100];
	vm0 =	vgt.f32 v16, $0.0e+00;
	v19 =	vmul.f32 $2.000000030e-01, v16  }
.LBB2_4:
0x5a: {  	p0 =	sne.s32 s30, $0xC30;
	v20 =	vmul.f32 $2.000000030e-01, v15;
	v21 =	vld [tilespmem:$0x80];
	v17 =	vadd.f32 v18, v17;
	s31 =	smov.u32 s30;
	s30 =	sadd.s32 $0x10, s30  }
0x5b: {  	vm1 =	vgt.f32 v15, $0.0e+00;
	v16 =	vsel vm0, v16, v19;
	v18 =	vld [tilespmem:$0x0]  }
0x5c: {  	v15 =	vsel vm1, v15, v20;
	v16 =	vmul.f32 $1.442695020e+00, v16;
	v19 =	vld [tilespmem:$0x450];
	v12 =	vadd.f32 v12, v17  }
0x5d: {  	v15 =	vmul.f32 $1.442695020e+00, v15;
	v17 =	vld [tilespmem:$0x80]  }
0x5e: {  	v20 =	vld [tilespmem:$0x0];
	v22 =	vmul.f32 $2.000000030e-01, v12;
	(erf) = vpow2.f32 v16  }
0x5f: {  	vm0 =	vgt.f32 v12, $0.0e+00;
	v16 =	vld [tilespmem:$0x440];
	(erf) = vpow2.f32 v15  }
0x60: {  	v15 =	vld [tilespmem:$0x3C0];
	v12 =	vsel vm0, v12, v22  }
0x61: {  	v22 =	vld [tilespmem:$0x3D0];
	v12 =	vmul.f32 $1.442695020e+00, v12  }
0x62: {  	v23 =	vld [tilespmem:$0x340]  }
0x63: {  	v24 =	vld [tilespmem:$0x350];
	(erf) = vpow2.f32 v12  }
0x64: {  	v12 =	vmul.f32 v17, v16;
	v16 =	vld [tilespmem:$0x460]  }
0x65: {  	v17 =	vmul.f32 v20, v15;
	v20 =	vld [tilespmem:$0x3E0]  }
0x66: {  	v19 =	vmul.f32 v21, v19;
	v18 =	vmul.f32 v18, v22;
	v21 =	vld [tilespmem:$0x0]  }
0x67: {  	v12 =	vadd.f32 v12, v17;
	v14 =	vmul.f32 v14, v23;
	v17 =	vld [tilespmem:$0x100];
	v23 =	vpop (erf)  }
0x68: {  	[tilespmem:$0x4B0] =	vst v23;
	v2 =	vmul.f32 v23, v2;
	v18 =	vadd.f32 v19, v18;
	v13 =	vmul.f32 v13, v24;
	v19 =	vld [tilespmem:$0x360];
	v23 =	vpop (erf)  }
0x69: {  	v24 =	vld [tilespmem:$0x380];
	[tilespmem:$0x4A0] =	vst v23;
	v4 =	vmul.f32 v23, v4;
	v12 =	vadd.f32 v14, v12  }
0x6a: {  	v11 =	vmul.f32 v11, v16;
	v14 =	vld [tilespmem:$0x310];
	[tilespmem:$0x530] =	vst v2;
	v2 =	vadd.f32 v13, v18  }
0x6b: {  	[tilespmem:$0x520] =	vst v4;
	v4 =	vmul.f32 v21, v20  }
0x6c: {  	vm0 =	vgt.f32 v12, $0.0e+00;
	v13 =	vpop (erf)  }
0x6d: {  	v4 =	vadd.f32 v11, v4;
	v11 =	vmul.f32 v17, v19;
	[tilespmem:$0x4F0] =	vst v13;
	v3 =	vmul.f32 v13, v3  }
0x6e: {  	vm1 =	vgt.f32 v2, $0.0e+00;
	v13 =	vmul.f32 $2.000000030e-01, v2;
	v9 =	vmul.f32 v9, v24  }
0x6f: {  	v7 =	vmul.f32 v7, v14;
	v14 =	vmul.f32 $2.000000030e-01, v12;
	v4 =	vadd.f32 v11, v4;
	[tilespmem:$0x570] =	vst v3  }
0x70: {  	v6 =	vadd.f32 v8, v6;
	v2 =	vsel vm1, v2, v13;
	v3 =	vadd.f32 v10, v9  }
0x71: {  	v2 =	vmul.f32 $1.442695020e+00, v2;
	v8 =	vsel vm0, v12, v14;
	v9 =	vmul.f32 $2.000000030e-01, v4  }
0x72: {  	vm0 =	vgt.f32 v4, $0.0e+00;
	v3 =	vadd.f32 v5, v3;
	v5 =	vmul.f32 $1.442695020e+00, v8  }
0x73: {  	v6 =	vadd.f32 v7, v6;
	v4 =	vsel vm0, v4, v9;
	(erf) = vpow2.f32 v2  }
0x74: {  	v2 =	vmul.f32 $2.000000030e-01, v3;
	v4 =	vmul.f32 $1.442695020e+00, v4  }
0x75: {  	v7 =	vmul.f32 $2.000000030e-01, v6;
	vm0 =	vgt.f32 v3, $0.0e+00;
	(erf) = vpow2.f32 v5  }
0x76: {  	v2 =	vsel vm0, v3, v2;
	vm0 =	vgt.f32 v6, $0.0e+00;
	(erf) = vpow2.f32 v4  }
0x77: {  	v2 =	vmul.f32 $1.442695020e+00, v2;
	v3 =	vsel vm0, v6, v7  }
0x78: {  	v3 =	vmul.f32 $1.442695020e+00, v3  }
0x79: {  	(erf) = vpow2.f32 v2  }
0x7a: {  	(erf) = vpow2.f32 v3;
	_ =	sdelay $0x1  }
0x7b: {  	v2 =	vpop (erf)  }
0x7c: {  	[tilespmem:$0x4D0] =	vst v2;
	v5 =	vmul.f32 v2, v22  }
0x7d: {  	v3 =	vpop (erf)  }
0x7e: {  	v4 =	vmul.f32 v3, v15;
	[tilespmem:$0x550] =	vst v5;
	v2 =	vpop (erf)  }
0x7f: {  	[tilespmem:$0x4E0] =	vst v2;
	v2 =	vmul.f32 v2, v20  }
0x80: {  	[tilespmem:$0x540] =	vst v4  }
0x81: {  	[tilespmem:$0x4C0] =	vst v3;
	v3 =	vpop (erf)  }
0x82: {  	[tilespmem:$0x480] =	vst v3;
	v3 =	vmul.f32 v3, v24;
	v4 =	vpop (erf)  }
0x83: {  	v1 =	vmul.f32 v4, v1;
	[tilespmem:$0x560] =	vst v2  }
0x84: {  	[tilespmem:$0x490] =	vst v4  }
0x85: {  	[tilespmem:$0x500] =	vst v3;
	_ =	sdelay $0x2  }
0x86: {  	[tilespmem:$0x510] =	vst v1  }
0x87: {  	[spmem:s2] =	stream.indirect.scatter.add.f32 [tilespmem:s24], [sflag:$0x1], $0x1, s18, s21, $0xb8;
	[tilespmem:$0x2B00] =	vst v63  }
0x88: {  	_ = 	snop  }
0x89: {  	[spmem:s3] =	stream.indirect.scatter.add.f32 [tilespmem:s25], [sflag:$0x1], $0x1, s18, s21, $0xb8;
	[tilespmem:$0x2B00] =	vst v63  }
0x8a: {  	_ =	swait.ge [sflag:s20], $0x80  }
0x8b: {  	[sflag:s20] =	ssyncset.done $0x0  }
0x8c: {  	[sflag:s20] =	ssyncadd.s32 $0xFFFFFF80  }
0x8d: {  	_ =	swait.ge [sflag:s20], $0x80  }
0x8e: {  	[sflag:s20] =	ssyncset.done $0x0  }
0x8f: {  	s0 =	sadd.s32 s31, s10;
	[sflag:s20] =	ssyncadd.s32 $0xFFFFFF80  }
0x90: {  	[tilespmem:s17], [sflag:$0x1] =	stream.linear.gather [hbm4b:s0+s5], $0x80, $0x38;
	[tilespmem:$0x2B00] =	vst v63  }
0x91: {  	s0 =	sadd.s32 s31, s14  }
0x92: {  	[tilespmem:s18], [sflag:$0x1] =	stream.linear.gather [hbm4b:s0+s5], $0x80, $0x38;
	[tilespmem:$0x2B00] =	vst v63  }
0x93: {  	s0 =	sadd.s32 s31, s13  }
0x94: {  	[tilespmem:s19], [sflag:$0x1] =	stream.linear.gather [hbm4b:s0+s5], $0x80, $0x38;
	[tilespmem:$0x2B00] =	vst v63  }
0x95: {  	_ =	swait.ge [sflag:s20], $0x80  }
0x96: {  	[sflag:s20] =	ssyncset.done $0x0  }
0x97: {  	[sflag:s20] =	ssyncadd.s32 $0xFFFFFF80  }
0x98: {  	_ =	swait.ge [sflag:s20], $0x80  }
0x99: {  	[sflag:s20] =	ssyncset.done $0x0  }
0x9a: {  	[sflag:s20] =	ssyncadd.s32 $0xFFFFFF80  }
0x9b: {  	_ =	swait.ge [sflag:s20], $0x80  }
0x9c: {  	[sflag:s20] =	ssyncset.done $0x0  }
0x9d: {  	[sflag:s20] =	ssyncadd.s32 $0xFFFFFF80  }
0x9e: {  	[tilespmem:s22], [sflag:$0x1] =	stream.indirect.gather [hbm4b:s6+s21], $0x1, s17, s21, $0xb8;
	[tilespmem:$0x2B00] =	vst v63  }
0x9f: {  	_ = 	snop  }
0xa0: {  	[tilespmem:s23], [sflag:$0x1] =	stream.indirect.gather [hbm4b:s6+s21], $0x1, s18, s21, $0xb8;
	[tilespmem:$0x2B00] =	vst v63  }
0xa1: {  	_ =	swait.ge [sflag:s20], $0x80  }
0xa2: {  	[sflag:s20] =	ssyncset.done $0x0  }
0xa3: {  	[sflag:s20] =	ssyncadd.s32 $0xFFFFFF80  }
0xa4: {  	_ =	swait.ge [sflag:s20], $0x80  }
0xa5: {  	[sflag:s20] =	ssyncset.done $0x0  }
0xa6: {  	[sflag:s20] =	ssyncadd.s32 $0xFFFFFF80  }
0xa7: {  	v1 =	vld [tilespmem:$0x330]  }
0xa8: {  	v3 =	vld [tilespmem:$0x100]  }
0xa9: {  	v6 =	vld [tilespmem:$0x80]  }
0xaa: {  	v2 =	vld [tilespmem:$0x3B0]  }
0xab: {  	v5 =	vld [tilespmem:$0x300]  }
0xac: {  	v4 =	vld [tilespmem:$0x100]  }
0xad: {  	v7 =	vld [tilespmem:$0x0];
	v8 =	vmul.f32 v3, v1  }
0xae: {  	v1 =	vld [tilespmem:$0x370]  }
0xaf: {  	v9 =	vld [tilespmem:$0x100]  }
0xb0: {  	v10 =	vld [tilespmem:$0x430]  }
0xb1: {  	v3 =	vld [tilespmem:$0x100]  }
0xb2: {  	v11 =	vld [tilespmem:$0x320]  }
0xb3: {  	v13 =	vld [tilespmem:$0x80];
	v12 =	vmul.f32 v4, v1  }
0xb4: {  	v14 =	vld [tilespmem:$0x80]  }
0xb5: {  	v15 =	vld [tilespmem:$0x80]  }
0xb6: {  	v16 =	vld [tilespmem:$0x420]  }
0xb7: {  	v19 =	vld [tilespmem:$0x80]  }
0xb8: {  	v17 =	vld [tilespmem:$0x0]  }
0xb9: {  	v4 =	vld [tilespmem:$0x3A0]  }
0xba: {  	v18 =	vld [tilespmem:$0x0]  }
0xbb: {  	v1 =	vld [tilespmem:$0x390];
	v15 =	vmul.f32 v15, v16  }
0xbc: {  	v11 =	vmul.f32 v3, v11;
	v16 =	vld [tilespmem:$0x0]  }
0xbd: {  	v3 =	vld [tilespmem:$0x3F0]  }
0xbe: {  	v5 =	vmul.f32 v9, v5;
	v9 =	vmul.f32 v6, v10;
	v10 =	vld [tilespmem:$0x470]  }
0xbf: {  	v21 =	vmul.f32 v7, v2;
	v17 =	vmul.f32 v17, v4;
	v20 =	vld [tilespmem:$0x410]  }
0xc0: {  	v22 =	vld [tilespmem:$0x400];
	v6 =	vmul.f32 v18, v1  }
.Ltmp1:
0xc1: {  	v15 =	vadd.f32 v15, v17;
	v18 =	vadd.f32 v9, v21;
	v7 =	vld [tilespmem:$0x100];
	(pc) =	sbr.rel @p0 .LBB2_4-.Ltmp1, $4  }
0xc2: {  	v9 =	vld [tilespmem:$0x0];
	v17 =	vmul.f32 v16, v3  }
0xc3: {  	v15 =	vadd.f32 v11, v15;
	v16 =	vadd.f32 v8, v18;
	v11 =	vld [tilespmem:$0x80];
	v18 =	vmul.f32 v13, v10  }
0xc4: {  	v8 =	vmul.f32 v19, v20;
	v13 =	vld [tilespmem:$0x100]  }
0xc5: {  	vm0 =	vgt.f32 v16, $0.0e+00;
	v19 =	vmul.f32 $2.000000030e-01, v16;
	v10 =	vmul.f32 v14, v22;
	v14 =	vld [tilespmem:$0x100]  }
0xc6: {  	v20 =	vld [tilespmem:$0x80]  }
0xc7: {  	v21 =	vld [tilespmem:$0x0]  }
0xc8: {  	v22 =	vld [tilespmem:$0x450]  }
0xc9: {  	v23 =	vld [tilespmem:$0x80]  }
0xca: {  	v24 =	vld [tilespmem:$0x0]  }
0xcb: {  	v25 =	vld [tilespmem:$0x440]  }
0xcc: {  	v26 =	vld [tilespmem:$0x3C0]  }
0xcd: {  	v27 =	vld [tilespmem:$0x3D0]  }
0xce: {  	v40 =	vld [tilespmem:$0x340]  }
0xcf: {  	v41 =	vld [tilespmem:$0x350]  }
0xd0: {  	v17 =	vadd.f32 v18, v17;
	v42 =	vld [tilespmem:$0x460]  }
0xd1: {  	v28 =	vmul.f32 $2.000000030e-01, v15;
	v29 =	vld [tilespmem:$0x3E0]  }
0xd2: {  	vm10 =	vgt.f32 v15, $0.0e+00;
	v44 =	vld [tilespmem:$0x0];
	v16 =	vsel vm0, v16, v19;
	v12 =	vadd.f32 v12, v17  }
0xd3: {  	v45 =	vld [tilespmem:$0x100];
	v16 =	vmul.f32 $1.442695020e+00, v16;
	v15 =	vsel vm10, v15, v28  }
0xd4: {  	v46 =	vld [tilespmem:$0x360];
	v15 =	vmul.f32 $1.442695020e+00, v15;
	v43 =	vmul.f32 $2.000000030e-01, v12  }
0xd5: {  	v47 =	vld [tilespmem:$0x380];
	(erf) = vpow2.f32 v16;
	v23 =	vmul.f32 v23, v25  }
0xd6: {  	v24 =	vmul.f32 v24, v26;
	v21 =	vmul.f32 v21, v27  }
0xd7: {  	v49 =	vld [tilespmem:$0x310];
	v20 =	vmul.f32 v20, v22;
	v14 =	vmul.f32 v14, v40  }
0xd8: {  	v6 =	vadd.f32 v8, v6;
	v13 =	vmul.f32 v13, v41;
	v11 =	vmul.f32 v11, v42  }
0xd9: {  	v16 =	vmul.f32 v44, v29;
	(erf) = vpow2.f32 v15;
	v48 =	vadd.f32 v20, v21  }
0xda: {  	vm11 =	vgt.f32 v12, $0.0e+00;
	v50 =	vmul.f32 v45, v46;
	v9 =	vmul.f32 v9, v47  }
0xdb: {  	v12 =	vsel vm11, v12, v43;
	v23 =	vadd.f32 v23, v24;
	v13 =	vadd.f32 v13, v48  }
0xdc: {  	v7 =	vmul.f32 v7, v49;
	v12 =	vmul.f32 $1.442695020e+00, v12;
	v11 =	vadd.f32 v11, v16  }
0xdd: {  	v9 =	vadd.f32 v10, v9;
	v14 =	vadd.f32 v14, v23;
	v51 =	vmul.f32 $2.000000030e-01, v13  }
0xde: {  	v6 =	vadd.f32 v7, v6;
	(erf) = vpow2.f32 v12;
	vm1 =	vgt.f32 v13, $0.0e+00  }
0xdf: {  	v11 =	vadd.f32 v50, v11;
	v52 =	vmul.f32 $2.000000030e-01, v14;
	v53 =	vsel vm1, v13, v51  }
0xe0: {  	v5 =	vadd.f32 v5, v9;
	vm12 =	vgt.f32 v14, $0.0e+00;
	v54 =	vmul.f32 $1.442695020e+00, v53  }
0xe1: {  	v60 =	vmul.f32 $2.000000030e-01, v6;
	v55 =	vmul.f32 $2.000000030e-01, v11;
	v12 =	vsel vm12, v14, v52  }
0xe2: {  	v56 =	vmul.f32 $1.442695020e+00, v12;
	(erf) = vpow2.f32 v54  }
0xe3: {  	vm15 =	vgt.f32 v6, $0.0e+00;
	vm13 =	vgt.f32 v11, $0.0e+00;
	v57 =	vmul.f32 $2.000000030e-01, v5  }
0xe4: {  	vm14 =	vgt.f32 v5, $0.0e+00;
	v10 =	vsel vm13, v11, v55;
	v59 =	vpop (erf);
	(erf) = vpow2.f32 v56  }
0xe5: {  	v5 =	vsel vm14, v5, v57;
	v58 =	vmul.f32 $1.442695020e+00, v10;
	v2 =	vmul.f32 v59, v2  }
0xe6: {  	v6 =	vsel vm15, v6, v60;
	v5 =	vmul.f32 $1.442695020e+00, v5  }
0xe7: {  	v6 =	vmul.f32 $1.442695020e+00, v6;
	v61 =	vpop (erf);
	[tilespmem:$0x4B0] =	vst v59;
	(erf) = vpow2.f32 v58  }
0xe8: {  	v4 =	vmul.f32 v61, v4;
	[tilespmem:$0x4A0] =	vst v61;
	(erf) = vpow2.f32 v5  }
0xe9: {  	[tilespmem:$0x530] =	vst v2;
	v2 =	vpop (erf)  }
0xea: {  	[tilespmem:$0x520] =	vst v4;
	v3 =	vmul.f32 v2, v3;
	(erf) = vpow2.f32 v6  }
0xeb: {  	[tilespmem:$0x4F0] =	vst v2;
	v2 =	vpop (erf)  }
0xec: {  	[tilespmem:$0x570] =	vst v3;
	v3 =	vmul.f32 v2, v27  }
0xed: {  	[tilespmem:$0x4D0] =	vst v2;
	v2 =	vpop (erf)  }
0xee: {  	v62 =	vmul.f32 v2, v26;
	[tilespmem:$0x4C0] =	vst v2  }
0xef: {  	[tilespmem:$0x550] =	vst v3  }
0xf0: {  	[tilespmem:$0x540] =	vst v62;
	v3 =	vpop (erf)  }
0xf1: {  	[tilespmem:$0x4E0] =	vst v3;
	v3 =	vmul.f32 v3, v29;
	v2 =	vpop (erf)  }
0xf2: {  	[tilespmem:$0x480] =	vst v2  }
0xf3: {  	v2 =	vmul.f32 v2, v47;
	v63 =	vpop (erf);
	[tilespmem:$0x560] =	vst v3  }
0xf4: {  	v1 =	vmul.f32 v63, v1;
	[tilespmem:$0x490] =	vst v63  }
0xf5: {  	[tilespmem:$0x500] =	vst v2  }
0xf6: {  	[tilespmem:$0x510] =	vst v1  }
0xf7: {  	[spmem:s2] =	stream.indirect.scatter.add.f32 [tilespmem:s24], [sflag:$0x1], $0x1, s18, s21, $0xb8;
	[tilespmem:$0x2B00] =	vst v63  }
0xf8: {  	_ = 	snop  }
0xf9: {  	[spmem:s3] =	stream.indirect.scatter.add.f32 [tilespmem:s25], [sflag:$0x1], $0x1, s18, s21, $0xb8;
	[tilespmem:$0x2B00] =	vst v63  }
0xfa: {  	_ =	swait.ge [sflag:s20], $0x80  }
0xfb: {  	[sflag:s20] =	ssyncset.done $0x0  }
0xfc: {  	[sflag:s20] =	ssyncadd.s32 $0xFFFFFF80  }
0xfd: {  	_ =	swait.ge [sflag:s20], $0x80  }
0xfe: {  	[sflag:s20] =	ssyncset.done $0x0  }
0xff: {  	s0 =	sshll.u32 s4, $0x6;
	[sflag:s20] =	ssyncadd.s32 $0xFFFFFF80  }
0x100: {  	s30 =	sshrl.u32 s7, $0x3;
	s0 =	sor.u32 $0x1C02, s0;
	[bflag:$0x0] =	sbarrier.arrive $0xFFFF  }
0x101: {  	[hbm:s9@s26], [sflag:s0] =	dma.strided [spmem:s30@s28], $0x190, s20, $0x10   }
0x102: {  	s29 =	sadd.s32 $0x1, s29;
	_ =	swait.ge [sflag:s15], $0x190  }
0x103: {  	p0 =	sne.s32 s29, s12;
	[sflag:s15] =	ssyncset.done $0x0  }
.Ltmp2:
0x104: {  	s31 =	sshrl.u32 s8, $0x3;
	[sflag:s15] =	ssyncadd.s32 $0xFFFFFE70;
	(pc) =	sbr.rel @p0 .LBB2_1-.Ltmp2, $4  }
0x105: {  	[hbm:s11@s26], [sflag:s0] =	dma.strided [spmem:s31@s28], $0x190, s20, $0x10   }
0x106: {  	_ =	swait.ge [sflag:s15], $0x190  }
0x107: {  	[sflag:s15] =	ssyncset.done $0x0  }
0x108: {  	[sflag:s15] =	ssyncadd.s32 $0xFFFFFE70  }
0x109: {  	_ =	sfence.sel $0x180000  }
0x10a: {  	[bflag:$0x0] =	sbarrier.arrive $0xFFFF  }
0x10b: {  	_ =	strace $0x9000004A  }
0x10c: {  	[bflag:$0x2] =	sbarrier.arrive $0xFFFF  }
0x10d: {  	p0 =	sne.s32 s4, $0x0;
	s0 =	rddreg [dreg:$0x4]  }
0x10e: {  	s0 =	sadd.s32 @!p0 $0x100000, s0  }
0x10f: {  	[sflag:s0] =	ssyncadd.tile.s32 @!p0 $0x1;
	_ =	shalt  }
.Lfunc_end2:
_tile_overlayer_lowered:
.L_overlay_start_2:
0x110: {  	(tag) =	ssettag $0x2  }
0x111: {  	s0 =	rddreg [dreg:$0x0];
	s2 =	stileid.u32  }
0x112: {  	s1 =	rddreg [dreg:$0x1];
	p0 =	sne.s32 s2, $0x0  }
0x113: {  	s3 =	rddreg [dreg:$0x2];
	[bflag:$0x3] =	sbarrier.arrive $0xFFFF;
	s2 =	simm.s32 @!p0 $0x1C02  }
0x114: {  	[timem:s3], [sflag:s2] =	dma.local @!p0 [hbm:s0], s1  }
0x115: {  	s0 =	simm.s32 @!p0 $0x2  }
0x116: {  	_ =	swait.ge @!p0 [sflag:s0], s1  }
0x117: {  	s1 =	ssub.s32 @!p0 $0x0, s1;
	[sflag:s0] =	ssyncset.done @!p0 $0x0  }
0x118: {  	[sflag:s0] =	ssyncadd.s32 @!p0 s1  }
0x119: {  	[bflag:$0x3] =	sbarrier.arrive $0xFFFF  }
0x11a: {  	_ =	shalt  }

</sc_bundles>
